<compile_context>
chip_gen: v7x
topology: tpu7x:2x2x1
jax: 0.10.2.dev20260603
libtpu: 0.0.44.dev20260713+nightly
codegen_flags: <defaults>
</compile_context>

<pallas_src>
import functools

import jax
import jax.numpy as jnp
import numpy as np
from jax import lax
from jax.experimental import pallas as pl
from jax.experimental.pallas import tpu as pltpu
from jax.experimental.pallas import tpu_sc as plsc

_TOP_K = 16
_NUM_RBF = 16
_MIN_RBF, _MAX_RBF = 2.0, 22.0
_SPREAD = (_MAX_RBF - _MIN_RBF) / _NUM_RBF
_RBF_STEP = (_MAX_RBF - _MIN_RBF) / (_NUM_RBF - 1)

_INF = float("inf")
_BIG_I = 2**30

_R = 128
_C = 448
_CE = 512
_RB = 64


def _extract_topk(vals, idxs, iota, k):
    out_v, out_i = [], []
    for _ in range(k):
        m = jnp.min(vals, axis=1, keepdims=True)
        pos = jnp.min(jnp.where(vals == m, iota, _INF), axis=1, keepdims=True)
        sel = iota == pos
        out_v.append(m)
        out_i.append(jnp.min(jnp.where(sel, idxs, _INF), axis=1,
                             keepdims=True))
        vals = jnp.where(sel, _INF, vals)
    return jnp.concatenate(out_v, axis=1), jnp.concatenate(out_i, axis=1)


def _knn_kernel(blk_t0_ref, blk_t1_ref,
                ca_ref, cax_ref, samp_r_ref, sampx_ref,
                nbrs_ref, mask_ref, *, R, C, T, K):
    pid = pl.program_id(0)
    car = ca_ref[...]
    xr, yr, zr = car[:, 0:1], car[:, 1:2], car[:, 2:3]
    sr = samp_r_ref[...]
    NCH = 4
    W = C // NCH
    loc_iota = lax.broadcasted_iota(jnp.int32, (R, W), 1).astype(jnp.float32)
    fin_iota = lax.broadcasted_iota(
        jnp.int32, (R, NCH * K), 1).astype(jnp.float32)

    def tile_body(t, carry):
            bds, bis = carry
            xc = cax_ref[t, 0:1, :]
            yc = cax_ref[t, 1:2, :]
            zc = cax_ref[t, 2:3, :]
            sc = sampx_ref[t, 0:1, :]
            dx, dy, dz = xc - xr, yc - yr, zc - zr
            d2 = dx * dx + dy * dy + dz * dz
            d2 = jnp.where(sc != sr, _INF, d2)
            vals = [jnp.concatenate([bds[h], d2[:, h * W:(h + 1) * W]],
                                    axis=1) for h in range(NCH)]
            idxs = [jnp.concatenate(
                [bis[h], loc_iota + (t * C + h * W).astype(jnp.float32)],
                axis=1) for h in range(NCH)]
            ov = [[] for _ in range(NCH)]
            for _ in range(K):
                ms = [jnp.min(v, axis=1, keepdims=True) for v in vals]
                iss = [jnp.min(jnp.where(vals[h] == ms[h], idxs[h], _INF),
                               axis=1, keepdims=True) for h in range(NCH)]
                for h in range(NCH):
                    ov[h].append((ms[h], iss[h]))
                vals = [jnp.where(idxs[h] == iss[h], _INF, vals[h])
                        for h in range(NCH)]
            nbd = tuple(jnp.concatenate([p[0] for p in ov[h]], axis=1)
                        for h in range(NCH))
            nbi = tuple(jnp.concatenate([p[1] for p in ov[h]], axis=1)
                        for h in range(NCH))
            return (nbd, nbi)

    init = (tuple(jnp.full((R, K), _INF, jnp.float32) for _ in range(NCH)),
            tuple(jnp.zeros((R, K), jnp.float32) for _ in range(NCH)))
    bds, bis = lax.fori_loop(blk_t0_ref[pid], blk_t1_ref[pid],
                             tile_body, init)
    best_d, best_i = _extract_topk(jnp.concatenate(bds, axis=1),
                                   jnp.concatenate(bis, axis=1),
                                   fin_iota, K)
    valid = best_d < _INF
    row_ids = pid * R + lax.broadcasted_iota(jnp.int32, (R, K), 0)
    nbrs_ref[...] = jnp.where(valid, best_i.astype(jnp.int32), row_ids)
    mask_ref[...] = valid.astype(jnp.int32)


def _sc_gather_body(tbl_hbm, idx_hbm, out_hbm, idx_v, rows_v, sem,
                    *, chunk, chunks, nc):
    wid = lax.axis_index("s") * nc + lax.axis_index("c")
    for j in range(chunks):
        base = (wid * chunks + j) * chunk
        pltpu.sync_copy(idx_hbm.at[pl.ds(base, chunk)], idx_v)
        pltpu.async_copy(tbl_hbm.at[idx_v], rows_v, sem).wait()
        pltpu.sync_copy(rows_v, out_hbm.at[pl.ds(base, chunk)])


def _ln(x, g, b):
    m = jnp.mean(x, axis=1, keepdims=True)
    xm = x - m
    v = jnp.mean(xm * xm, axis=1, keepdims=True)
    return xm / jnp.sqrt(v + 1e-5) * g + b


def _silu(x):
    return x / (1.0 + jnp.exp(-x))


def _split(x):
    h = x.astype(jnp.bfloat16).astype(jnp.float32)
    return h, x - h


def _edge_kernel(g_ref, ctr_ref,
                 pa_ref, pb_ref, s16_ref, qa_ref, qb_ref,
                 cent_ref,
                 rlg_ref, rlb_ref, rbw_ref, rbb_ref,
                 fw27h_ref, fw27l_ref, fb_ref, sembh_ref, sembl_ref,
                 elg_ref, elb_ref,
                 w0_ref, b0_ref, w1_ref, b1_ref, w2_ref, b2_ref,
                 out_ref, *, RB, K):
    E = RB * K
    dot = lambda a, b: jnp.dot(a, b, precision=lax.Precision.DEFAULT)
    G = g_ref[...][:, :32]
    Gh, Gl = _split(G)

    ctrh, ctrl = _split(ctr_ref[...])
    erow = lax.broadcasted_iota(jnp.int32, (E, 1), 0) // K
    ohc = (erow == lax.broadcasted_iota(jnp.int32, (E, RB), 1)
           ).astype(jnp.float32)
    CEh = dot(ohc, ctrh)
    CEl = dot(ohc, ctrl)
    CE = CEh + CEl

    inv_sp2 = 1.0 / (_SPREAD * _SPREAD)
    diff = ((dot(CEh, pa_ref[...]) + dot(CEl, pa_ref[...]))
            - (dot(Gh, pb_ref[...]) + dot(Gl, pb_ref[...])))
    sq = diff * diff
    d2 = sq[:, 0:16] + sq[:, 16:32] + sq[:, 32:48]
    dist = jnp.sqrt(d2)
    dh, dl = _split(dist)
    distw = dot(dh, s16_ref[...]) + dot(dl, s16_ref[...])
    u = distw - cent_ref[...]
    rbf = jnp.exp(-(u * u) * inv_sp2)
    rel_rbf = dot(_ln(rbf, rlg_ref[...], rlb_ref[...]),
                  rbw_ref[...]) + rbb_ref[...]

    fa = dot(CEh, qa_ref[...]) + dot(CEl, qa_ref[...])
    fbp = dot(Gh, qb_ref[...]) + dot(Gl, qb_ref[...])
    ph, plo = _split(fa * fbp)
    rel_frames = (dot(ph, fw27h_ref[...]) + dot(ph, fw27l_ref[...])
                  + dot(plo, fw27h_ref[...])) + fb_ref[...]

    sj, si = G[:, 21:22], CE[:, 21:22]
    cj, ci = G[:, 22:23], CE[:, 22:23]
    rel = jnp.clip(sj - si, -32.0, 32.0)
    rel = jnp.where(cj != ci, 33.0, rel) + 32.0
    ridx = jnp.round(rel).astype(jnp.int32)
    ohs = (ridx == lax.broadcasted_iota(jnp.int32, (E, 128), 1)
           ).astype(jnp.float32)
    rel_emb = dot(ohs, sembh_ref[...]) + dot(ohs, sembl_ref[...])

    h = jnp.concatenate([rel_rbf, rel_frames, rel_emb], axis=1)
    h = _ln(h, elg_ref[...], elb_ref[...])
    h = _silu(jnp.dot(h, w0_ref[...]) + b0_ref[...])
    h = _silu(jnp.dot(h, w1_ref[...]) + b1_ref[...])
    out_ref[...] = jnp.dot(h, w2_ref[...]) + b2_ref[...]


def kernel(coords_bb, frames, seq_pos, chain_pos, sample_idx, rbf_ln_g,
           rbf_ln_b, rbf_W, rbf_b, frame_W, frame_b, seq_emb, edge_ln_g,
           edge_ln_b, mlp_W0, mlp_b0, mlp_W1, mlp_b1, mlp_W2, mlp_b2):
    ZN = coords_bb.shape[0]
    K = _TOP_K
    D = mlp_W1.shape[0]
    R, C, RB = _R, _C, _RB
    NB, NB2, E = ZN // R, ZN // RB, RB * K
    T = -(-ZN // C)
    ZN2 = T * C

    Ca = coords_bb[:, 1, :]
    samp = sample_idx.astype(jnp.int32)
    Ca_p = jnp.pad(Ca, ((0, ZN2 - ZN), (0, 0)))
    samp_p = jnp.pad(samp, (0, ZN2 - ZN), constant_values=_BIG_I)
    cax = Ca_p.T.reshape(3, T, C).transpose(1, 0, 2)
    samp_r = samp.reshape(ZN, 1)
    sampx = samp_p.reshape(1, T, C).transpose(1, 0, 2)
    blk_lo, blk_hi = samp[0::R], samp[R - 1::R]
    tile_lo, tile_hi = samp_p[0::C], samp_p[C - 1::C]
    blk_t0 = jnp.searchsorted(tile_hi, blk_lo, side="left").astype(jnp.int32)
    blk_t1 = jnp.searchsorted(tile_lo, blk_hi, side="right").astype(jnp.int32)

    grid_a = pltpu.PrefetchScalarGridSpec(
        num_scalar_prefetch=2,
        grid=(NB,),
        in_specs=[
            pl.BlockSpec((R, 3), lambda i, *_: (i, 0)),
            pl.BlockSpec((T, 3, C), lambda i, *_: (0, 0, 0)),
            pl.BlockSpec((R, 1), lambda i, *_: (i, 0)),
            pl.BlockSpec((T, 1, C), lambda i, *_: (0, 0, 0)),
        ],
        out_specs=[
            pl.BlockSpec((R, K), lambda i, *_: (i, 0)),
            pl.BlockSpec((R, K), lambda i, *_: (i, 0)),
        ],
    )
    nbrs, maski = pl.pallas_call(
        functools.partial(_knn_kernel, R=R, C=C, T=T, K=K),
        grid_spec=grid_a,
        out_shape=[jax.ShapeDtypeStruct((ZN, K), jnp.int32),
                   jax.ShapeDtypeStruct((ZN, K), jnp.int32)],
    )(blk_t0, blk_t1, Ca, cax, samp_r, sampx)
    nbr_mask = maski.astype(bool)

    tbl = jnp.concatenate([
        coords_bb.reshape(ZN, 12),
        frames.reshape(ZN, 9),
        seq_pos.astype(jnp.float32).reshape(ZN, 1),
        chain_pos.astype(jnp.float32).reshape(ZN, 1),
        jnp.zeros((ZN, 9), jnp.float32),
    ], axis=1)
    semb = jnp.concatenate(
        [seq_emb, jnp.zeros((128 - seq_emb.shape[0], D), jnp.float32)], axis=0)
    sembh = semb.astype(jnp.bfloat16).astype(jnp.float32)
    sembl = semb - sembh
    row = lambda v: v.reshape(1, -1)

    NC, NS = 2, 16
    NW = NC * NS
    B = ZN * K
    CHUNKS = 8
    CHUNK = B // (NW * CHUNKS)
    tbl128 = jnp.pad(tbl, ((0, 0), (0, 128 - tbl.shape[1])))
    mesh = plsc.VectorSubcoreMesh(core_axis_name="c", subcore_axis_name="s")
    gath = pl.kernel(
        functools.partial(_sc_gather_body, chunk=CHUNK, chunks=CHUNKS, nc=NC),
        mesh=mesh,
        out_type=jax.ShapeDtypeStruct((B, 128), jnp.float32),
        scratch_types=[
            pltpu.VMEM((CHUNK,), jnp.int32),
            pltpu.VMEM((CHUNK, 128), jnp.float32),
            pltpu.SemaphoreType.DMA,
        ],
    )
    g_all = gath(tbl128, nbrs.reshape(B))

    pa = np.zeros((32, 48), np.float32)
    pb = np.zeros((32, 48), np.float32)
    summ = np.zeros((48, 16), np.float32)
    for p in range(16):
        a, b = p // 4, p % 4
        for ax in range(3):
            pa[3 * a + ax, 16 * ax + p] = 1.0
            pb[3 * b + ax, 16 * ax + p] = 1.0
            summ[16 * ax + p, p] = 1.0
    s16 = np.zeros((16, 256), np.float32)
    for p in range(16):
        s16[p, 16 * p:16 * p + 16] = 1.0
    qa = np.zeros((32, 32), np.float32)
    qb = np.zeros((32, 32), np.float32)
    for k in range(3):
        for r in range(3):
            for c in range(3):
                q = 9 * k + 3 * r + c
                qa[12 + 3 * k + r, q] = 1.0
                qb[12 + 3 * k + c, q] = 1.0
    cent = (_MIN_RBF + _RBF_STEP * (np.arange(256) % 16)).astype(
        np.float32).reshape(1, 256)
    fw27 = jnp.concatenate(
        [jnp.tile(frame_W, (3, 1)), jnp.zeros((5, D), jnp.float32)], axis=0)
    fw27h = fw27.astype(jnp.bfloat16).astype(jnp.float32)
    fw27l = fw27 - fw27h

    edges_flat, = pl.pallas_call(
        functools.partial(_edge_kernel, RB=RB, K=K),
        grid=(NB2,),
        in_specs=[
            pl.BlockSpec((E, 128), lambda i: (i, 0)),
            pl.BlockSpec((RB, 32), lambda i: (i, 0)),
        ] + [pl.BlockSpec(s, lambda i, n=len(s): (0,) * n) for s in [
            (32, 48), (32, 48), (16, 256), (32, 32), (32, 32),
            (1, 256),
            (1, 256), (1, 256), (256, D), (1, D),
            (32, D), (32, D), (1, D), (128, D), (128, D),
            (1, 3 * D), (1, 3 * D),
            (3 * D, D), (1, D), (D, D), (1, D), (D, D), (1, D),
        ]],
        out_specs=[pl.BlockSpec((E, D), lambda i: (i, 0))],
        out_shape=[jax.ShapeDtypeStruct((ZN * K, D), jnp.float32)],
    )(g_all, tbl,
      jnp.asarray(pa), jnp.asarray(pb), jnp.asarray(s16),
      jnp.asarray(qa), jnp.asarray(qb), jnp.asarray(cent),
      row(rbf_ln_g), row(rbf_ln_b), rbf_W, row(rbf_b),
      fw27h, fw27l, row(frame_b), sembh, sembl,
      row(edge_ln_g), row(edge_ln_b),
      mlp_W0, row(mlp_b0), mlp_W1, row(mlp_b1), mlp_W2, row(mlp_b2))

    edges = edges_flat.reshape(ZN, K, D)
    return edges, nbrs, nbr_mask

# --- scband reference (transcript-rebuilt; emitter-appended) ---
"""Pipeline reference for scband-edge-encoder-81080392614045 (READ-ONLY COPY).

The authoritative reference and input builder live on the scoring server;
editing this copy changes nothing except your own understanding.
"""

import jax, jax.numpy as jnp
import numpy as np

ZN = 8192
D_MODEL = 256
TOP_K = 16
NUM_RBF = 16
MIN_RBF, MAX_RBF = 2.0, 22.0
SPREAD = (MAX_RBF - MIN_RBF) / NUM_RBF
RBF_CENTERS = np.linspace(MIN_RBF, MAX_RBF, NUM_RBF, dtype=np.float32)
RBF_DIM = NUM_RBF * 4 * 4


def _layer_norm(x, g, b, eps=1e-5):
    m = jnp.mean(x, axis=-1, keepdims=True)
    v = jnp.mean((x - m) ** 2, axis=-1, keepdims=True)
    return (x - m) / jnp.sqrt(v + eps) * g + b


def _get_neighbors(coords_bb, sample_idx):
    Ca = coords_bb[:, 1, :]
    diff = Ca[None, :, :] - Ca[:, None, :]
    dists = jnp.sqrt(jnp.sum(diff ** 2, axis=-1))
    mask = sample_idx[None, :] != sample_idx[:, None]
    dists = jnp.where(mask, jnp.inf, dists)
    _, idx = jax.lax.top_k(-dists, TOP_K)
    nbr_samp = sample_idx[idx]
    nbr_mask = nbr_samp == sample_idx[:, None]
    node_idxs = jnp.arange(Ca.shape[0])[:, None]
    nbrs = jnp.where(nbr_mask, idx, node_idxs)
    return nbrs, nbr_mask


def _get_rbfs(coords_bb, nbrs):
    ZNl, K = nbrs.shape
    C_nbrs = coords_bb[nbrs]
    d = coords_bb[:, None, :, None, :] - C_nbrs[:, :, None, :, :]
    dists = jnp.sqrt(jnp.sum(d ** 2, axis=-1))
    num = (dists[..., None] - RBF_CENTERS.reshape(1, 1, 1, 1, -1)) ** 2
    return jnp.exp(-num / SPREAD ** 2).reshape(ZNl, K, -1)


def _get_frames(frames, nbrs):
    ZNl, K = nbrs.shape
    f_nbrs = frames[nbrs]
    rel = jnp.matmul(jnp.swapaxes(frames[:, None, :, :], -2, -1), f_nbrs)
    return rel.reshape(ZNl, K, 9)


def _get_seq_pos(seq_pos, chain_pos, nbrs):
    seq_nbrs = seq_pos[nbrs]
    chain_nbrs = chain_pos[nbrs]
    rel = jnp.clip(seq_nbrs - seq_pos[:, None], -32, 32)
    rel = jnp.where(chain_nbrs != chain_pos[:, None], 33, rel) + 32
    return rel


def setup_inputs(seed: int = 0) -> dict:
    key = jax.random.key(seed)
    ks = jax.random.split(key, 16)
    d = D_MODEL
    s = 0.02
    inp = {}
    inp["coords_bb"] = jax.random.normal(ks[0], (ZN, 4, 3), dtype=jnp.float32)
    inp["frames"] = jax.random.normal(ks[1], (ZN, 3, 3), dtype=jnp.float32)
    inp["seq_pos"] = jax.random.randint(ks[2], (ZN,), 0, 512)
    inp["chain_pos"] = jax.random.randint(ks[3], (ZN,), 0, 4)
    inp["sample_idx"] = jnp.sort(jax.random.randint(ks[4], (ZN,), 0, 16))
    inp["rbf_ln_g"] = jnp.ones((RBF_DIM,), jnp.float32)
    inp["rbf_ln_b"] = jnp.zeros((RBF_DIM,), jnp.float32)
    inp["rbf_W"] = jax.random.normal(ks[5], (RBF_DIM, d), jnp.float32) * s
    inp["rbf_b"] = jnp.zeros((d,), jnp.float32)
    inp["frame_W"] = jax.random.normal(ks[6], (9, d), jnp.float32) * s
    inp["frame_b"] = jnp.zeros((d,), jnp.float32)
    inp["seq_emb"] = jax.random.normal(ks[7], (66, d), jnp.float32) * s
    inp["edge_ln_g"] = jnp.ones((3 * d,), jnp.float32)
    inp["edge_ln_b"] = jnp.zeros((3 * d,), jnp.float32)
    inp["mlp_W0"] = jax.random.normal(ks[8], (3 * d, d), jnp.float32) * s
    inp["mlp_b0"] = jnp.zeros((d,), jnp.float32)
    inp["mlp_W1"] = jax.random.normal(ks[9], (d, d), jnp.float32) * s
    inp["mlp_b1"] = jnp.zeros((d,), jnp.float32)
    inp["mlp_W2"] = jax.random.normal(ks[10], (d, d), jnp.float32) * s
    inp["mlp_b2"] = jnp.zeros((d,), jnp.float32)
    return inp


def reference(coords_bb, frames, seq_pos, chain_pos, sample_idx, rbf_ln_g, rbf_ln_b, rbf_W, rbf_b, frame_W, frame_b, seq_emb, edge_ln_g, edge_ln_b, mlp_W0, mlp_b0, mlp_W1, mlp_b1, mlp_W2, mlp_b2):
    nbrs, nbr_mask = _get_neighbors(coords_bb, sample_idx)
    rbf = _get_rbfs(coords_bb, nbrs)
    rel_rbf = _layer_norm(rbf, rbf_ln_g, rbf_ln_b) @ rbf_W + rbf_b
    rel_frames = _get_frames(frames, nbrs) @ frame_W + frame_b
    rel_idxs = seq_emb[_get_seq_pos(seq_pos, chain_pos, nbrs)]
    h = jnp.concatenate([rel_rbf, rel_frames, rel_idxs], axis=-1)
    h = _layer_norm(h, edge_ln_g, edge_ln_b)
    h = jax.nn.silu(h @ mlp_W0 + mlp_b0)
    h = jax.nn.silu(h @ mlp_W1 + mlp_b1)
    edges = h @ mlp_W2 + mlp_b2
    return edges, nbrs, nbr_mask

if __name__ == "__main__":
    import jax
    _d = setup_inputs()
    print(jax.jit(kernel)(*tuple(_d.values())))

</pallas_src>

<mosaic_0001>
#map = affine_map<(d0, d1) -> (0, 0)>
#map1 = affine_map<(d0, d1) -> (0)>
module attributes {stable_mosaic.version = 14 : i64} {
  func.func @_sc_gather_body(%arg0: i32, %arg1: i32, %arg2: memref<8192x128xf32, #tpu.memory_space<hbm>>, %arg3: memref<131072xi32, #tpu.memory_space<hbm>>, %arg4: memref<131072x128xf32, #tpu.memory_space<hbm>>, %arg5: memref<512xi32, #tpu.memory_space<vmem>>, %arg6: memref<512x128xf32, #tpu.memory_space<vmem>>, %arg7: memref<!tpu.dma_semaphore, #tpu.memory_space<semaphore_mem>>) attributes {dimension_semantics = [#tpu.dimension_semantics<core_parallel>, #tpu.dimension_semantics<subcore_parallel>], iteration_bounds = array<i64: 2, 16>, scalar_prefetch = 0 : i64, scratch_operands = 3 : i64, tpu.core_type = #tpu.core_type<sc_vector_subcore>, window_params = [{transform_indices = #map}, {transform_indices = #map1}, {transform_indices = #map}]} {
    %mul3A = arith.constant 2 : i32
    %mul3A_0 = arith.muli %arg1, %mul3A : i32
    %add3A = arith.addi %mul3A_0, %arg0 : i32
    %mul3A_1 = arith.constant 8 : i32
    %mul3A_2 = arith.muli %add3A, %mul3A_1 : i32
    %add3A_3 = arith.constant 0 : i32
    %add3A_4 = arith.addi %mul3A_2, %add3A_3 : i32
    %mul3A_5 = arith.constant 512 : i32
    %mul3A_6 = arith.muli %add3A_4, %mul3A_5 : i32
    "tpu.region"() ({
      %run_scoped3A = tpu.sem_alloc : memref<!tpu.dma_semaphore, #tpu.memory_space<semaphore_mem>>
      %dma_start3A_95 = tpu.memref_slice %arg3[%mul3A_6] : memref<131072xi32, #tpu.memory_space<hbm>> -> memref<512xi32, #tpu.memory_space<hbm>>
      %dma_start3A_96 = tpu.memref_slice %arg3[%mul3A_6] : memref<131072xi32, #tpu.memory_space<hbm>> -> memref<512xi32, #tpu.memory_space<hbm>>
      tpu.enqueue_dma source(%dma_start3A_96 : memref<512xi32, #tpu.memory_space<hbm>>) target(%arg5 : memref<512xi32, #tpu.memory_space<vmem>>) target_semaphore(%run_scoped3A : memref<!tpu.dma_semaphore, #tpu.memory_space<semaphore_mem>>)
      %dma_wait3A_97 = tpu.memref_slice %arg3[%mul3A_6] : memref<131072xi32, #tpu.memory_space<hbm>> -> memref<512xi32, #tpu.memory_space<hbm>>
      %dma_wait3A_98 = tpu.memref_slice %arg3[%mul3A_6] : memref<131072xi32, #tpu.memory_space<hbm>> -> memref<512xi32, #tpu.memory_space<hbm>>
      tpu.wait_dma2 semaphore(%run_scoped3A : memref<!tpu.dma_semaphore, #tpu.memory_space<semaphore_mem>>) src(%dma_wait3A_98 : memref<512xi32, #tpu.memory_space<hbm>>) dst(%arg5 : memref<512xi32, #tpu.memory_space<vmem>>)
      tpu.yield
    }) : () -> ()
    %dma_start3A = arith.constant 0 : i32
    %dma_start3A_7 = arith.constant 0 : i32
    %dma_start3A_8 = tpu.memref_slice %arg2[%dma_start3A, %dma_start3A_7] : memref<8192x128xf32, #tpu.memory_space<hbm>> -> memref<8192x128xf32, #tpu.memory_space<hbm>>
    tpu.enqueue_indirect_dma source(%dma_start3A_8 : memref<8192x128xf32, #tpu.memory_space<hbm>>) target(%arg6 : memref<512x128xf32, #tpu.memory_space<vmem>>) offsets(%arg5 : memref<512xi32, #tpu.memory_space<vmem>>) semaphore(%arg7 : memref<!tpu.dma_semaphore, #tpu.memory_space<semaphore_mem>>)
    %dma_wait3A = arith.constant 0 : i32
    %dma_wait3A_9 = arith.constant 0 : i32
    %dma_wait3A_10 = tpu.memref_slice %arg2[%dma_wait3A, %dma_wait3A_9] : memref<8192x128xf32, #tpu.memory_space<hbm>> -> memref<8192x128xf32, #tpu.memory_space<hbm>>
    tpu.wait_indirect_dma semaphore(%arg7 : memref<!tpu.dma_semaphore, #tpu.memory_space<semaphore_mem>>) src(%dma_wait3A_10 : memref<8192x128xf32, #tpu.memory_space<hbm>>) dst(%arg6 : memref<512x128xf32, #tpu.memory_space<vmem>>)
    "tpu.region"() ({
      %run_scoped3A = tpu.sem_alloc : memref<!tpu.dma_semaphore, #tpu.memory_space<semaphore_mem>>
      %dma_start3A_95 = arith.constant 0 : i32
      %dma_start3A_96 = tpu.memref_slice %arg4[%mul3A_6, %dma_start3A_95] : memref<131072x128xf32, #tpu.memory_space<hbm>> -> memref<512x128xf32, #tpu.memory_space<hbm>>
      %dma_start3A_97 = arith.constant 0 : i32
      %dma_start3A_98 = tpu.memref_slice %arg4[%mul3A_6, %dma_start3A_97] : memref<131072x128xf32, #tpu.memory_space<hbm>> -> memref<512x128xf32, #tpu.memory_space<hbm>>
      tpu.enqueue_dma source(%arg6 : memref<512x128xf32, #tpu.memory_space<vmem>>) target(%dma_start3A_98 : memref<512x128xf32, #tpu.memory_space<hbm>>) target_semaphore(%run_scoped3A : memref<!tpu.dma_semaphore, #tpu.memory_space<semaphore_mem>>)
      %dma_wait3A_99 = arith.constant 0 : i32
      %dma_wait3A_100 = tpu.memref_slice %arg4[%mul3A_6, %dma_wait3A_99] : memref<131072x128xf32, #tpu.memory_space<hbm>> -> memref<512x128xf32, #tpu.memory_space<hbm>>
      %dma_wait3A_101 = arith.constant 0 : i32
      %dma_wait3A_102 = tpu.memref_slice %arg4[%mul3A_6, %dma_wait3A_101] : memref<131072x128xf32, #tpu.memory_space<hbm>> -> memref<512x128xf32, #tpu.memory_space<hbm>>
      tpu.wait_dma2 semaphore(%run_scoped3A : memref<!tpu.dma_semaphore, #tpu.memory_space<semaphore_mem>>) src(%arg6 : memref<512x128xf32, #tpu.memory_space<vmem>>) dst(%dma_wait3A_102 : memref<512x128xf32, #tpu.memory_space<hbm>>)
      tpu.yield
    }) : () -> ()
    %mul3A_11 = arith.constant 8 : i32
    %mul3A_12 = arith.muli %add3A, %mul3A_11 : i32
    %add3A_13 = arith.constant 1 : i32
    %add3A_14 = arith.addi %mul3A_12, %add3A_13 : i32
    %mul3A_15 = arith.constant 512 : i32
    %mul3A_16 = arith.muli %add3A_14, %mul3A_15 : i32
    "tpu.region"() ({
      %run_scoped3A = tpu.sem_alloc : memref<!tpu.dma_semaphore, #tpu.memory_space<semaphore_mem>>
      %dma_start3A_95 = tpu.memref_slice %arg3[%mul3A_16] : memref<131072xi32, #tpu.memory_space<hbm>> -> memref<512xi32, #tpu.memory_space<hbm>>
      %dma_start3A_96 = tpu.memref_slice %arg3[%mul3A_16] : memref<131072xi32, #tpu.memory_space<hbm>> -> memref<512xi32, #tpu.memory_space<hbm>>
      tpu.enqueue_dma source(%dma_start3A_96 : memref<512xi32, #tpu.memory_space<hbm>>) target(%arg5 : memref<512xi32, #tpu.memory_space<vmem>>) target_semaphore(%run_scoped3A : memref<!tpu.dma_semaphore, #tpu.memory_space<semaphore_mem>>)
      %dma_wait3A_97 = tpu.memref_slice %arg3[%mul3A_16] : memref<131072xi32, #tpu.memory_space<hbm>> -> memref<512xi32, #tpu.memory_space<hbm>>
      %dma_wait3A_98 = tpu.memref_slice %arg3[%mul3A_16] : memref<131072xi32, #tpu.memory_space<hbm>> -> memref<512xi32, #tpu.memory_space<hbm>>
      tpu.wait_dma2 semaphore(%run_scoped3A : memref<!tpu.dma_semaphore, #tpu.memory_space<semaphore_mem>>) src(%dma_wait3A_98 : memref<512xi32, #tpu.memory_space<hbm>>) dst(%arg5 : memref<512xi32, #tpu.memory_space<vmem>>)
      tpu.yield
    }) : () -> ()
    %dma_start3A_17 = arith.constant 0 : i32
    %dma_start3A_18 = arith.constant 0 : i32
    %dma_start3A_19 = tpu.memref_slice %arg2[%dma_start3A_17, %dma_start3A_18] : memref<8192x128xf32, #tpu.memory_space<hbm>> -> memref<8192x128xf32, #tpu.memory_space<hbm>>
    tpu.enqueue_indirect_dma source(%dma_start3A_19 : memref<8192x128xf32, #tpu.memory_space<hbm>>) target(%arg6 : memref<512x128xf32, #tpu.memory_space<vmem>>) offsets(%arg5 : memref<512xi32, #tpu.memory_space<vmem>>) semaphore(%arg7 : memref<!tpu.dma_semaphore, #tpu.memory_space<semaphore_mem>>)
    %dma_wait3A_20 = arith.constant 0 : i32
    %dma_wait3A_21 = arith.constant 0 : i32
    %dma_wait3A_22 = tpu.memref_slice %arg2[%dma_wait3A_20, %dma_wait3A_21] : memref<8192x128xf32, #tpu.memory_space<hbm>> -> memref<8192x128xf32, #tpu.memory_space<hbm>>
    tpu.wait_indirect_dma semaphore(%arg7 : memref<!tpu.dma_semaphore, #tpu.memory_space<semaphore_mem>>) src(%dma_wait3A_22 : memref<8192x128xf32, #tpu.memory_space<hbm>>) dst(%arg6 : memref<512x128xf32, #tpu.memory_space<vmem>>)
    "tpu.region"() ({
      %run_scoped3A = tpu.sem_alloc : memref<!tpu.dma_semaphore, #tpu.memory_space<semaphore_mem>>
      %dma_start3A_95 = arith.constant 0 : i32
      %dma_start3A_96 = tpu.memref_slice %arg4[%mul3A_16, %dma_start3A_95] : memref<131072x128xf32, #tpu.memory_space<hbm>> -> memref<512x128xf32, #tpu.memory_space<hbm>>
      %dma_start3A_97 = arith.constant 0 : i32
      %dma_start3A_98 = tpu.memref_slice %arg4[%mul3A_16, %dma_start3A_97] : memref<131072x128xf32, #tpu.memory_space<hbm>> -> memref<512x128xf32, #tpu.memory_space<hbm>>
      tpu.enqueue_dma source(%arg6 : memref<512x128xf32, #tpu.memory_space<vmem>>) target(%dma_start3A_98 : memref<512x128xf32, #tpu.memory_space<hbm>>) target_semaphore(%run_scoped3A : memref<!tpu.dma_semaphore, #tpu.memory_space<semaphore_mem>>)
      %dma_wait3A_99 = arith.constant 0 : i32
      %dma_wait3A_100 = tpu.memref_slice %arg4[%mul3A_16, %dma_wait3A_99] : memref<131072x128xf32, #tpu.memory_space<hbm>> -> memref<512x128xf32, #tpu.memory_space<hbm>>
      %dma_wait3A_101 = arith.constant 0 : i32
      %dma_wait3A_102 = tpu.memref_slice %arg4[%mul3A_16, %dma_wait3A_101] : memref<131072x128xf32, #tpu.memory_space<hbm>> -> memref<512x128xf32, #tpu.memory_space<hbm>>
      tpu.wait_dma2 semaphore(%run_scoped3A : memref<!tpu.dma_semaphore, #tpu.memory_space<semaphore_mem>>) src(%arg6 : memref<512x128xf32, #tpu.memory_space<vmem>>) dst(%dma_wait3A_102 : memref<512x128xf32, #tpu.memory_space<hbm>>)
      tpu.yield
    }) : () -> ()
    %mul3A_23 = arith.constant 8 : i32
    %mul3A_24 = arith.muli %add3A, %mul3A_23 : i32
    %add3A_25 = arith.constant 2 : i32
    %add3A_26 = arith.addi %mul3A_24, %add3A_25 : i32
    %mul3A_27 = arith.constant 512 : i32
    %mul3A_28 = arith.muli %add3A_26, %mul3A_27 : i32
    "tpu.region"() ({
      %run_scoped3A = tpu.sem_alloc : memref<!tpu.dma_semaphore, #tpu.memory_space<semaphore_mem>>
      %dma_start3A_95 = tpu.memref_slice %arg3[%mul3A_28] : memref<131072xi32, #tpu.memory_space<hbm>> -> memref<512xi32, #tpu.memory_space<hbm>>
      %dma_start3A_96 = tpu.memref_slice %arg3[%mul3A_28] : memref<131072xi32, #tpu.memory_space<hbm>> -> memref<512xi32, #tpu.memory_space<hbm>>
      tpu.enqueue_dma source(%dma_start3A_96 : memref<512xi32, #tpu.memory_space<hbm>>) target(%arg5 : memref<512xi32, #tpu.memory_space<vmem>>) target_semaphore(%run_scoped3A : memref<!tpu.dma_semaphore, #tpu.memory_space<semaphore_mem>>)
      %dma_wait3A_97 = tpu.memref_slice %arg3[%mul3A_28] : memref<131072xi32, #tpu.memory_space<hbm>> -> memref<512xi32, #tpu.memory_space<hbm>>
      %dma_wait3A_98 = tpu.memref_slice %arg3[%mul3A_28] : memref<131072xi32, #tpu.memory_space<hbm>> -> memref<512xi32, #tpu.memory_space<hbm>>
      tpu.wait_dma2 semaphore(%run_scoped3A : memref<!tpu.dma_semaphore, #tpu.memory_space<semaphore_mem>>) src(%dma_wait3A_98 : memref<512xi32, #tpu.memory_space<hbm>>) dst(%arg5 : memref<512xi32, #tpu.memory_space<vmem>>)
      tpu.yield
    }) : () -> ()
    %dma_start3A_29 = arith.constant 0 : i32
    %dma_start3A_30 = arith.constant 0 : i32
    %dma_start3A_31 = tpu.memref_slice %arg2[%dma_start3A_29, %dma_start3A_30] : memref<8192x128xf32, #tpu.memory_space<hbm>> -> memref<8192x128xf32, #tpu.memory_space<hbm>>
    tpu.enqueue_indirect_dma source(%dma_start3A_31 : memref<8192x128xf32, #tpu.memory_space<hbm>>) target(%arg6 : memref<512x128xf32, #tpu.memory_space<vmem>>) offsets(%arg5 : memref<512xi32, #tpu.memory_space<vmem>>) semaphore(%arg7 : memref<!tpu.dma_semaphore, #tpu.memory_space<semaphore_mem>>)
    %dma_wait3A_32 = arith.constant 0 : i32
    %dma_wait3A_33 = arith.constant 0 : i32
    %dma_wait3A_34 = tpu.memref_slice %arg2[%dma_wait3A_32, %dma_wait3A_33] : memref<8192x128xf32, #tpu.memory_space<hbm>> -> memref<8192x128xf32, #tpu.memory_space<hbm>>
    tpu.wait_indirect_dma semaphore(%arg7 : memref<!tpu.dma_semaphore, #tpu.memory_space<semaphore_mem>>) src(%dma_wait3A_34 : memref<8192x128xf32, #tpu.memory_space<hbm>>) dst(%arg6 : memref<512x128xf32, #tpu.memory_space<vmem>>)
    "tpu.region"() ({
      %run_scoped3A = tpu.sem_alloc : memref<!tpu.dma_semaphore, #tpu.memory_space<semaphore_mem>>
      %dma_start3A_95 = arith.constant 0 : i32
      %dma_start3A_96 = tpu.memref_slice %arg4[%mul3A_28, %dma_start3A_95] : memref<131072x128xf32, #tpu.memory_space<hbm>> -> memref<512x128xf32, #tpu.memory_space<hbm>>
      %dma_start3A_97 = arith.constant 0 : i32
      %dma_start3A_98 = tpu.memref_slice %arg4[%mul3A_28, %dma_start3A_97] : memref<131072x128xf32, #tpu.memory_space<hbm>> -> memref<512x128xf32, #tpu.memory_space<hbm>>
      tpu.enqueue_dma source(%arg6 : memref<512x128xf32, #tpu.memory_space<vmem>>) target(%dma_start3A_98 : memref<512x128xf32, #tpu.memory_space<hbm>>) target_semaphore(%run_scoped3A : memref<!tpu.dma_semaphore, #tpu.memory_space<semaphore_mem>>)
      %dma_wait3A_99 = arith.constant 0 : i32
      %dma_wait3A_100 = tpu.memref_slice %arg4[%mul3A_28, %dma_wait3A_99] : memref<131072x128xf32, #tpu.memory_space<hbm>> -> memref<512x128xf32, #tpu.memory_space<hbm>>
      %dma_wait3A_101 = arith.constant 0 : i32
      %dma_wait3A_102 = tpu.memref_slice %arg4[%mul3A_28, %dma_wait3A_101] : memref<131072x128xf32, #tpu.memory_space<hbm>> -> memref<512x128xf32, #tpu.memory_space<hbm>>
      tpu.wait_dma2 semaphore(%run_scoped3A : memref<!tpu.dma_semaphore, #tpu.memory_space<semaphore_mem>>) src(%arg6 : memref<512x128xf32, #tpu.memory_space<vmem>>) dst(%dma_wait3A_102 : memref<512x128xf32, #tpu.memory_space<hbm>>)
      tpu.yield
    }) : () -> ()
    %mul3A_35 = arith.constant 8 : i32
    %mul3A_36 = arith.muli %add3A, %mul3A_35 : i32
    %add3A_37 = arith.constant 3 : i32
    %add3A_38 = arith.addi %mul3A_36, %add3A_37 : i32
    %mul3A_39 = arith.constant 512 : i32
    %mul3A_40 = arith.muli %add3A_38, %mul3A_39 : i32
    "tpu.region"() ({
      %run_scoped3A = tpu.sem_alloc : memref<!tpu.dma_semaphore, #tpu.memory_space<semaphore_mem>>
      %dma_start3A_95 = tpu.memref_slice %arg3[%mul3A_40] : memref<131072xi32, #tpu.memory_space<hbm>> -> memref<512xi32, #tpu.memory_space<hbm>>
      %dma_start3A_96 = tpu.memref_slice %arg3[%mul3A_40] : memref<131072xi32, #tpu.memory_space<hbm>> -> memref<512xi32, #tpu.memory_space<hbm>>
      tpu.enqueue_dma source(%dma_start3A_96 : memref<512xi32, #tpu.memory_space<hbm>>) target(%arg5 : memref<512xi32, #tpu.memory_space<vmem>>) target_semaphore(%run_scoped3A : memref<!tpu.dma_semaphore, #tpu.memory_space<semaphore_mem>>)
      %dma_wait3A_97 = tpu.memref_slice %arg3[%mul3A_40] : memref<131072xi32, #tpu.memory_space<hbm>> -> memref<512xi32, #tpu.memory_space<hbm>>
      %dma_wait3A_98 = tpu.memref_slice %arg3[%mul3A_40] : memref<131072xi32, #tpu.memory_space<hbm>> -> memref<512xi32, #tpu.memory_space<hbm>>
      tpu.wait_dma2 semaphore(%run_scoped3A : memref<!tpu.dma_semaphore, #tpu.memory_space<semaphore_mem>>) src(%dma_wait3A_98 : memref<512xi32, #tpu.memory_space<hbm>>) dst(%arg5 : memref<512xi32, #tpu.memory_space<vmem>>)
      tpu.yield
    }) : () -> ()
    %dma_start3A_41 = arith.constant 0 : i32
    %dma_start3A_42 = arith.constant 0 : i32
    %dma_start3A_43 = tpu.memref_slice %arg2[%dma_start3A_41, %dma_start3A_42] : memref<8192x128xf32, #tpu.memory_space<hbm>> -> memref<8192x128xf32, #tpu.memory_space<hbm>>
    tpu.enqueue_indirect_dma source(%dma_start3A_43 : memref<8192x128xf32, #tpu.memory_space<hbm>>) target(%arg6 : memref<512x128xf32, #tpu.memory_space<vmem>>) offsets(%arg5 : memref<512xi32, #tpu.memory_space<vmem>>) semaphore(%arg7 : memref<!tpu.dma_semaphore, #tpu.memory_space<semaphore_mem>>)
    %dma_wait3A_44 = arith.constant 0 : i32
    %dma_wait3A_45 = arith.constant 0 : i32
    %dma_wait3A_46 = tpu.memref_slice %arg2[%dma_wait3A_44, %dma_wait3A_45] : memref<8192x128xf32, #tpu.memory_space<hbm>> -> memref<8192x128xf32, #tpu.memory_space<hbm>>
    tpu.wait_indirect_dma semaphore(%arg7 : memref<!tpu.dma_semaphore, #tpu.memory_space<semaphore_mem>>) src(%dma_wait3A_46 : memref<8192x128xf32, #tpu.memory_space<hbm>>) dst(%arg6 : memref<512x128xf32, #tpu.memory_space<vmem>>)
    "tpu.region"() ({
      %run_scoped3A = tpu.sem_alloc : memref<!tpu.dma_semaphore, #tpu.memory_space<semaphore_mem>>
      %dma_start3A_95 = arith.constant 0 : i32
      %dma_start3A_96 = tpu.memref_slice %arg4[%mul3A_40, %dma_start3A_95] : memref<131072x128xf32, #tpu.memory_space<hbm>> -> memref<512x128xf32, #tpu.memory_space<hbm>>
      %dma_start3A_97 = arith.constant 0 : i32
      %dma_start3A_98 = tpu.memref_slice %arg4[%mul3A_40, %dma_start3A_97] : memref<131072x128xf32, #tpu.memory_space<hbm>> -> memref<512x128xf32, #tpu.memory_space<hbm>>
      tpu.enqueue_dma source(%arg6 : memref<512x128xf32, #tpu.memory_space<vmem>>) target(%dma_start3A_98 : memref<512x128xf32, #tpu.memory_space<hbm>>) target_semaphore(%run_scoped3A : memref<!tpu.dma_semaphore, #tpu.memory_space<semaphore_mem>>)
      %dma_wait3A_99 = arith.constant 0 : i32
      %dma_wait3A_100 = tpu.memref_slice %arg4[%mul3A_40, %dma_wait3A_99] : memref<131072x128xf32, #tpu.memory_space<hbm>> -> memref<512x128xf32, #tpu.memory_space<hbm>>
      %dma_wait3A_101 = arith.constant 0 : i32
      %dma_wait3A_102 = tpu.memref_slice %arg4[%mul3A_40, %dma_wait3A_101] : memref<131072x128xf32, #tpu.memory_space<hbm>> -> memref<512x128xf32, #tpu.memory_space<hbm>>
      tpu.wait_dma2 semaphore(%run_scoped3A : memref<!tpu.dma_semaphore, #tpu.memory_space<semaphore_mem>>) src(%arg6 : memref<512x128xf32, #tpu.memory_space<vmem>>) dst(%dma_wait3A_102 : memref<512x128xf32, #tpu.memory_space<hbm>>)
      tpu.yield
    }) : () -> ()
    %mul3A_47 = arith.constant 8 : i32
    %mul3A_48 = arith.muli %add3A, %mul3A_47 : i32
    %add3A_49 = arith.constant 4 : i32
    %add3A_50 = arith.addi %mul3A_48, %add3A_49 : i32
    %mul3A_51 = arith.constant 512 : i32
    %mul3A_52 = arith.muli %add3A_50, %mul3A_51 : i32
    "tpu.region"() ({
      %run_scoped3A = tpu.sem_alloc : memref<!tpu.dma_semaphore, #tpu.memory_space<semaphore_mem>>
      %dma_start3A_95 = tpu.memref_slice %arg3[%mul3A_52] : memref<131072xi32, #tpu.memory_space<hbm>> -> memref<512xi32, #tpu.memory_space<hbm>>
      %dma_start3A_96 = tpu.memref_slice %arg3[%mul3A_52] : memref<131072xi32, #tpu.memory_space<hbm>> -> memref<512xi32, #tpu.memory_space<hbm>>
      tpu.enqueue_dma source(%dma_start3A_96 : memref<512xi32, #tpu.memory_space<hbm>>) target(%arg5 : memref<512xi32, #tpu.memory_space<vmem>>) target_semaphore(%run_scoped3A : memref<!tpu.dma_semaphore, #tpu.memory_space<semaphore_mem>>)
      %dma_wait3A_97 = tpu.memref_slice %arg3[%mul3A_52] : memref<131072xi32, #tpu.memory_space<hbm>> -> memref<512xi32, #tpu.memory_space<hbm>>
      %dma_wait3A_98 = tpu.memref_slice %arg3[%mul3A_52] : memref<131072xi32, #tpu.memory_space<hbm>> -> memref<512xi32, #tpu.memory_space<hbm>>
      tpu.wait_dma2 semaphore(%run_scoped3A : memref<!tpu.dma_semaphore, #tpu.memory_space<semaphore_mem>>) src(%dma_wait3A_98 : memref<512xi32, #tpu.memory_space<hbm>>) dst(%arg5 : memref<512xi32, #tpu.memory_space<vmem>>)
      tpu.yield
    }) : () -> ()
    %dma_start3A_53 = arith.constant 0 : i32
    %dma_start3A_54 = arith.constant 0 : i32
    %dma_start3A_55 = tpu.memref_slice %arg2[%dma_start3A_53, %dma_start3A_54] : memref<8192x128xf32, #tpu.memory_space<hbm>> -> memref<8192x128xf32, #tpu.memory_space<hbm>>
    tpu.enqueue_indirect_dma source(%dma_start3A_55 : memref<8192x128xf32, #tpu.memory_space<hbm>>) target(%arg6 : memref<512x128xf32, #tpu.memory_space<vmem>>) offsets(%arg5 : memref<512xi32, #tpu.memory_space<vmem>>) semaphore(%arg7 : memref<!tpu.dma_semaphore, #tpu.memory_space<semaphore_mem>>)
    %dma_wait3A_56 = arith.constant 0 : i32
    %dma_wait3A_57 = arith.constant 0 : i32
    %dma_wait3A_58 = tpu.memref_slice %arg2[%dma_wait3A_56, %dma_wait3A_57] : memref<8192x128xf32, #tpu.memory_space<hbm>> -> memref<8192x128xf32, #tpu.memory_space<hbm>>
    tpu.wait_indirect_dma semaphore(%arg7 : memref<!tpu.dma_semaphore, #tpu.memory_space<semaphore_mem>>) src(%dma_wait3A_58 : memref<8192x128xf32, #tpu.memory_space<hbm>>) dst(%arg6 : memref<512x128xf32, #tpu.memory_space<vmem>>)
    "tpu.region"() ({
      %run_scoped3A = tpu.sem_alloc : memref<!tpu.dma_semaphore, #tpu.memory_space<semaphore_mem>>
      %dma_start3A_95 = arith.constant 0 : i32
      %dma_start3A_96 = tpu.memref_slice %arg4[%mul3A_52, %dma_start3A_95] : memref<131072x128xf32, #tpu.memory_space<hbm>> -> memref<512x128xf32, #tpu.memory_space<hbm>>
      %dma_start3A_97 = arith.constant 0 : i32
      %dma_start3A_98 = tpu.memref_slice %arg4[%mul3A_52, %dma_start3A_97] : memref<131072x128xf32, #tpu.memory_space<hbm>> -> memref<512x128xf32, #tpu.memory_space<hbm>>
      tpu.enqueue_dma source(%arg6 : memref<512x128xf32, #tpu.memory_space<vmem>>) target(%dma_start3A_98 : memref<512x128xf32, #tpu.memory_space<hbm>>) target_semaphore(%run_scoped3A : memref<!tpu.dma_semaphore, #tpu.memory_space<semaphore_mem>>)
      %dma_wait3A_99 = arith.constant 0 : i32
      %dma_wait3A_100 = tpu.memref_slice %arg4[%mul3A_52, %dma_wait3A_99] : memref<131072x128xf32, #tpu.memory_space<hbm>> -> memref<512x128xf32, #tpu.memory_space<hbm>>
      %dma_wait3A_101 = arith.constant 0 : i32
      %dma_wait3A_102 = tpu.memref_slice %arg4[%mul3A_52, %dma_wait3A_101] : memref<131072x128xf32, #tpu.memory_space<hbm>> -> memref<512x128xf32, #tpu.memory_space<hbm>>
      tpu.wait_dma2 semaphore(%run_scoped3A : memref<!tpu.dma_semaphore, #tpu.memory_space<semaphore_mem>>) src(%arg6 : memref<512x128xf32, #tpu.memory_space<vmem>>) dst(%dma_wait3A_102 : memref<512x128xf32, #tpu.memory_space<hbm>>)
      tpu.yield
    }) : () -> ()
    %mul3A_59 = arith.constant 8 : i32
    %mul3A_60 = arith.muli %add3A, %mul3A_59 : i32
    %add3A_61 = arith.constant 5 : i32
    %add3A_62 = arith.addi %mul3A_60, %add3A_61 : i32
    %mul3A_63 = arith.constant 512 : i32
    %mul3A_64 = arith.muli %add3A_62, %mul3A_63 : i32
    "tpu.region"() ({
      %run_scoped3A = tpu.sem_alloc : memref<!tpu.dma_semaphore, #tpu.memory_space<semaphore_mem>>
      %dma_start3A_95 = tpu.memref_slice %arg3[%mul3A_64] : memref<131072xi32, #tpu.memory_space<hbm>> -> memref<512xi32, #tpu.memory_space<hbm>>
      %dma_start3A_96 = tpu.memref_slice %arg3[%mul3A_64] : memref<131072xi32, #tpu.memory_space<hbm>> -> memref<512xi32, #tpu.memory_space<hbm>>
      tpu.enqueue_dma source(%dma_start3A_96 : memref<512xi32, #tpu.memory_space<hbm>>) target(%arg5 : memref<512xi32, #tpu.memory_space<vmem>>) target_semaphore(%run_scoped3A : memref<!tpu.dma_semaphore, #tpu.memory_space<semaphore_mem>>)
      %dma_wait3A_97 = tpu.memref_slice %arg3[%mul3A_64] : memref<131072xi32, #tpu.memory_space<hbm>> -> memref<512xi32, #tpu.memory_space<hbm>>
      %dma_wait3A_98 = tpu.memref_slice %arg3[%mul3A_64] : memref<131072xi32, #tpu.memory_space<hbm>> -> memref<512xi32, #tpu.memory_space<hbm>>
      tpu.wait_dma2 semaphore(%run_scoped3A : memref<!tpu.dma_semaphore, #tpu.memory_space<semaphore_mem>>) src(%dma_wait3A_98 : memref<512xi32, #tpu.memory_space<hbm>>) dst(%arg5 : memref<512xi32, #tpu.memory_space<vmem>>)
      tpu.yield
    }) : () -> ()
    %dma_start3A_65 = arith.constant 0 : i32
    %dma_start3A_66 = arith.constant 0 : i32
    %dma_start3A_67 = tpu.memref_slice %arg2[%dma_start3A_65, %dma_start3A_66] : memref<8192x128xf32, #tpu.memory_space<hbm>> -> memref<8192x128xf32, #tpu.memory_space<hbm>>
    tpu.enqueue_indirect_dma source(%dma_start3A_67 : memref<8192x128xf32, #tpu.memory_space<hbm>>) target(%arg6 : memref<512x128xf32, #tpu.memory_space<vmem>>) offsets(%arg5 : memref<512xi32, #tpu.memory_space<vmem>>) semaphore(%arg7 : memref<!tpu.dma_semaphore, #tpu.memory_space<semaphore_mem>>)
    %dma_wait3A_68 = arith.constant 0 : i32
    %dma_wait3A_69 = arith.constant 0 : i32
    %dma_wait3A_70 = tpu.memref_slice %arg2[%dma_wait3A_68, %dma_wait3A_69] : memref<8192x128xf32, #tpu.memory_space<hbm>> -> memref<8192x128xf32, #tpu.memory_space<hbm>>
    tpu.wait_indirect_dma semaphore(%arg7 : memref<!tpu.dma_semaphore, #tpu.memory_space<semaphore_mem>>) src(%dma_wait3A_70 : memref<8192x128xf32, #tpu.memory_space<hbm>>) dst(%arg6 : memref<512x128xf32, #tpu.memory_space<vmem>>)
    "tpu.region"() ({
      %run_scoped3A = tpu.sem_alloc : memref<!tpu.dma_semaphore, #tpu.memory_space<semaphore_mem>>
      %dma_start3A_95 = arith.constant 0 : i32
      %dma_start3A_96 = tpu.memref_slice %arg4[%mul3A_64, %dma_start3A_95] : memref<131072x128xf32, #tpu.memory_space<hbm>> -> memref<512x128xf32, #tpu.memory_space<hbm>>
      %dma_start3A_97 = arith.constant 0 : i32
      %dma_start3A_98 = tpu.memref_slice %arg4[%mul3A_64, %dma_start3A_97] : memref<131072x128xf32, #tpu.memory_space<hbm>> -> memref<512x128xf32, #tpu.memory_space<hbm>>
      tpu.enqueue_dma source(%arg6 : memref<512x128xf32, #tpu.memory_space<vmem>>) target(%dma_start3A_98 : memref<512x128xf32, #tpu.memory_space<hbm>>) target_semaphore(%run_scoped3A : memref<!tpu.dma_semaphore, #tpu.memory_space<semaphore_mem>>)
      %dma_wait3A_99 = arith.constant 0 : i32
      %dma_wait3A_100 = tpu.memref_slice %arg4[%mul3A_64, %dma_wait3A_99] : memref<131072x128xf32, #tpu.memory_space<hbm>> -> memref<512x128xf32, #tpu.memory_space<hbm>>
      %dma_wait3A_101 = arith.constant 0 : i32
      %dma_wait3A_102 = tpu.memref_slice %arg4[%mul3A_64, %dma_wait3A_101] : memref<131072x128xf32, #tpu.memory_space<hbm>> -> memref<512x128xf32, #tpu.memory_space<hbm>>
      tpu.wait_dma2 semaphore(%run_scoped3A : memref<!tpu.dma_semaphore, #tpu.memory_space<semaphore_mem>>) src(%arg6 : memref<512x128xf32, #tpu.memory_space<vmem>>) dst(%dma_wait3A_102 : memref<512x128xf32, #tpu.memory_space<hbm>>)
      tpu.yield
    }) : () -> ()
    %mul3A_71 = arith.constant 8 : i32
    %mul3A_72 = arith.muli %add3A, %mul3A_71 : i32
    %add3A_73 = arith.constant 6 : i32
    %add3A_74 = arith.addi %mul3A_72, %add3A_73 : i32
    %mul3A_75 = arith.constant 512 : i32
    %mul3A_76 = arith.muli %add3A_74, %mul3A_75 : i32
    "tpu.region"() ({
      %run_scoped3A = tpu.sem_alloc : memref<!tpu.dma_semaphore, #tpu.memory_space<semaphore_mem>>
      %dma_start3A_95 = tpu.memref_slice %arg3[%mul3A_76] : memref<131072xi32, #tpu.memory_space<hbm>> -> memref<512xi32, #tpu.memory_space<hbm>>
      %dma_start3A_96 = tpu.memref_slice %arg3[%mul3A_76] : memref<131072xi32, #tpu.memory_space<hbm>> -> memref<512xi32, #tpu.memory_space<hbm>>
      tpu.enqueue_dma source(%dma_start3A_96 : memref<512xi32, #tpu.memory_space<hbm>>) target(%arg5 : memref<512xi32, #tpu.memory_space<vmem>>) target_semaphore(%run_scoped3A : memref<!tpu.dma_semaphore, #tpu.memory_space<semaphore_mem>>)
      %dma_wait3A_97 = tpu.memref_slice %arg3[%mul3A_76] : memref<131072xi32, #tpu.memory_space<hbm>> -> memref<512xi32, #tpu.memory_space<hbm>>
      %dma_wait3A_98 = tpu.memref_slice %arg3[%mul3A_76] : memref<131072xi32, #tpu.memory_space<hbm>> -> memref<512xi32, #tpu.memory_space<hbm>>
      tpu.wait_dma2 semaphore(%run_scoped3A : memref<!tpu.dma_semaphore, #tpu.memory_space<semaphore_mem>>) src(%dma_wait3A_98 : memref<512xi32, #tpu.memory_space<hbm>>) dst(%arg5 : memref<512xi32, #tpu.memory_space<vmem>>)
      tpu.yield
    }) : () -> ()
    %dma_start3A_77 = arith.constant 0 : i32
    %dma_start3A_78 = arith.constant 0 : i32
    %dma_start3A_79 = tpu.memref_slice %arg2[%dma_start3A_77, %dma_start3A_78] : memref<8192x128xf32, #tpu.memory_space<hbm>> -> memref<8192x128xf32, #tpu.memory_space<hbm>>
    tpu.enqueue_indirect_dma source(%dma_start3A_79 : memref<8192x128xf32, #tpu.memory_space<hbm>>) target(%arg6 : memref<512x128xf32, #tpu.memory_space<vmem>>) offsets(%arg5 : memref<512xi32, #tpu.memory_space<vmem>>) semaphore(%arg7 : memref<!tpu.dma_semaphore, #tpu.memory_space<semaphore_mem>>)
    %dma_wait3A_80 = arith.constant 0 : i32
    %dma_wait3A_81 = arith.constant 0 : i32
    %dma_wait3A_82 = tpu.memref_slice %arg2[%dma_wait3A_80, %dma_wait3A_81] : memref<8192x128xf32, #tpu.memory_space<hbm>> -> memref<8192x128xf32, #tpu.memory_space<hbm>>
    tpu.wait_indirect_dma semaphore(%arg7 : memref<!tpu.dma_semaphore, #tpu.memory_space<semaphore_mem>>) src(%dma_wait3A_82 : memref<8192x128xf32, #tpu.memory_space<hbm>>) dst(%arg6 : memref<512x128xf32, #tpu.memory_space<vmem>>)
    "tpu.region"() ({
      %run_scoped3A = tpu.sem_alloc : memref<!tpu.dma_semaphore, #tpu.memory_space<semaphore_mem>>
      %dma_start3A_95 = arith.constant 0 : i32
      %dma_start3A_96 = tpu.memref_slice %arg4[%mul3A_76, %dma_start3A_95] : memref<131072x128xf32, #tpu.memory_space<hbm>> -> memref<512x128xf32, #tpu.memory_space<hbm>>
      %dma_start3A_97 = arith.constant 0 : i32
      %dma_start3A_98 = tpu.memref_slice %arg4[%mul3A_76, %dma_start3A_97] : memref<131072x128xf32, #tpu.memory_space<hbm>> -> memref<512x128xf32, #tpu.memory_space<hbm>>
      tpu.enqueue_dma source(%arg6 : memref<512x128xf32, #tpu.memory_space<vmem>>) target(%dma_start3A_98 : memref<512x128xf32, #tpu.memory_space<hbm>>) target_semaphore(%run_scoped3A : memref<!tpu.dma_semaphore, #tpu.memory_space<semaphore_mem>>)
      %dma_wait3A_99 = arith.constant 0 : i32
      %dma_wait3A_100 = tpu.memref_slice %arg4[%mul3A_76, %dma_wait3A_99] : memref<131072x128xf32, #tpu.memory_space<hbm>> -> memref<512x128xf32, #tpu.memory_space<hbm>>
      %dma_wait3A_101 = arith.constant 0 : i32
      %dma_wait3A_102 = tpu.memref_slice %arg4[%mul3A_76, %dma_wait3A_101] : memref<131072x128xf32, #tpu.memory_space<hbm>> -> memref<512x128xf32, #tpu.memory_space<hbm>>
      tpu.wait_dma2 semaphore(%run_scoped3A : memref<!tpu.dma_semaphore, #tpu.memory_space<semaphore_mem>>) src(%arg6 : memref<512x128xf32, #tpu.memory_space<vmem>>) dst(%dma_wait3A_102 : memref<512x128xf32, #tpu.memory_space<hbm>>)
      tpu.yield
    }) : () -> ()
    %mul3A_83 = arith.constant 8 : i32
    %mul3A_84 = arith.muli %add3A, %mul3A_83 : i32
    %add3A_85 = arith.constant 7 : i32
    %add3A_86 = arith.addi %mul3A_84, %add3A_85 : i32
    %mul3A_87 = arith.constant 512 : i32
    %mul3A_88 = arith.muli %add3A_86, %mul3A_87 : i32
    "tpu.region"() ({
      %run_scoped3A = tpu.sem_alloc : memref<!tpu.dma_semaphore, #tpu.memory_space<semaphore_mem>>
      %dma_start3A_95 = tpu.memref_slice %arg3[%mul3A_88] : memref<131072xi32, #tpu.memory_space<hbm>> -> memref<512xi32, #tpu.memory_space<hbm>>
      %dma_start3A_96 = tpu.memref_slice %arg3[%mul3A_88] : memref<131072xi32, #tpu.memory_space<hbm>> -> memref<512xi32, #tpu.memory_space<hbm>>
      tpu.enqueue_dma source(%dma_start3A_96 : memref<512xi32, #tpu.memory_space<hbm>>) target(%arg5 : memref<512xi32, #tpu.memory_space<vmem>>) target_semaphore(%run_scoped3A : memref<!tpu.dma_semaphore, #tpu.memory_space<semaphore_mem>>)
      %dma_wait3A_97 = tpu.memref_slice %arg3[%mul3A_88] : memref<131072xi32, #tpu.memory_space<hbm>> -> memref<512xi32, #tpu.memory_space<hbm>>
      %dma_wait3A_98 = tpu.memref_slice %arg3[%mul3A_88] : memref<131072xi32, #tpu.memory_space<hbm>> -> memref<512xi32, #tpu.memory_space<hbm>>
      tpu.wait_dma2 semaphore(%run_scoped3A : memref<!tpu.dma_semaphore, #tpu.memory_space<semaphore_mem>>) src(%dma_wait3A_98 : memref<512xi32, #tpu.memory_space<hbm>>) dst(%arg5 : memref<512xi32, #tpu.memory_space<vmem>>)
      tpu.yield
    }) : () -> ()
    %dma_start3A_89 = arith.constant 0 : i32
    %dma_start3A_90 = arith.constant 0 : i32
    %dma_start3A_91 = tpu.memref_slice %arg2[%dma_start3A_89, %dma_start3A_90] : memref<8192x128xf32, #tpu.memory_space<hbm>> -> memref<8192x128xf32, #tpu.memory_space<hbm>>
    tpu.enqueue_indirect_dma source(%dma_start3A_91 : memref<8192x128xf32, #tpu.memory_space<hbm>>) target(%arg6 : memref<512x128xf32, #tpu.memory_space<vmem>>) offsets(%arg5 : memref<512xi32, #tpu.memory_space<vmem>>) semaphore(%arg7 : memref<!tpu.dma_semaphore, #tpu.memory_space<semaphore_mem>>)
    %dma_wait3A_92 = arith.constant 0 : i32
    %dma_wait3A_93 = arith.constant 0 : i32
    %dma_wait3A_94 = tpu.memref_slice %arg2[%dma_wait3A_92, %dma_wait3A_93] : memref<8192x128xf32, #tpu.memory_space<hbm>> -> memref<8192x128xf32, #tpu.memory_space<hbm>>
    tpu.wait_indirect_dma semaphore(%arg7 : memref<!tpu.dma_semaphore, #tpu.memory_space<semaphore_mem>>) src(%dma_wait3A_94 : memref<8192x128xf32, #tpu.memory_space<hbm>>) dst(%arg6 : memref<512x128xf32, #tpu.memory_space<vmem>>)
    "tpu.region"() ({
      %run_scoped3A = tpu.sem_alloc : memref<!tpu.dma_semaphore, #tpu.memory_space<semaphore_mem>>
      %dma_start3A_95 = arith.constant 0 : i32
      %dma_start3A_96 = tpu.memref_slice %arg4[%mul3A_88, %dma_start3A_95] : memref<131072x128xf32, #tpu.memory_space<hbm>> -> memref<512x128xf32, #tpu.memory_space<hbm>>
      %dma_start3A_97 = arith.constant 0 : i32
      %dma_start3A_98 = tpu.memref_slice %arg4[%mul3A_88, %dma_start3A_97] : memref<131072x128xf32, #tpu.memory_space<hbm>> -> memref<512x128xf32, #tpu.memory_space<hbm>>
      tpu.enqueue_dma source(%arg6 : memref<512x128xf32, #tpu.memory_space<vmem>>) target(%dma_start3A_98 : memref<512x128xf32, #tpu.memory_space<hbm>>) target_semaphore(%run_scoped3A : memref<!tpu.dma_semaphore, #tpu.memory_space<semaphore_mem>>)
      %dma_wait3A_99 = arith.constant 0 : i32
      %dma_wait3A_100 = tpu.memref_slice %arg4[%mul3A_88, %dma_wait3A_99] : memref<131072x128xf32, #tpu.memory_space<hbm>> -> memref<512x128xf32, #tpu.memory_space<hbm>>
      %dma_wait3A_101 = arith.constant 0 : i32
      %dma_wait3A_102 = tpu.memref_slice %arg4[%mul3A_88, %dma_wait3A_101] : memref<131072x128xf32, #tpu.memory_space<hbm>> -> memref<512x128xf32, #tpu.memory_space<hbm>>
      tpu.wait_dma2 semaphore(%run_scoped3A : memref<!tpu.dma_semaphore, #tpu.memory_space<semaphore_mem>>) src(%arg6 : memref<512x128xf32, #tpu.memory_space<vmem>>) dst(%dma_wait3A_102 : memref<512x128xf32, #tpu.memory_space<hbm>>)
      tpu.yield
    }) : () -> ()
    return
  }
}

module attributes {stable_mosaic.version = 14 : i64} {
  func.func @_knn_kernel(%arg0: i32, %arg1: memref<64xi32, #tpu.memory_space<smem>>, %arg2: memref<64xi32, #tpu.memory_space<smem>>, %arg3: memref<128x3xf32, #tpu.memory_space<vmem>>, %arg4: memref<19x3x448xf32, #tpu.memory_space<vmem>>, %arg5: memref<128x1xi32, #tpu.memory_space<vmem>>, %arg6: memref<19x1x448xi32, #tpu.memory_space<vmem>>, %arg7: memref<128x16xi32, #tpu.memory_space<vmem>>, %arg8: memref<128x16xi32, #tpu.memory_space<vmem>>) attributes {dimension_semantics = [#tpu.dimension_semantics<arbitrary>], iteration_bounds = array<i64: 64>, scalar_prefetch = 2 : i64, scratch_operands = 0 : i64, tpu.core_type = #tpu.core_type<tc>, window_params = [{transform_indices = @transform_0, window_bounds = array<i64: 128, 3>}, {pipeline_mode = #tpu.pipeline_mode<synchronous>, transform_indices = @transform_1, window_bounds = array<i64: 19, 3, 448>}, {transform_indices = @transform_2, window_bounds = array<i64: 128, 1>}, {pipeline_mode = #tpu.pipeline_mode<synchronous>, transform_indices = @transform_3, window_bounds = array<i64: 19, 1, 448>}, {transform_indices = @transform_4, window_bounds = array<i64: 128, 16>}, {transform_indices = @transform_5, window_bounds = array<i64: 128, 16>}]} {
    %get3A = arith.constant 0 : index
    %get3A_0 = arith.constant 0 : index
    %get3A_1 = vector.load %arg3[%get3A, %get3A_0] : memref<128x3xf32, #tpu.memory_space<vmem>>, vector<128x3xf32>
    %slice3A = vector.extract_strided_slice %get3A_1 {offsets = [0, 0], sizes = [128, 1], strides = [1, 1]} : vector<128x3xf32> to vector<128x1xf32>
    %slice3A_2 = vector.extract_strided_slice %get3A_1 {offsets = [0, 1], sizes = [128, 1], strides = [1, 1]} : vector<128x3xf32> to vector<128x1xf32>
    %slice3A_3 = vector.extract_strided_slice %get3A_1 {offsets = [0, 2], sizes = [128, 1], strides = [1, 1]} : vector<128x3xf32> to vector<128x1xf32>
    %get3A_4 = arith.constant 0 : index
    %get3A_5 = arith.constant 0 : index
    %get3A_6 = vector.load %arg5[%get3A_4, %get3A_5] : memref<128x1xi32, #tpu.memory_space<vmem>>, vector<128x1xi32>
    %iota3A = tpu.iota {dimensions = array<i32: 1>} : vector<128x112xi32>
    %convert_element_type3A = arith.sitofp %iota3A : vector<128x112xi32> to vector<128x112xf32>
    %iota3A_7 = tpu.iota {dimensions = array<i32: 1>} : vector<128x64xi32>
    %convert_element_type3A_8 = arith.sitofp %iota3A_7 : vector<128x64xi32> to vector<128x64xf32>
    %broadcast_in_dim3A = arith.constant 0x7F800000 : f32
    %broadcast_in_dim3A_9 = vector.broadcast %broadcast_in_dim3A : f32 to vector<128x16xf32>
    %broadcast_in_dim3A_10 = arith.constant 0x7F800000 : f32
    %broadcast_in_dim3A_11 = vector.broadcast %broadcast_in_dim3A_10 : f32 to vector<128x16xf32>
    %broadcast_in_dim3A_12 = arith.constant 0x7F800000 : f32
    %broadcast_in_dim3A_13 = vector.broadcast %broadcast_in_dim3A_12 : f32 to vector<128x16xf32>
    %broadcast_in_dim3A_14 = arith.constant 0x7F800000 : f32
    %broadcast_in_dim3A_15 = vector.broadcast %broadcast_in_dim3A_14 : f32 to vector<128x16xf32>
    %broadcast_in_dim3A_16 = arith.constant 0.000000e+00 : f32
    %broadcast_in_dim3A_17 = vector.broadcast %broadcast_in_dim3A_16 : f32 to vector<128x16xf32>
    %broadcast_in_dim3A_18 = arith.constant 0.000000e+00 : f32
    %broadcast_in_dim3A_19 = vector.broadcast %broadcast_in_dim3A_18 : f32 to vector<128x16xf32>
    %broadcast_in_dim3A_20 = arith.constant 0.000000e+00 : f32
    %broadcast_in_dim3A_21 = vector.broadcast %broadcast_in_dim3A_20 : f32 to vector<128x16xf32>
    %broadcast_in_dim3A_22 = arith.constant 0.000000e+00 : f32
    %broadcast_in_dim3A_23 = vector.broadcast %broadcast_in_dim3A_22 : f32 to vector<128x16xf32>
    %get3A_24 = arith.index_cast %arg0 : i32 to index
    %get3A_25 = memref.load %arg1[%get3A_24] : memref<64xi32, #tpu.memory_space<smem>>
    %get3A_26 = arith.index_cast %arg0 : i32 to index
    %get3A_27 = memref.load %arg2[%get3A_26] : memref<64xi32, #tpu.memory_space<smem>>
    %while3A = arith.subi %get3A_27, %get3A_25 : i32
    %while3A_28 = arith.addi %get3A_25, %while3A : i32
    %while3A_29 = arith.constant 1 : i32
    %while3A_30 = arith.divsi %while3A, %while3A_29 : i32
    %while3A_31 = arith.muli %while3A_30, %while3A_29 : i32
    %while3A_32 = arith.addi %get3A_25, %while3A_31 : i32
    %while3A_33 = arith.constant 1 : i32
    %while3A_34:8 = scf.for %while3A_398 = %get3A_25 to %while3A_32 step %while3A_33 iter_args(%while3A_399 = %broadcast_in_dim3A_9, %while3A_400 = %broadcast_in_dim3A_11, %while3A_401 = %broadcast_in_dim3A_13, %while3A_402 = %broadcast_in_dim3A_15, %while3A_403 = %broadcast_in_dim3A_17, %while3A_404 = %broadcast_in_dim3A_19, %while3A_405 = %broadcast_in_dim3A_21, %while3A_406 = %broadcast_in_dim3A_23) -> (vector<128x16xf32>, vector<128x16xf32>, vector<128x16xf32>, vector<128x16xf32>, vector<128x16xf32>, vector<128x16xf32>, vector<128x16xf32>, vector<128x16xf32>)  : i32 {
      %get3A_407 = arith.index_cast %while3A_398 : i32 to index
      %get3A_408 = arith.constant 0 : index
      %get3A_409 = arith.constant 0 : index
      %get3A_410 = vector.load %arg4[%get3A_407, %get3A_408, %get3A_409] : memref<19x3x448xf32, #tpu.memory_space<vmem>>, vector<1x1x448xf32>
      %get3A_411 = vector.shape_cast %get3A_410 : vector<1x1x448xf32> to vector<1x448xf32>
      %get3A_412 = arith.index_cast %while3A_398 : i32 to index
      %get3A_413 = arith.constant 1 : index
      %get3A_414 = arith.constant 0 : index
      %get3A_415 = vector.load %arg4[%get3A_412, %get3A_413, %get3A_414] : memref<19x3x448xf32, #tpu.memory_space<vmem>>, vector<1x1x448xf32>
      %get3A_416 = vector.shape_cast %get3A_415 : vector<1x1x448xf32> to vector<1x448xf32>
      %get3A_417 = arith.index_cast %while3A_398 : i32 to index
      %get3A_418 = arith.constant 2 : index
      %get3A_419 = arith.constant 0 : index
      %get3A_420 = vector.load %arg4[%get3A_417, %get3A_418, %get3A_419] : memref<19x3x448xf32, #tpu.memory_space<vmem>>, vector<1x1x448xf32>
      %get3A_421 = vector.shape_cast %get3A_420 : vector<1x1x448xf32> to vector<1x448xf32>
      %get3A_422 = arith.index_cast %while3A_398 : i32 to index
      %get3A_423 = arith.constant 0 : index
      %get3A_424 = arith.constant 0 : index
      %get3A_425 = vector.load %arg6[%get3A_422, %get3A_423, %get3A_424] : memref<19x1x448xi32, #tpu.memory_space<vmem>>, vector<1x1x448xi32>
      %get3A_426 = vector.shape_cast %get3A_425 : vector<1x1x448xi32> to vector<1x448xi32>
      %sub3A = vector.broadcast %get3A_411 : vector<1x448xf32> to vector<128x448xf32>
      %sub3A_427 = vector.broadcast %slice3A : vector<128x1xf32> to vector<128x448xf32>
      %sub3A_428 = arith.subf %sub3A, %sub3A_427 : vector<128x448xf32>
      %sub3A_429 = vector.broadcast %get3A_416 : vector<1x448xf32> to vector<128x448xf32>
      %sub3A_430 = vector.broadcast %slice3A_2 : vector<128x1xf32> to vector<128x448xf32>
      %sub3A_431 = arith.subf %sub3A_429, %sub3A_430 : vector<128x448xf32>
      %sub3A_432 = vector.broadcast %get3A_421 : vector<1x448xf32> to vector<128x448xf32>
      %sub3A_433 = vector.broadcast %slice3A_3 : vector<128x1xf32> to vector<128x448xf32>
      %sub3A_434 = arith.subf %sub3A_432, %sub3A_433 : vector<128x448xf32>
      %mul3A_435 = arith.mulf %sub3A_428, %sub3A_428 : vector<128x448xf32>
      %mul3A_436 = arith.mulf %sub3A_431, %sub3A_431 : vector<128x448xf32>
      %add3A_437 = arith.addf %mul3A_435, %mul3A_436 : vector<128x448xf32>
      %mul3A_438 = arith.mulf %sub3A_434, %sub3A_434 : vector<128x448xf32>
      %add3A_439 = arith.addf %add3A_437, %mul3A_438 : vector<128x448xf32>
      %ne3A = vector.broadcast %get3A_426 : vector<1x448xi32> to vector<128x448xi32>
      %ne3A_440 = vector.broadcast %get3A_6 : vector<128x1xi32> to vector<128x448xi32>
      %ne3A_441 = arith.cmpi ne, %ne3A, %ne3A_440 : vector<128x448xi32>
      %jit3A_442 = arith.constant 0x7F800000 : f32
      %broadcast_in_dim3A_443 = vector.broadcast %jit3A_442 : f32 to vector<128x448xf32>
      %select_n3A_444 = arith.select %ne3A_441, %broadcast_in_dim3A_443, %add3A_439 : vector<128x448xi1>, vector<128x448xf32>
      %slice3A_445 = vector.extract_strided_slice %select_n3A_444 {offsets = [0, 0], sizes = [128, 112], strides = [1, 1]} : vector<128x448xf32> to vector<128x112xf32>
      %concatenate3A_446 = tpu.concatenate %while3A_399, %slice3A_445 in 1 : vector<128x16xf32>, vector<128x112xf32> -> vector<128x128xf32>
      %slice3A_447 = vector.extract_strided_slice %select_n3A_444 {offsets = [0, 112], sizes = [128, 112], strides = [1, 1]} : vector<128x448xf32> to vector<128x112xf32>
      %concatenate3A_448 = tpu.concatenate %while3A_400, %slice3A_447 in 1 : vector<128x16xf32>, vector<128x112xf32> -> vector<128x128xf32>
      %slice3A_449 = vector.extract_strided_slice %select_n3A_444 {offsets = [0, 224], sizes = [128, 112], strides = [1, 1]} : vector<128x448xf32> to vector<128x112xf32>
      %concatenate3A_450 = tpu.concatenate %while3A_401, %slice3A_449 in 1 : vector<128x16xf32>, vector<128x112xf32> -> vector<128x128xf32>
      %slice3A_451 = vector.extract_strided_slice %select_n3A_444 {offsets = [0, 336], sizes = [128, 112], strides = [1, 1]} : vector<128x448xf32> to vector<128x112xf32>
      %concatenate3A_452 = tpu.concatenate %while3A_402, %slice3A_451 in 1 : vector<128x16xf32>, vector<128x112xf32> -> vector<128x128xf32>
      %mul3A_453 = arith.constant 448 : i32
      %mul3A_454 = arith.muli %while3A_398, %mul3A_453 : i32
      %add3A_455 = arith.constant 0 : i32
      %add3A_456 = arith.addi %mul3A_454, %add3A_455 : i32
      %convert_element_type3A_457 = arith.sitofp %add3A_456 : i32 to f32
      %add3A_458 = vector.broadcast %convert_element_type3A_457 : f32 to vector<128x112xf32>
      %add3A_459 = arith.addf %convert_element_type3A, %add3A_458 : vector<128x112xf32>
      %concatenate3A_460 = tpu.concatenate %while3A_403, %add3A_459 in 1 : vector<128x16xf32>, vector<128x112xf32> -> vector<128x128xf32>
      %mul3A_461 = arith.constant 448 : i32
      %mul3A_462 = arith.muli %while3A_398, %mul3A_461 : i32
      %add3A_463 = arith.constant 112 : i32
      %add3A_464 = arith.addi %mul3A_462, %add3A_463 : i32
      %convert_element_type3A_465 = arith.sitofp %add3A_464 : i32 to f32
      %add3A_466 = vector.broadcast %convert_element_type3A_465 : f32 to vector<128x112xf32>
      %add3A_467 = arith.addf %convert_element_type3A, %add3A_466 : vector<128x112xf32>
      %concatenate3A_468 = tpu.concatenate %while3A_404, %add3A_467 in 1 : vector<128x16xf32>, vector<128x112xf32> -> vector<128x128xf32>
      %mul3A_469 = arith.constant 448 : i32
      %mul3A_470 = arith.muli %while3A_398, %mul3A_469 : i32
      %add3A_471 = arith.constant 224 : i32
      %add3A_472 = arith.addi %mul3A_470, %add3A_471 : i32
      %convert_element_type3A_473 = arith.sitofp %add3A_472 : i32 to f32
      %add3A_474 = vector.broadcast %convert_element_type3A_473 : f32 to vector<128x112xf32>
      %add3A_475 = arith.addf %convert_element_type3A, %add3A_474 : vector<128x112xf32>
      %concatenate3A_476 = tpu.concatenate %while3A_405, %add3A_475 in 1 : vector<128x16xf32>, vector<128x112xf32> -> vector<128x128xf32>
      %mul3A_477 = arith.constant 448 : i32
      %mul3A_478 = arith.muli %while3A_398, %mul3A_477 : i32
      %add3A_479 = arith.constant 336 : i32
      %add3A_480 = arith.addi %mul3A_478, %add3A_479 : i32
      %convert_element_type3A_481 = arith.sitofp %add3A_480 : i32 to f32
      %add3A_482 = vector.broadcast %convert_element_type3A_481 : f32 to vector<128x112xf32>
      %add3A_483 = arith.addf %convert_element_type3A, %add3A_482 : vector<128x112xf32>
      %concatenate3A_484 = tpu.concatenate %while3A_406, %add3A_483 in 1 : vector<128x16xf32>, vector<128x112xf32> -> vector<128x128xf32>
      %reduce_min3A_485 = arith.constant dense<0x7F800000> : vector<128xf32>
      %reduce_min3A_486 = vector.multi_reduction <minimumf>, %concatenate3A_446, %reduce_min3A_485 [1] : vector<128x128xf32> to vector<128xf32>
      %broadcast_in_dim3A_487 = vector.shape_cast %reduce_min3A_486 : vector<128xf32> to vector<128x1xf32>
      %reduce_min3A_488 = arith.constant dense<0x7F800000> : vector<128xf32>
      %reduce_min3A_489 = vector.multi_reduction <minimumf>, %concatenate3A_448, %reduce_min3A_488 [1] : vector<128x128xf32> to vector<128xf32>
      %broadcast_in_dim3A_490 = vector.shape_cast %reduce_min3A_489 : vector<128xf32> to vector<128x1xf32>
      %reduce_min3A_491 = arith.constant dense<0x7F800000> : vector<128xf32>
      %reduce_min3A_492 = vector.multi_reduction <minimumf>, %concatenate3A_450, %reduce_min3A_491 [1] : vector<128x128xf32> to vector<128xf32>
      %broadcast_in_dim3A_493 = vector.shape_cast %reduce_min3A_492 : vector<128xf32> to vector<128x1xf32>
      %reduce_min3A_494 = arith.constant dense<0x7F800000> : vector<128xf32>
      %reduce_min3A_495 = vector.multi_reduction <minimumf>, %concatenate3A_452, %reduce_min3A_494 [1] : vector<128x128xf32> to vector<128xf32>
      %broadcast_in_dim3A_496 = vector.shape_cast %reduce_min3A_495 : vector<128xf32> to vector<128x1xf32>
      %eq3A_497 = vector.broadcast %broadcast_in_dim3A_487 : vector<128x1xf32> to vector<128x128xf32>
      %eq3A_498 = arith.cmpf oeq, %concatenate3A_446, %eq3A_497 : vector<128x128xf32>
      %jit3A_499 = arith.constant 0x7F800000 : f32
      %broadcast_in_dim3A_500 = vector.broadcast %jit3A_499 : f32 to vector<128x128xf32>
      %select_n3A_501 = arith.select %eq3A_498, %concatenate3A_460, %broadcast_in_dim3A_500 : vector<128x128xi1>, vector<128x128xf32>
      %reduce_min3A_502 = arith.constant dense<0x7F800000> : vector<128xf32>
      %reduce_min3A_503 = vector.multi_reduction <minimumf>, %select_n3A_501, %reduce_min3A_502 [1] : vector<128x128xf32> to vector<128xf32>
      %broadcast_in_dim3A_504 = vector.shape_cast %reduce_min3A_503 : vector<128xf32> to vector<128x1xf32>
      %eq3A_505 = vector.broadcast %broadcast_in_dim3A_490 : vector<128x1xf32> to vector<128x128xf32>
      %eq3A_506 = arith.cmpf oeq, %concatenate3A_448, %eq3A_505 : vector<128x128xf32>
      %jit3A_507 = arith.constant 0x7F800000 : f32
      %broadcast_in_dim3A_508 = vector.broadcast %jit3A_507 : f32 to vector<128x128xf32>
      %select_n3A_509 = arith.select %eq3A_506, %concatenate3A_468, %broadcast_in_dim3A_508 : vector<128x128xi1>, vector<128x128xf32>
      %reduce_min3A_510 = arith.constant dense<0x7F800000> : vector<128xf32>
      %reduce_min3A_511 = vector.multi_reduction <minimumf>, %select_n3A_509, %reduce_min3A_510 [1] : vector<128x128xf32> to vector<128xf32>
      %broadcast_in_dim3A_512 = vector.shape_cast %reduce_min3A_511 : vector<128xf32> to vector<128x1xf32>
      %eq3A_513 = vector.broadcast %broadcast_in_dim3A_493 : vector<128x1xf32> to vector<128x128xf32>
      %eq3A_514 = arith.cmpf oeq, %concatenate3A_450, %eq3A_513 : vector<128x128xf32>
      %jit3A_515 = arith.constant 0x7F800000 : f32
      %broadcast_in_dim3A_516 = vector.broadcast %jit3A_515 : f32 to vector<128x128xf32>
      %select_n3A_517 = arith.select %eq3A_514, %concatenate3A_476, %broadcast_in_dim3A_516 : vector<128x128xi1>, vector<128x128xf32>
      %reduce_min3A_518 = arith.constant dense<0x7F800000> : vector<128xf32>
      %reduce_min3A_519 = vector.multi_reduction <minimumf>, %select_n3A_517, %reduce_min3A_518 [1] : vector<128x128xf32> to vector<128xf32>
      %broadcast_in_dim3A_520 = vector.shape_cast %reduce_min3A_519 : vector<128xf32> to vector<128x1xf32>
      %eq3A_521 = vector.broadcast %broadcast_in_dim3A_496 : vector<128x1xf32> to vector<128x128xf32>
      %eq3A_522 = arith.cmpf oeq, %concatenate3A_452, %eq3A_521 : vector<128x128xf32>
      %jit3A_523 = arith.constant 0x7F800000 : f32
      %broadcast_in_dim3A_524 = vector.broadcast %jit3A_523 : f32 to vector<128x128xf32>
      %select_n3A_525 = arith.select %eq3A_522, %concatenate3A_484, %broadcast_in_dim3A_524 : vector<128x128xi1>, vector<128x128xf32>
      %reduce_min3A_526 = arith.constant dense<0x7F800000> : vector<128xf32>
      %reduce_min3A_527 = vector.multi_reduction <minimumf>, %select_n3A_525, %reduce_min3A_526 [1] : vector<128x128xf32> to vector<128xf32>
      %broadcast_in_dim3A_528 = vector.shape_cast %reduce_min3A_527 : vector<128xf32> to vector<128x1xf32>
      %eq3A_529 = vector.broadcast %broadcast_in_dim3A_504 : vector<128x1xf32> to vector<128x128xf32>
      %eq3A_530 = arith.cmpf oeq, %concatenate3A_460, %eq3A_529 : vector<128x128xf32>
      %jit3A_531 = arith.constant 0x7F800000 : f32
      %broadcast_in_dim3A_532 = vector.broadcast %jit3A_531 : f32 to vector<128x128xf32>
      %select_n3A_533 = arith.select %eq3A_530, %broadcast_in_dim3A_532, %concatenate3A_446 : vector<128x128xi1>, vector<128x128xf32>
      %eq3A_534 = vector.broadcast %broadcast_in_dim3A_512 : vector<128x1xf32> to vector<128x128xf32>
      %eq3A_535 = arith.cmpf oeq, %concatenate3A_468, %eq3A_534 : vector<128x128xf32>
      %jit3A_536 = arith.constant 0x7F800000 : f32
      %broadcast_in_dim3A_537 = vector.broadcast %jit3A_536 : f32 to vector<128x128xf32>
      %select_n3A_538 = arith.select %eq3A_535, %broadcast_in_dim3A_537, %concatenate3A_448 : vector<128x128xi1>, vector<128x128xf32>
      %eq3A_539 = vector.broadcast %broadcast_in_dim3A_520 : vector<128x1xf32> to vector<128x128xf32>
      %eq3A_540 = arith.cmpf oeq, %concatenate3A_476, %eq3A_539 : vector<128x128xf32>
      %jit3A_541 = arith.constant 0x7F800000 : f32
      %broadcast_in_dim3A_542 = vector.broadcast %jit3A_541 : f32 to vector<128x128xf32>
      %select_n3A_543 = arith.select %eq3A_540, %broadcast_in_dim3A_542, %concatenate3A_450 : vector<128x128xi1>, vector<128x128xf32>
      %eq3A_544 = vector.broadcast %broadcast_in_dim3A_528 : vector<128x1xf32> to vector<128x128xf32>
      %eq3A_545 = arith.cmpf oeq, %concatenate3A_484, %eq3A_544 : vector<128x128xf32>
      %jit3A_546 = arith.constant 0x7F800000 : f32
      %broadcast_in_dim3A_547 = vector.broadcast %jit3A_546 : f32 to vector<128x128xf32>
      %select_n3A_548 = arith.select %eq3A_545, %broadcast_in_dim3A_547, %concatenate3A_452 : vector<128x128xi1>, vector<128x128xf32>
      %reduce_min3A_549 = arith.constant dense<0x7F800000> : vector<128xf32>
      %reduce_min3A_550 = vector.multi_reduction <minimumf>, %select_n3A_533, %reduce_min3A_549 [1] : vector<128x128xf32> to vector<128xf32>
      %broadcast_in_dim3A_551 = vector.shape_cast %reduce_min3A_550 : vector<128xf32> to vector<128x1xf32>
      %reduce_min3A_552 = arith.constant dense<0x7F800000> : vector<128xf32>
      %reduce_min3A_553 = vector.multi_reduction <minimumf>, %select_n3A_538, %reduce_min3A_552 [1] : vector<128x128xf32> to vector<128xf32>
      %broadcast_in_dim3A_554 = vector.shape_cast %reduce_min3A_553 : vector<128xf32> to vector<128x1xf32>
      %reduce_min3A_555 = arith.constant dense<0x7F800000> : vector<128xf32>
      %reduce_min3A_556 = vector.multi_reduction <minimumf>, %select_n3A_543, %reduce_min3A_555 [1] : vector<128x128xf32> to vector<128xf32>
      %broadcast_in_dim3A_557 = vector.shape_cast %reduce_min3A_556 : vector<128xf32> to vector<128x1xf32>
      %reduce_min3A_558 = arith.constant dense<0x7F800000> : vector<128xf32>
      %reduce_min3A_559 = vector.multi_reduction <minimumf>, %select_n3A_548, %reduce_min3A_558 [1] : vector<128x128xf32> to vector<128xf32>
      %broadcast_in_dim3A_560 = vector.shape_cast %reduce_min3A_559 : vector<128xf32> to vector<128x1xf32>
      %eq3A_561 = vector.broadcast %broadcast_in_dim3A_551 : vector<128x1xf32> to vector<128x128xf32>
      %eq3A_562 = arith.cmpf oeq, %select_n3A_533, %eq3A_561 : vector<128x128xf32>
      %jit3A_563 = arith.constant 0x7F800000 : f32
      %broadcast_in_dim3A_564 = vector.broadcast %jit3A_563 : f32 to vector<128x128xf32>
      %select_n3A_565 = arith.select %eq3A_562, %concatenate3A_460, %broadcast_in_dim3A_564 : vector<128x128xi1>, vector<128x128xf32>
      %reduce_min3A_566 = arith.constant dense<0x7F800000> : vector<128xf32>
      %reduce_min3A_567 = vector.multi_reduction <minimumf>, %select_n3A_565, %reduce_min3A_566 [1] : vector<128x128xf32> to vector<128xf32>
      %broadcast_in_dim3A_568 = vector.shape_cast %reduce_min3A_567 : vector<128xf32> to vector<128x1xf32>
      %eq3A_569 = vector.broadcast %broadcast_in_dim3A_554 : vector<128x1xf32> to vector<128x128xf32>
      %eq3A_570 = arith.cmpf oeq, %select_n3A_538, %eq3A_569 : vector<128x128xf32>
      %jit3A_571 = arith.constant 0x7F800000 : f32
      %broadcast_in_dim3A_572 = vector.broadcast %jit3A_571 : f32 to vector<128x128xf32>
      %select_n3A_573 = arith.select %eq3A_570, %concatenate3A_468, %broadcast_in_dim3A_572 : vector<128x128xi1>, vector<128x128xf32>
      %reduce_min3A_574 = arith.constant dense<0x7F800000> : vector<128xf32>
      %reduce_min3A_575 = vector.multi_reduction <minimumf>, %select_n3A_573, %reduce_min3A_574 [1] : vector<128x128xf32> to vector<128xf32>
      %broadcast_in_dim3A_576 = vector.shape_cast %reduce_min3A_575 : vector<128xf32> to vector<128x1xf32>
      %eq3A_577 = vector.broadcast %broadcast_in_dim3A_557 : vector<128x1xf32> to vector<128x128xf32>
      %eq3A_578 = arith.cmpf oeq, %select_n3A_543, %eq3A_577 : vector<128x128xf32>
      %jit3A_579 = arith.constant 0x7F800000 : f32
      %broadcast_in_dim3A_580 = vector.broadcast %jit3A_579 : f32 to vector<128x128xf32>
      %select_n3A_581 = arith.select %eq3A_578, %concatenate3A_476, %broadcast_in_dim3A_580 : vector<128x128xi1>, vector<128x128xf32>
      %reduce_min3A_582 = arith.constant dense<0x7F800000> : vector<128xf32>
      %reduce_min3A_583 = vector.multi_reduction <minimumf>, %select_n3A_581, %reduce_min3A_582 [1] : vector<128x128xf32> to vector<128xf32>
      %broadcast_in_dim3A_584 = vector.shape_cast %reduce_min3A_583 : vector<128xf32> to vector<128x1xf32>
      %eq3A_585 = vector.broadcast %broadcast_in_dim3A_560 : vector<128x1xf32> to vector<128x128xf32>
      %eq3A_586 = arith.cmpf oeq, %select_n3A_548, %eq3A_585 : vector<128x128xf32>
      %jit3A_587 = arith.constant 0x7F800000 : f32
      %broadcast_in_dim3A_588 = vector.broadcast %jit3A_587 : f32 to vector<128x128xf32>
      %select_n3A_589 = arith.select %eq3A_586, %concatenate3A_484, %broadcast_in_dim3A_588 : vector<128x128xi1>, vector<128x128xf32>
      %reduce_min3A_590 = arith.constant dense<0x7F800000> : vector<128xf32>
      %reduce_min3A_591 = vector.multi_reduction <minimumf>, %select_n3A_589, %reduce_min3A_590 [1] : vector<128x128xf32> to vector<128xf32>
      %broadcast_in_dim3A_592 = vector.shape_cast %reduce_min3A_591 : vector<128xf32> to vector<128x1xf32>
      %eq3A_593 = vector.broadcast %broadcast_in_dim3A_568 : vector<128x1xf32> to vector<128x128xf32>
      %eq3A_594 = arith.cmpf oeq, %concatenate3A_460, %eq3A_593 : vector<128x128xf32>
      %jit3A_595 = arith.constant 0x7F800000 : f32
      %broadcast_in_dim3A_596 = vector.broadcast %jit3A_595 : f32 to vector<128x128xf32>
      %select_n3A_597 = arith.select %eq3A_594, %broadcast_in_dim3A_596, %select_n3A_533 : vector<128x128xi1>, vector<128x128xf32>
      %eq3A_598 = vector.broadcast %broadcast_in_dim3A_576 : vector<128x1xf32> to vector<128x128xf32>
      %eq3A_599 = arith.cmpf oeq, %concatenate3A_468, %eq3A_598 : vector<128x128xf32>
      %jit3A_600 = arith.constant 0x7F800000 : f32
      %broadcast_in_dim3A_601 = vector.broadcast %jit3A_600 : f32 to vector<128x128xf32>
      %select_n3A_602 = arith.select %eq3A_599, %broadcast_in_dim3A_601, %select_n3A_538 : vector<128x128xi1>, vector<128x128xf32>
      %eq3A_603 = vector.broadcast %broadcast_in_dim3A_584 : vector<128x1xf32> to vector<128x128xf32>
      %eq3A_604 = arith.cmpf oeq, %concatenate3A_476, %eq3A_603 : vector<128x128xf32>
      %jit3A_605 = arith.constant 0x7F800000 : f32
      %broadcast_in_dim3A_606 = vector.broadcast %jit3A_605 : f32 to vector<128x128xf32>
      %select_n3A_607 = arith.select %eq3A_604, %broadcast_in_dim3A_606, %select_n3A_543 : vector<128x128xi1>, vector<128x128xf32>
      %eq3A_608 = vector.broadcast %broadcast_in_dim3A_592 : vector<128x1xf32> to vector<128x128xf32>
      %eq3A_609 = arith.cmpf oeq, %concatenate3A_484, %eq3A_608 : vector<128x128xf32>
      %jit3A_610 = arith.constant 0x7F800000 : f32
      %broadcast_in_dim3A_611 = vector.broadcast %jit3A_610 : f32 to vector<128x128xf32>
      %select_n3A_612 = arith.select %eq3A_609, %broadcast_in_dim3A_611, %select_n3A_548 : vector<128x128xi1>, vector<128x128xf32>
      %reduce_min3A_613 = arith.constant dense<0x7F800000> : vector<128xf32>
      %reduce_min3A_614 = vector.multi_reduction <minimumf>, %select_n3A_597, %reduce_min3A_613 [1] : vector<128x128xf32> to vector<128xf32>
      %broadcast_in_dim3A_615 = vector.shape_cast %reduce_min3A_614 : vector<128xf32> to vector<128x1xf32>
      %reduce_min3A_616 = arith.constant dense<0x7F800000> : vector<128xf32>
      %reduce_min3A_617 = vector.multi_reduction <minimumf>, %select_n3A_602, %reduce_min3A_616 [1] : vector<128x128xf32> to vector<128xf32>
      %broadcast_in_dim3A_618 = vector.shape_cast %reduce_min3A_617 : vector<128xf32> to vector<128x1xf32>
      %reduce_min3A_619 = arith.constant dense<0x7F800000> : vector<128xf32>
      %reduce_min3A_620 = vector.multi_reduction <minimumf>, %select_n3A_607, %reduce_min3A_619 [1] : vector<128x128xf32> to vector<128xf32>
      %broadcast_in_dim3A_621 = vector.shape_cast %reduce_min3A_620 : vector<128xf32> to vector<128x1xf32>
      %reduce_min3A_622 = arith.constant dense<0x7F800000> : vector<128xf32>
      %reduce_min3A_623 = vector.multi_reduction <minimumf>, %select_n3A_612, %reduce_min3A_622 [1] : vector<128x128xf32> to vector<128xf32>
      %broadcast_in_dim3A_624 = vector.shape_cast %reduce_min3A_623 : vector<128xf32> to vector<128x1xf32>
      %eq3A_625 = vector.broadcast %broadcast_in_dim3A_615 : vector<128x1xf32> to vector<128x128xf32>
      %eq3A_626 = arith.cmpf oeq, %select_n3A_597, %eq3A_625 : vector<128x128xf32>
      %jit3A_627 = arith.constant 0x7F800000 : f32
      %broadcast_in_dim3A_628 = vector.broadcast %jit3A_627 : f32 to vector<128x128xf32>
      %select_n3A_629 = arith.select %eq3A_626, %concatenate3A_460, %broadcast_in_dim3A_628 : vector<128x128xi1>, vector<128x128xf32>
      %reduce_min3A_630 = arith.constant dense<0x7F800000> : vector<128xf32>
      %reduce_min3A_631 = vector.multi_reduction <minimumf>, %select_n3A_629, %reduce_min3A_630 [1] : vector<128x128xf32> to vector<128xf32>
      %broadcast_in_dim3A_632 = vector.shape_cast %reduce_min3A_631 : vector<128xf32> to vector<128x1xf32>
      %eq3A_633 = vector.broadcast %broadcast_in_dim3A_618 : vector<128x1xf32> to vector<128x128xf32>
      %eq3A_634 = arith.cmpf oeq, %select_n3A_602, %eq3A_633 : vector<128x128xf32>
      %jit3A_635 = arith.constant 0x7F800000 : f32
      %broadcast_in_dim3A_636 = vector.broadcast %jit3A_635 : f32 to vector<128x128xf32>
      %select_n3A_637 = arith.select %eq3A_634, %concatenate3A_468, %broadcast_in_dim3A_636 : vector<128x128xi1>, vector<128x128xf32>
      %reduce_min3A_638 = arith.constant dense<0x7F800000> : vector<128xf32>
      %reduce_min3A_639 = vector.multi_reduction <minimumf>, %select_n3A_637, %reduce_min3A_638 [1] : vector<128x128xf32> to vector<128xf32>
      %broadcast_in_dim3A_640 = vector.shape_cast %reduce_min3A_639 : vector<128xf32> to vector<128x1xf32>
      %eq3A_641 = vector.broadcast %broadcast_in_dim3A_621 : vector<128x1xf32> to vector<128x128xf32>
      %eq3A_642 = arith.cmpf oeq, %select_n3A_607, %eq3A_641 : vector<128x128xf32>
      %jit3A_643 = arith.constant 0x7F800000 : f32
      %broadcast_in_dim3A_644 = vector.broadcast %jit3A_643 : f32 to vector<128x128xf32>
      %select_n3A_645 = arith.select %eq3A_642, %concatenate3A_476, %broadcast_in_dim3A_644 : vector<128x128xi1>, vector<128x128xf32>
      %reduce_min3A_646 = arith.constant dense<0x7F800000> : vector<128xf32>
      %reduce_min3A_647 = vector.multi_reduction <minimumf>, %select_n3A_645, %reduce_min3A_646 [1] : vector<128x128xf32> to vector<128xf32>
      %broadcast_in_dim3A_648 = vector.shape_cast %reduce_min3A_647 : vector<128xf32> to vector<128x1xf32>
      %eq3A_649 = vector.broadcast %broadcast_in_dim3A_624 : vector<128x1xf32> to vector<128x128xf32>
      %eq3A_650 = arith.cmpf oeq, %select_n3A_612, %eq3A_649 : vector<128x128xf32>
      %jit3A_651 = arith.constant 0x7F800000 : f32
      %broadcast_in_dim3A_652 = vector.broadcast %jit3A_651 : f32 to vector<128x128xf32>
      %select_n3A_653 = arith.select %eq3A_650, %concatenate3A_484, %broadcast_in_dim3A_652 : vector<128x128xi1>, vector<128x128xf32>
      %reduce_min3A_654 = arith.constant dense<0x7F800000> : vector<128xf32>
      %reduce_min3A_655 = vector.multi_reduction <minimumf>, %select_n3A_653, %reduce_min3A_654 [1] : vector<128x128xf32> to vector<128xf32>
      %broadcast_in_dim3A_656 = vector.shape_cast %reduce_min3A_655 : vector<128xf32> to vector<128x1xf32>
      %eq3A_657 = vector.broadcast %broadcast_in_dim3A_632 : vector<128x1xf32> to vector<128x128xf32>
      %eq3A_658 = arith.cmpf oeq, %concatenate3A_460, %eq3A_657 : vector<128x128xf32>
      %jit3A_659 = arith.constant 0x7F800000 : f32
      %broadcast_in_dim3A_660 = vector.broadcast %jit3A_659 : f32 to vector<128x128xf32>
      %select_n3A_661 = arith.select %eq3A_658, %broadcast_in_dim3A_660, %select_n3A_597 : vector<128x128xi1>, vector<128x128xf32>
      %eq3A_662 = vector.broadcast %broadcast_in_dim3A_640 : vector<128x1xf32> to vector<128x128xf32>
      %eq3A_663 = arith.cmpf oeq, %concatenate3A_468, %eq3A_662 : vector<128x128xf32>
      %jit3A_664 = arith.constant 0x7F800000 : f32
      %broadcast_in_dim3A_665 = vector.broadcast %jit3A_664 : f32 to vector<128x128xf32>
      %select_n3A_666 = arith.select %eq3A_663, %broadcast_in_dim3A_665, %select_n3A_602 : vector<128x128xi1>, vector<128x128xf32>
      %eq3A_667 = vector.broadcast %broadcast_in_dim3A_648 : vector<128x1xf32> to vector<128x128xf32>
      %eq3A_668 = arith.cmpf oeq, %concatenate3A_476, %eq3A_667 : vector<128x128xf32>
      %jit3A_669 = arith.constant 0x7F800000 : f32
      %broadcast_in_dim3A_670 = vector.broadcast %jit3A_669 : f32 to vector<128x128xf32>
      %select_n3A_671 = arith.select %eq3A_668, %broadcast_in_dim3A_670, %select_n3A_607 : vector<128x128xi1>, vector<128x128xf32>
      %eq3A_672 = vector.broadcast %broadcast_in_dim3A_656 : vector<128x1xf32> to vector<128x128xf32>
      %eq3A_673 = arith.cmpf oeq, %concatenate3A_484, %eq3A_672 : vector<128x128xf32>
      %jit3A_674 = arith.constant 0x7F800000 : f32
      %broadcast_in_dim3A_675 = vector.broadcast %jit3A_674 : f32 to vector<128x128xf32>
      %select_n3A_676 = arith.select %eq3A_673, %broadcast_in_dim3A_675, %select_n3A_612 : vector<128x128xi1>, vector<128x128xf32>
      %reduce_min3A_677 = arith.constant dense<0x7F800000> : vector<128xf32>
      %reduce_min3A_678 = vector.multi_reduction <minimumf>, %select_n3A_661, %reduce_min3A_677 [1] : vector<128x128xf32> to vector<128xf32>
      %broadcast_in_dim3A_679 = vector.shape_cast %reduce_min3A_678 : vector<128xf32> to vector<128x1xf32>
      %reduce_min3A_680 = arith.constant dense<0x7F800000> : vector<128xf32>
      %reduce_min3A_681 = vector.multi_reduction <minimumf>, %select_n3A_666, %reduce_min3A_680 [1] : vector<128x128xf32> to vector<128xf32>
      %broadcast_in_dim3A_682 = vector.shape_cast %reduce_min3A_681 : vector<128xf32> to vector<128x1xf32>
      %reduce_min3A_683 = arith.constant dense<0x7F800000> : vector<128xf32>
      %reduce_min3A_684 = vector.multi_reduction <minimumf>, %select_n3A_671, %reduce_min3A_683 [1] : vector<128x128xf32> to vector<128xf32>
      %broadcast_in_dim3A_685 = vector.shape_cast %reduce_min3A_684 : vector<128xf32> to vector<128x1xf32>
      %reduce_min3A_686 = arith.constant dense<0x7F800000> : vector<128xf32>
      %reduce_min3A_687 = vector.multi_reduction <minimumf>, %select_n3A_676, %reduce_min3A_686 [1] : vector<128x128xf32> to vector<128xf32>
      %broadcast_in_dim3A_688 = vector.shape_cast %reduce_min3A_687 : vector<128xf32> to vector<128x1xf32>
      %eq3A_689 = vector.broadcast %broadcast_in_dim3A_679 : vector<128x1xf32> to vector<128x128xf32>
      %eq3A_690 = arith.cmpf oeq, %select_n3A_661, %eq3A_689 : vector<128x128xf32>
      %jit3A_691 = arith.constant 0x7F800000 : f32
      %broadcast_in_dim3A_692 = vector.broadcast %jit3A_691 : f32 to vector<128x128xf32>
      %select_n3A_693 = arith.select %eq3A_690, %concatenate3A_460, %broadcast_in_dim3A_692 : vector<128x128xi1>, vector<128x128xf32>
      %reduce_min3A_694 = arith.constant dense<0x7F800000> : vector<128xf32>
      %reduce_min3A_695 = vector.multi_reduction <minimumf>, %select_n3A_693, %reduce_min3A_694 [1] : vector<128x128xf32> to vector<128xf32>
      %broadcast_in_dim3A_696 = vector.shape_cast %reduce_min3A_695 : vector<128xf32> to vector<128x1xf32>
      %eq3A_697 = vector.broadcast %broadcast_in_dim3A_682 : vector<128x1xf32> to vector<128x128xf32>
      %eq3A_698 = arith.cmpf oeq, %select_n3A_666, %eq3A_697 : vector<128x128xf32>
      %jit3A_699 = arith.constant 0x7F800000 : f32
      %broadcast_in_dim3A_700 = vector.broadcast %jit3A_699 : f32 to vector<128x128xf32>
      %select_n3A_701 = arith.select %eq3A_698, %concatenate3A_468, %broadcast_in_dim3A_700 : vector<128x128xi1>, vector<128x128xf32>
      %reduce_min3A_702 = arith.constant dense<0x7F800000> : vector<128xf32>
      %reduce_min3A_703 = vector.multi_reduction <minimumf>, %select_n3A_701, %reduce_min3A_702 [1] : vector<128x128xf32> to vector<128xf32>
      %broadcast_in_dim3A_704 = vector.shape_cast %reduce_min3A_703 : vector<128xf32> to vector<128x1xf32>
      %eq3A_705 = vector.broadcast %broadcast_in_dim3A_685 : vector<128x1xf32> to vector<128x128xf32>
      %eq3A_706 = arith.cmpf oeq, %select_n3A_671, %eq3A_705 : vector<128x128xf32>
      %jit3A_707 = arith.constant 0x7F800000 : f32
      %broadcast_in_dim3A_708 = vector.broadcast %jit3A_707 : f32 to vector<128x128xf32>
      %select_n3A_709 = arith.select %eq3A_706, %concatenate3A_476, %broadcast_in_dim3A_708 : vector<128x128xi1>, vector<128x128xf32>
      %reduce_min3A_710 = arith.constant dense<0x7F800000> : vector<128xf32>
      %reduce_min3A_711 = vector.multi_reduction <minimumf>, %select_n3A_709, %reduce_min3A_710 [1] : vector<128x128xf32> to vector<128xf32>
      %broadcast_in_dim3A_712 = vector.shape_cast %reduce_min3A_711 : vector<128xf32> to vector<128x1xf32>
      %eq3A_713 = vector.broadcast %broadcast_in_dim3A_688 : vector<128x1xf32> to vector<128x128xf32>
      %eq3A_714 = arith.cmpf oeq, %select_n3A_676, %eq3A_713 : vector<128x128xf32>
      %jit3A_715 = arith.constant 0x7F800000 : f32
      %broadcast_in_dim3A_716 = vector.broadcast %jit3A_715 : f32 to vector<128x128xf32>
      %select_n3A_717 = arith.select %eq3A_714, %concatenate3A_484, %broadcast_in_dim3A_716 : vector<128x128xi1>, vector<128x128xf32>
      %reduce_min3A_718 = arith.constant dense<0x7F800000> : vector<128xf32>
      %reduce_min3A_719 = vector.multi_reduction <minimumf>, %select_n3A_717, %reduce_min3A_718 [1] : vector<128x128xf32> to vector<128xf32>
      %broadcast_in_dim3A_720 = vector.shape_cast %reduce_min3A_719 : vector<128xf32> to vector<128x1xf32>
      %eq3A_721 = vector.broadcast %broadcast_in_dim3A_696 : vector<128x1xf32> to vector<128x128xf32>
      %eq3A_722 = arith.cmpf oeq, %concatenate3A_460, %eq3A_721 : vector<128x128xf32>
      %jit3A_723 = arith.constant 0x7F800000 : f32
      %broadcast_in_dim3A_724 = vector.broadcast %jit3A_723 : f32 to vector<128x128xf32>
      %select_n3A_725 = arith.select %eq3A_722, %broadcast_in_dim3A_724, %select_n3A_661 : vector<128x128xi1>, vector<128x128xf32>
      %eq3A_726 = vector.broadcast %broadcast_in_dim3A_704 : vector<128x1xf32> to vector<128x128xf32>
      %eq3A_727 = arith.cmpf oeq, %concatenate3A_468, %eq3A_726 : vector<128x128xf32>
      %jit3A_728 = arith.constant 0x7F800000 : f32
      %broadcast_in_dim3A_729 = vector.broadcast %jit3A_728 : f32 to vector<128x128xf32>
      %select_n3A_730 = arith.select %eq3A_727, %broadcast_in_dim3A_729, %select_n3A_666 : vector<128x128xi1>, vector<128x128xf32>
      %eq3A_731 = vector.broadcast %broadcast_in_dim3A_712 : vector<128x1xf32> to vector<128x128xf32>
      %eq3A_732 = arith.cmpf oeq, %concatenate3A_476, %eq3A_731 : vector<128x128xf32>
      %jit3A_733 = arith.constant 0x7F800000 : f32
      %broadcast_in_dim3A_734 = vector.broadcast %jit3A_733 : f32 to vector<128x128xf32>
      %select_n3A_735 = arith.select %eq3A_732, %broadcast_in_dim3A_734, %select_n3A_671 : vector<128x128xi1>, vector<128x128xf32>
      %eq3A_736 = vector.broadcast %broadcast_in_dim3A_720 : vector<128x1xf32> to vector<128x128xf32>
      %eq3A_737 = arith.cmpf oeq, %concatenate3A_484, %eq3A_736 : vector<128x128xf32>
      %jit3A_738 = arith.constant 0x7F800000 : f32
      %broadcast_in_dim3A_739 = vector.broadcast %jit3A_738 : f32 to vector<128x128xf32>
      %select_n3A_740 = arith.select %eq3A_737, %broadcast_in_dim3A_739, %select_n3A_676 : vector<128x128xi1>, vector<128x128xf32>
      %reduce_min3A_741 = arith.constant dense<0x7F800000> : vector<128xf32>
      %reduce_min3A_742 = vector.multi_reduction <minimumf>, %select_n3A_725, %reduce_min3A_741 [1] : vector<128x128xf32> to vector<128xf32>
      %broadcast_in_dim3A_743 = vector.shape_cast %reduce_min3A_742 : vector<128xf32> to vector<128x1xf32>
      %reduce_min3A_744 = arith.constant dense<0x7F800000> : vector<128xf32>
      %reduce_min3A_745 = vector.multi_reduction <minimumf>, %select_n3A_730, %reduce_min3A_744 [1] : vector<128x128xf32> to vector<128xf32>
      %broadcast_in_dim3A_746 = vector.shape_cast %reduce_min3A_745 : vector<128xf32> to vector<128x1xf32>
      %reduce_min3A_747 = arith.constant dense<0x7F800000> : vector<128xf32>
      %reduce_min3A_748 = vector.multi_reduction <minimumf>, %select_n3A_735, %reduce_min3A_747 [1] : vector<128x128xf32> to vector<128xf32>
      %broadcast_in_dim3A_749 = vector.shape_cast %reduce_min3A_748 : vector<128xf32> to vector<128x1xf32>
      %reduce_min3A_750 = arith.constant dense<0x7F800000> : vector<128xf32>
      %reduce_min3A_751 = vector.multi_reduction <minimumf>, %select_n3A_740, %reduce_min3A_750 [1] : vector<128x128xf32> to vector<128xf32>
      %broadcast_in_dim3A_752 = vector.shape_cast %reduce_min3A_751 : vector<128xf32> to vector<128x1xf32>
      %eq3A_753 = vector.broadcast %broadcast_in_dim3A_743 : vector<128x1xf32> to vector<128x128xf32>
      %eq3A_754 = arith.cmpf oeq, %select_n3A_725, %eq3A_753 : vector<128x128xf32>
      %jit3A_755 = arith.constant 0x7F800000 : f32
      %broadcast_in_dim3A_756 = vector.broadcast %jit3A_755 : f32 to vector<128x128xf32>
      %select_n3A_757 = arith.select %eq3A_754, %concatenate3A_460, %broadcast_in_dim3A_756 : vector<128x128xi1>, vector<128x128xf32>
      %reduce_min3A_758 = arith.constant dense<0x7F800000> : vector<128xf32>
      %reduce_min3A_759 = vector.multi_reduction <minimumf>, %select_n3A_757, %reduce_min3A_758 [1] : vector<128x128xf32> to vector<128xf32>
      %broadcast_in_dim3A_760 = vector.shape_cast %reduce_min3A_759 : vector<128xf32> to vector<128x1xf32>
      %eq3A_761 = vector.broadcast %broadcast_in_dim3A_746 : vector<128x1xf32> to vector<128x128xf32>
      %eq3A_762 = arith.cmpf oeq, %select_n3A_730, %eq3A_761 : vector<128x128xf32>
      %jit3A_763 = arith.constant 0x7F800000 : f32
      %broadcast_in_dim3A_764 = vector.broadcast %jit3A_763 : f32 to vector<128x128xf32>
      %select_n3A_765 = arith.select %eq3A_762, %concatenate3A_468, %broadcast_in_dim3A_764 : vector<128x128xi1>, vector<128x128xf32>
      %reduce_min3A_766 = arith.constant dense<0x7F800000> : vector<128xf32>
      %reduce_min3A_767 = vector.multi_reduction <minimumf>, %select_n3A_765, %reduce_min3A_766 [1] : vector<128x128xf32> to vector<128xf32>
      %broadcast_in_dim3A_768 = vector.shape_cast %reduce_min3A_767 : vector<128xf32> to vector<128x1xf32>
      %eq3A_769 = vector.broadcast %broadcast_in_dim3A_749 : vector<128x1xf32> to vector<128x128xf32>
      %eq3A_770 = arith.cmpf oeq, %select_n3A_735, %eq3A_769 : vector<128x128xf32>
      %jit3A_771 = arith.constant 0x7F800000 : f32
      %broadcast_in_dim3A_772 = vector.broadcast %jit3A_771 : f32 to vector<128x128xf32>
      %select_n3A_773 = arith.select %eq3A_770, %concatenate3A_476, %broadcast_in_dim3A_772 : vector<128x128xi1>, vector<128x128xf32>
      %reduce_min3A_774 = arith.constant dense<0x7F800000> : vector<128xf32>
      %reduce_min3A_775 = vector.multi_reduction <minimumf>, %select_n3A_773, %reduce_min3A_774 [1] : vector<128x128xf32> to vector<128xf32>
      %broadcast_in_dim3A_776 = vector.shape_cast %reduce_min3A_775 : vector<128xf32> to vector<128x1xf32>
      %eq3A_777 = vector.broadcast %broadcast_in_dim3A_752 : vector<128x1xf32> to vector<128x128xf32>
      %eq3A_778 = arith.cmpf oeq, %select_n3A_740, %eq3A_777 : vector<128x128xf32>
      %jit3A_779 = arith.constant 0x7F800000 : f32
      %broadcast_in_dim3A_780 = vector.broadcast %jit3A_779 : f32 to vector<128x128xf32>
      %select_n3A_781 = arith.select %eq3A_778, %concatenate3A_484, %broadcast_in_dim3A_780 : vector<128x128xi1>, vector<128x128xf32>
      %reduce_min3A_782 = arith.constant dense<0x7F800000> : vector<128xf32>
      %reduce_min3A_783 = vector.multi_reduction <minimumf>, %select_n3A_781, %reduce_min3A_782 [1] : vector<128x128xf32> to vector<128xf32>
      %broadcast_in_dim3A_784 = vector.shape_cast %reduce_min3A_783 : vector<128xf32> to vector<128x1xf32>
      %eq3A_785 = vector.broadcast %broadcast_in_dim3A_760 : vector<128x1xf32> to vector<128x128xf32>
      %eq3A_786 = arith.cmpf oeq, %concatenate3A_460, %eq3A_785 : vector<128x128xf32>
      %jit3A_787 = arith.constant 0x7F800000 : f32
      %broadcast_in_dim3A_788 = vector.broadcast %jit3A_787 : f32 to vector<128x128xf32>
      %select_n3A_789 = arith.select %eq3A_786, %broadcast_in_dim3A_788, %select_n3A_725 : vector<128x128xi1>, vector<128x128xf32>
      %eq3A_790 = vector.broadcast %broadcast_in_dim3A_768 : vector<128x1xf32> to vector<128x128xf32>
      %eq3A_791 = arith.cmpf oeq, %concatenate3A_468, %eq3A_790 : vector<128x128xf32>
      %jit3A_792 = arith.constant 0x7F800000 : f32
      %broadcast_in_dim3A_793 = vector.broadcast %jit3A_792 : f32 to vector<128x128xf32>
      %select_n3A_794 = arith.select %eq3A_791, %broadcast_in_dim3A_793, %select_n3A_730 : vector<128x128xi1>, vector<128x128xf32>
      %eq3A_795 = vector.broadcast %broadcast_in_dim3A_776 : vector<128x1xf32> to vector<128x128xf32>
      %eq3A_796 = arith.cmpf oeq, %concatenate3A_476, %eq3A_795 : vector<128x128xf32>
      %jit3A_797 = arith.constant 0x7F800000 : f32
      %broadcast_in_dim3A_798 = vector.broadcast %jit3A_797 : f32 to vector<128x128xf32>
      %select_n3A_799 = arith.select %eq3A_796, %broadcast_in_dim3A_798, %select_n3A_735 : vector<128x128xi1>, vector<128x128xf32>
      %eq3A_800 = vector.broadcast %broadcast_in_dim3A_784 : vector<128x1xf32> to vector<128x128xf32>
      %eq3A_801 = arith.cmpf oeq, %concatenate3A_484, %eq3A_800 : vector<128x128xf32>
      %jit3A_802 = arith.constant 0x7F800000 : f32
      %broadcast_in_dim3A_803 = vector.broadcast %jit3A_802 : f32 to vector<128x128xf32>
      %select_n3A_804 = arith.select %eq3A_801, %broadcast_in_dim3A_803, %select_n3A_740 : vector<128x128xi1>, vector<128x128xf32>
      %reduce_min3A_805 = arith.constant dense<0x7F800000> : vector<128xf32>
      %reduce_min3A_806 = vector.multi_reduction <minimumf>, %select_n3A_789, %reduce_min3A_805 [1] : vector<128x128xf32> to vector<128xf32>
      %broadcast_in_dim3A_807 = vector.shape_cast %reduce_min3A_806 : vector<128xf32> to vector<128x1xf32>
      %reduce_min3A_808 = arith.constant dense<0x7F800000> : vector<128xf32>
      %reduce_min3A_809 = vector.multi_reduction <minimumf>, %select_n3A_794, %reduce_min3A_808 [1] : vector<128x128xf32> to vector<128xf32>
      %broadcast_in_dim3A_810 = vector.shape_cast %reduce_min3A_809 : vector<128xf32> to vector<128x1xf32>
      %reduce_min3A_811 = arith.constant dense<0x7F800000> : vector<128xf32>
      %reduce_min3A_812 = vector.multi_reduction <minimumf>, %select_n3A_799, %reduce_min3A_811 [1] : vector<128x128xf32> to vector<128xf32>
      %broadcast_in_dim3A_813 = vector.shape_cast %reduce_min3A_812 : vector<128xf32> to vector<128x1xf32>
      %reduce_min3A_814 = arith.constant dense<0x7F800000> : vector<128xf32>
      %reduce_min3A_815 = vector.multi_reduction <minimumf>, %select_n3A_804, %reduce_min3A_814 [1] : vector<128x128xf32> to vector<128xf32>
      %broadcast_in_dim3A_816 = vector.shape_cast %reduce_min3A_815 : vector<128xf32> to vector<128x1xf32>
      %eq3A_817 = vector.broadcast %broadcast_in_dim3A_807 : vector<128x1xf32> to vector<128x128xf32>
      %eq3A_818 = arith.cmpf oeq, %select_n3A_789, %eq3A_817 : vector<128x128xf32>
      %jit3A_819 = arith.constant 0x7F800000 : f32
      %broadcast_in_dim3A_820 = vector.broadcast %jit3A_819 : f32 to vector<128x128xf32>
      %select_n3A_821 = arith.select %eq3A_818, %concatenate3A_460, %broadcast_in_dim3A_820 : vector<128x128xi1>, vector<128x128xf32>
      %reduce_min3A_822 = arith.constant dense<0x7F800000> : vector<128xf32>
      %reduce_min3A_823 = vector.multi_reduction <minimumf>, %select_n3A_821, %reduce_min3A_822 [1] : vector<128x128xf32> to vector<128xf32>
      %broadcast_in_dim3A_824 = vector.shape_cast %reduce_min3A_823 : vector<128xf32> to vector<128x1xf32>
      %eq3A_825 = vector.broadcast %broadcast_in_dim3A_810 : vector<128x1xf32> to vector<128x128xf32>
      %eq3A_826 = arith.cmpf oeq, %select_n3A_794, %eq3A_825 : vector<128x128xf32>
      %jit3A_827 = arith.constant 0x7F800000 : f32
      %broadcast_in_dim3A_828 = vector.broadcast %jit3A_827 : f32 to vector<128x128xf32>
      %select_n3A_829 = arith.select %eq3A_826, %concatenate3A_468, %broadcast_in_dim3A_828 : vector<128x128xi1>, vector<128x128xf32>
      %reduce_min3A_830 = arith.constant dense<0x7F800000> : vector<128xf32>
      %reduce_min3A_831 = vector.multi_reduction <minimumf>, %select_n3A_829, %reduce_min3A_830 [1] : vector<128x128xf32> to vector<128xf32>
      %broadcast_in_dim3A_832 = vector.shape_cast %reduce_min3A_831 : vector<128xf32> to vector<128x1xf32>
      %eq3A_833 = vector.broadcast %broadcast_in_dim3A_813 : vector<128x1xf32> to vector<128x128xf32>
      %eq3A_834 = arith.cmpf oeq, %select_n3A_799, %eq3A_833 : vector<128x128xf32>
      %jit3A_835 = arith.constant 0x7F800000 : f32
      %broadcast_in_dim3A_836 = vector.broadcast %jit3A_835 : f32 to vector<128x128xf32>
      %select_n3A_837 = arith.select %eq3A_834, %concatenate3A_476, %broadcast_in_dim3A_836 : vector<128x128xi1>, vector<128x128xf32>
      %reduce_min3A_838 = arith.constant dense<0x7F800000> : vector<128xf32>
      %reduce_min3A_839 = vector.multi_reduction <minimumf>, %select_n3A_837, %reduce_min3A_838 [1] : vector<128x128xf32> to vector<128xf32>
      %broadcast_in_dim3A_840 = vector.shape_cast %reduce_min3A_839 : vector<128xf32> to vector<128x1xf32>
      %eq3A_841 = vector.broadcast %broadcast_in_dim3A_816 : vector<128x1xf32> to vector<128x128xf32>
      %eq3A_842 = arith.cmpf oeq, %select_n3A_804, %eq3A_841 : vector<128x128xf32>
      %jit3A_843 = arith.constant 0x7F800000 : f32
      %broadcast_in_dim3A_844 = vector.broadcast %jit3A_843 : f32 to vector<128x128xf32>
      %select_n3A_845 = arith.select %eq3A_842, %concatenate3A_484, %broadcast_in_dim3A_844 : vector<128x128xi1>, vector<128x128xf32>
      %reduce_min3A_846 = arith.constant dense<0x7F800000> : vector<128xf32>
      %reduce_min3A_847 = vector.multi_reduction <minimumf>, %select_n3A_845, %reduce_min3A_846 [1] : vector<128x128xf32> to vector<128xf32>
      %broadcast_in_dim3A_848 = vector.shape_cast %reduce_min3A_847 : vector<128xf32> to vector<128x1xf32>
      %eq3A_849 = vector.broadcast %broadcast_in_dim3A_824 : vector<128x1xf32> to vector<128x128xf32>
      %eq3A_850 = arith.cmpf oeq, %concatenate3A_460, %eq3A_849 : vector<128x128xf32>
      %jit3A_851 = arith.constant 0x7F800000 : f32
      %broadcast_in_dim3A_852 = vector.broadcast %jit3A_851 : f32 to vector<128x128xf32>
      %select_n3A_853 = arith.select %eq3A_850, %broadcast_in_dim3A_852, %select_n3A_789 : vector<128x128xi1>, vector<128x128xf32>
      %eq3A_854 = vector.broadcast %broadcast_in_dim3A_832 : vector<128x1xf32> to vector<128x128xf32>
      %eq3A_855 = arith.cmpf oeq, %concatenate3A_468, %eq3A_854 : vector<128x128xf32>
      %jit3A_856 = arith.constant 0x7F800000 : f32
      %broadcast_in_dim3A_857 = vector.broadcast %jit3A_856 : f32 to vector<128x128xf32>
      %select_n3A_858 = arith.select %eq3A_855, %broadcast_in_dim3A_857, %select_n3A_794 : vector<128x128xi1>, vector<128x128xf32>
      %eq3A_859 = vector.broadcast %broadcast_in_dim3A_840 : vector<128x1xf32> to vector<128x128xf32>
      %eq3A_860 = arith.cmpf oeq, %concatenate3A_476, %eq3A_859 : vector<128x128xf32>
      %jit3A_861 = arith.constant 0x7F800000 : f32
      %broadcast_in_dim3A_862 = vector.broadcast %jit3A_861 : f32 to vector<128x128xf32>
      %select_n3A_863 = arith.select %eq3A_860, %broadcast_in_dim3A_862, %select_n3A_799 : vector<128x128xi1>, vector<128x128xf32>
      %eq3A_864 = vector.broadcast %broadcast_in_dim3A_848 : vector<128x1xf32> to vector<128x128xf32>
      %eq3A_865 = arith.cmpf oeq, %concatenate3A_484, %eq3A_864 : vector<128x128xf32>
      %jit3A_866 = arith.constant 0x7F800000 : f32
      %broadcast_in_dim3A_867 = vector.broadcast %jit3A_866 : f32 to vector<128x128xf32>
      %select_n3A_868 = arith.select %eq3A_865, %broadcast_in_dim3A_867, %select_n3A_804 : vector<128x128xi1>, vector<128x128xf32>
      %reduce_min3A_869 = arith.constant dense<0x7F800000> : vector<128xf32>
      %reduce_min3A_870 = vector.multi_reduction <minimumf>, %select_n3A_853, %reduce_min3A_869 [1] : vector<128x128xf32> to vector<128xf32>
      %broadcast_in_dim3A_871 = vector.shape_cast %reduce_min3A_870 : vector<128xf32> to vector<128x1xf32>
      %reduce_min3A_872 = arith.constant dense<0x7F800000> : vector<128xf32>
      %reduce_min3A_873 = vector.multi_reduction <minimumf>, %select_n3A_858, %reduce_min3A_872 [1] : vector<128x128xf32> to vector<128xf32>
      %broadcast_in_dim3A_874 = vector.shape_cast %reduce_min3A_873 : vector<128xf32> to vector<128x1xf32>
      %reduce_min3A_875 = arith.constant dense<0x7F800000> : vector<128xf32>
      %reduce_min3A_876 = vector.multi_reduction <minimumf>, %select_n3A_863, %reduce_min3A_875 [1] : vector<128x128xf32> to vector<128xf32>
      %broadcast_in_dim3A_877 = vector.shape_cast %reduce_min3A_876 : vector<128xf32> to vector<128x1xf32>
      %reduce_min3A_878 = arith.constant dense<0x7F800000> : vector<128xf32>
      %reduce_min3A_879 = vector.multi_reduction <minimumf>, %select_n3A_868, %reduce_min3A_878 [1] : vector<128x128xf32> to vector<128xf32>
      %broadcast_in_dim3A_880 = vector.shape_cast %reduce_min3A_879 : vector<128xf32> to vector<128x1xf32>
      %eq3A_881 = vector.broadcast %broadcast_in_dim3A_871 : vector<128x1xf32> to vector<128x128xf32>
      %eq3A_882 = arith.cmpf oeq, %select_n3A_853, %eq3A_881 : vector<128x128xf32>
      %jit3A_883 = arith.constant 0x7F800000 : f32
      %broadcast_in_dim3A_884 = vector.broadcast %jit3A_883 : f32 to vector<128x128xf32>
      %select_n3A_885 = arith.select %eq3A_882, %concatenate3A_460, %broadcast_in_dim3A_884 : vector<128x128xi1>, vector<128x128xf32>
      %reduce_min3A_886 = arith.constant dense<0x7F800000> : vector<128xf32>
      %reduce_min3A_887 = vector.multi_reduction <minimumf>, %select_n3A_885, %reduce_min3A_886 [1] : vector<128x128xf32> to vector<128xf32>
      %broadcast_in_dim3A_888 = vector.shape_cast %reduce_min3A_887 : vector<128xf32> to vector<128x1xf32>
      %eq3A_889 = vector.broadcast %broadcast_in_dim3A_874 : vector<128x1xf32> to vector<128x128xf32>
      %eq3A_890 = arith.cmpf oeq, %select_n3A_858, %eq3A_889 : vector<128x128xf32>
      %jit3A_891 = arith.constant 0x7F800000 : f32
      %broadcast_in_dim3A_892 = vector.broadcast %jit3A_891 : f32 to vector<128x128xf32>
      %select_n3A_893 = arith.select %eq3A_890, %concatenate3A_468, %broadcast_in_dim3A_892 : vector<128x128xi1>, vector<128x128xf32>
      %reduce_min3A_894 = arith.constant dense<0x7F800000> : vector<128xf32>
      %reduce_min3A_895 = vector.multi_reduction <minimumf>, %select_n3A_893, %reduce_min3A_894 [1] : vector<128x128xf32> to vector<128xf32>
      %broadcast_in_dim3A_896 = vector.shape_cast %reduce_min3A_895 : vector<128xf32> to vector<128x1xf32>
      %eq3A_897 = vector.broadcast %broadcast_in_dim3A_877 : vector<128x1xf32> to vector<128x128xf32>
      %eq3A_898 = arith.cmpf oeq, %select_n3A_863, %eq3A_897 : vector<128x128xf32>
      %jit3A_899 = arith.constant 0x7F800000 : f32
      %broadcast_in_dim3A_900 = vector.broadcast %jit3A_899 : f32 to vector<128x128xf32>
      %select_n3A_901 = arith.select %eq3A_898, %concatenate3A_476, %broadcast_in_dim3A_900 : vector<128x128xi1>, vector<128x128xf32>
      %reduce_min3A_902 = arith.constant dense<0x7F800000> : vector<128xf32>
      %reduce_min3A_903 = vector.multi_reduction <minimumf>, %select_n3A_901, %reduce_min3A_902 [1] : vector<128x128xf32> to vector<128xf32>
      %broadcast_in_dim3A_904 = vector.shape_cast %reduce_min3A_903 : vector<128xf32> to vector<128x1xf32>
      %eq3A_905 = vector.broadcast %broadcast_in_dim3A_880 : vector<128x1xf32> to vector<128x128xf32>
      %eq3A_906 = arith.cmpf oeq, %select_n3A_868, %eq3A_905 : vector<128x128xf32>
      %jit3A_907 = arith.constant 0x7F800000 : f32
      %broadcast_in_dim3A_908 = vector.broadcast %jit3A_907 : f32 to vector<128x128xf32>
      %select_n3A_909 = arith.select %eq3A_906, %concatenate3A_484, %broadcast_in_dim3A_908 : vector<128x128xi1>, vector<128x128xf32>
      %reduce_min3A_910 = arith.constant dense<0x7F800000> : vector<128xf32>
      %reduce_min3A_911 = vector.multi_reduction <minimumf>, %select_n3A_909, %reduce_min3A_910 [1] : vector<128x128xf32> to vector<128xf32>
      %broadcast_in_dim3A_912 = vector.shape_cast %reduce_min3A_911 : vector<128xf32> to vector<128x1xf32>
      %eq3A_913 = vector.broadcast %broadcast_in_dim3A_888 : vector<128x1xf32> to vector<128x128xf32>
      %eq3A_914 = arith.cmpf oeq, %concatenate3A_460, %eq3A_913 : vector<128x128xf32>
      %jit3A_915 = arith.constant 0x7F800000 : f32
      %broadcast_in_dim3A_916 = vector.broadcast %jit3A_915 : f32 to vector<128x128xf32>
      %select_n3A_917 = arith.select %eq3A_914, %broadcast_in_dim3A_916, %select_n3A_853 : vector<128x128xi1>, vector<128x128xf32>
      %eq3A_918 = vector.broadcast %broadcast_in_dim3A_896 : vector<128x1xf32> to vector<128x128xf32>
      %eq3A_919 = arith.cmpf oeq, %concatenate3A_468, %eq3A_918 : vector<128x128xf32>
      %jit3A_920 = arith.constant 0x7F800000 : f32
      %broadcast_in_dim3A_921 = vector.broadcast %jit3A_920 : f32 to vector<128x128xf32>
      %select_n3A_922 = arith.select %eq3A_919, %broadcast_in_dim3A_921, %select_n3A_858 : vector<128x128xi1>, vector<128x128xf32>
      %eq3A_923 = vector.broadcast %broadcast_in_dim3A_904 : vector<128x1xf32> to vector<128x128xf32>
      %eq3A_924 = arith.cmpf oeq, %concatenate3A_476, %eq3A_923 : vector<128x128xf32>
      %jit3A_925 = arith.constant 0x7F800000 : f32
      %broadcast_in_dim3A_926 = vector.broadcast %jit3A_925 : f32 to vector<128x128xf32>
      %select_n3A_927 = arith.select %eq3A_924, %broadcast_in_dim3A_926, %select_n3A_863 : vector<128x128xi1>, vector<128x128xf32>
      %eq3A_928 = vector.broadcast %broadcast_in_dim3A_912 : vector<128x1xf32> to vector<128x128xf32>
      %eq3A_929 = arith.cmpf oeq, %concatenate3A_484, %eq3A_928 : vector<128x128xf32>
      %jit3A_930 = arith.constant 0x7F800000 : f32
      %broadcast_in_dim3A_931 = vector.broadcast %jit3A_930 : f32 to vector<128x128xf32>
      %select_n3A_932 = arith.select %eq3A_929, %broadcast_in_dim3A_931, %select_n3A_868 : vector<128x128xi1>, vector<128x128xf32>
      %reduce_min3A_933 = arith.constant dense<0x7F800000> : vector<128xf32>
      %reduce_min3A_934 = vector.multi_reduction <minimumf>, %select_n3A_917, %reduce_min3A_933 [1] : vector<128x128xf32> to vector<128xf32>
      %broadcast_in_dim3A_935 = vector.shape_cast %reduce_min3A_934 : vector<128xf32> to vector<128x1xf32>
      %reduce_min3A_936 = arith.constant dense<0x7F800000> : vector<128xf32>
      %reduce_min3A_937 = vector.multi_reduction <minimumf>, %select_n3A_922, %reduce_min3A_936 [1] : vector<128x128xf32> to vector<128xf32>
      %broadcast_in_dim3A_938 = vector.shape_cast %reduce_min3A_937 : vector<128xf32> to vector<128x1xf32>
      %reduce_min3A_939 = arith.constant dense<0x7F800000> : vector<128xf32>
      %reduce_min3A_940 = vector.multi_reduction <minimumf>, %select_n3A_927, %reduce_min3A_939 [1] : vector<128x128xf32> to vector<128xf32>
      %broadcast_in_dim3A_941 = vector.shape_cast %reduce_min3A_940 : vector<128xf32> to vector<128x1xf32>
      %reduce_min3A_942 = arith.constant dense<0x7F800000> : vector<128xf32>
      %reduce_min3A_943 = vector.multi_reduction <minimumf>, %select_n3A_932, %reduce_min3A_942 [1] : vector<128x128xf32> to vector<128xf32>
      %broadcast_in_dim3A_944 = vector.shape_cast %reduce_min3A_943 : vector<128xf32> to vector<128x1xf32>
      %eq3A_945 = vector.broadcast %broadcast_in_dim3A_935 : vector<128x1xf32> to vector<128x128xf32>
      %eq3A_946 = arith.cmpf oeq, %select_n3A_917, %eq3A_945 : vector<128x128xf32>
      %jit3A_947 = arith.constant 0x7F800000 : f32
      %broadcast_in_dim3A_948 = vector.broadcast %jit3A_947 : f32 to vector<128x128xf32>
      %select_n3A_949 = arith.select %eq3A_946, %concatenate3A_460, %broadcast_in_dim3A_948 : vector<128x128xi1>, vector<128x128xf32>
      %reduce_min3A_950 = arith.constant dense<0x7F800000> : vector<128xf32>
      %reduce_min3A_951 = vector.multi_reduction <minimumf>, %select_n3A_949, %reduce_min3A_950 [1] : vector<128x128xf32> to vector<128xf32>
      %broadcast_in_dim3A_952 = vector.shape_cast %reduce_min3A_951 : vector<128xf32> to vector<128x1xf32>
      %eq3A_953 = vector.broadcast %broadcast_in_dim3A_938 : vector<128x1xf32> to vector<128x128xf32>
      %eq3A_954 = arith.cmpf oeq, %select_n3A_922, %eq3A_953 : vector<128x128xf32>
      %jit3A_955 = arith.constant 0x7F800000 : f32
      %broadcast_in_dim3A_956 = vector.broadcast %jit3A_955 : f32 to vector<128x128xf32>
      %select_n3A_957 = arith.select %eq3A_954, %concatenate3A_468, %broadcast_in_dim3A_956 : vector<128x128xi1>, vector<128x128xf32>
      %reduce_min3A_958 = arith.constant dense<0x7F800000> : vector<128xf32>
      %reduce_min3A_959 = vector.multi_reduction <minimumf>, %select_n3A_957, %reduce_min3A_958 [1] : vector<128x128xf32> to vector<128xf32>
      %broadcast_in_dim3A_960 = vector.shape_cast %reduce_min3A_959 : vector<128xf32> to vector<128x1xf32>
      %eq3A_961 = vector.broadcast %broadcast_in_dim3A_941 : vector<128x1xf32> to vector<128x128xf32>
      %eq3A_962 = arith.cmpf oeq, %select_n3A_927, %eq3A_961 : vector<128x128xf32>
      %jit3A_963 = arith.constant 0x7F800000 : f32
      %broadcast_in_dim3A_964 = vector.broadcast %jit3A_963 : f32 to vector<128x128xf32>
      %select_n3A_965 = arith.select %eq3A_962, %concatenate3A_476, %broadcast_in_dim3A_964 : vector<128x128xi1>, vector<128x128xf32>
      %reduce_min3A_966 = arith.constant dense<0x7F800000> : vector<128xf32>
      %reduce_min3A_967 = vector.multi_reduction <minimumf>, %select_n3A_965, %reduce_min3A_966 [1] : vector<128x128xf32> to vector<128xf32>
      %broadcast_in_dim3A_968 = vector.shape_cast %reduce_min3A_967 : vector<128xf32> to vector<128x1xf32>
      %eq3A_969 = vector.broadcast %broadcast_in_dim3A_944 : vector<128x1xf32> to vector<128x128xf32>
      %eq3A_970 = arith.cmpf oeq, %select_n3A_932, %eq3A_969 : vector<128x128xf32>
      %jit3A_971 = arith.constant 0x7F800000 : f32
      %broadcast_in_dim3A_972 = vector.broadcast %jit3A_971 : f32 to vector<128x128xf32>
      %select_n3A_973 = arith.select %eq3A_970, %concatenate3A_484, %broadcast_in_dim3A_972 : vector<128x128xi1>, vector<128x128xf32>
      %reduce_min3A_974 = arith.constant dense<0x7F800000> : vector<128xf32>
      %reduce_min3A_975 = vector.multi_reduction <minimumf>, %select_n3A_973, %reduce_min3A_974 [1] : vector<128x128xf32> to vector<128xf32>
      %broadcast_in_dim3A_976 = vector.shape_cast %reduce_min3A_975 : vector<128xf32> to vector<128x1xf32>
      %eq3A_977 = vector.broadcast %broadcast_in_dim3A_952 : vector<128x1xf32> to vector<128x128xf32>
      %eq3A_978 = arith.cmpf oeq, %concatenate3A_460, %eq3A_977 : vector<128x128xf32>
      %jit3A_979 = arith.constant 0x7F800000 : f32
      %broadcast_in_dim3A_980 = vector.broadcast %jit3A_979 : f32 to vector<128x128xf32>
      %select_n3A_981 = arith.select %eq3A_978, %broadcast_in_dim3A_980, %select_n3A_917 : vector<128x128xi1>, vector<128x128xf32>
      %eq3A_982 = vector.broadcast %broadcast_in_dim3A_960 : vector<128x1xf32> to vector<128x128xf32>
      %eq3A_983 = arith.cmpf oeq, %concatenate3A_468, %eq3A_982 : vector<128x128xf32>
      %jit3A_984 = arith.constant 0x7F800000 : f32
      %broadcast_in_dim3A_985 = vector.broadcast %jit3A_984 : f32 to vector<128x128xf32>
      %select_n3A_986 = arith.select %eq3A_983, %broadcast_in_dim3A_985, %select_n3A_922 : vector<128x128xi1>, vector<128x128xf32>
      %eq3A_987 = vector.broadcast %broadcast_in_dim3A_968 : vector<128x1xf32> to vector<128x128xf32>
      %eq3A_988 = arith.cmpf oeq, %concatenate3A_476, %eq3A_987 : vector<128x128xf32>
      %jit3A_989 = arith.constant 0x7F800000 : f32
      %broadcast_in_dim3A_990 = vector.broadcast %jit3A_989 : f32 to vector<128x128xf32>
      %select_n3A_991 = arith.select %eq3A_988, %broadcast_in_dim3A_990, %select_n3A_927 : vector<128x128xi1>, vector<128x128xf32>
      %eq3A_992 = vector.broadcast %broadcast_in_dim3A_976 : vector<128x1xf32> to vector<128x128xf32>
      %eq3A_993 = arith.cmpf oeq, %concatenate3A_484, %eq3A_992 : vector<128x128xf32>
      %jit3A_994 = arith.constant 0x7F800000 : f32
      %broadcast_in_dim3A_995 = vector.broadcast %jit3A_994 : f32 to vector<128x128xf32>
      %select_n3A_996 = arith.select %eq3A_993, %broadcast_in_dim3A_995, %select_n3A_932 : vector<128x128xi1>, vector<128x128xf32>
      %reduce_min3A_997 = arith.constant dense<0x7F800000> : vector<128xf32>
      %reduce_min3A_998 = vector.multi_reduction <minimumf>, %select_n3A_981, %reduce_min3A_997 [1] : vector<128x128xf32> to vector<128xf32>
      %broadcast_in_dim3A_999 = vector.shape_cast %reduce_min3A_998 : vector<128xf32> to vector<128x1xf32>
      %reduce_min3A_1000 = arith.constant dense<0x7F800000> : vector<128xf32>
      %reduce_min3A_1001 = vector.multi_reduction <minimumf>, %select_n3A_986, %reduce_min3A_1000 [1] : vector<128x128xf32> to vector<128xf32>
      %broadcast_in_dim3A_1002 = vector.shape_cast %reduce_min3A_1001 : vector<128xf32> to vector<128x1xf32>
      %reduce_min3A_1003 = arith.constant dense<0x7F800000> : vector<128xf32>
      %reduce_min3A_1004 = vector.multi_reduction <minimumf>, %select_n3A_991, %reduce_min3A_1003 [1] : vector<128x128xf32> to vector<128xf32>
      %broadcast_in_dim3A_1005 = vector.shape_cast %reduce_min3A_1004 : vector<128xf32> to vector<128x1xf32>
      %reduce_min3A_1006 = arith.constant dense<0x7F800000> : vector<128xf32>
      %reduce_min3A_1007 = vector.multi_reduction <minimumf>, %select_n3A_996, %reduce_min3A_1006 [1] : vector<128x128xf32> to vector<128xf32>
      %broadcast_in_dim3A_1008 = vector.shape_cast %reduce_min3A_1007 : vector<128xf32> to vector<128x1xf32>
      %eq3A_1009 = vector.broadcast %broadcast_in_dim3A_999 : vector<128x1xf32> to vector<128x128xf32>
      %eq3A_1010 = arith.cmpf oeq, %select_n3A_981, %eq3A_1009 : vector<128x128xf32>
      %jit3A_1011 = arith.constant 0x7F800000 : f32
      %broadcast_in_dim3A_1012 = vector.broadcast %jit3A_1011 : f32 to vector<128x128xf32>
      %select_n3A_1013 = arith.select %eq3A_1010, %concatenate3A_460, %broadcast_in_dim3A_1012 : vector<128x128xi1>, vector<128x128xf32>
      %reduce_min3A_1014 = arith.constant dense<0x7F800000> : vector<128xf32>
      %reduce_min3A_1015 = vector.multi_reduction <minimumf>, %select_n3A_1013, %reduce_min3A_1014 [1] : vector<128x128xf32> to vector<128xf32>
      %broadcast_in_dim3A_1016 = vector.shape_cast %reduce_min3A_1015 : vector<128xf32> to vector<128x1xf32>
      %eq3A_1017 = vector.broadcast %broadcast_in_dim3A_1002 : vector<128x1xf32> to vector<128x128xf32>
      %eq3A_1018 = arith.cmpf oeq, %select_n3A_986, %eq3A_1017 : vector<128x128xf32>
      %jit3A_1019 = arith.constant 0x7F800000 : f32
      %broadcast_in_dim3A_1020 = vector.broadcast %jit3A_1019 : f32 to vector<128x128xf32>
      %select_n3A_1021 = arith.select %eq3A_1018, %concatenate3A_468, %broadcast_in_dim3A_1020 : vector<128x128xi1>, vector<128x128xf32>
      %reduce_min3A_1022 = arith.constant dense<0x7F800000> : vector<128xf32>
      %reduce_min3A_1023 = vector.multi_reduction <minimumf>, %select_n3A_1021, %reduce_min3A_1022 [1] : vector<128x128xf32> to vector<128xf32>
      %broadcast_in_dim3A_1024 = vector.shape_cast %reduce_min3A_1023 : vector<128xf32> to vector<128x1xf32>
      %eq3A_1025 = vector.broadcast %broadcast_in_dim3A_1005 : vector<128x1xf32> to vector<128x128xf32>
      %eq3A_1026 = arith.cmpf oeq, %select_n3A_991, %eq3A_1025 : vector<128x128xf32>
      %jit3A_1027 = arith.constant 0x7F800000 : f32
      %broadcast_in_dim3A_1028 = vector.broadcast %jit3A_1027 : f32 to vector<128x128xf32>
      %select_n3A_1029 = arith.select %eq3A_1026, %concatenate3A_476, %broadcast_in_dim3A_1028 : vector<128x128xi1>, vector<128x128xf32>
      %reduce_min3A_1030 = arith.constant dense<0x7F800000> : vector<128xf32>
      %reduce_min3A_1031 = vector.multi_reduction <minimumf>, %select_n3A_1029, %reduce_min3A_1030 [1] : vector<128x128xf32> to vector<128xf32>
      %broadcast_in_dim3A_1032 = vector.shape_cast %reduce_min3A_1031 : vector<128xf32> to vector<128x1xf32>
      %eq3A_1033 = vector.broadcast %broadcast_in_dim3A_1008 : vector<128x1xf32> to vector<128x128xf32>
      %eq3A_1034 = arith.cmpf oeq, %select_n3A_996, %eq3A_1033 : vector<128x128xf32>
      %jit3A_1035 = arith.constant 0x7F800000 : f32
      %broadcast_in_dim3A_1036 = vector.broadcast %jit3A_1035 : f32 to vector<128x128xf32>
      %select_n3A_1037 = arith.select %eq3A_1034, %concatenate3A_484, %broadcast_in_dim3A_1036 : vector<128x128xi1>, vector<128x128xf32>
      %reduce_min3A_1038 = arith.constant dense<0x7F800000> : vector<128xf32>
      %reduce_min3A_1039 = vector.multi_reduction <minimumf>, %select_n3A_1037, %reduce_min3A_1038 [1] : vector<128x128xf32> to vector<128xf32>
      %broadcast_in_dim3A_1040 = vector.shape_cast %reduce_min3A_1039 : vector<128xf32> to vector<128x1xf32>
      %eq3A_1041 = vector.broadcast %broadcast_in_dim3A_1016 : vector<128x1xf32> to vector<128x128xf32>
      %eq3A_1042 = arith.cmpf oeq, %concatenate3A_460, %eq3A_1041 : vector<128x128xf32>
      %jit3A_1043 = arith.constant 0x7F800000 : f32
      %broadcast_in_dim3A_1044 = vector.broadcast %jit3A_1043 : f32 to vector<128x128xf32>
      %select_n3A_1045 = arith.select %eq3A_1042, %broadcast_in_dim3A_1044, %select_n3A_981 : vector<128x128xi1>, vector<128x128xf32>
      %eq3A_1046 = vector.broadcast %broadcast_in_dim3A_1024 : vector<128x1xf32> to vector<128x128xf32>
      %eq3A_1047 = arith.cmpf oeq, %concatenate3A_468, %eq3A_1046 : vector<128x128xf32>
      %jit3A_1048 = arith.constant 0x7F800000 : f32
      %broadcast_in_dim3A_1049 = vector.broadcast %jit3A_1048 : f32 to vector<128x128xf32>
      %select_n3A_1050 = arith.select %eq3A_1047, %broadcast_in_dim3A_1049, %select_n3A_986 : vector<128x128xi1>, vector<128x128xf32>
      %eq3A_1051 = vector.broadcast %broadcast_in_dim3A_1032 : vector<128x1xf32> to vector<128x128xf32>
      %eq3A_1052 = arith.cmpf oeq, %concatenate3A_476, %eq3A_1051 : vector<128x128xf32>
      %jit3A_1053 = arith.constant 0x7F800000 : f32
      %broadcast_in_dim3A_1054 = vector.broadcast %jit3A_1053 : f32 to vector<128x128xf32>
      %select_n3A_1055 = arith.select %eq3A_1052, %broadcast_in_dim3A_1054, %select_n3A_991 : vector<128x128xi1>, vector<128x128xf32>
      %eq3A_1056 = vector.broadcast %broadcast_in_dim3A_1040 : vector<128x1xf32> to vector<128x128xf32>
      %eq3A_1057 = arith.cmpf oeq, %concatenate3A_484, %eq3A_1056 : vector<128x128xf32>
      %jit3A_1058 = arith.constant 0x7F800000 : f32
      %broadcast_in_dim3A_1059 = vector.broadcast %jit3A_1058 : f32 to vector<128x128xf32>
      %select_n3A_1060 = arith.select %eq3A_1057, %broadcast_in_dim3A_1059, %select_n3A_996 : vector<128x128xi1>, vector<128x128xf32>
      %reduce_min3A_1061 = arith.constant dense<0x7F800000> : vector<128xf32>
      %reduce_min3A_1062 = vector.multi_reduction <minimumf>, %select_n3A_1045, %reduce_min3A_1061 [1] : vector<128x128xf32> to vector<128xf32>
      %broadcast_in_dim3A_1063 = vector.shape_cast %reduce_min3A_1062 : vector<128xf32> to vector<128x1xf32>
      %reduce_min3A_1064 = arith.constant dense<0x7F800000> : vector<128xf32>
      %reduce_min3A_1065 = vector.multi_reduction <minimumf>, %select_n3A_1050, %reduce_min3A_1064 [1] : vector<128x128xf32> to vector<128xf32>
      %broadcast_in_dim3A_1066 = vector.shape_cast %reduce_min3A_1065 : vector<128xf32> to vector<128x1xf32>
      %reduce_min3A_1067 = arith.constant dense<0x7F800000> : vector<128xf32>
      %reduce_min3A_1068 = vector.multi_reduction <minimumf>, %select_n3A_1055, %reduce_min3A_1067 [1] : vector<128x128xf32> to vector<128xf32>
      %broadcast_in_dim3A_1069 = vector.shape_cast %reduce_min3A_1068 : vector<128xf32> to vector<128x1xf32>
      %reduce_min3A_1070 = arith.constant dense<0x7F800000> : vector<128xf32>
      %reduce_min3A_1071 = vector.multi_reduction <minimumf>, %select_n3A_1060, %reduce_min3A_1070 [1] : vector<128x128xf32> to vector<128xf32>
      %broadcast_in_dim3A_1072 = vector.shape_cast %reduce_min3A_1071 : vector<128xf32> to vector<128x1xf32>
      %eq3A_1073 = vector.broadcast %broadcast_in_dim3A_1063 : vector<128x1xf32> to vector<128x128xf32>
      %eq3A_1074 = arith.cmpf oeq, %select_n3A_1045, %eq3A_1073 : vector<128x128xf32>
      %jit3A_1075 = arith.constant 0x7F800000 : f32
      %broadcast_in_dim3A_1076 = vector.broadcast %jit3A_1075 : f32 to vector<128x128xf32>
      %select_n3A_1077 = arith.select %eq3A_1074, %concatenate3A_460, %broadcast_in_dim3A_1076 : vector<128x128xi1>, vector<128x128xf32>
      %reduce_min3A_1078 = arith.constant dense<0x7F800000> : vector<128xf32>
      %reduce_min3A_1079 = vector.multi_reduction <minimumf>, %select_n3A_1077, %reduce_min3A_1078 [1] : vector<128x128xf32> to vector<128xf32>
      %broadcast_in_dim3A_1080 = vector.shape_cast %reduce_min3A_1079 : vector<128xf32> to vector<128x1xf32>
      %eq3A_1081 = vector.broadcast %broadcast_in_dim3A_1066 : vector<128x1xf32> to vector<128x128xf32>
      %eq3A_1082 = arith.cmpf oeq, %select_n3A_1050, %eq3A_1081 : vector<128x128xf32>
      %jit3A_1083 = arith.constant 0x7F800000 : f32
      %broadcast_in_dim3A_1084 = vector.broadcast %jit3A_1083 : f32 to vector<128x128xf32>
      %select_n3A_1085 = arith.select %eq3A_1082, %concatenate3A_468, %broadcast_in_dim3A_1084 : vector<128x128xi1>, vector<128x128xf32>
      %reduce_min3A_1086 = arith.constant dense<0x7F800000> : vector<128xf32>
      %reduce_min3A_1087 = vector.multi_reduction <minimumf>, %select_n3A_1085, %reduce_min3A_1086 [1] : vector<128x128xf32> to vector<128xf32>
      %broadcast_in_dim3A_1088 = vector.shape_cast %reduce_min3A_1087 : vector<128xf32> to vector<128x1xf32>
      %eq3A_1089 = vector.broadcast %broadcast_in_dim3A_1069 : vector<128x1xf32> to vector<128x128xf32>
      %eq3A_1090 = arith.cmpf oeq, %select_n3A_1055, %eq3A_1089 : vector<128x128xf32>
      %jit3A_1091 = arith.constant 0x7F800000 : f32
      %broadcast_in_dim3A_1092 = vector.broadcast %jit3A_1091 : f32 to vector<128x128xf32>
      %select_n3A_1093 = arith.select %eq3A_1090, %concatenate3A_476, %broadcast_in_dim3A_1092 : vector<128x128xi1>, vector<128x128xf32>
      %reduce_min3A_1094 = arith.constant dense<0x7F800000> : vector<128xf32>
      %reduce_min3A_1095 = vector.multi_reduction <minimumf>, %select_n3A_1093, %reduce_min3A_1094 [1] : vector<128x128xf32> to vector<128xf32>
      %broadcast_in_dim3A_1096 = vector.shape_cast %reduce_min3A_1095 : vector<128xf32> to vector<128x1xf32>
      %eq3A_1097 = vector.broadcast %broadcast_in_dim3A_1072 : vector<128x1xf32> to vector<128x128xf32>
      %eq3A_1098 = arith.cmpf oeq, %select_n3A_1060, %eq3A_1097 : vector<128x128xf32>
      %jit3A_1099 = arith.constant 0x7F800000 : f32
      %broadcast_in_dim3A_1100 = vector.broadcast %jit3A_1099 : f32 to vector<128x128xf32>
      %select_n3A_1101 = arith.select %eq3A_1098, %concatenate3A_484, %broadcast_in_dim3A_1100 : vector<128x128xi1>, vector<128x128xf32>
      %reduce_min3A_1102 = arith.constant dense<0x7F800000> : vector<128xf32>
      %reduce_min3A_1103 = vector.multi_reduction <minimumf>, %select_n3A_1101, %reduce_min3A_1102 [1] : vector<128x128xf32> to vector<128xf32>
      %broadcast_in_dim3A_1104 = vector.shape_cast %reduce_min3A_1103 : vector<128xf32> to vector<128x1xf32>
      %eq3A_1105 = vector.broadcast %broadcast_in_dim3A_1080 : vector<128x1xf32> to vector<128x128xf32>
      %eq3A_1106 = arith.cmpf oeq, %concatenate3A_460, %eq3A_1105 : vector<128x128xf32>
      %jit3A_1107 = arith.constant 0x7F800000 : f32
      %broadcast_in_dim3A_1108 = vector.broadcast %jit3A_1107 : f32 to vector<128x128xf32>
      %select_n3A_1109 = arith.select %eq3A_1106, %broadcast_in_dim3A_1108, %select_n3A_1045 : vector<128x128xi1>, vector<128x128xf32>
      %eq3A_1110 = vector.broadcast %broadcast_in_dim3A_1088 : vector<128x1xf32> to vector<128x128xf32>
      %eq3A_1111 = arith.cmpf oeq, %concatenate3A_468, %eq3A_1110 : vector<128x128xf32>
      %jit3A_1112 = arith.constant 0x7F800000 : f32
      %broadcast_in_dim3A_1113 = vector.broadcast %jit3A_1112 : f32 to vector<128x128xf32>
      %select_n3A_1114 = arith.select %eq3A_1111, %broadcast_in_dim3A_1113, %select_n3A_1050 : vector<128x128xi1>, vector<128x128xf32>
      %eq3A_1115 = vector.broadcast %broadcast_in_dim3A_1096 : vector<128x1xf32> to vector<128x128xf32>
      %eq3A_1116 = arith.cmpf oeq, %concatenate3A_476, %eq3A_1115 : vector<128x128xf32>
      %jit3A_1117 = arith.constant 0x7F800000 : f32
      %broadcast_in_dim3A_1118 = vector.broadcast %jit3A_1117 : f32 to vector<128x128xf32>
      %select_n3A_1119 = arith.select %eq3A_1116, %broadcast_in_dim3A_1118, %select_n3A_1055 : vector<128x128xi1>, vector<128x128xf32>
      %eq3A_1120 = vector.broadcast %broadcast_in_dim3A_1104 : vector<128x1xf32> to vector<128x128xf32>
      %eq3A_1121 = arith.cmpf oeq, %concatenate3A_484, %eq3A_1120 : vector<128x128xf32>
      %jit3A_1122 = arith.constant 0x7F800000 : f32
      %broadcast_in_dim3A_1123 = vector.broadcast %jit3A_1122 : f32 to vector<128x128xf32>
      %select_n3A_1124 = arith.select %eq3A_1121, %broadcast_in_dim3A_1123, %select_n3A_1060 : vector<128x128xi1>, vector<128x128xf32>
      %reduce_min3A_1125 = arith.constant dense<0x7F800000> : vector<128xf32>
      %reduce_min3A_1126 = vector.multi_reduction <minimumf>, %select_n3A_1109, %reduce_min3A_1125 [1] : vector<128x128xf32> to vector<128xf32>
      %broadcast_in_dim3A_1127 = vector.shape_cast %reduce_min3A_1126 : vector<128xf32> to vector<128x1xf32>
      %reduce_min3A_1128 = arith.constant dense<0x7F800000> : vector<128xf32>
      %reduce_min3A_1129 = vector.multi_reduction <minimumf>, %select_n3A_1114, %reduce_min3A_1128 [1] : vector<128x128xf32> to vector<128xf32>
      %broadcast_in_dim3A_1130 = vector.shape_cast %reduce_min3A_1129 : vector<128xf32> to vector<128x1xf32>
      %reduce_min3A_1131 = arith.constant dense<0x7F800000> : vector<128xf32>
      %reduce_min3A_1132 = vector.multi_reduction <minimumf>, %select_n3A_1119, %reduce_min3A_1131 [1] : vector<128x128xf32> to vector<128xf32>
      %broadcast_in_dim3A_1133 = vector.shape_cast %reduce_min3A_1132 : vector<128xf32> to vector<128x1xf32>
      %reduce_min3A_1134 = arith.constant dense<0x7F800000> : vector<128xf32>
      %reduce_min3A_1135 = vector.multi_reduction <minimumf>, %select_n3A_1124, %reduce_min3A_1134 [1] : vector<128x128xf32> to vector<128xf32>
      %broadcast_in_dim3A_1136 = vector.shape_cast %reduce_min3A_1135 : vector<128xf32> to vector<128x1xf32>
      %eq3A_1137 = vector.broadcast %broadcast_in_dim3A_1127 : vector<128x1xf32> to vector<128x128xf32>
      %eq3A_1138 = arith.cmpf oeq, %select_n3A_1109, %eq3A_1137 : vector<128x128xf32>
      %jit3A_1139 = arith.constant 0x7F800000 : f32
      %broadcast_in_dim3A_1140 = vector.broadcast %jit3A_1139 : f32 to vector<128x128xf32>
      %select_n3A_1141 = arith.select %eq3A_1138, %concatenate3A_460, %broadcast_in_dim3A_1140 : vector<128x128xi1>, vector<128x128xf32>
      %reduce_min3A_1142 = arith.constant dense<0x7F800000> : vector<128xf32>
      %reduce_min3A_1143 = vector.multi_reduction <minimumf>, %select_n3A_1141, %reduce_min3A_1142 [1] : vector<128x128xf32> to vector<128xf32>
      %broadcast_in_dim3A_1144 = vector.shape_cast %reduce_min3A_1143 : vector<128xf32> to vector<128x1xf32>
      %eq3A_1145 = vector.broadcast %broadcast_in_dim3A_1130 : vector<128x1xf32> to vector<128x128xf32>
      %eq3A_1146 = arith.cmpf oeq, %select_n3A_1114, %eq3A_1145 : vector<128x128xf32>
      %jit3A_1147 = arith.constant 0x7F800000 : f32
      %broadcast_in_dim3A_1148 = vector.broadcast %jit3A_1147 : f32 to vector<128x128xf32>
      %select_n3A_1149 = arith.select %eq3A_1146, %concatenate3A_468, %broadcast_in_dim3A_1148 : vector<128x128xi1>, vector<128x128xf32>
      %reduce_min3A_1150 = arith.constant dense<0x7F800000> : vector<128xf32>
      %reduce_min3A_1151 = vector.multi_reduction <minimumf>, %select_n3A_1149, %reduce_min3A_1150 [1] : vector<128x128xf32> to vector<128xf32>
      %broadcast_in_dim3A_1152 = vector.shape_cast %reduce_min3A_1151 : vector<128xf32> to vector<128x1xf32>
      %eq3A_1153 = vector.broadcast %broadcast_in_dim3A_1133 : vector<128x1xf32> to vector<128x128xf32>
      %eq3A_1154 = arith.cmpf oeq, %select_n3A_1119, %eq3A_1153 : vector<128x128xf32>
      %jit3A_1155 = arith.constant 0x7F800000 : f32
      %broadcast_in_dim3A_1156 = vector.broadcast %jit3A_1155 : f32 to vector<128x128xf32>
      %select_n3A_1157 = arith.select %eq3A_1154, %concatenate3A_476, %broadcast_in_dim3A_1156 : vector<128x128xi1>, vector<128x128xf32>
      %reduce_min3A_1158 = arith.constant dense<0x7F800000> : vector<128xf32>
      %reduce_min3A_1159 = vector.multi_reduction <minimumf>, %select_n3A_1157, %reduce_min3A_1158 [1] : vector<128x128xf32> to vector<128xf32>
      %broadcast_in_dim3A_1160 = vector.shape_cast %reduce_min3A_1159 : vector<128xf32> to vector<128x1xf32>
      %eq3A_1161 = vector.broadcast %broadcast_in_dim3A_1136 : vector<128x1xf32> to vector<128x128xf32>
      %eq3A_1162 = arith.cmpf oeq, %select_n3A_1124, %eq3A_1161 : vector<128x128xf32>
      %jit3A_1163 = arith.constant 0x7F800000 : f32
      %broadcast_in_dim3A_1164 = vector.broadcast %jit3A_1163 : f32 to vector<128x128xf32>
      %select_n3A_1165 = arith.select %eq3A_1162, %concatenate3A_484, %broadcast_in_dim3A_1164 : vector<128x128xi1>, vector<128x128xf32>
      %reduce_min3A_1166 = arith.constant dense<0x7F800000> : vector<128xf32>
      %reduce_min3A_1167 = vector.multi_reduction <minimumf>, %select_n3A_1165, %reduce_min3A_1166 [1] : vector<128x128xf32> to vector<128xf32>
      %broadcast_in_dim3A_1168 = vector.shape_cast %reduce_min3A_1167 : vector<128xf32> to vector<128x1xf32>
      %eq3A_1169 = vector.broadcast %broadcast_in_dim3A_1144 : vector<128x1xf32> to vector<128x128xf32>
      %eq3A_1170 = arith.cmpf oeq, %concatenate3A_460, %eq3A_1169 : vector<128x128xf32>
      %jit3A_1171 = arith.constant 0x7F800000 : f32
      %broadcast_in_dim3A_1172 = vector.broadcast %jit3A_1171 : f32 to vector<128x128xf32>
      %select_n3A_1173 = arith.select %eq3A_1170, %broadcast_in_dim3A_1172, %select_n3A_1109 : vector<128x128xi1>, vector<128x128xf32>
      %eq3A_1174 = vector.broadcast %broadcast_in_dim3A_1152 : vector<128x1xf32> to vector<128x128xf32>
      %eq3A_1175 = arith.cmpf oeq, %concatenate3A_468, %eq3A_1174 : vector<128x128xf32>
      %jit3A_1176 = arith.constant 0x7F800000 : f32
      %broadcast_in_dim3A_1177 = vector.broadcast %jit3A_1176 : f32 to vector<128x128xf32>
      %select_n3A_1178 = arith.select %eq3A_1175, %broadcast_in_dim3A_1177, %select_n3A_1114 : vector<128x128xi1>, vector<128x128xf32>
      %eq3A_1179 = vector.broadcast %broadcast_in_dim3A_1160 : vector<128x1xf32> to vector<128x128xf32>
      %eq3A_1180 = arith.cmpf oeq, %concatenate3A_476, %eq3A_1179 : vector<128x128xf32>
      %jit3A_1181 = arith.constant 0x7F800000 : f32
      %broadcast_in_dim3A_1182 = vector.broadcast %jit3A_1181 : f32 to vector<128x128xf32>
      %select_n3A_1183 = arith.select %eq3A_1180, %broadcast_in_dim3A_1182, %select_n3A_1119 : vector<128x128xi1>, vector<128x128xf32>
      %eq3A_1184 = vector.broadcast %broadcast_in_dim3A_1168 : vector<128x1xf32> to vector<128x128xf32>
      %eq3A_1185 = arith.cmpf oeq, %concatenate3A_484, %eq3A_1184 : vector<128x128xf32>
      %jit3A_1186 = arith.constant 0x7F800000 : f32
      %broadcast_in_dim3A_1187 = vector.broadcast %jit3A_1186 : f32 to vector<128x128xf32>
      %select_n3A_1188 = arith.select %eq3A_1185, %broadcast_in_dim3A_1187, %select_n3A_1124 : vector<128x128xi1>, vector<128x128xf32>
      %reduce_min3A_1189 = arith.constant dense<0x7F800000> : vector<128xf32>
      %reduce_min3A_1190 = vector.multi_reduction <minimumf>, %select_n3A_1173, %reduce_min3A_1189 [1] : vector<128x128xf32> to vector<128xf32>
      %broadcast_in_dim3A_1191 = vector.shape_cast %reduce_min3A_1190 : vector<128xf32> to vector<128x1xf32>
      %reduce_min3A_1192 = arith.constant dense<0x7F800000> : vector<128xf32>
      %reduce_min3A_1193 = vector.multi_reduction <minimumf>, %select_n3A_1178, %reduce_min3A_1192 [1] : vector<128x128xf32> to vector<128xf32>
      %broadcast_in_dim3A_1194 = vector.shape_cast %reduce_min3A_1193 : vector<128xf32> to vector<128x1xf32>
      %reduce_min3A_1195 = arith.constant dense<0x7F800000> : vector<128xf32>
      %reduce_min3A_1196 = vector.multi_reduction <minimumf>, %select_n3A_1183, %reduce_min3A_1195 [1] : vector<128x128xf32> to vector<128xf32>
      %broadcast_in_dim3A_1197 = vector.shape_cast %reduce_min3A_1196 : vector<128xf32> to vector<128x1xf32>
      %reduce_min3A_1198 = arith.constant dense<0x7F800000> : vector<128xf32>
      %reduce_min3A_1199 = vector.multi_reduction <minimumf>, %select_n3A_1188, %reduce_min3A_1198 [1] : vector<128x128xf32> to vector<128xf32>
      %broadcast_in_dim3A_1200 = vector.shape_cast %reduce_min3A_1199 : vector<128xf32> to vector<128x1xf32>
      %eq3A_1201 = vector.broadcast %broadcast_in_dim3A_1191 : vector<128x1xf32> to vector<128x128xf32>
      %eq3A_1202 = arith.cmpf oeq, %select_n3A_1173, %eq3A_1201 : vector<128x128xf32>
      %jit3A_1203 = arith.constant 0x7F800000 : f32
      %broadcast_in_dim3A_1204 = vector.broadcast %jit3A_1203 : f32 to vector<128x128xf32>
      %select_n3A_1205 = arith.select %eq3A_1202, %concatenate3A_460, %broadcast_in_dim3A_1204 : vector<128x128xi1>, vector<128x128xf32>
      %reduce_min3A_1206 = arith.constant dense<0x7F800000> : vector<128xf32>
      %reduce_min3A_1207 = vector.multi_reduction <minimumf>, %select_n3A_1205, %reduce_min3A_1206 [1] : vector<128x128xf32> to vector<128xf32>
      %broadcast_in_dim3A_1208 = vector.shape_cast %reduce_min3A_1207 : vector<128xf32> to vector<128x1xf32>
      %eq3A_1209 = vector.broadcast %broadcast_in_dim3A_1194 : vector<128x1xf32> to vector<128x128xf32>
      %eq3A_1210 = arith.cmpf oeq, %select_n3A_1178, %eq3A_1209 : vector<128x128xf32>
      %jit3A_1211 = arith.constant 0x7F800000 : f32
      %broadcast_in_dim3A_1212 = vector.broadcast %jit3A_1211 : f32 to vector<128x128xf32>
      %select_n3A_1213 = arith.select %eq3A_1210, %concatenate3A_468, %broadcast_in_dim3A_1212 : vector<128x128xi1>, vector<128x128xf32>
      %reduce_min3A_1214 = arith.constant dense<0x7F800000> : vector<128xf32>
      %reduce_min3A_1215 = vector.multi_reduction <minimumf>, %select_n3A_1213, %reduce_min3A_1214 [1] : vector<128x128xf32> to vector<128xf32>
      %broadcast_in_dim3A_1216 = vector.shape_cast %reduce_min3A_1215 : vector<128xf32> to vector<128x1xf32>
      %eq3A_1217 = vector.broadcast %broadcast_in_dim3A_1197 : vector<128x1xf32> to vector<128x128xf32>
      %eq3A_1218 = arith.cmpf oeq, %select_n3A_1183, %eq3A_1217 : vector<128x128xf32>
      %jit3A_1219 = arith.constant 0x7F800000 : f32
      %broadcast_in_dim3A_1220 = vector.broadcast %jit3A_1219 : f32 to vector<128x128xf32>
      %select_n3A_1221 = arith.select %eq3A_1218, %concatenate3A_476, %broadcast_in_dim3A_1220 : vector<128x128xi1>, vector<128x128xf32>
      %reduce_min3A_1222 = arith.constant dense<0x7F800000> : vector<128xf32>
      %reduce_min3A_1223 = vector.multi_reduction <minimumf>, %select_n3A_1221, %reduce_min3A_1222 [1] : vector<128x128xf32> to vector<128xf32>
      %broadcast_in_dim3A_1224 = vector.shape_cast %reduce_min3A_1223 : vector<128xf32> to vector<128x1xf32>
      %eq3A_1225 = vector.broadcast %broadcast_in_dim3A_1200 : vector<128x1xf32> to vector<128x128xf32>
      %eq3A_1226 = arith.cmpf oeq, %select_n3A_1188, %eq3A_1225 : vector<128x128xf32>
      %jit3A_1227 = arith.constant 0x7F800000 : f32
      %broadcast_in_dim3A_1228 = vector.broadcast %jit3A_1227 : f32 to vector<128x128xf32>
      %select_n3A_1229 = arith.select %eq3A_1226, %concatenate3A_484, %broadcast_in_dim3A_1228 : vector<128x128xi1>, vector<128x128xf32>
      %reduce_min3A_1230 = arith.constant dense<0x7F800000> : vector<128xf32>
      %reduce_min3A_1231 = vector.multi_reduction <minimumf>, %select_n3A_1229, %reduce_min3A_1230 [1] : vector<128x128xf32> to vector<128xf32>
      %broadcast_in_dim3A_1232 = vector.shape_cast %reduce_min3A_1231 : vector<128xf32> to vector<128x1xf32>
      %eq3A_1233 = vector.broadcast %broadcast_in_dim3A_1208 : vector<128x1xf32> to vector<128x128xf32>
      %eq3A_1234 = arith.cmpf oeq, %concatenate3A_460, %eq3A_1233 : vector<128x128xf32>
      %jit3A_1235 = arith.constant 0x7F800000 : f32
      %broadcast_in_dim3A_1236 = vector.broadcast %jit3A_1235 : f32 to vector<128x128xf32>
      %select_n3A_1237 = arith.select %eq3A_1234, %broadcast_in_dim3A_1236, %select_n3A_1173 : vector<128x128xi1>, vector<128x128xf32>
      %eq3A_1238 = vector.broadcast %broadcast_in_dim3A_1216 : vector<128x1xf32> to vector<128x128xf32>
      %eq3A_1239 = arith.cmpf oeq, %concatenate3A_468, %eq3A_1238 : vector<128x128xf32>
      %jit3A_1240 = arith.constant 0x7F800000 : f32
      %broadcast_in_dim3A_1241 = vector.broadcast %jit3A_1240 : f32 to vector<128x128xf32>
      %select_n3A_1242 = arith.select %eq3A_1239, %broadcast_in_dim3A_1241, %select_n3A_1178 : vector<128x128xi1>, vector<128x128xf32>
      %eq3A_1243 = vector.broadcast %broadcast_in_dim3A_1224 : vector<128x1xf32> to vector<128x128xf32>
      %eq3A_1244 = arith.cmpf oeq, %concatenate3A_476, %eq3A_1243 : vector<128x128xf32>
      %jit3A_1245 = arith.constant 0x7F800000 : f32
      %broadcast_in_dim3A_1246 = vector.broadcast %jit3A_1245 : f32 to vector<128x128xf32>
      %select_n3A_1247 = arith.select %eq3A_1244, %broadcast_in_dim3A_1246, %select_n3A_1183 : vector<128x128xi1>, vector<128x128xf32>
      %eq3A_1248 = vector.broadcast %broadcast_in_dim3A_1232 : vector<128x1xf32> to vector<128x128xf32>
      %eq3A_1249 = arith.cmpf oeq, %concatenate3A_484, %eq3A_1248 : vector<128x128xf32>
      %jit3A_1250 = arith.constant 0x7F800000 : f32
      %broadcast_in_dim3A_1251 = vector.broadcast %jit3A_1250 : f32 to vector<128x128xf32>
      %select_n3A_1252 = arith.select %eq3A_1249, %broadcast_in_dim3A_1251, %select_n3A_1188 : vector<128x128xi1>, vector<128x128xf32>
      %reduce_min3A_1253 = arith.constant dense<0x7F800000> : vector<128xf32>
      %reduce_min3A_1254 = vector.multi_reduction <minimumf>, %select_n3A_1237, %reduce_min3A_1253 [1] : vector<128x128xf32> to vector<128xf32>
      %broadcast_in_dim3A_1255 = vector.shape_cast %reduce_min3A_1254 : vector<128xf32> to vector<128x1xf32>
      %reduce_min3A_1256 = arith.constant dense<0x7F800000> : vector<128xf32>
      %reduce_min3A_1257 = vector.multi_reduction <minimumf>, %select_n3A_1242, %reduce_min3A_1256 [1] : vector<128x128xf32> to vector<128xf32>
      %broadcast_in_dim3A_1258 = vector.shape_cast %reduce_min3A_1257 : vector<128xf32> to vector<128x1xf32>
      %reduce_min3A_1259 = arith.constant dense<0x7F800000> : vector<128xf32>
      %reduce_min3A_1260 = vector.multi_reduction <minimumf>, %select_n3A_1247, %reduce_min3A_1259 [1] : vector<128x128xf32> to vector<128xf32>
      %broadcast_in_dim3A_1261 = vector.shape_cast %reduce_min3A_1260 : vector<128xf32> to vector<128x1xf32>
      %reduce_min3A_1262 = arith.constant dense<0x7F800000> : vector<128xf32>
      %reduce_min3A_1263 = vector.multi_reduction <minimumf>, %select_n3A_1252, %reduce_min3A_1262 [1] : vector<128x128xf32> to vector<128xf32>
      %broadcast_in_dim3A_1264 = vector.shape_cast %reduce_min3A_1263 : vector<128xf32> to vector<128x1xf32>
      %eq3A_1265 = vector.broadcast %broadcast_in_dim3A_1255 : vector<128x1xf32> to vector<128x128xf32>
      %eq3A_1266 = arith.cmpf oeq, %select_n3A_1237, %eq3A_1265 : vector<128x128xf32>
      %jit3A_1267 = arith.constant 0x7F800000 : f32
      %broadcast_in_dim3A_1268 = vector.broadcast %jit3A_1267 : f32 to vector<128x128xf32>
      %select_n3A_1269 = arith.select %eq3A_1266, %concatenate3A_460, %broadcast_in_dim3A_1268 : vector<128x128xi1>, vector<128x128xf32>
      %reduce_min3A_1270 = arith.constant dense<0x7F800000> : vector<128xf32>
      %reduce_min3A_1271 = vector.multi_reduction <minimumf>, %select_n3A_1269, %reduce_min3A_1270 [1] : vector<128x128xf32> to vector<128xf32>
      %broadcast_in_dim3A_1272 = vector.shape_cast %reduce_min3A_1271 : vector<128xf32> to vector<128x1xf32>
      %eq3A_1273 = vector.broadcast %broadcast_in_dim3A_1258 : vector<128x1xf32> to vector<128x128xf32>
      %eq3A_1274 = arith.cmpf oeq, %select_n3A_1242, %eq3A_1273 : vector<128x128xf32>
      %jit3A_1275 = arith.constant 0x7F800000 : f32
      %broadcast_in_dim3A_1276 = vector.broadcast %jit3A_1275 : f32 to vector<128x128xf32>
      %select_n3A_1277 = arith.select %eq3A_1274, %concatenate3A_468, %broadcast_in_dim3A_1276 : vector<128x128xi1>, vector<128x128xf32>
      %reduce_min3A_1278 = arith.constant dense<0x7F800000> : vector<128xf32>
      %reduce_min3A_1279 = vector.multi_reduction <minimumf>, %select_n3A_1277, %reduce_min3A_1278 [1] : vector<128x128xf32> to vector<128xf32>
      %broadcast_in_dim3A_1280 = vector.shape_cast %reduce_min3A_1279 : vector<128xf32> to vector<128x1xf32>
      %eq3A_1281 = vector.broadcast %broadcast_in_dim3A_1261 : vector<128x1xf32> to vector<128x128xf32>
      %eq3A_1282 = arith.cmpf oeq, %select_n3A_1247, %eq3A_1281 : vector<128x128xf32>
      %jit3A_1283 = arith.constant 0x7F800000 : f32
      %broadcast_in_dim3A_1284 = vector.broadcast %jit3A_1283 : f32 to vector<128x128xf32>
      %select_n3A_1285 = arith.select %eq3A_1282, %concatenate3A_476, %broadcast_in_dim3A_1284 : vector<128x128xi1>, vector<128x128xf32>
      %reduce_min3A_1286 = arith.constant dense<0x7F800000> : vector<128xf32>
      %reduce_min3A_1287 = vector.multi_reduction <minimumf>, %select_n3A_1285, %reduce_min3A_1286 [1] : vector<128x128xf32> to vector<128xf32>
      %broadcast_in_dim3A_1288 = vector.shape_cast %reduce_min3A_1287 : vector<128xf32> to vector<128x1xf32>
      %eq3A_1289 = vector.broadcast %broadcast_in_dim3A_1264 : vector<128x1xf32> to vector<128x128xf32>
      %eq3A_1290 = arith.cmpf oeq, %select_n3A_1252, %eq3A_1289 : vector<128x128xf32>
      %jit3A_1291 = arith.constant 0x7F800000 : f32
      %broadcast_in_dim3A_1292 = vector.broadcast %jit3A_1291 : f32 to vector<128x128xf32>
      %select_n3A_1293 = arith.select %eq3A_1290, %concatenate3A_484, %broadcast_in_dim3A_1292 : vector<128x128xi1>, vector<128x128xf32>
      %reduce_min3A_1294 = arith.constant dense<0x7F800000> : vector<128xf32>
      %reduce_min3A_1295 = vector.multi_reduction <minimumf>, %select_n3A_1293, %reduce_min3A_1294 [1] : vector<128x128xf32> to vector<128xf32>
      %broadcast_in_dim3A_1296 = vector.shape_cast %reduce_min3A_1295 : vector<128xf32> to vector<128x1xf32>
      %eq3A_1297 = vector.broadcast %broadcast_in_dim3A_1272 : vector<128x1xf32> to vector<128x128xf32>
      %eq3A_1298 = arith.cmpf oeq, %concatenate3A_460, %eq3A_1297 : vector<128x128xf32>
      %jit3A_1299 = arith.constant 0x7F800000 : f32
      %broadcast_in_dim3A_1300 = vector.broadcast %jit3A_1299 : f32 to vector<128x128xf32>
      %select_n3A_1301 = arith.select %eq3A_1298, %broadcast_in_dim3A_1300, %select_n3A_1237 : vector<128x128xi1>, vector<128x128xf32>
      %eq3A_1302 = vector.broadcast %broadcast_in_dim3A_1280 : vector<128x1xf32> to vector<128x128xf32>
      %eq3A_1303 = arith.cmpf oeq, %concatenate3A_468, %eq3A_1302 : vector<128x128xf32>
      %jit3A_1304 = arith.constant 0x7F800000 : f32
      %broadcast_in_dim3A_1305 = vector.broadcast %jit3A_1304 : f32 to vector<128x128xf32>
      %select_n3A_1306 = arith.select %eq3A_1303, %broadcast_in_dim3A_1305, %select_n3A_1242 : vector<128x128xi1>, vector<128x128xf32>
      %eq3A_1307 = vector.broadcast %broadcast_in_dim3A_1288 : vector<128x1xf32> to vector<128x128xf32>
      %eq3A_1308 = arith.cmpf oeq, %concatenate3A_476, %eq3A_1307 : vector<128x128xf32>
      %jit3A_1309 = arith.constant 0x7F800000 : f32
      %broadcast_in_dim3A_1310 = vector.broadcast %jit3A_1309 : f32 to vector<128x128xf32>
      %select_n3A_1311 = arith.select %eq3A_1308, %broadcast_in_dim3A_1310, %select_n3A_1247 : vector<128x128xi1>, vector<128x128xf32>
      %eq3A_1312 = vector.broadcast %broadcast_in_dim3A_1296 : vector<128x1xf32> to vector<128x128xf32>
      %eq3A_1313 = arith.cmpf oeq, %concatenate3A_484, %eq3A_1312 : vector<128x128xf32>
      %jit3A_1314 = arith.constant 0x7F800000 : f32
      %broadcast_in_dim3A_1315 = vector.broadcast %jit3A_1314 : f32 to vector<128x128xf32>
      %select_n3A_1316 = arith.select %eq3A_1313, %broadcast_in_dim3A_1315, %select_n3A_1252 : vector<128x128xi1>, vector<128x128xf32>
      %reduce_min3A_1317 = arith.constant dense<0x7F800000> : vector<128xf32>
      %reduce_min3A_1318 = vector.multi_reduction <minimumf>, %select_n3A_1301, %reduce_min3A_1317 [1] : vector<128x128xf32> to vector<128xf32>
      %broadcast_in_dim3A_1319 = vector.shape_cast %reduce_min3A_1318 : vector<128xf32> to vector<128x1xf32>
      %reduce_min3A_1320 = arith.constant dense<0x7F800000> : vector<128xf32>
      %reduce_min3A_1321 = vector.multi_reduction <minimumf>, %select_n3A_1306, %reduce_min3A_1320 [1] : vector<128x128xf32> to vector<128xf32>
      %broadcast_in_dim3A_1322 = vector.shape_cast %reduce_min3A_1321 : vector<128xf32> to vector<128x1xf32>
      %reduce_min3A_1323 = arith.constant dense<0x7F800000> : vector<128xf32>
      %reduce_min3A_1324 = vector.multi_reduction <minimumf>, %select_n3A_1311, %reduce_min3A_1323 [1] : vector<128x128xf32> to vector<128xf32>
      %broadcast_in_dim3A_1325 = vector.shape_cast %reduce_min3A_1324 : vector<128xf32> to vector<128x1xf32>
      %reduce_min3A_1326 = arith.constant dense<0x7F800000> : vector<128xf32>
      %reduce_min3A_1327 = vector.multi_reduction <minimumf>, %select_n3A_1316, %reduce_min3A_1326 [1] : vector<128x128xf32> to vector<128xf32>
      %broadcast_in_dim3A_1328 = vector.shape_cast %reduce_min3A_1327 : vector<128xf32> to vector<128x1xf32>
      %eq3A_1329 = vector.broadcast %broadcast_in_dim3A_1319 : vector<128x1xf32> to vector<128x128xf32>
      %eq3A_1330 = arith.cmpf oeq, %select_n3A_1301, %eq3A_1329 : vector<128x128xf32>
      %jit3A_1331 = arith.constant 0x7F800000 : f32
      %broadcast_in_dim3A_1332 = vector.broadcast %jit3A_1331 : f32 to vector<128x128xf32>
      %select_n3A_1333 = arith.select %eq3A_1330, %concatenate3A_460, %broadcast_in_dim3A_1332 : vector<128x128xi1>, vector<128x128xf32>
      %reduce_min3A_1334 = arith.constant dense<0x7F800000> : vector<128xf32>
      %reduce_min3A_1335 = vector.multi_reduction <minimumf>, %select_n3A_1333, %reduce_min3A_1334 [1] : vector<128x128xf32> to vector<128xf32>
      %broadcast_in_dim3A_1336 = vector.shape_cast %reduce_min3A_1335 : vector<128xf32> to vector<128x1xf32>
      %eq3A_1337 = vector.broadcast %broadcast_in_dim3A_1322 : vector<128x1xf32> to vector<128x128xf32>
      %eq3A_1338 = arith.cmpf oeq, %select_n3A_1306, %eq3A_1337 : vector<128x128xf32>
      %jit3A_1339 = arith.constant 0x7F800000 : f32
      %broadcast_in_dim3A_1340 = vector.broadcast %jit3A_1339 : f32 to vector<128x128xf32>
      %select_n3A_1341 = arith.select %eq3A_1338, %concatenate3A_468, %broadcast_in_dim3A_1340 : vector<128x128xi1>, vector<128x128xf32>
      %reduce_min3A_1342 = arith.constant dense<0x7F800000> : vector<128xf32>
      %reduce_min3A_1343 = vector.multi_reduction <minimumf>, %select_n3A_1341, %reduce_min3A_1342 [1] : vector<128x128xf32> to vector<128xf32>
      %broadcast_in_dim3A_1344 = vector.shape_cast %reduce_min3A_1343 : vector<128xf32> to vector<128x1xf32>
      %eq3A_1345 = vector.broadcast %broadcast_in_dim3A_1325 : vector<128x1xf32> to vector<128x128xf32>
      %eq3A_1346 = arith.cmpf oeq, %select_n3A_1311, %eq3A_1345 : vector<128x128xf32>
      %jit3A_1347 = arith.constant 0x7F800000 : f32
      %broadcast_in_dim3A_1348 = vector.broadcast %jit3A_1347 : f32 to vector<128x128xf32>
      %select_n3A_1349 = arith.select %eq3A_1346, %concatenate3A_476, %broadcast_in_dim3A_1348 : vector<128x128xi1>, vector<128x128xf32>
      %reduce_min3A_1350 = arith.constant dense<0x7F800000> : vector<128xf32>
      %reduce_min3A_1351 = vector.multi_reduction <minimumf>, %select_n3A_1349, %reduce_min3A_1350 [1] : vector<128x128xf32> to vector<128xf32>
      %broadcast_in_dim3A_1352 = vector.shape_cast %reduce_min3A_1351 : vector<128xf32> to vector<128x1xf32>
      %eq3A_1353 = vector.broadcast %broadcast_in_dim3A_1328 : vector<128x1xf32> to vector<128x128xf32>
      %eq3A_1354 = arith.cmpf oeq, %select_n3A_1316, %eq3A_1353 : vector<128x128xf32>
      %jit3A_1355 = arith.constant 0x7F800000 : f32
      %broadcast_in_dim3A_1356 = vector.broadcast %jit3A_1355 : f32 to vector<128x128xf32>
      %select_n3A_1357 = arith.select %eq3A_1354, %concatenate3A_484, %broadcast_in_dim3A_1356 : vector<128x128xi1>, vector<128x128xf32>
      %reduce_min3A_1358 = arith.constant dense<0x7F800000> : vector<128xf32>
      %reduce_min3A_1359 = vector.multi_reduction <minimumf>, %select_n3A_1357, %reduce_min3A_1358 [1] : vector<128x128xf32> to vector<128xf32>
      %broadcast_in_dim3A_1360 = vector.shape_cast %reduce_min3A_1359 : vector<128xf32> to vector<128x1xf32>
      %eq3A_1361 = vector.broadcast %broadcast_in_dim3A_1336 : vector<128x1xf32> to vector<128x128xf32>
      %eq3A_1362 = arith.cmpf oeq, %concatenate3A_460, %eq3A_1361 : vector<128x128xf32>
      %jit3A_1363 = arith.constant 0x7F800000 : f32
      %broadcast_in_dim3A_1364 = vector.broadcast %jit3A_1363 : f32 to vector<128x128xf32>
      %select_n3A_1365 = arith.select %eq3A_1362, %broadcast_in_dim3A_1364, %select_n3A_1301 : vector<128x128xi1>, vector<128x128xf32>
      %eq3A_1366 = vector.broadcast %broadcast_in_dim3A_1344 : vector<128x1xf32> to vector<128x128xf32>
      %eq3A_1367 = arith.cmpf oeq, %concatenate3A_468, %eq3A_1366 : vector<128x128xf32>
      %jit3A_1368 = arith.constant 0x7F800000 : f32
      %broadcast_in_dim3A_1369 = vector.broadcast %jit3A_1368 : f32 to vector<128x128xf32>
      %select_n3A_1370 = arith.select %eq3A_1367, %broadcast_in_dim3A_1369, %select_n3A_1306 : vector<128x128xi1>, vector<128x128xf32>
      %eq3A_1371 = vector.broadcast %broadcast_in_dim3A_1352 : vector<128x1xf32> to vector<128x128xf32>
      %eq3A_1372 = arith.cmpf oeq, %concatenate3A_476, %eq3A_1371 : vector<128x128xf32>
      %jit3A_1373 = arith.constant 0x7F800000 : f32
      %broadcast_in_dim3A_1374 = vector.broadcast %jit3A_1373 : f32 to vector<128x128xf32>
      %select_n3A_1375 = arith.select %eq3A_1372, %broadcast_in_dim3A_1374, %select_n3A_1311 : vector<128x128xi1>, vector<128x128xf32>
      %eq3A_1376 = vector.broadcast %broadcast_in_dim3A_1360 : vector<128x1xf32> to vector<128x128xf32>
      %eq3A_1377 = arith.cmpf oeq, %concatenate3A_484, %eq3A_1376 : vector<128x128xf32>
      %jit3A_1378 = arith.constant 0x7F800000 : f32
      %broadcast_in_dim3A_1379 = vector.broadcast %jit3A_1378 : f32 to vector<128x128xf32>
      %select_n3A_1380 = arith.select %eq3A_1377, %broadcast_in_dim3A_1379, %select_n3A_1316 : vector<128x128xi1>, vector<128x128xf32>
      %reduce_min3A_1381 = arith.constant dense<0x7F800000> : vector<128xf32>
      %reduce_min3A_1382 = vector.multi_reduction <minimumf>, %select_n3A_1365, %reduce_min3A_1381 [1] : vector<128x128xf32> to vector<128xf32>
      %broadcast_in_dim3A_1383 = vector.shape_cast %reduce_min3A_1382 : vector<128xf32> to vector<128x1xf32>
      %reduce_min3A_1384 = arith.constant dense<0x7F800000> : vector<128xf32>
      %reduce_min3A_1385 = vector.multi_reduction <minimumf>, %select_n3A_1370, %reduce_min3A_1384 [1] : vector<128x128xf32> to vector<128xf32>
      %broadcast_in_dim3A_1386 = vector.shape_cast %reduce_min3A_1385 : vector<128xf32> to vector<128x1xf32>
      %reduce_min3A_1387 = arith.constant dense<0x7F800000> : vector<128xf32>
      %reduce_min3A_1388 = vector.multi_reduction <minimumf>, %select_n3A_1375, %reduce_min3A_1387 [1] : vector<128x128xf32> to vector<128xf32>
      %broadcast_in_dim3A_1389 = vector.shape_cast %reduce_min3A_1388 : vector<128xf32> to vector<128x1xf32>
      %reduce_min3A_1390 = arith.constant dense<0x7F800000> : vector<128xf32>
      %reduce_min3A_1391 = vector.multi_reduction <minimumf>, %select_n3A_1380, %reduce_min3A_1390 [1] : vector<128x128xf32> to vector<128xf32>
      %broadcast_in_dim3A_1392 = vector.shape_cast %reduce_min3A_1391 : vector<128xf32> to vector<128x1xf32>
      %eq3A_1393 = vector.broadcast %broadcast_in_dim3A_1383 : vector<128x1xf32> to vector<128x128xf32>
      %eq3A_1394 = arith.cmpf oeq, %select_n3A_1365, %eq3A_1393 : vector<128x128xf32>
      %jit3A_1395 = arith.constant 0x7F800000 : f32
      %broadcast_in_dim3A_1396 = vector.broadcast %jit3A_1395 : f32 to vector<128x128xf32>
      %select_n3A_1397 = arith.select %eq3A_1394, %concatenate3A_460, %broadcast_in_dim3A_1396 : vector<128x128xi1>, vector<128x128xf32>
      %reduce_min3A_1398 = arith.constant dense<0x7F800000> : vector<128xf32>
      %reduce_min3A_1399 = vector.multi_reduction <minimumf>, %select_n3A_1397, %reduce_min3A_1398 [1] : vector<128x128xf32> to vector<128xf32>
      %broadcast_in_dim3A_1400 = vector.shape_cast %reduce_min3A_1399 : vector<128xf32> to vector<128x1xf32>
      %eq3A_1401 = vector.broadcast %broadcast_in_dim3A_1386 : vector<128x1xf32> to vector<128x128xf32>
      %eq3A_1402 = arith.cmpf oeq, %select_n3A_1370, %eq3A_1401 : vector<128x128xf32>
      %jit3A_1403 = arith.constant 0x7F800000 : f32
      %broadcast_in_dim3A_1404 = vector.broadcast %jit3A_1403 : f32 to vector<128x128xf32>
      %select_n3A_1405 = arith.select %eq3A_1402, %concatenate3A_468, %broadcast_in_dim3A_1404 : vector<128x128xi1>, vector<128x128xf32>
      %reduce_min3A_1406 = arith.constant dense<0x7F800000> : vector<128xf32>
      %reduce_min3A_1407 = vector.multi_reduction <minimumf>, %select_n3A_1405, %reduce_min3A_1406 [1] : vector<128x128xf32> to vector<128xf32>
      %broadcast_in_dim3A_1408 = vector.shape_cast %reduce_min3A_1407 : vector<128xf32> to vector<128x1xf32>
      %eq3A_1409 = vector.broadcast %broadcast_in_dim3A_1389 : vector<128x1xf32> to vector<128x128xf32>
      %eq3A_1410 = arith.cmpf oeq, %select_n3A_1375, %eq3A_1409 : vector<128x128xf32>
      %jit3A_1411 = arith.constant 0x7F800000 : f32
      %broadcast_in_dim3A_1412 = vector.broadcast %jit3A_1411 : f32 to vector<128x128xf32>
      %select_n3A_1413 = arith.select %eq3A_1410, %concatenate3A_476, %broadcast_in_dim3A_1412 : vector<128x128xi1>, vector<128x128xf32>
      %reduce_min3A_1414 = arith.constant dense<0x7F800000> : vector<128xf32>
      %reduce_min3A_1415 = vector.multi_reduction <minimumf>, %select_n3A_1413, %reduce_min3A_1414 [1] : vector<128x128xf32> to vector<128xf32>
      %broadcast_in_dim3A_1416 = vector.shape_cast %reduce_min3A_1415 : vector<128xf32> to vector<128x1xf32>
      %eq3A_1417 = vector.broadcast %broadcast_in_dim3A_1392 : vector<128x1xf32> to vector<128x128xf32>
      %eq3A_1418 = arith.cmpf oeq, %select_n3A_1380, %eq3A_1417 : vector<128x128xf32>
      %jit3A_1419 = arith.constant 0x7F800000 : f32
      %broadcast_in_dim3A_1420 = vector.broadcast %jit3A_1419 : f32 to vector<128x128xf32>
      %select_n3A_1421 = arith.select %eq3A_1418, %concatenate3A_484, %broadcast_in_dim3A_1420 : vector<128x128xi1>, vector<128x128xf32>
      %reduce_min3A_1422 = arith.constant dense<0x7F800000> : vector<128xf32>
      %reduce_min3A_1423 = vector.multi_reduction <minimumf>, %select_n3A_1421, %reduce_min3A_1422 [1] : vector<128x128xf32> to vector<128xf32>
      %broadcast_in_dim3A_1424 = vector.shape_cast %reduce_min3A_1423 : vector<128xf32> to vector<128x1xf32>
      %eq3A_1425 = vector.broadcast %broadcast_in_dim3A_1400 : vector<128x1xf32> to vector<128x128xf32>
      %eq3A_1426 = arith.cmpf oeq, %concatenate3A_460, %eq3A_1425 : vector<128x128xf32>
      %jit3A_1427 = arith.constant 0x7F800000 : f32
      %broadcast_in_dim3A_1428 = vector.broadcast %jit3A_1427 : f32 to vector<128x128xf32>
      %select_n3A_1429 = arith.select %eq3A_1426, %broadcast_in_dim3A_1428, %select_n3A_1365 : vector<128x128xi1>, vector<128x128xf32>
      %eq3A_1430 = vector.broadcast %broadcast_in_dim3A_1408 : vector<128x1xf32> to vector<128x128xf32>
      %eq3A_1431 = arith.cmpf oeq, %concatenate3A_468, %eq3A_1430 : vector<128x128xf32>
      %jit3A_1432 = arith.constant 0x7F800000 : f32
      %broadcast_in_dim3A_1433 = vector.broadcast %jit3A_1432 : f32 to vector<128x128xf32>
      %select_n3A_1434 = arith.select %eq3A_1431, %broadcast_in_dim3A_1433, %select_n3A_1370 : vector<128x128xi1>, vector<128x128xf32>
      %eq3A_1435 = vector.broadcast %broadcast_in_dim3A_1416 : vector<128x1xf32> to vector<128x128xf32>
      %eq3A_1436 = arith.cmpf oeq, %concatenate3A_476, %eq3A_1435 : vector<128x128xf32>
      %jit3A_1437 = arith.constant 0x7F800000 : f32
      %broadcast_in_dim3A_1438 = vector.broadcast %jit3A_1437 : f32 to vector<128x128xf32>
      %select_n3A_1439 = arith.select %eq3A_1436, %broadcast_in_dim3A_1438, %select_n3A_1375 : vector<128x128xi1>, vector<128x128xf32>
      %eq3A_1440 = vector.broadcast %broadcast_in_dim3A_1424 : vector<128x1xf32> to vector<128x128xf32>
      %eq3A_1441 = arith.cmpf oeq, %concatenate3A_484, %eq3A_1440 : vector<128x128xf32>
      %jit3A_1442 = arith.constant 0x7F800000 : f32
      %broadcast_in_dim3A_1443 = vector.broadcast %jit3A_1442 : f32 to vector<128x128xf32>
      %select_n3A_1444 = arith.select %eq3A_1441, %broadcast_in_dim3A_1443, %select_n3A_1380 : vector<128x128xi1>, vector<128x128xf32>
      %reduce_min3A_1445 = arith.constant dense<0x7F800000> : vector<128xf32>
      %reduce_min3A_1446 = vector.multi_reduction <minimumf>, %select_n3A_1429, %reduce_min3A_1445 [1] : vector<128x128xf32> to vector<128xf32>
      %broadcast_in_dim3A_1447 = vector.shape_cast %reduce_min3A_1446 : vector<128xf32> to vector<128x1xf32>
      %reduce_min3A_1448 = arith.constant dense<0x7F800000> : vector<128xf32>
      %reduce_min3A_1449 = vector.multi_reduction <minimumf>, %select_n3A_1434, %reduce_min3A_1448 [1] : vector<128x128xf32> to vector<128xf32>
      %broadcast_in_dim3A_1450 = vector.shape_cast %reduce_min3A_1449 : vector<128xf32> to vector<128x1xf32>
      %reduce_min3A_1451 = arith.constant dense<0x7F800000> : vector<128xf32>
      %reduce_min3A_1452 = vector.multi_reduction <minimumf>, %select_n3A_1439, %reduce_min3A_1451 [1] : vector<128x128xf32> to vector<128xf32>
      %broadcast_in_dim3A_1453 = vector.shape_cast %reduce_min3A_1452 : vector<128xf32> to vector<128x1xf32>
      %reduce_min3A_1454 = arith.constant dense<0x7F800000> : vector<128xf32>
      %reduce_min3A_1455 = vector.multi_reduction <minimumf>, %select_n3A_1444, %reduce_min3A_1454 [1] : vector<128x128xf32> to vector<128xf32>
      %broadcast_in_dim3A_1456 = vector.shape_cast %reduce_min3A_1455 : vector<128xf32> to vector<128x1xf32>
      %eq3A_1457 = vector.broadcast %broadcast_in_dim3A_1447 : vector<128x1xf32> to vector<128x128xf32>
      %eq3A_1458 = arith.cmpf oeq, %select_n3A_1429, %eq3A_1457 : vector<128x128xf32>
      %jit3A_1459 = arith.constant 0x7F800000 : f32
      %broadcast_in_dim3A_1460 = vector.broadcast %jit3A_1459 : f32 to vector<128x128xf32>
      %select_n3A_1461 = arith.select %eq3A_1458, %concatenate3A_460, %broadcast_in_dim3A_1460 : vector<128x128xi1>, vector<128x128xf32>
      %reduce_min3A_1462 = arith.constant dense<0x7F800000> : vector<128xf32>
      %reduce_min3A_1463 = vector.multi_reduction <minimumf>, %select_n3A_1461, %reduce_min3A_1462 [1] : vector<128x128xf32> to vector<128xf32>
      %broadcast_in_dim3A_1464 = vector.shape_cast %reduce_min3A_1463 : vector<128xf32> to vector<128x1xf32>
      %eq3A_1465 = vector.broadcast %broadcast_in_dim3A_1450 : vector<128x1xf32> to vector<128x128xf32>
      %eq3A_1466 = arith.cmpf oeq, %select_n3A_1434, %eq3A_1465 : vector<128x128xf32>
      %jit3A_1467 = arith.constant 0x7F800000 : f32
      %broadcast_in_dim3A_1468 = vector.broadcast %jit3A_1467 : f32 to vector<128x128xf32>
      %select_n3A_1469 = arith.select %eq3A_1466, %concatenate3A_468, %broadcast_in_dim3A_1468 : vector<128x128xi1>, vector<128x128xf32>
      %reduce_min3A_1470 = arith.constant dense<0x7F800000> : vector<128xf32>
      %reduce_min3A_1471 = vector.multi_reduction <minimumf>, %select_n3A_1469, %reduce_min3A_1470 [1] : vector<128x128xf32> to vector<128xf32>
      %broadcast_in_dim3A_1472 = vector.shape_cast %reduce_min3A_1471 : vector<128xf32> to vector<128x1xf32>
      %eq3A_1473 = vector.broadcast %broadcast_in_dim3A_1453 : vector<128x1xf32> to vector<128x128xf32>
      %eq3A_1474 = arith.cmpf oeq, %select_n3A_1439, %eq3A_1473 : vector<128x128xf32>
      %jit3A_1475 = arith.constant 0x7F800000 : f32
      %broadcast_in_dim3A_1476 = vector.broadcast %jit3A_1475 : f32 to vector<128x128xf32>
      %select_n3A_1477 = arith.select %eq3A_1474, %concatenate3A_476, %broadcast_in_dim3A_1476 : vector<128x128xi1>, vector<128x128xf32>
      %reduce_min3A_1478 = arith.constant dense<0x7F800000> : vector<128xf32>
      %reduce_min3A_1479 = vector.multi_reduction <minimumf>, %select_n3A_1477, %reduce_min3A_1478 [1] : vector<128x128xf32> to vector<128xf32>
      %broadcast_in_dim3A_1480 = vector.shape_cast %reduce_min3A_1479 : vector<128xf32> to vector<128x1xf32>
      %eq3A_1481 = vector.broadcast %broadcast_in_dim3A_1456 : vector<128x1xf32> to vector<128x128xf32>
      %eq3A_1482 = arith.cmpf oeq, %select_n3A_1444, %eq3A_1481 : vector<128x128xf32>
      %jit3A_1483 = arith.constant 0x7F800000 : f32
      %broadcast_in_dim3A_1484 = vector.broadcast %jit3A_1483 : f32 to vector<128x128xf32>
      %select_n3A_1485 = arith.select %eq3A_1482, %concatenate3A_484, %broadcast_in_dim3A_1484 : vector<128x128xi1>, vector<128x128xf32>
      %reduce_min3A_1486 = arith.constant dense<0x7F800000> : vector<128xf32>
      %reduce_min3A_1487 = vector.multi_reduction <minimumf>, %select_n3A_1485, %reduce_min3A_1486 [1] : vector<128x128xf32> to vector<128xf32>
      %broadcast_in_dim3A_1488 = vector.shape_cast %reduce_min3A_1487 : vector<128xf32> to vector<128x1xf32>
      %eq3A_1489 = vector.broadcast %broadcast_in_dim3A_1464 : vector<128x1xf32> to vector<128x128xf32>
      %eq3A_1490 = arith.cmpf oeq, %concatenate3A_460, %eq3A_1489 : vector<128x128xf32>
      %jit3A_1491 = arith.constant 0x7F800000 : f32
      %broadcast_in_dim3A_1492 = vector.broadcast %jit3A_1491 : f32 to vector<128x128xf32>
      %select_n3A_1493 = arith.select %eq3A_1490, %broadcast_in_dim3A_1492, %select_n3A_1429 : vector<128x128xi1>, vector<128x128xf32>
      %eq3A_1494 = vector.broadcast %broadcast_in_dim3A_1472 : vector<128x1xf32> to vector<128x128xf32>
      %eq3A_1495 = arith.cmpf oeq, %concatenate3A_468, %eq3A_1494 : vector<128x128xf32>
      %jit3A_1496 = arith.constant 0x7F800000 : f32
      %broadcast_in_dim3A_1497 = vector.broadcast %jit3A_1496 : f32 to vector<128x128xf32>
      %select_n3A_1498 = arith.select %eq3A_1495, %broadcast_in_dim3A_1497, %select_n3A_1434 : vector<128x128xi1>, vector<128x128xf32>
      %eq3A_1499 = vector.broadcast %broadcast_in_dim3A_1480 : vector<128x1xf32> to vector<128x128xf32>
      %eq3A_1500 = arith.cmpf oeq, %concatenate3A_476, %eq3A_1499 : vector<128x128xf32>
      %jit3A_1501 = arith.constant 0x7F800000 : f32
      %broadcast_in_dim3A_1502 = vector.broadcast %jit3A_1501 : f32 to vector<128x128xf32>
      %select_n3A_1503 = arith.select %eq3A_1500, %broadcast_in_dim3A_1502, %select_n3A_1439 : vector<128x128xi1>, vector<128x128xf32>
      %eq3A_1504 = vector.broadcast %broadcast_in_dim3A_1488 : vector<128x1xf32> to vector<128x128xf32>
      %eq3A_1505 = arith.cmpf oeq, %concatenate3A_484, %eq3A_1504 : vector<128x128xf32>
      %jit3A_1506 = arith.constant 0x7F800000 : f32
      %broadcast_in_dim3A_1507 = vector.broadcast %jit3A_1506 : f32 to vector<128x128xf32>
      %select_n3A_1508 = arith.select %eq3A_1505, %broadcast_in_dim3A_1507, %select_n3A_1444 : vector<128x128xi1>, vector<128x128xf32>
      %concatenate3A_1509 = tpu.concatenate %broadcast_in_dim3A_487, %broadcast_in_dim3A_551, %broadcast_in_dim3A_615, %broadcast_in_dim3A_679, %broadcast_in_dim3A_743, %broadcast_in_dim3A_807, %broadcast_in_dim3A_871, %broadcast_in_dim3A_935, %broadcast_in_dim3A_999, %broadcast_in_dim3A_1063, %broadcast_in_dim3A_1127, %broadcast_in_dim3A_1191, %broadcast_in_dim3A_1255, %broadcast_in_dim3A_1319, %broadcast_in_dim3A_1383, %broadcast_in_dim3A_1447 in 1 : vector<128x1xf32>, vector<128x1xf32>, vector<128x1xf32>, vector<128x1xf32>, vector<128x1xf32>, vector<128x1xf32>, vector<128x1xf32>, vector<128x1xf32>, vector<128x1xf32>, vector<128x1xf32>, vector<128x1xf32>, vector<128x1xf32>, vector<128x1xf32>, vector<128x1xf32>, vector<128x1xf32>, vector<128x1xf32> -> vector<128x16xf32>
      %concatenate3A_1510 = tpu.concatenate %broadcast_in_dim3A_490, %broadcast_in_dim3A_554, %broadcast_in_dim3A_618, %broadcast_in_dim3A_682, %broadcast_in_dim3A_746, %broadcast_in_dim3A_810, %broadcast_in_dim3A_874, %broadcast_in_dim3A_938, %broadcast_in_dim3A_1002, %broadcast_in_dim3A_1066, %broadcast_in_dim3A_1130, %broadcast_in_dim3A_1194, %broadcast_in_dim3A_1258, %broadcast_in_dim3A_1322, %broadcast_in_dim3A_1386, %broadcast_in_dim3A_1450 in 1 : vector<128x1xf32>, vector<128x1xf32>, vector<128x1xf32>, vector<128x1xf32>, vector<128x1xf32>, vector<128x1xf32>, vector<128x1xf32>, vector<128x1xf32>, vector<128x1xf32>, vector<128x1xf32>, vector<128x1xf32>, vector<128x1xf32>, vector<128x1xf32>, vector<128x1xf32>, vector<128x1xf32>, vector<128x1xf32> -> vector<128x16xf32>
      %concatenate3A_1511 = tpu.concatenate %broadcast_in_dim3A_493, %broadcast_in_dim3A_557, %broadcast_in_dim3A_621, %broadcast_in_dim3A_685, %broadcast_in_dim3A_749, %broadcast_in_dim3A_813, %broadcast_in_dim3A_877, %broadcast_in_dim3A_941, %broadcast_in_dim3A_1005, %broadcast_in_dim3A_1069, %broadcast_in_dim3A_1133, %broadcast_in_dim3A_1197, %broadcast_in_dim3A_1261, %broadcast_in_dim3A_1325, %broadcast_in_dim3A_1389, %broadcast_in_dim3A_1453 in 1 : vector<128x1xf32>, vector<128x1xf32>, vector<128x1xf32>, vector<128x1xf32>, vector<128x1xf32>, vector<128x1xf32>, vector<128x1xf32>, vector<128x1xf32>, vector<128x1xf32>, vector<128x1xf32>, vector<128x1xf32>, vector<128x1xf32>, vector<128x1xf32>, vector<128x1xf32>, vector<128x1xf32>, vector<128x1xf32> -> vector<128x16xf32>
      %concatenate3A_1512 = tpu.concatenate %broadcast_in_dim3A_496, %broadcast_in_dim3A_560, %broadcast_in_dim3A_624, %broadcast_in_dim3A_688, %broadcast_in_dim3A_752, %broadcast_in_dim3A_816, %broadcast_in_dim3A_880, %broadcast_in_dim3A_944, %broadcast_in_dim3A_1008, %broadcast_in_dim3A_1072, %broadcast_in_dim3A_1136, %broadcast_in_dim3A_1200, %broadcast_in_dim3A_1264, %broadcast_in_dim3A_1328, %broadcast_in_dim3A_1392, %broadcast_in_dim3A_1456 in 1 : vector<128x1xf32>, vector<128x1xf32>, vector<128x1xf32>, vector<128x1xf32>, vector<128x1xf32>, vector<128x1xf32>, vector<128x1xf32>, vector<128x1xf32>, vector<128x1xf32>, vector<128x1xf32>, vector<128x1xf32>, vector<128x1xf32>, vector<128x1xf32>, vector<128x1xf32>, vector<128x1xf32>, vector<128x1xf32> -> vector<128x16xf32>
      %concatenate3A_1513 = tpu.concatenate %broadcast_in_dim3A_504, %broadcast_in_dim3A_568, %broadcast_in_dim3A_632, %broadcast_in_dim3A_696, %broadcast_in_dim3A_760, %broadcast_in_dim3A_824, %broadcast_in_dim3A_888, %broadcast_in_dim3A_952, %broadcast_in_dim3A_1016, %broadcast_in_dim3A_1080, %broadcast_in_dim3A_1144, %broadcast_in_dim3A_1208, %broadcast_in_dim3A_1272, %broadcast_in_dim3A_1336, %broadcast_in_dim3A_1400, %broadcast_in_dim3A_1464 in 1 : vector<128x1xf32>, vector<128x1xf32>, vector<128x1xf32>, vector<128x1xf32>, vector<128x1xf32>, vector<128x1xf32>, vector<128x1xf32>, vector<128x1xf32>, vector<128x1xf32>, vector<128x1xf32>, vector<128x1xf32>, vector<128x1xf32>, vector<128x1xf32>, vector<128x1xf32>, vector<128x1xf32>, vector<128x1xf32> -> vector<128x16xf32>
      %concatenate3A_1514 = tpu.concatenate %broadcast_in_dim3A_512, %broadcast_in_dim3A_576, %broadcast_in_dim3A_640, %broadcast_in_dim3A_704, %broadcast_in_dim3A_768, %broadcast_in_dim3A_832, %broadcast_in_dim3A_896, %broadcast_in_dim3A_960, %broadcast_in_dim3A_1024, %broadcast_in_dim3A_1088, %broadcast_in_dim3A_1152, %broadcast_in_dim3A_1216, %broadcast_in_dim3A_1280, %broadcast_in_dim3A_1344, %broadcast_in_dim3A_1408, %broadcast_in_dim3A_1472 in 1 : vector<128x1xf32>, vector<128x1xf32>, vector<128x1xf32>, vector<128x1xf32>, vector<128x1xf32>, vector<128x1xf32>, vector<128x1xf32>, vector<128x1xf32>, vector<128x1xf32>, vector<128x1xf32>, vector<128x1xf32>, vector<128x1xf32>, vector<128x1xf32>, vector<128x1xf32>, vector<128x1xf32>, vector<128x1xf32> -> vector<128x16xf32>
      %concatenate3A_1515 = tpu.concatenate %broadcast_in_dim3A_520, %broadcast_in_dim3A_584, %broadcast_in_dim3A_648, %broadcast_in_dim3A_712, %broadcast_in_dim3A_776, %broadcast_in_dim3A_840, %broadcast_in_dim3A_904, %broadcast_in_dim3A_968, %broadcast_in_dim3A_1032, %broadcast_in_dim3A_1096, %broadcast_in_dim3A_1160, %broadcast_in_dim3A_1224, %broadcast_in_dim3A_1288, %broadcast_in_dim3A_1352, %broadcast_in_dim3A_1416, %broadcast_in_dim3A_1480 in 1 : vector<128x1xf32>, vector<128x1xf32>, vector<128x1xf32>, vector<128x1xf32>, vector<128x1xf32>, vector<128x1xf32>, vector<128x1xf32>, vector<128x1xf32>, vector<128x1xf32>, vector<128x1xf32>, vector<128x1xf32>, vector<128x1xf32>, vector<128x1xf32>, vector<128x1xf32>, vector<128x1xf32>, vector<128x1xf32> -> vector<128x16xf32>
      %concatenate3A_1516 = tpu.concatenate %broadcast_in_dim3A_528, %broadcast_in_dim3A_592, %broadcast_in_dim3A_656, %broadcast_in_dim3A_720, %broadcast_in_dim3A_784, %broadcast_in_dim3A_848, %broadcast_in_dim3A_912, %broadcast_in_dim3A_976, %broadcast_in_dim3A_1040, %broadcast_in_dim3A_1104, %broadcast_in_dim3A_1168, %broadcast_in_dim3A_1232, %broadcast_in_dim3A_1296, %broadcast_in_dim3A_1360, %broadcast_in_dim3A_1424, %broadcast_in_dim3A_1488 in 1 : vector<128x1xf32>, vector<128x1xf32>, vector<128x1xf32>, vector<128x1xf32>, vector<128x1xf32>, vector<128x1xf32>, vector<128x1xf32>, vector<128x1xf32>, vector<128x1xf32>, vector<128x1xf32>, vector<128x1xf32>, vector<128x1xf32>, vector<128x1xf32>, vector<128x1xf32>, vector<128x1xf32>, vector<128x1xf32> -> vector<128x16xf32>
      scf.yield %concatenate3A_1509, %concatenate3A_1510, %concatenate3A_1511, %concatenate3A_1512, %concatenate3A_1513, %concatenate3A_1514, %concatenate3A_1515, %concatenate3A_1516 : vector<128x16xf32>, vector<128x16xf32>, vector<128x16xf32>, vector<128x16xf32>, vector<128x16xf32>, vector<128x16xf32>, vector<128x16xf32>, vector<128x16xf32>
    }
    %while3A_35 = arith.constant 1 : i32
    %while3A_36:8 = scf.for %while3A_398 = %while3A_32 to %while3A_28 step %while3A_35 iter_args(%while3A_399 = %while3A_34#0, %while3A_400 = %while3A_34#1, %while3A_401 = %while3A_34#2, %while3A_402 = %while3A_34#3, %while3A_403 = %while3A_34#4, %while3A_404 = %while3A_34#5, %while3A_405 = %while3A_34#6, %while3A_406 = %while3A_34#7) -> (vector<128x16xf32>, vector<128x16xf32>, vector<128x16xf32>, vector<128x16xf32>, vector<128x16xf32>, vector<128x16xf32>, vector<128x16xf32>, vector<128x16xf32>)  : i32 {
      %get3A_407 = arith.index_cast %while3A_398 : i32 to index
      %get3A_408 = arith.constant 0 : index
      %get3A_409 = arith.constant 0 : index
      %get3A_410 = vector.load %arg4[%get3A_407, %get3A_408, %get3A_409] : memref<19x3x448xf32, #tpu.memory_space<vmem>>, vector<1x1x448xf32>
      %get3A_411 = vector.shape_cast %get3A_410 : vector<1x1x448xf32> to vector<1x448xf32>
      %get3A_412 = arith.index_cast %while3A_398 : i32 to index
      %get3A_413 = arith.constant 1 : index
      %get3A_414 = arith.constant 0 : index
      %get3A_415 = vector.load %arg4[%get3A_412, %get3A_413, %get3A_414] : memref<19x3x448xf32, #tpu.memory_space<vmem>>, vector<1x1x448xf32>
      %get3A_416 = vector.shape_cast %get3A_415 : vector<1x1x448xf32> to vector<1x448xf32>
      %get3A_417 = arith.index_cast %while3A_398 : i32 to index
      %get3A_418 = arith.constant 2 : index
      %get3A_419 = arith.constant 0 : index
      %get3A_420 = vector.load %arg4[%get3A_417, %get3A_418, %get3A_419] : memref<19x3x448xf32, #tpu.memory_space<vmem>>, vector<1x1x448xf32>
      %get3A_421 = vector.shape_cast %get3A_420 : vector<1x1x448xf32> to vector<1x448xf32>
      %get3A_422 = arith.index_cast %while3A_398 : i32 to index
      %get3A_423 = arith.constant 0 : index
      %get3A_424 = arith.constant 0 : index
      %get3A_425 = vector.load %arg6[%get3A_422, %get3A_423, %get3A_424] : memref<19x1x448xi32, #tpu.memory_space<vmem>>, vector<1x1x448xi32>
      %get3A_426 = vector.shape_cast %get3A_425 : vector<1x1x448xi32> to vector<1x448xi32>
      %sub3A = vector.broadcast %get3A_411 : vector<1x448xf32> to vector<128x448xf32>
      %sub3A_427 = vector.broadcast %slice3A : vector<128x1xf32> to vector<128x448xf32>
      %sub3A_428 = arith.subf %sub3A, %sub3A_427 : vector<128x448xf32>
      %sub3A_429 = vector.broadcast %get3A_416 : vector<1x448xf32> to vector<128x448xf32>
      %sub3A_430 = vector.broadcast %slice3A_2 : vector<128x1xf32> to vector<128x448xf32>
      %sub3A_431 = arith.subf %sub3A_429, %sub3A_430 : vector<128x448xf32>
      %sub3A_432 = vector.broadcast %get3A_421 : vector<1x448xf32> to vector<128x448xf32>
      %sub3A_433 = vector.broadcast %slice3A_3 : vector<128x1xf32> to vector<128x448xf32>
      %sub3A_434 = arith.subf %sub3A_432, %sub3A_433 : vector<128x448xf32>
      %mul3A_435 = arith.mulf %sub3A_428, %sub3A_428 : vector<128x448xf32>
      %mul3A_436 = arith.mulf %sub3A_431, %sub3A_431 : vector<128x448xf32>
      %add3A_437 = arith.addf %mul3A_435, %mul3A_436 : vector<128x448xf32>
      %mul3A_438 = arith.mulf %sub3A_434, %sub3A_434 : vector<128x448xf32>
      %add3A_439 = arith.addf %add3A_437, %mul3A_438 : vector<128x448xf32>
      %ne3A = vector.broadcast %get3A_426 : vector<1x448xi32> to vector<128x448xi32>
      %ne3A_440 = vector.broadcast %get3A_6 : vector<128x1xi32> to vector<128x448xi32>
      %ne3A_441 = arith.cmpi ne, %ne3A, %ne3A_440 : vector<128x448xi32>
      %jit3A_442 = arith.constant 0x7F800000 : f32
      %broadcast_in_dim3A_443 = vector.broadcast %jit3A_442 : f32 to vector<128x448xf32>
      %select_n3A_444 = arith.select %ne3A_441, %broadcast_in_dim3A_443, %add3A_439 : vector<128x448xi1>, vector<128x448xf32>
      %slice3A_445 = vector.extract_strided_slice %select_n3A_444 {offsets = [0, 0], sizes = [128, 112], strides = [1, 1]} : vector<128x448xf32> to vector<128x112xf32>
      %concatenate3A_446 = tpu.concatenate %while3A_399, %slice3A_445 in 1 : vector<128x16xf32>, vector<128x112xf32> -> vector<128x128xf32>
      %slice3A_447 = vector.extract_strided_slice %select_n3A_444 {offsets = [0, 112], sizes = [128, 112], strides = [1, 1]} : vector<128x448xf32> to vector<128x112xf32>
      %concatenate3A_448 = tpu.concatenate %while3A_400, %slice3A_447 in 1 : vector<128x16xf32>, vector<128x112xf32> -> vector<128x128xf32>
      %slice3A_449 = vector.extract_strided_slice %select_n3A_444 {offsets = [0, 224], sizes = [128, 112], strides = [1, 1]} : vector<128x448xf32> to vector<128x112xf32>
      %concatenate3A_450 = tpu.concatenate %while3A_401, %slice3A_449 in 1 : vector<128x16xf32>, vector<128x112xf32> -> vector<128x128xf32>
      %slice3A_451 = vector.extract_strided_slice %select_n3A_444 {offsets = [0, 336], sizes = [128, 112], strides = [1, 1]} : vector<128x448xf32> to vector<128x112xf32>
      %concatenate3A_452 = tpu.concatenate %while3A_402, %slice3A_451 in 1 : vector<128x16xf32>, vector<128x112xf32> -> vector<128x128xf32>
      %mul3A_453 = arith.constant 448 : i32
      %mul3A_454 = arith.muli %while3A_398, %mul3A_453 : i32
      %add3A_455 = arith.constant 0 : i32
      %add3A_456 = arith.addi %mul3A_454, %add3A_455 : i32
      %convert_element_type3A_457 = arith.sitofp %add3A_456 : i32 to f32
      %add3A_458 = vector.broadcast %convert_element_type3A_457 : f32 to vector<128x112xf32>
      %add3A_459 = arith.addf %convert_element_type3A, %add3A_458 : vector<128x112xf32>
      %concatenate3A_460 = tpu.concatenate %while3A_403, %add3A_459 in 1 : vector<128x16xf32>, vector<128x112xf32> -> vector<128x128xf32>
      %mul3A_461 = arith.constant 448 : i32
      %mul3A_462 = arith.muli %while3A_398, %mul3A_461 : i32
      %add3A_463 = arith.constant 112 : i32
      %add3A_464 = arith.addi %mul3A_462, %add3A_463 : i32
      %convert_element_type3A_465 = arith.sitofp %add3A_464 : i32 to f32
      %add3A_466 = vector.broadcast %convert_element_type3A_465 : f32 to vector<128x112xf32>
      %add3A_467 = arith.addf %convert_element_type3A, %add3A_466 : vector<128x112xf32>
      %concatenate3A_468 = tpu.concatenate %while3A_404, %add3A_467 in 1 : vector<128x16xf32>, vector<128x112xf32> -> vector<128x128xf32>
      %mul3A_469 = arith.constant 448 : i32
      %mul3A_470 = arith.muli %while3A_398, %mul3A_469 : i32
      %add3A_471 = arith.constant 224 : i32
      %add3A_472 = arith.addi %mul3A_470, %add3A_471 : i32
      %convert_element_type3A_473 = arith.sitofp %add3A_472 : i32 to f32
      %add3A_474 = vector.broadcast %convert_element_type3A_473 : f32 to vector<128x112xf32>
      %add3A_475 = arith.addf %convert_element_type3A, %add3A_474 : vector<128x112xf32>
      %concatenate3A_476 = tpu.concatenate %while3A_405, %add3A_475 in 1 : vector<128x16xf32>, vector<128x112xf32> -> vector<128x128xf32>
      %mul3A_477 = arith.constant 448 : i32
      %mul3A_478 = arith.muli %while3A_398, %mul3A_477 : i32
      %add3A_479 = arith.constant 336 : i32
      %add3A_480 = arith.addi %mul3A_478, %add3A_479 : i32
      %convert_element_type3A_481 = arith.sitofp %add3A_480 : i32 to f32
      %add3A_482 = vector.broadcast %convert_element_type3A_481 : f32 to vector<128x112xf32>
      %add3A_483 = arith.addf %convert_element_type3A, %add3A_482 : vector<128x112xf32>
      %concatenate3A_484 = tpu.concatenate %while3A_406, %add3A_483 in 1 : vector<128x16xf32>, vector<128x112xf32> -> vector<128x128xf32>
      %reduce_min3A_485 = arith.constant dense<0x7F800000> : vector<128xf32>
      %reduce_min3A_486 = vector.multi_reduction <minimumf>, %concatenate3A_446, %reduce_min3A_485 [1] : vector<128x128xf32> to vector<128xf32>
      %broadcast_in_dim3A_487 = vector.shape_cast %reduce_min3A_486 : vector<128xf32> to vector<128x1xf32>
      %reduce_min3A_488 = arith.constant dense<0x7F800000> : vector<128xf32>
      %reduce_min3A_489 = vector.multi_reduction <minimumf>, %concatenate3A_448, %reduce_min3A_488 [1] : vector<128x128xf32> to vector<128xf32>
      %broadcast_in_dim3A_490 = vector.shape_cast %reduce_min3A_489 : vector<128xf32> to vector<128x1xf32>
      %reduce_min3A_491 = arith.constant dense<0x7F800000> : vector<128xf32>
      %reduce_min3A_492 = vector.multi_reduction <minimumf>, %concatenate3A_450, %reduce_min3A_491 [1] : vector<128x128xf32> to vector<128xf32>
      %broadcast_in_dim3A_493 = vector.shape_cast %reduce_min3A_492 : vector<128xf32> to vector<128x1xf32>
      %reduce_min3A_494 = arith.constant dense<0x7F800000> : vector<128xf32>
      %reduce_min3A_495 = vector.multi_reduction <minimumf>, %concatenate3A_452, %reduce_min3A_494 [1] : vector<128x128xf32> to vector<128xf32>
      %broadcast_in_dim3A_496 = vector.shape_cast %reduce_min3A_495 : vector<128xf32> to vector<128x1xf32>
      %eq3A_497 = vector.broadcast %broadcast_in_dim3A_487 : vector<128x1xf32> to vector<128x128xf32>
      %eq3A_498 = arith.cmpf oeq, %concatenate3A_446, %eq3A_497 : vector<128x128xf32>
      %jit3A_499 = arith.constant 0x7F800000 : f32
      %broadcast_in_dim3A_500 = vector.broadcast %jit3A_499 : f32 to vector<128x128xf32>
      %select_n3A_501 = arith.select %eq3A_498, %concatenate3A_460, %broadcast_in_dim3A_500 : vector<128x128xi1>, vector<128x128xf32>
      %reduce_min3A_502 = arith.constant dense<0x7F800000> : vector<128xf32>
      %reduce_min3A_503 = vector.multi_reduction <minimumf>, %select_n3A_501, %reduce_min3A_502 [1] : vector<128x128xf32> to vector<128xf32>
      %broadcast_in_dim3A_504 = vector.shape_cast %reduce_min3A_503 : vector<128xf32> to vector<128x1xf32>
      %eq3A_505 = vector.broadcast %broadcast_in_dim3A_490 : vector<128x1xf32> to vector<128x128xf32>
      %eq3A_506 = arith.cmpf oeq, %concatenate3A_448, %eq3A_505 : vector<128x128xf32>
      %jit3A_507 = arith.constant 0x7F800000 : f32
      %broadcast_in_dim3A_508 = vector.broadcast %jit3A_507 : f32 to vector<128x128xf32>
      %select_n3A_509 = arith.select %eq3A_506, %concatenate3A_468, %broadcast_in_dim3A_508 : vector<128x128xi1>, vector<128x128xf32>
      %reduce_min3A_510 = arith.constant dense<0x7F800000> : vector<128xf32>
      %reduce_min3A_511 = vector.multi_reduction <minimumf>, %select_n3A_509, %reduce_min3A_510 [1] : vector<128x128xf32> to vector<128xf32>
      %broadcast_in_dim3A_512 = vector.shape_cast %reduce_min3A_511 : vector<128xf32> to vector<128x1xf32>
      %eq3A_513 = vector.broadcast %broadcast_in_dim3A_493 : vector<128x1xf32> to vector<128x128xf32>
      %eq3A_514 = arith.cmpf oeq, %concatenate3A_450, %eq3A_513 : vector<128x128xf32>
      %jit3A_515 = arith.constant 0x7F800000 : f32
      %broadcast_in_dim3A_516 = vector.broadcast %jit3A_515 : f32 to vector<128x128xf32>
      %select_n3A_517 = arith.select %eq3A_514, %concatenate3A_476, %broadcast_in_dim3A_516 : vector<128x128xi1>, vector<128x128xf32>
      %reduce_min3A_518 = arith.constant dense<0x7F800000> : vector<128xf32>
      %reduce_min3A_519 = vector.multi_reduction <minimumf>, %select_n3A_517, %reduce_min3A_518 [1] : vector<128x128xf32> to vector<128xf32>
      %broadcast_in_dim3A_520 = vector.shape_cast %reduce_min3A_519 : vector<128xf32> to vector<128x1xf32>
      %eq3A_521 = vector.broadcast %broadcast_in_dim3A_496 : vector<128x1xf32> to vector<128x128xf32>
      %eq3A_522 = arith.cmpf oeq, %concatenate3A_452, %eq3A_521 : vector<128x128xf32>
      %jit3A_523 = arith.constant 0x7F800000 : f32
      %broadcast_in_dim3A_524 = vector.broadcast %jit3A_523 : f32 to vector<128x128xf32>
      %select_n3A_525 = arith.select %eq3A_522, %concatenate3A_484, %broadcast_in_dim3A_524 : vector<128x128xi1>, vector<128x128xf32>
      %reduce_min3A_526 = arith.constant dense<0x7F800000> : vector<128xf32>
      %reduce_min3A_527 = vector.multi_reduction <minimumf>, %select_n3A_525, %reduce_min3A_526 [1] : vector<128x128xf32> to vector<128xf32>
      %broadcast_in_dim3A_528 = vector.shape_cast %reduce_min3A_527 : vector<128xf32> to vector<128x1xf32>
      %eq3A_529 = vector.broadcast %broadcast_in_dim3A_504 : vector<128x1xf32> to vector<128x128xf32>
      %eq3A_530 = arith.cmpf oeq, %concatenate3A_460, %eq3A_529 : vector<128x128xf32>
      %jit3A_531 = arith.constant 0x7F800000 : f32
      %broadcast_in_dim3A_532 = vector.broadcast %jit3A_531 : f32 to vector<128x128xf32>
      %select_n3A_533 = arith.select %eq3A_530, %broadcast_in_dim3A_532, %concatenate3A_446 : vector<128x128xi1>, vector<128x128xf32>
      %eq3A_534 = vector.broadcast %broadcast_in_dim3A_512 : vector<128x1xf32> to vector<128x128xf32>
      %eq3A_535 = arith.cmpf oeq, %concatenate3A_468, %eq3A_534 : vector<128x128xf32>
      %jit3A_536 = arith.constant 0x7F800000 : f32
      %broadcast_in_dim3A_537 = vector.broadcast %jit3A_536 : f32 to vector<128x128xf32>
      %select_n3A_538 = arith.select %eq3A_535, %broadcast_in_dim3A_537, %concatenate3A_448 : vector<128x128xi1>, vector<128x128xf32>
      %eq3A_539 = vector.broadcast %broadcast_in_dim3A_520 : vector<128x1xf32> to vector<128x128xf32>
      %eq3A_540 = arith.cmpf oeq, %concatenate3A_476, %eq3A_539 : vector<128x128xf32>
      %jit3A_541 = arith.constant 0x7F800000 : f32
      %broadcast_in_dim3A_542 = vector.broadcast %jit3A_541 : f32 to vector<128x128xf32>
      %select_n3A_543 = arith.select %eq3A_540, %broadcast_in_dim3A_542, %concatenate3A_450 : vector<128x128xi1>, vector<128x128xf32>
      %eq3A_544 = vector.broadcast %broadcast_in_dim3A_528 : vector<128x1xf32> to vector<128x128xf32>
      %eq3A_545 = arith.cmpf oeq, %concatenate3A_484, %eq3A_544 : vector<128x128xf32>
      %jit3A_546 = arith.constant 0x7F800000 : f32
      %broadcast_in_dim3A_547 = vector.broadcast %jit3A_546 : f32 to vector<128x128xf32>
      %select_n3A_548 = arith.select %eq3A_545, %broadcast_in_dim3A_547, %concatenate3A_452 : vector<128x128xi1>, vector<128x128xf32>
      %reduce_min3A_549 = arith.constant dense<0x7F800000> : vector<128xf32>
      %reduce_min3A_550 = vector.multi_reduction <minimumf>, %select_n3A_533, %reduce_min3A_549 [1] : vector<128x128xf32> to vector<128xf32>
      %broadcast_in_dim3A_551 = vector.shape_cast %reduce_min3A_550 : vector<128xf32> to vector<128x1xf32>
      %reduce_min3A_552 = arith.constant dense<0x7F800000> : vector<128xf32>
      %reduce_min3A_553 = vector.multi_reduction <minimumf>, %select_n3A_538, %reduce_min3A_552 [1] : vector<128x128xf32> to vector<128xf32>
      %broadcast_in_dim3A_554 = vector.shape_cast %reduce_min3A_553 : vector<128xf32> to vector<128x1xf32>
      %reduce_min3A_555 = arith.constant dense<0x7F800000> : vector<128xf32>
      %reduce_min3A_556 = vector.multi_reduction <minimumf>, %select_n3A_543, %reduce_min3A_555 [1] : vector<128x128xf32> to vector<128xf32>
      %broadcast_in_dim3A_557 = vector.shape_cast %reduce_min3A_556 : vector<128xf32> to vector<128x1xf32>
      %reduce_min3A_558 = arith.constant dense<0x7F800000> : vector<128xf32>
      %reduce_min3A_559 = vector.multi_reduction <minimumf>, %select_n3A_548, %reduce_min3A_558 [1] : vector<128x128xf32> to vector<128xf32>
      %broadcast_in_dim3A_560 = vector.shape_cast %reduce_min3A_559 : vector<128xf32> to vector<128x1xf32>
      %eq3A_561 = vector.broadcast %broadcast_in_dim3A_551 : vector<128x1xf32> to vector<128x128xf32>
      %eq3A_562 = arith.cmpf oeq, %select_n3A_533, %eq3A_561 : vector<128x128xf32>
      %jit3A_563 = arith.constant 0x7F800000 : f32
      %broadcast_in_dim3A_564 = vector.broadcast %jit3A_563 : f32 to vector<128x128xf32>
      %select_n3A_565 = arith.select %eq3A_562, %concatenate3A_460, %broadcast_in_dim3A_564 : vector<128x128xi1>, vector<128x128xf32>
      %reduce_min3A_566 = arith.constant dense<0x7F800000> : vector<128xf32>
      %reduce_min3A_567 = vector.multi_reduction <minimumf>, %select_n3A_565, %reduce_min3A_566 [1] : vector<128x128xf32> to vector<128xf32>
      %broadcast_in_dim3A_568 = vector.shape_cast %reduce_min3A_567 : vector<128xf32> to vector<128x1xf32>
      %eq3A_569 = vector.broadcast %broadcast_in_dim3A_554 : vector<128x1xf32> to vector<128x128xf32>
      %eq3A_570 = arith.cmpf oeq, %select_n3A_538, %eq3A_569 : vector<128x128xf32>
      %jit3A_571 = arith.constant 0x7F800000 : f32
      %broadcast_in_dim3A_572 = vector.broadcast %jit3A_571 : f32 to vector<128x128xf32>
      %select_n3A_573 = arith.select %eq3A_570, %concatenate3A_468, %broadcast_in_dim3A_572 : vector<128x128xi1>, vector<128x128xf32>
      %reduce_min3A_574 = arith.constant dense<0x7F800000> : vector<128xf32>
      %reduce_min3A_575 = vector.multi_reduction <minimumf>, %select_n3A_573, %reduce_min3A_574 [1] : vector<128x128xf32> to vector<128xf32>
      %broadcast_in_dim3A_576 = vector.shape_cast %reduce_min3A_575 : vector<128xf32> to vector<128x1xf32>
      %eq3A_577 = vector.broadcast %broadcast_in_dim3A_557 : vector<128x1xf32> to vector<128x128xf32>
      %eq3A_578 = arith.cmpf oeq, %select_n3A_543, %eq3A_577 : vector<128x128xf32>
      %jit3A_579 = arith.constant 0x7F800000 : f32
      %broadcast_in_dim3A_580 = vector.broadcast %jit3A_579 : f32 to vector<128x128xf32>
      %select_n3A_581 = arith.select %eq3A_578, %concatenate3A_476, %broadcast_in_dim3A_580 : vector<128x128xi1>, vector<128x128xf32>
      %reduce_min3A_582 = arith.constant dense<0x7F800000> : vector<128xf32>
      %reduce_min3A_583 = vector.multi_reduction <minimumf>, %select_n3A_581, %reduce_min3A_582 [1] : vector<128x128xf32> to vector<128xf32>
      %broadcast_in_dim3A_584 = vector.shape_cast %reduce_min3A_583 : vector<128xf32> to vector<128x1xf32>
      %eq3A_585 = vector.broadcast %broadcast_in_dim3A_560 : vector<128x1xf32> to vector<128x128xf32>
      %eq3A_586 = arith.cmpf oeq, %select_n3A_548, %eq3A_585 : vector<128x128xf32>
      %jit3A_587 = arith.constant 0x7F800000 : f32
      %broadcast_in_dim3A_588 = vector.broadcast %jit3A_587 : f32 to vector<128x128xf32>
      %select_n3A_589 = arith.select %eq3A_586, %concatenate3A_484, %broadcast_in_dim3A_588 : vector<128x128xi1>, vector<128x128xf32>
      %reduce_min3A_590 = arith.constant dense<0x7F800000> : vector<128xf32>
      %reduce_min3A_591 = vector.multi_reduction <minimumf>, %select_n3A_589, %reduce_min3A_590 [1] : vector<128x128xf32> to vector<128xf32>
      %broadcast_in_dim3A_592 = vector.shape_cast %reduce_min3A_591 : vector<128xf32> to vector<128x1xf32>
      %eq3A_593 = vector.broadcast %broadcast_in_dim3A_568 : vector<128x1xf32> to vector<128x128xf32>
      %eq3A_594 = arith.cmpf oeq, %concatenate3A_460, %eq3A_593 : vector<128x128xf32>
      %jit3A_595 = arith.constant 0x7F800000 : f32
      %broadcast_in_dim3A_596 = vector.broadcast %jit3A_595 : f32 to vector<128x128xf32>
      %select_n3A_597 = arith.select %eq3A_594, %broadcast_in_dim3A_596, %select_n3A_533 : vector<128x128xi1>, vector<128x128xf32>
      %eq3A_598 = vector.broadcast %broadcast_in_dim3A_576 : vector<128x1xf32> to vector<128x128xf32>
      %eq3A_599 = arith.cmpf oeq, %concatenate3A_468, %eq3A_598 : vector<128x128xf32>
      %jit3A_600 = arith.constant 0x7F800000 : f32
      %broadcast_in_dim3A_601 = vector.broadcast %jit3A_600 : f32 to vector<128x128xf32>
      %select_n3A_602 = arith.select %eq3A_599, %broadcast_in_dim3A_601, %select_n3A_538 : vector<128x128xi1>, vector<128x128xf32>
      %eq3A_603 = vector.broadcast %broadcast_in_dim3A_584 : vector<128x1xf32> to vector<128x128xf32>
      %eq3A_604 = arith.cmpf oeq, %concatenate3A_476, %eq3A_603 : vector<128x128xf32>
      %jit3A_605 = arith.constant 0x7F800000 : f32
      %broadcast_in_dim3A_606 = vector.broadcast %jit3A_605 : f32 to vector<128x128xf32>
      %select_n3A_607 = arith.select %eq3A_604, %broadcast_in_dim3A_606, %select_n3A_543 : vector<128x128xi1>, vector<128x128xf32>
      %eq3A_608 = vector.broadcast %broadcast_in_dim3A_592 : vector<128x1xf32> to vector<128x128xf32>
      %eq3A_609 = arith.cmpf oeq, %concatenate3A_484, %eq3A_608 : vector<128x128xf32>
      %jit3A_610 = arith.constant 0x7F800000 : f32
      %broadcast_in_dim3A_611 = vector.broadcast %jit3A_610 : f32 to vector<128x128xf32>
      %select_n3A_612 = arith.select %eq3A_609, %broadcast_in_dim3A_611, %select_n3A_548 : vector<128x128xi1>, vector<128x128xf32>
      %reduce_min3A_613 = arith.constant dense<0x7F800000> : vector<128xf32>
      %reduce_min3A_614 = vector.multi_reduction <minimumf>, %select_n3A_597, %reduce_min3A_613 [1] : vector<128x128xf32> to vector<128xf32>
      %broadcast_in_dim3A_615 = vector.shape_cast %reduce_min3A_614 : vector<128xf32> to vector<128x1xf32>
      %reduce_min3A_616 = arith.constant dense<0x7F800000> : vector<128xf32>
      %reduce_min3A_617 = vector.multi_reduction <minimumf>, %select_n3A_602, %reduce_min3A_616 [1] : vector<128x128xf32> to vector<128xf32>
      %broadcast_in_dim3A_618 = vector.shape_cast %reduce_min3A_617 : vector<128xf32> to vector<128x1xf32>
      %reduce_min3A_619 = arith.constant dense<0x7F800000> : vector<128xf32>
      %reduce_min3A_620 = vector.multi_reduction <minimumf>, %select_n3A_607, %reduce_min3A_619 [1] : vector<128x128xf32> to vector<128xf32>
      %broadcast_in_dim3A_621 = vector.shape_cast %reduce_min3A_620 : vector<128xf32> to vector<128x1xf32>
      %reduce_min3A_622 = arith.constant dense<0x7F800000> : vector<128xf32>
      %reduce_min3A_623 = vector.multi_reduction <minimumf>, %select_n3A_612, %reduce_min3A_622 [1] : vector<128x128xf32> to vector<128xf32>
      %broadcast_in_dim3A_624 = vector.shape_cast %reduce_min3A_623 : vector<128xf32> to vector<128x1xf32>
      %eq3A_625 = vector.broadcast %broadcast_in_dim3A_615 : vector<128x1xf32> to vector<128x128xf32>
      %eq3A_626 = arith.cmpf oeq, %select_n3A_597, %eq3A_625 : vector<128x128xf32>
      %jit3A_627 = arith.constant 0x7F800000 : f32
      %broadcast_in_dim3A_628 = vector.broadcast %jit3A_627 : f32 to vector<128x128xf32>
      %select_n3A_629 = arith.select %eq3A_626, %concatenate3A_460, %broadcast_in_dim3A_628 : vector<128x128xi1>, vector<128x128xf32>
      %reduce_min3A_630 = arith.constant dense<0x7F800000> : vector<128xf32>
      %reduce_min3A_631 = vector.multi_reduction <minimumf>, %select_n3A_629, %reduce_min3A_630 [1] : vector<128x128xf32> to vector<128xf32>
      %broadcast_in_dim3A_632 = vector.shape_cast %reduce_min3A_631 : vector<128xf32> to vector<128x1xf32>
      %eq3A_633 = vector.broadcast %broadcast_in_dim3A_618 : vector<128x1xf32> to vector<128x128xf32>
      %eq3A_634 = arith.cmpf oeq, %select_n3A_602, %eq3A_633 : vector<128x128xf32>
      %jit3A_635 = arith.constant 0x7F800000 : f32
      %broadcast_in_dim3A_636 = vector.broadcast %jit3A_635 : f32 to vector<128x128xf32>
      %select_n3A_637 = arith.select %eq3A_634, %concatenate3A_468, %broadcast_in_dim3A_636 : vector<128x128xi1>, vector<128x128xf32>
      %reduce_min3A_638 = arith.constant dense<0x7F800000> : vector<128xf32>
      %reduce_min3A_639 = vector.multi_reduction <minimumf>, %select_n3A_637, %reduce_min3A_638 [1] : vector<128x128xf32> to vector<128xf32>
      %broadcast_in_dim3A_640 = vector.shape_cast %reduce_min3A_639 : vector<128xf32> to vector<128x1xf32>
      %eq3A_641 = vector.broadcast %broadcast_in_dim3A_621 : vector<128x1xf32> to vector<128x128xf32>
      %eq3A_642 = arith.cmpf oeq, %select_n3A_607, %eq3A_641 : vector<128x128xf32>
      %jit3A_643 = arith.constant 0x7F800000 : f32
      %broadcast_in_dim3A_644 = vector.broadcast %jit3A_643 : f32 to vector<128x128xf32>
      %select_n3A_645 = arith.select %eq3A_642, %concatenate3A_476, %broadcast_in_dim3A_644 : vector<128x128xi1>, vector<128x128xf32>
      %reduce_min3A_646 = arith.constant dense<0x7F800000> : vector<128xf32>
      %reduce_min3A_647 = vector.multi_reduction <minimumf>, %select_n3A_645, %reduce_min3A_646 [1] : vector<128x128xf32> to vector<128xf32>
      %broadcast_in_dim3A_648 = vector.shape_cast %reduce_min3A_647 : vector<128xf32> to vector<128x1xf32>
      %eq3A_649 = vector.broadcast %broadcast_in_dim3A_624 : vector<128x1xf32> to vector<128x128xf32>
      %eq3A_650 = arith.cmpf oeq, %select_n3A_612, %eq3A_649 : vector<128x128xf32>
      %jit3A_651 = arith.constant 0x7F800000 : f32
      %broadcast_in_dim3A_652 = vector.broadcast %jit3A_651 : f32 to vector<128x128xf32>
      %select_n3A_653 = arith.select %eq3A_650, %concatenate3A_484, %broadcast_in_dim3A_652 : vector<128x128xi1>, vector<128x128xf32>
      %reduce_min3A_654 = arith.constant dense<0x7F800000> : vector<128xf32>
      %reduce_min3A_655 = vector.multi_reduction <minimumf>, %select_n3A_653, %reduce_min3A_654 [1] : vector<128x128xf32> to vector<128xf32>
      %broadcast_in_dim3A_656 = vector.shape_cast %reduce_min3A_655 : vector<128xf32> to vector<128x1xf32>
      %eq3A_657 = vector.broadcast %broadcast_in_dim3A_632 : vector<128x1xf32> to vector<128x128xf32>
      %eq3A_658 = arith.cmpf oeq, %concatenate3A_460, %eq3A_657 : vector<128x128xf32>
      %jit3A_659 = arith.constant 0x7F800000 : f32
      %broadcast_in_dim3A_660 = vector.broadcast %jit3A_659 : f32 to vector<128x128xf32>
      %select_n3A_661 = arith.select %eq3A_658, %broadcast_in_dim3A_660, %select_n3A_597 : vector<128x128xi1>, vector<128x128xf32>
      %eq3A_662 = vector.broadcast %broadcast_in_dim3A_640 : vector<128x1xf32> to vector<128x128xf32>
      %eq3A_663 = arith.cmpf oeq, %concatenate3A_468, %eq3A_662 : vector<128x128xf32>
      %jit3A_664 = arith.constant 0x7F800000 : f32
      %broadcast_in_dim3A_665 = vector.broadcast %jit3A_664 : f32 to vector<128x128xf32>
      %select_n3A_666 = arith.select %eq3A_663, %broadcast_in_dim3A_665, %select_n3A_602 : vector<128x128xi1>, vector<128x128xf32>
      %eq3A_667 = vector.broadcast %broadcast_in_dim3A_648 : vector<128x1xf32> to vector<128x128xf32>
      %eq3A_668 = arith.cmpf oeq, %concatenate3A_476, %eq3A_667 : vector<128x128xf32>
      %jit3A_669 = arith.constant 0x7F800000 : f32
      %broadcast_in_dim3A_670 = vector.broadcast %jit3A_669 : f32 to vector<128x128xf32>
      %select_n3A_671 = arith.select %eq3A_668, %broadcast_in_dim3A_670, %select_n3A_607 : vector<128x128xi1>, vector<128x128xf32>
      %eq3A_672 = vector.broadcast %broadcast_in_dim3A_656 : vector<128x1xf32> to vector<128x128xf32>
      %eq3A_673 = arith.cmpf oeq, %concatenate3A_484, %eq3A_672 : vector<128x128xf32>
      %jit3A_674 = arith.constant 0x7F800000 : f32
      %broadcast_in_dim3A_675 = vector.broadcast %jit3A_674 : f32 to vector<128x128xf32>
      %select_n3A_676 = arith.select %eq3A_673, %broadcast_in_dim3A_675, %select_n3A_612 : vector<128x128xi1>, vector<128x128xf32>
      %reduce_min3A_677 = arith.constant dense<0x7F800000> : vector<128xf32>
      %reduce_min3A_678 = vector.multi_reduction <minimumf>, %select_n3A_661, %reduce_min3A_677 [1] : vector<128x128xf32> to vector<128xf32>
      %broadcast_in_dim3A_679 = vector.shape_cast %reduce_min3A_678 : vector<128xf32> to vector<128x1xf32>
      %reduce_min3A_680 = arith.constant dense<0x7F800000> : vector<128xf32>
      %reduce_min3A_681 = vector.multi_reduction <minimumf>, %select_n3A_666, %reduce_min3A_680 [1] : vector<128x128xf32> to vector<128xf32>
      %broadcast_in_dim3A_682 = vector.shape_cast %reduce_min3A_681 : vector<128xf32> to vector<128x1xf32>
      %reduce_min3A_683 = arith.constant dense<0x7F800000> : vector<128xf32>
      %reduce_min3A_684 = vector.multi_reduction <minimumf>, %select_n3A_671, %reduce_min3A_683 [1] : vector<128x128xf32> to vector<128xf32>
      %broadcast_in_dim3A_685 = vector.shape_cast %reduce_min3A_684 : vector<128xf32> to vector<128x1xf32>
      %reduce_min3A_686 = arith.constant dense<0x7F800000> : vector<128xf32>
      %reduce_min3A_687 = vector.multi_reduction <minimumf>, %select_n3A_676, %reduce_min3A_686 [1] : vector<128x128xf32> to vector<128xf32>
      %broadcast_in_dim3A_688 = vector.shape_cast %reduce_min3A_687 : vector<128xf32> to vector<128x1xf32>
      %eq3A_689 = vector.broadcast %broadcast_in_dim3A_679 : vector<128x1xf32> to vector<128x128xf32>
      %eq3A_690 = arith.cmpf oeq, %select_n3A_661, %eq3A_689 : vector<128x128xf32>
      %jit3A_691 = arith.constant 0x7F800000 : f32
      %broadcast_in_dim3A_692 = vector.broadcast %jit3A_691 : f32 to vector<128x128xf32>
      %select_n3A_693 = arith.select %eq3A_690, %concatenate3A_460, %broadcast_in_dim3A_692 : vector<128x128xi1>, vector<128x128xf32>
      %reduce_min3A_694 = arith.constant dense<0x7F800000> : vector<128xf32>
      %reduce_min3A_695 = vector.multi_reduction <minimumf>, %select_n3A_693, %reduce_min3A_694 [1] : vector<128x128xf32> to vector<128xf32>
      %broadcast_in_dim3A_696 = vector.shape_cast %reduce_min3A_695 : vector<128xf32> to vector<128x1xf32>
      %eq3A_697 = vector.broadcast %broadcast_in_dim3A_682 : vector<128x1xf32> to vector<128x128xf32>
      %eq3A_698 = arith.cmpf oeq, %select_n3A_666, %eq3A_697 : vector<128x128xf32>
      %jit3A_699 = arith.constant 0x7F800000 : f32
      %broadcast_in_dim3A_700 = vector.broadcast %jit3A_699 : f32 to vector<128x128xf32>
      %select_n3A_701 = arith.select %eq3A_698, %concatenate3A_468, %broadcast_in_dim3A_700 : vector<128x128xi1>, vector<128x128xf32>
      %reduce_min3A_702 = arith.constant dense<0x7F800000> : vector<128xf32>
      %reduce_min3A_703 = vector.multi_reduction <minimumf>, %select_n3A_701, %reduce_min3A_702 [1] : vector<128x128xf32> to vector<128xf32>
      %broadcast_in_dim3A_704 = vector.shape_cast %reduce_min3A_703 : vector<128xf32> to vector<128x1xf32>
      %eq3A_705 = vector.broadcast %broadcast_in_dim3A_685 : vector<128x1xf32> to vector<128x128xf32>
      %eq3A_706 = arith.cmpf oeq, %select_n3A_671, %eq3A_705 : vector<128x128xf32>
      %jit3A_707 = arith.constant 0x7F800000 : f32
      %broadcast_in_dim3A_708 = vector.broadcast %jit3A_707 : f32 to vector<128x128xf32>
      %select_n3A_709 = arith.select %eq3A_706, %concatenate3A_476, %broadcast_in_dim3A_708 : vector<128x128xi1>, vector<128x128xf32>
      %reduce_min3A_710 = arith.constant dense<0x7F800000> : vector<128xf32>
      %reduce_min3A_711 = vector.multi_reduction <minimumf>, %select_n3A_709, %reduce_min3A_710 [1] : vector<128x128xf32> to vector<128xf32>
      %broadcast_in_dim3A_712 = vector.shape_cast %reduce_min3A_711 : vector<128xf32> to vector<128x1xf32>
      %eq3A_713 = vector.broadcast %broadcast_in_dim3A_688 : vector<128x1xf32> to vector<128x128xf32>
      %eq3A_714 = arith.cmpf oeq, %select_n3A_676, %eq3A_713 : vector<128x128xf32>
      %jit3A_715 = arith.constant 0x7F800000 : f32
      %broadcast_in_dim3A_716 = vector.broadcast %jit3A_715 : f32 to vector<128x128xf32>
      %select_n3A_717 = arith.select %eq3A_714, %concatenate3A_484, %broadcast_in_dim3A_716 : vector<128x128xi1>, vector<128x128xf32>
      %reduce_min3A_718 = arith.constant dense<0x7F800000> : vector<128xf32>
      %reduce_min3A_719 = vector.multi_reduction <minimumf>, %select_n3A_717, %reduce_min3A_718 [1] : vector<128x128xf32> to vector<128xf32>
      %broadcast_in_dim3A_720 = vector.shape_cast %reduce_min3A_719 : vector<128xf32> to vector<128x1xf32>
      %eq3A_721 = vector.broadcast %broadcast_in_dim3A_696 : vector<128x1xf32> to vector<128x128xf32>
      %eq3A_722 = arith.cmpf oeq, %concatenate3A_460, %eq3A_721 : vector<128x128xf32>
      %jit3A_723 = arith.constant 0x7F800000 : f32
      %broadcast_in_dim3A_724 = vector.broadcast %jit3A_723 : f32 to vector<128x128xf32>
      %select_n3A_725 = arith.select %eq3A_722, %broadcast_in_dim3A_724, %select_n3A_661 : vector<128x128xi1>, vector<128x128xf32>
      %eq3A_726 = vector.broadcast %broadcast_in_dim3A_704 : vector<128x1xf32> to vector<128x128xf32>
      %eq3A_727 = arith.cmpf oeq, %concatenate3A_468, %eq3A_726 : vector<128x128xf32>
      %jit3A_728 = arith.constant 0x7F800000 : f32
      %broadcast_in_dim3A_729 = vector.broadcast %jit3A_728 : f32 to vector<128x128xf32>
      %select_n3A_730 = arith.select %eq3A_727, %broadcast_in_dim3A_729, %select_n3A_666 : vector<128x128xi1>, vector<128x128xf32>
      %eq3A_731 = vector.broadcast %broadcast_in_dim3A_712 : vector<128x1xf32> to vector<128x128xf32>
      %eq3A_732 = arith.cmpf oeq, %concatenate3A_476, %eq3A_731 : vector<128x128xf32>
      %jit3A_733 = arith.constant 0x7F800000 : f32
      %broadcast_in_dim3A_734 = vector.broadcast %jit3A_733 : f32 to vector<128x128xf32>
      %select_n3A_735 = arith.select %eq3A_732, %broadcast_in_dim3A_734, %select_n3A_671 : vector<128x128xi1>, vector<128x128xf32>
      %eq3A_736 = vector.broadcast %broadcast_in_dim3A_720 : vector<128x1xf32> to vector<128x128xf32>
      %eq3A_737 = arith.cmpf oeq, %concatenate3A_484, %eq3A_736 : vector<128x128xf32>
      %jit3A_738 = arith.constant 0x7F800000 : f32
      %broadcast_in_dim3A_739 = vector.broadcast %jit3A_738 : f32 to vector<128x128xf32>
      %select_n3A_740 = arith.select %eq3A_737, %broadcast_in_dim3A_739, %select_n3A_676 : vector<128x128xi1>, vector<128x128xf32>
      %reduce_min3A_741 = arith.constant dense<0x7F800000> : vector<128xf32>
      %reduce_min3A_742 = vector.multi_reduction <minimumf>, %select_n3A_725, %reduce_min3A_741 [1] : vector<128x128xf32> to vector<128xf32>
      %broadcast_in_dim3A_743 = vector.shape_cast %reduce_min3A_742 : vector<128xf32> to vector<128x1xf32>
      %reduce_min3A_744 = arith.constant dense<0x7F800000> : vector<128xf32>
      %reduce_min3A_745 = vector.multi_reduction <minimumf>, %select_n3A_730, %reduce_min3A_744 [1] : vector<128x128xf32> to vector<128xf32>
      %broadcast_in_dim3A_746 = vector.shape_cast %reduce_min3A_745 : vector<128xf32> to vector<128x1xf32>
      %reduce_min3A_747 = arith.constant dense<0x7F800000> : vector<128xf32>
      %reduce_min3A_748 = vector.multi_reduction <minimumf>, %select_n3A_735, %reduce_min3A_747 [1] : vector<128x128xf32> to vector<128xf32>
      %broadcast_in_dim3A_749 = vector.shape_cast %reduce_min3A_748 : vector<128xf32> to vector<128x1xf32>
      %reduce_min3A_750 = arith.constant dense<0x7F800000> : vector<128xf32>
      %reduce_min3A_751 = vector.multi_reduction <minimumf>, %select_n3A_740, %reduce_min3A_750 [1] : vector<128x128xf32> to vector<128xf32>
      %broadcast_in_dim3A_752 = vector.shape_cast %reduce_min3A_751 : vector<128xf32> to vector<128x1xf32>
      %eq3A_753 = vector.broadcast %broadcast_in_dim3A_743 : vector<128x1xf32> to vector<128x128xf32>
      %eq3A_754 = arith.cmpf oeq, %select_n3A_725, %eq3A_753 : vector<128x128xf32>
      %jit3A_755 = arith.constant 0x7F800000 : f32
      %broadcast_in_dim3A_756 = vector.broadcast %jit3A_755 : f32 to vector<128x128xf32>
      %select_n3A_757 = arith.select %eq3A_754, %concatenate3A_460, %broadcast_in_dim3A_756 : vector<128x128xi1>, vector<128x128xf32>
      %reduce_min3A_758 = arith.constant dense<0x7F800000> : vector<128xf32>
      %reduce_min3A_759 = vector.multi_reduction <minimumf>, %select_n3A_757, %reduce_min3A_758 [1] : vector<128x128xf32> to vector<128xf32>
      %broadcast_in_dim3A_760 = vector.shape_cast %reduce_min3A_759 : vector<128xf32> to vector<128x1xf32>
      %eq3A_761 = vector.broadcast %broadcast_in_dim3A_746 : vector<128x1xf32> to vector<128x128xf32>
      %eq3A_762 = arith.cmpf oeq, %select_n3A_730, %eq3A_761 : vector<128x128xf32>
      %jit3A_763 = arith.constant 0x7F800000 : f32
      %broadcast_in_dim3A_764 = vector.broadcast %jit3A_763 : f32 to vector<128x128xf32>
      %select_n3A_765 = arith.select %eq3A_762, %concatenate3A_468, %broadcast_in_dim3A_764 : vector<128x128xi1>, vector<128x128xf32>
      %reduce_min3A_766 = arith.constant dense<0x7F800000> : vector<128xf32>
      %reduce_min3A_767 = vector.multi_reduction <minimumf>, %select_n3A_765, %reduce_min3A_766 [1] : vector<128x128xf32> to vector<128xf32>
      %broadcast_in_dim3A_768 = vector.shape_cast %reduce_min3A_767 : vector<128xf32> to vector<128x1xf32>
      %eq3A_769 = vector.broadcast %broadcast_in_dim3A_749 : vector<128x1xf32> to vector<128x128xf32>
      %eq3A_770 = arith.cmpf oeq, %select_n3A_735, %eq3A_769 : vector<128x128xf32>
      %jit3A_771 = arith.constant 0x7F800000 : f32
      %broadcast_in_dim3A_772 = vector.broadcast %jit3A_771 : f32 to vector<128x128xf32>
      %select_n3A_773 = arith.select %eq3A_770, %concatenate3A_476, %broadcast_in_dim3A_772 : vector<128x128xi1>, vector<128x128xf32>
      %reduce_min3A_774 = arith.constant dense<0x7F800000> : vector<128xf32>
      %reduce_min3A_775 = vector.multi_reduction <minimumf>, %select_n3A_773, %reduce_min3A_774 [1] : vector<128x128xf32> to vector<128xf32>
      %broadcast_in_dim3A_776 = vector.shape_cast %reduce_min3A_775 : vector<128xf32> to vector<128x1xf32>
      %eq3A_777 = vector.broadcast %broadcast_in_dim3A_752 : vector<128x1xf32> to vector<128x128xf32>
      %eq3A_778 = arith.cmpf oeq, %select_n3A_740, %eq3A_777 : vector<128x128xf32>
      %jit3A_779 = arith.constant 0x7F800000 : f32
      %broadcast_in_dim3A_780 = vector.broadcast %jit3A_779 : f32 to vector<128x128xf32>
      %select_n3A_781 = arith.select %eq3A_778, %concatenate3A_484, %broadcast_in_dim3A_780 : vector<128x128xi1>, vector<128x128xf32>
      %reduce_min3A_782 = arith.constant dense<0x7F800000> : vector<128xf32>
      %reduce_min3A_783 = vector.multi_reduction <minimumf>, %select_n3A_781, %reduce_min3A_782 [1] : vector<128x128xf32> to vector<128xf32>
      %broadcast_in_dim3A_784 = vector.shape_cast %reduce_min3A_783 : vector<128xf32> to vector<128x1xf32>
      %eq3A_785 = vector.broadcast %broadcast_in_dim3A_760 : vector<128x1xf32> to vector<128x128xf32>
      %eq3A_786 = arith.cmpf oeq, %concatenate3A_460, %eq3A_785 : vector<128x128xf32>
      %jit3A_787 = arith.constant 0x7F800000 : f32
      %broadcast_in_dim3A_788 = vector.broadcast %jit3A_787 : f32 to vector<128x128xf32>
      %select_n3A_789 = arith.select %eq3A_786, %broadcast_in_dim3A_788, %select_n3A_725 : vector<128x128xi1>, vector<128x128xf32>
      %eq3A_790 = vector.broadcast %broadcast_in_dim3A_768 : vector<128x1xf32> to vector<128x128xf32>
      %eq3A_791 = arith.cmpf oeq, %concatenate3A_468, %eq3A_790 : vector<128x128xf32>
      %jit3A_792 = arith.constant 0x7F800000 : f32
      %broadcast_in_dim3A_793 = vector.broadcast %jit3A_792 : f32 to vector<128x128xf32>
      %select_n3A_794 = arith.select %eq3A_791, %broadcast_in_dim3A_793, %select_n3A_730 : vector<128x128xi1>, vector<128x128xf32>
      %eq3A_795 = vector.broadcast %broadcast_in_dim3A_776 : vector<128x1xf32> to vector<128x128xf32>
      %eq3A_796 = arith.cmpf oeq, %concatenate3A_476, %eq3A_795 : vector<128x128xf32>
      %jit3A_797 = arith.constant 0x7F800000 : f32
      %broadcast_in_dim3A_798 = vector.broadcast %jit3A_797 : f32 to vector<128x128xf32>
      %select_n3A_799 = arith.select %eq3A_796, %broadcast_in_dim3A_798, %select_n3A_735 : vector<128x128xi1>, vector<128x128xf32>
      %eq3A_800 = vector.broadcast %broadcast_in_dim3A_784 : vector<128x1xf32> to vector<128x128xf32>
      %eq3A_801 = arith.cmpf oeq, %concatenate3A_484, %eq3A_800 : vector<128x128xf32>
      %jit3A_802 = arith.constant 0x7F800000 : f32
      %broadcast_in_dim3A_803 = vector.broadcast %jit3A_802 : f32 to vector<128x128xf32>
      %select_n3A_804 = arith.select %eq3A_801, %broadcast_in_dim3A_803, %select_n3A_740 : vector<128x128xi1>, vector<128x128xf32>
      %reduce_min3A_805 = arith.constant dense<0x7F800000> : vector<128xf32>
      %reduce_min3A_806 = vector.multi_reduction <minimumf>, %select_n3A_789, %reduce_min3A_805 [1] : vector<128x128xf32> to vector<128xf32>
      %broadcast_in_dim3A_807 = vector.shape_cast %reduce_min3A_806 : vector<128xf32> to vector<128x1xf32>
      %reduce_min3A_808 = arith.constant dense<0x7F800000> : vector<128xf32>
      %reduce_min3A_809 = vector.multi_reduction <minimumf>, %select_n3A_794, %reduce_min3A_808 [1] : vector<128x128xf32> to vector<128xf32>
      %broadcast_in_dim3A_810 = vector.shape_cast %reduce_min3A_809 : vector<128xf32> to vector<128x1xf32>
      %reduce_min3A_811 = arith.constant dense<0x7F800000> : vector<128xf32>
      %reduce_min3A_812 = vector.multi_reduction <minimumf>, %select_n3A_799, %reduce_min3A_811 [1] : vector<128x128xf32> to vector<128xf32>
      %broadcast_in_dim3A_813 = vector.shape_cast %reduce_min3A_812 : vector<128xf32> to vector<128x1xf32>
      %reduce_min3A_814 = arith.constant dense<0x7F800000> : vector<128xf32>
      %reduce_min3A_815 = vector.multi_reduction <minimumf>, %select_n3A_804, %reduce_min3A_814 [1] : vector<128x128xf32> to vector<128xf32>
      %broadcast_in_dim3A_816 = vector.shape_cast %reduce_min3A_815 : vector<128xf32> to vector<128x1xf32>
      %eq3A_817 = vector.broadcast %broadcast_in_dim3A_807 : vector<128x1xf32> to vector<128x128xf32>
      %eq3A_818 = arith.cmpf oeq, %select_n3A_789, %eq3A_817 : vector<128x128xf32>
      %jit3A_819 = arith.constant 0x7F800000 : f32
      %broadcast_in_dim3A_820 = vector.broadcast %jit3A_819 : f32 to vector<128x128xf32>
      %select_n3A_821 = arith.select %eq3A_818, %concatenate3A_460, %broadcast_in_dim3A_820 : vector<128x128xi1>, vector<128x128xf32>
      %reduce_min3A_822 = arith.constant dense<0x7F800000> : vector<128xf32>
      %reduce_min3A_823 = vector.multi_reduction <minimumf>, %select_n3A_821, %reduce_min3A_822 [1] : vector<128x128xf32> to vector<128xf32>
      %broadcast_in_dim3A_824 = vector.shape_cast %reduce_min3A_823 : vector<128xf32> to vector<128x1xf32>
      %eq3A_825 = vector.broadcast %broadcast_in_dim3A_810 : vector<128x1xf32> to vector<128x128xf32>
      %eq3A_826 = arith.cmpf oeq, %select_n3A_794, %eq3A_825 : vector<128x128xf32>
      %jit3A_827 = arith.constant 0x7F800000 : f32
      %broadcast_in_dim3A_828 = vector.broadcast %jit3A_827 : f32 to vector<128x128xf32>
      %select_n3A_829 = arith.select %eq3A_826, %concatenate3A_468, %broadcast_in_dim3A_828 : vector<128x128xi1>, vector<128x128xf32>
      %reduce_min3A_830 = arith.constant dense<0x7F800000> : vector<128xf32>
      %reduce_min3A_831 = vector.multi_reduction <minimumf>, %select_n3A_829, %reduce_min3A_830 [1] : vector<128x128xf32> to vector<128xf32>
      %broadcast_in_dim3A_832 = vector.shape_cast %reduce_min3A_831 : vector<128xf32> to vector<128x1xf32>
      %eq3A_833 = vector.broadcast %broadcast_in_dim3A_813 : vector<128x1xf32> to vector<128x128xf32>
      %eq3A_834 = arith.cmpf oeq, %select_n3A_799, %eq3A_833 : vector<128x128xf32>
      %jit3A_835 = arith.constant 0x7F800000 : f32
      %broadcast_in_dim3A_836 = vector.broadcast %jit3A_835 : f32 to vector<128x128xf32>
      %select_n3A_837 = arith.select %eq3A_834, %concatenate3A_476, %broadcast_in_dim3A_836 : vector<128x128xi1>, vector<128x128xf32>
      %reduce_min3A_838 = arith.constant dense<0x7F800000> : vector<128xf32>
      %reduce_min3A_839 = vector.multi_reduction <minimumf>, %select_n3A_837, %reduce_min3A_838 [1] : vector<128x128xf32> to vector<128xf32>
      %broadcast_in_dim3A_840 = vector.shape_cast %reduce_min3A_839 : vector<128xf32> to vector<128x1xf32>
      %eq3A_841 = vector.broadcast %broadcast_in_dim3A_816 : vector<128x1xf32> to vector<128x128xf32>
      %eq3A_842 = arith.cmpf oeq, %select_n3A_804, %eq3A_841 : vector<128x128xf32>
      %jit3A_843 = arith.constant 0x7F800000 : f32
      %broadcast_in_dim3A_844 = vector.broadcast %jit3A_843 : f32 to vector<128x128xf32>
      %select_n3A_845 = arith.select %eq3A_842, %concatenate3A_484, %broadcast_in_dim3A_844 : vector<128x128xi1>, vector<128x128xf32>
      %reduce_min3A_846 = arith.constant dense<0x7F800000> : vector<128xf32>
      %reduce_min3A_847 = vector.multi_reduction <minimumf>, %select_n3A_845, %reduce_min3A_846 [1] : vector<128x128xf32> to vector<128xf32>
      %broadcast_in_dim3A_848 = vector.shape_cast %reduce_min3A_847 : vector<128xf32> to vector<128x1xf32>
      %eq3A_849 = vector.broadcast %broadcast_in_dim3A_824 : vector<128x1xf32> to vector<128x128xf32>
      %eq3A_850 = arith.cmpf oeq, %concatenate3A_460, %eq3A_849 : vector<128x128xf32>
      %jit3A_851 = arith.constant 0x7F800000 : f32
      %broadcast_in_dim3A_852 = vector.broadcast %jit3A_851 : f32 to vector<128x128xf32>
      %select_n3A_853 = arith.select %eq3A_850, %broadcast_in_dim3A_852, %select_n3A_789 : vector<128x128xi1>, vector<128x128xf32>
      %eq3A_854 = vector.broadcast %broadcast_in_dim3A_832 : vector<128x1xf32> to vector<128x128xf32>
      %eq3A_855 = arith.cmpf oeq, %concatenate3A_468, %eq3A_854 : vector<128x128xf32>
      %jit3A_856 = arith.constant 0x7F800000 : f32
      %broadcast_in_dim3A_857 = vector.broadcast %jit3A_856 : f32 to vector<128x128xf32>
      %select_n3A_858 = arith.select %eq3A_855, %broadcast_in_dim3A_857, %select_n3A_794 : vector<128x128xi1>, vector<128x128xf32>
      %eq3A_859 = vector.broadcast %broadcast_in_dim3A_840 : vector<128x1xf32> to vector<128x128xf32>
      %eq3A_860 = arith.cmpf oeq, %concatenate3A_476, %eq3A_859 : vector<128x128xf32>
      %jit3A_861 = arith.constant 0x7F800000 : f32
      %broadcast_in_dim3A_862 = vector.broadcast %jit3A_861 : f32 to vector<128x128xf32>
      %select_n3A_863 = arith.select %eq3A_860, %broadcast_in_dim3A_862, %select_n3A_799 : vector<128x128xi1>, vector<128x128xf32>
      %eq3A_864 = vector.broadcast %broadcast_in_dim3A_848 : vector<128x1xf32> to vector<128x128xf32>
      %eq3A_865 = arith.cmpf oeq, %concatenate3A_484, %eq3A_864 : vector<128x128xf32>
      %jit3A_866 = arith.constant 0x7F800000 : f32
      %broadcast_in_dim3A_867 = vector.broadcast %jit3A_866 : f32 to vector<128x128xf32>
      %select_n3A_868 = arith.select %eq3A_865, %broadcast_in_dim3A_867, %select_n3A_804 : vector<128x128xi1>, vector<128x128xf32>
      %reduce_min3A_869 = arith.constant dense<0x7F800000> : vector<128xf32>
      %reduce_min3A_870 = vector.multi_reduction <minimumf>, %select_n3A_853, %reduce_min3A_869 [1] : vector<128x128xf32> to vector<128xf32>
      %broadcast_in_dim3A_871 = vector.shape_cast %reduce_min3A_870 : vector<128xf32> to vector<128x1xf32>
      %reduce_min3A_872 = arith.constant dense<0x7F800000> : vector<128xf32>
      %reduce_min3A_873 = vector.multi_reduction <minimumf>, %select_n3A_858, %reduce_min3A_872 [1] : vector<128x128xf32> to vector<128xf32>
      %broadcast_in_dim3A_874 = vector.shape_cast %reduce_min3A_873 : vector<128xf32> to vector<128x1xf32>
      %reduce_min3A_875 = arith.constant dense<0x7F800000> : vector<128xf32>
      %reduce_min3A_876 = vector.multi_reduction <minimumf>, %select_n3A_863, %reduce_min3A_875 [1] : vector<128x128xf32> to vector<128xf32>
      %broadcast_in_dim3A_877 = vector.shape_cast %reduce_min3A_876 : vector<128xf32> to vector<128x1xf32>
      %reduce_min3A_878 = arith.constant dense<0x7F800000> : vector<128xf32>
      %reduce_min3A_879 = vector.multi_reduction <minimumf>, %select_n3A_868, %reduce_min3A_878 [1] : vector<128x128xf32> to vector<128xf32>
      %broadcast_in_dim3A_880 = vector.shape_cast %reduce_min3A_879 : vector<128xf32> to vector<128x1xf32>
      %eq3A_881 = vector.broadcast %broadcast_in_dim3A_871 : vector<128x1xf32> to vector<128x128xf32>
      %eq3A_882 = arith.cmpf oeq, %select_n3A_853, %eq3A_881 : vector<128x128xf32>
      %jit3A_883 = arith.constant 0x7F800000 : f32
      %broadcast_in_dim3A_884 = vector.broadcast %jit3A_883 : f32 to vector<128x128xf32>
      %select_n3A_885 = arith.select %eq3A_882, %concatenate3A_460, %broadcast_in_dim3A_884 : vector<128x128xi1>, vector<128x128xf32>
      %reduce_min3A_886 = arith.constant dense<0x7F800000> : vector<128xf32>
      %reduce_min3A_887 = vector.multi_reduction <minimumf>, %select_n3A_885, %reduce_min3A_886 [1] : vector<128x128xf32> to vector<128xf32>
      %broadcast_in_dim3A_888 = vector.shape_cast %reduce_min3A_887 : vector<128xf32> to vector<128x1xf32>
      %eq3A_889 = vector.broadcast %broadcast_in_dim3A_874 : vector<128x1xf32> to vector<128x128xf32>
      %eq3A_890 = arith.cmpf oeq, %select_n3A_858, %eq3A_889 : vector<128x128xf32>
      %jit3A_891 = arith.constant 0x7F800000 : f32
      %broadcast_in_dim3A_892 = vector.broadcast %jit3A_891 : f32 to vector<128x128xf32>
      %select_n3A_893 = arith.select %eq3A_890, %concatenate3A_468, %broadcast_in_dim3A_892 : vector<128x128xi1>, vector<128x128xf32>
      %reduce_min3A_894 = arith.constant dense<0x7F800000> : vector<128xf32>
      %reduce_min3A_895 = vector.multi_reduction <minimumf>, %select_n3A_893, %reduce_min3A_894 [1] : vector<128x128xf32> to vector<128xf32>
      %broadcast_in_dim3A_896 = vector.shape_cast %reduce_min3A_895 : vector<128xf32> to vector<128x1xf32>
      %eq3A_897 = vector.broadcast %broadcast_in_dim3A_877 : vector<128x1xf32> to vector<128x128xf32>
      %eq3A_898 = arith.cmpf oeq, %select_n3A_863, %eq3A_897 : vector<128x128xf32>
      %jit3A_899 = arith.constant 0x7F800000 : f32
      %broadcast_in_dim3A_900 = vector.broadcast %jit3A_899 : f32 to vector<128x128xf32>
      %select_n3A_901 = arith.select %eq3A_898, %concatenate3A_476, %broadcast_in_dim3A_900 : vector<128x128xi1>, vector<128x128xf32>
      %reduce_min3A_902 = arith.constant dense<0x7F800000> : vector<128xf32>
      %reduce_min3A_903 = vector.multi_reduction <minimumf>, %select_n3A_901, %reduce_min3A_902 [1] : vector<128x128xf32> to vector<128xf32>
      %broadcast_in_dim3A_904 = vector.shape_cast %reduce_min3A_903 : vector<128xf32> to vector<128x1xf32>
      %eq3A_905 = vector.broadcast %broadcast_in_dim3A_880 : vector<128x1xf32> to vector<128x128xf32>
      %eq3A_906 = arith.cmpf oeq, %select_n3A_868, %eq3A_905 : vector<128x128xf32>
      %jit3A_907 = arith.constant 0x7F800000 : f32
      %broadcast_in_dim3A_908 = vector.broadcast %jit3A_907 : f32 to vector<128x128xf32>
      %select_n3A_909 = arith.select %eq3A_906, %concatenate3A_484, %broadcast_in_dim3A_908 : vector<128x128xi1>, vector<128x128xf32>
      %reduce_min3A_910 = arith.constant dense<0x7F800000> : vector<128xf32>
      %reduce_min3A_911 = vector.multi_reduction <minimumf>, %select_n3A_909, %reduce_min3A_910 [1] : vector<128x128xf32> to vector<128xf32>
      %broadcast_in_dim3A_912 = vector.shape_cast %reduce_min3A_911 : vector<128xf32> to vector<128x1xf32>
      %eq3A_913 = vector.broadcast %broadcast_in_dim3A_888 : vector<128x1xf32> to vector<128x128xf32>
      %eq3A_914 = arith.cmpf oeq, %concatenate3A_460, %eq3A_913 : vector<128x128xf32>
      %jit3A_915 = arith.constant 0x7F800000 : f32
      %broadcast_in_dim3A_916 = vector.broadcast %jit3A_915 : f32 to vector<128x128xf32>
      %select_n3A_917 = arith.select %eq3A_914, %broadcast_in_dim3A_916, %select_n3A_853 : vector<128x128xi1>, vector<128x128xf32>
      %eq3A_918 = vector.broadcast %broadcast_in_dim3A_896 : vector<128x1xf32> to vector<128x128xf32>
      %eq3A_919 = arith.cmpf oeq, %concatenate3A_468, %eq3A_918 : vector<128x128xf32>
      %jit3A_920 = arith.constant 0x7F800000 : f32
      %broadcast_in_dim3A_921 = vector.broadcast %jit3A_920 : f32 to vector<128x128xf32>
      %select_n3A_922 = arith.select %eq3A_919, %broadcast_in_dim3A_921, %select_n3A_858 : vector<128x128xi1>, vector<128x128xf32>
      %eq3A_923 = vector.broadcast %broadcast_in_dim3A_904 : vector<128x1xf32> to vector<128x128xf32>
      %eq3A_924 = arith.cmpf oeq, %concatenate3A_476, %eq3A_923 : vector<128x128xf32>
      %jit3A_925 = arith.constant 0x7F800000 : f32
      %broadcast_in_dim3A_926 = vector.broadcast %jit3A_925 : f32 to vector<128x128xf32>
      %select_n3A_927 = arith.select %eq3A_924, %broadcast_in_dim3A_926, %select_n3A_863 : vector<128x128xi1>, vector<128x128xf32>
      %eq3A_928 = vector.broadcast %broadcast_in_dim3A_912 : vector<128x1xf32> to vector<128x128xf32>
      %eq3A_929 = arith.cmpf oeq, %concatenate3A_484, %eq3A_928 : vector<128x128xf32>
      %jit3A_930 = arith.constant 0x7F800000 : f32
      %broadcast_in_dim3A_931 = vector.broadcast %jit3A_930 : f32 to vector<128x128xf32>
      %select_n3A_932 = arith.select %eq3A_929, %broadcast_in_dim3A_931, %select_n3A_868 : vector<128x128xi1>, vector<128x128xf32>
      %reduce_min3A_933 = arith.constant dense<0x7F800000> : vector<128xf32>
      %reduce_min3A_934 = vector.multi_reduction <minimumf>, %select_n3A_917, %reduce_min3A_933 [1] : vector<128x128xf32> to vector<128xf32>
      %broadcast_in_dim3A_935 = vector.shape_cast %reduce_min3A_934 : vector<128xf32> to vector<128x1xf32>
      %reduce_min3A_936 = arith.constant dense<0x7F800000> : vector<128xf32>
      %reduce_min3A_937 = vector.multi_reduction <minimumf>, %select_n3A_922, %reduce_min3A_936 [1] : vector<128x128xf32> to vector<128xf32>
      %broadcast_in_dim3A_938 = vector.shape_cast %reduce_min3A_937 : vector<128xf32> to vector<128x1xf32>
      %reduce_min3A_939 = arith.constant dense<0x7F800000> : vector<128xf32>
      %reduce_min3A_940 = vector.multi_reduction <minimumf>, %select_n3A_927, %reduce_min3A_939 [1] : vector<128x128xf32> to vector<128xf32>
      %broadcast_in_dim3A_941 = vector.shape_cast %reduce_min3A_940 : vector<128xf32> to vector<128x1xf32>
      %reduce_min3A_942 = arith.constant dense<0x7F800000> : vector<128xf32>
      %reduce_min3A_943 = vector.multi_reduction <minimumf>, %select_n3A_932, %reduce_min3A_942 [1] : vector<128x128xf32> to vector<128xf32>
      %broadcast_in_dim3A_944 = vector.shape_cast %reduce_min3A_943 : vector<128xf32> to vector<128x1xf32>
      %eq3A_945 = vector.broadcast %broadcast_in_dim3A_935 : vector<128x1xf32> to vector<128x128xf32>
      %eq3A_946 = arith.cmpf oeq, %select_n3A_917, %eq3A_945 : vector<128x128xf32>
      %jit3A_947 = arith.constant 0x7F800000 : f32
      %broadcast_in_dim3A_948 = vector.broadcast %jit3A_947 : f32 to vector<128x128xf32>
      %select_n3A_949 = arith.select %eq3A_946, %concatenate3A_460, %broadcast_in_dim3A_948 : vector<128x128xi1>, vector<128x128xf32>
      %reduce_min3A_950 = arith.constant dense<0x7F800000> : vector<128xf32>
      %reduce_min3A_951 = vector.multi_reduction <minimumf>, %select_n3A_949, %reduce_min3A_950 [1] : vector<128x128xf32> to vector<128xf32>
      %broadcast_in_dim3A_952 = vector.shape_cast %reduce_min3A_951 : vector<128xf32> to vector<128x1xf32>
      %eq3A_953 = vector.broadcast %broadcast_in_dim3A_938 : vector<128x1xf32> to vector<128x128xf32>
      %eq3A_954 = arith.cmpf oeq, %select_n3A_922, %eq3A_953 : vector<128x128xf32>
      %jit3A_955 = arith.constant 0x7F800000 : f32
      %broadcast_in_dim3A_956 = vector.broadcast %jit3A_955 : f32 to vector<128x128xf32>
      %select_n3A_957 = arith.select %eq3A_954, %concatenate3A_468, %broadcast_in_dim3A_956 : vector<128x128xi1>, vector<128x128xf32>
      %reduce_min3A_958 = arith.constant dense<0x7F800000> : vector<128xf32>
      %reduce_min3A_959 = vector.multi_reduction <minimumf>, %select_n3A_957, %reduce_min3A_958 [1] : vector<128x128xf32> to vector<128xf32>
      %broadcast_in_dim3A_960 = vector.shape_cast %reduce_min3A_959 : vector<128xf32> to vector<128x1xf32>
      %eq3A_961 = vector.broadcast %broadcast_in_dim3A_941 : vector<128x1xf32> to vector<128x128xf32>
      %eq3A_962 = arith.cmpf oeq, %select_n3A_927, %eq3A_961 : vector<128x128xf32>
      %jit3A_963 = arith.constant 0x7F800000 : f32
      %broadcast_in_dim3A_964 = vector.broadcast %jit3A_963 : f32 to vector<128x128xf32>
      %select_n3A_965 = arith.select %eq3A_962, %concatenate3A_476, %broadcast_in_dim3A_964 : vector<128x128xi1>, vector<128x128xf32>
      %reduce_min3A_966 = arith.constant dense<0x7F800000> : vector<128xf32>
      %reduce_min3A_967 = vector.multi_reduction <minimumf>, %select_n3A_965, %reduce_min3A_966 [1] : vector<128x128xf32> to vector<128xf32>
      %broadcast_in_dim3A_968 = vector.shape_cast %reduce_min3A_967 : vector<128xf32> to vector<128x1xf32>
      %eq3A_969 = vector.broadcast %broadcast_in_dim3A_944 : vector<128x1xf32> to vector<128x128xf32>
      %eq3A_970 = arith.cmpf oeq, %select_n3A_932, %eq3A_969 : vector<128x128xf32>
      %jit3A_971 = arith.constant 0x7F800000 : f32
      %broadcast_in_dim3A_972 = vector.broadcast %jit3A_971 : f32 to vector<128x128xf32>
      %select_n3A_973 = arith.select %eq3A_970, %concatenate3A_484, %broadcast_in_dim3A_972 : vector<128x128xi1>, vector<128x128xf32>
      %reduce_min3A_974 = arith.constant dense<0x7F800000> : vector<128xf32>
      %reduce_min3A_975 = vector.multi_reduction <minimumf>, %select_n3A_973, %reduce_min3A_974 [1] : vector<128x128xf32> to vector<128xf32>
      %broadcast_in_dim3A_976 = vector.shape_cast %reduce_min3A_975 : vector<128xf32> to vector<128x1xf32>
      %eq3A_977 = vector.broadcast %broadcast_in_dim3A_952 : vector<128x1xf32> to vector<128x128xf32>
      %eq3A_978 = arith.cmpf oeq, %concatenate3A_460, %eq3A_977 : vector<128x128xf32>
      %jit3A_979 = arith.constant 0x7F800000 : f32
      %broadcast_in_dim3A_980 = vector.broadcast %jit3A_979 : f32 to vector<128x128xf32>
      %select_n3A_981 = arith.select %eq3A_978, %broadcast_in_dim3A_980, %select_n3A_917 : vector<128x128xi1>, vector<128x128xf32>
      %eq3A_982 = vector.broadcast %broadcast_in_dim3A_960 : vector<128x1xf32> to vector<128x128xf32>
      %eq3A_983 = arith.cmpf oeq, %concatenate3A_468, %eq3A_982 : vector<128x128xf32>
      %jit3A_984 = arith.constant 0x7F800000 : f32
      %broadcast_in_dim3A_985 = vector.broadcast %jit3A_984 : f32 to vector<128x128xf32>
      %select_n3A_986 = arith.select %eq3A_983, %broadcast_in_dim3A_985, %select_n3A_922 : vector<128x128xi1>, vector<128x128xf32>
      %eq3A_987 = vector.broadcast %broadcast_in_dim3A_968 : vector<128x1xf32> to vector<128x128xf32>
      %eq3A_988 = arith.cmpf oeq, %concatenate3A_476, %eq3A_987 : vector<128x128xf32>
      %jit3A_989 = arith.constant 0x7F800000 : f32
      %broadcast_in_dim3A_990 = vector.broadcast %jit3A_989 : f32 to vector<128x128xf32>
      %select_n3A_991 = arith.select %eq3A_988, %broadcast_in_dim3A_990, %select_n3A_927 : vector<128x128xi1>, vector<128x128xf32>
      %eq3A_992 = vector.broadcast %broadcast_in_dim3A_976 : vector<128x1xf32> to vector<128x128xf32>
      %eq3A_993 = arith.cmpf oeq, %concatenate3A_484, %eq3A_992 : vector<128x128xf32>
      %jit3A_994 = arith.constant 0x7F800000 : f32
      %broadcast_in_dim3A_995 = vector.broadcast %jit3A_994 : f32 to vector<128x128xf32>
      %select_n3A_996 = arith.select %eq3A_993, %broadcast_in_dim3A_995, %select_n3A_932 : vector<128x128xi1>, vector<128x128xf32>
      %reduce_min3A_997 = arith.constant dense<0x7F800000> : vector<128xf32>
      %reduce_min3A_998 = vector.multi_reduction <minimumf>, %select_n3A_981, %reduce_min3A_997 [1] : vector<128x128xf32> to vector<128xf32>
      %broadcast_in_dim3A_999 = vector.shape_cast %reduce_min3A_998 : vector<128xf32> to vector<128x1xf32>
      %reduce_min3A_1000 = arith.constant dense<0x7F800000> : vector<128xf32>
      %reduce_min3A_1001 = vector.multi_reduction <minimumf>, %select_n3A_986, %reduce_min3A_1000 [1] : vector<128x128xf32> to vector<128xf32>
      %broadcast_in_dim3A_1002 = vector.shape_cast %reduce_min3A_1001 : vector<128xf32> to vector<128x1xf32>
      %reduce_min3A_1003 = arith.constant dense<0x7F800000> : vector<128xf32>
      %reduce_min3A_1004 = vector.multi_reduction <minimumf>, %select_n3A_991, %reduce_min3A_1003 [1] : vector<128x128xf32> to vector<128xf32>
      %broadcast_in_dim3A_1005 = vector.shape_cast %reduce_min3A_1004 : vector<128xf32> to vector<128x1xf32>
      %reduce_min3A_1006 = arith.constant dense<0x7F800000> : vector<128xf32>
      %reduce_min3A_1007 = vector.multi_reduction <minimumf>, %select_n3A_996, %reduce_min3A_1006 [1] : vector<128x128xf32> to vector<128xf32>
      %broadcast_in_dim3A_1008 = vector.shape_cast %reduce_min3A_1007 : vector<128xf32> to vector<128x1xf32>
      %eq3A_1009 = vector.broadcast %broadcast_in_dim3A_999 : vector<128x1xf32> to vector<128x128xf32>
      %eq3A_1010 = arith.cmpf oeq, %select_n3A_981, %eq3A_1009 : vector<128x128xf32>
      %jit3A_1011 = arith.constant 0x7F800000 : f32
      %broadcast_in_dim3A_1012 = vector.broadcast %jit3A_1011 : f32 to vector<128x128xf32>
      %select_n3A_1013 = arith.select %eq3A_1010, %concatenate3A_460, %broadcast_in_dim3A_1012 : vector<128x128xi1>, vector<128x128xf32>
      %reduce_min3A_1014 = arith.constant dense<0x7F800000> : vector<128xf32>
      %reduce_min3A_1015 = vector.multi_reduction <minimumf>, %select_n3A_1013, %reduce_min3A_1014 [1] : vector<128x128xf32> to vector<128xf32>
      %broadcast_in_dim3A_1016 = vector.shape_cast %reduce_min3A_1015 : vector<128xf32> to vector<128x1xf32>
      %eq3A_1017 = vector.broadcast %broadcast_in_dim3A_1002 : vector<128x1xf32> to vector<128x128xf32>
      %eq3A_1018 = arith.cmpf oeq, %select_n3A_986, %eq3A_1017 : vector<128x128xf32>
      %jit3A_1019 = arith.constant 0x7F800000 : f32
      %broadcast_in_dim3A_1020 = vector.broadcast %jit3A_1019 : f32 to vector<128x128xf32>
      %select_n3A_1021 = arith.select %eq3A_1018, %concatenate3A_468, %broadcast_in_dim3A_1020 : vector<128x128xi1>, vector<128x128xf32>
      %reduce_min3A_1022 = arith.constant dense<0x7F800000> : vector<128xf32>
      %reduce_min3A_1023 = vector.multi_reduction <minimumf>, %select_n3A_1021, %reduce_min3A_1022 [1] : vector<128x128xf32> to vector<128xf32>
      %broadcast_in_dim3A_1024 = vector.shape_cast %reduce_min3A_1023 : vector<128xf32> to vector<128x1xf32>
      %eq3A_1025 = vector.broadcast %broadcast_in_dim3A_1005 : vector<128x1xf32> to vector<128x128xf32>
      %eq3A_1026 = arith.cmpf oeq, %select_n3A_991, %eq3A_1025 : vector<128x128xf32>
      %jit3A_1027 = arith.constant 0x7F800000 : f32
      %broadcast_in_dim3A_1028 = vector.broadcast %jit3A_1027 : f32 to vector<128x128xf32>
      %select_n3A_1029 = arith.select %eq3A_1026, %concatenate3A_476, %broadcast_in_dim3A_1028 : vector<128x128xi1>, vector<128x128xf32>
      %reduce_min3A_1030 = arith.constant dense<0x7F800000> : vector<128xf32>
      %reduce_min3A_1031 = vector.multi_reduction <minimumf>, %select_n3A_1029, %reduce_min3A_1030 [1] : vector<128x128xf32> to vector<128xf32>
      %broadcast_in_dim3A_1032 = vector.shape_cast %reduce_min3A_1031 : vector<128xf32> to vector<128x1xf32>
      %eq3A_1033 = vector.broadcast %broadcast_in_dim3A_1008 : vector<128x1xf32> to vector<128x128xf32>
      %eq3A_1034 = arith.cmpf oeq, %select_n3A_996, %eq3A_1033 : vector<128x128xf32>
      %jit3A_1035 = arith.constant 0x7F800000 : f32
      %broadcast_in_dim3A_1036 = vector.broadcast %jit3A_1035 : f32 to vector<128x128xf32>
      %select_n3A_1037 = arith.select %eq3A_1034, %concatenate3A_484, %broadcast_in_dim3A_1036 : vector<128x128xi1>, vector<128x128xf32>
      %reduce_min3A_1038 = arith.constant dense<0x7F800000> : vector<128xf32>
      %reduce_min3A_1039 = vector.multi_reduction <minimumf>, %select_n3A_1037, %reduce_min3A_1038 [1] : vector<128x128xf32> to vector<128xf32>
      %broadcast_in_dim3A_1040 = vector.shape_cast %reduce_min3A_1039 : vector<128xf32> to vector<128x1xf32>
      %eq3A_1041 = vector.broadcast %broadcast_in_dim3A_1016 : vector<128x1xf32> to vector<128x128xf32>
      %eq3A_1042 = arith.cmpf oeq, %concatenate3A_460, %eq3A_1041 : vector<128x128xf32>
      %jit3A_1043 = arith.constant 0x7F800000 : f32
      %broadcast_in_dim3A_1044 = vector.broadcast %jit3A_1043 : f32 to vector<128x128xf32>
      %select_n3A_1045 = arith.select %eq3A_1042, %broadcast_in_dim3A_1044, %select_n3A_981 : vector<128x128xi1>, vector<128x128xf32>
      %eq3A_1046 = vector.broadcast %broadcast_in_dim3A_1024 : vector<128x1xf32> to vector<128x128xf32>
      %eq3A_1047 = arith.cmpf oeq, %concatenate3A_468, %eq3A_1046 : vector<128x128xf32>
      %jit3A_1048 = arith.constant 0x7F800000 : f32
      %broadcast_in_dim3A_1049 = vector.broadcast %jit3A_1048 : f32 to vector<128x128xf32>
      %select_n3A_1050 = arith.select %eq3A_1047, %broadcast_in_dim3A_1049, %select_n3A_986 : vector<128x128xi1>, vector<128x128xf32>
      %eq3A_1051 = vector.broadcast %broadcast_in_dim3A_1032 : vector<128x1xf32> to vector<128x128xf32>
      %eq3A_1052 = arith.cmpf oeq, %concatenate3A_476, %eq3A_1051 : vector<128x128xf32>
      %jit3A_1053 = arith.constant 0x7F800000 : f32
      %broadcast_in_dim3A_1054 = vector.broadcast %jit3A_1053 : f32 to vector<128x128xf32>
      %select_n3A_1055 = arith.select %eq3A_1052, %broadcast_in_dim3A_1054, %select_n3A_991 : vector<128x128xi1>, vector<128x128xf32>
      %eq3A_1056 = vector.broadcast %broadcast_in_dim3A_1040 : vector<128x1xf32> to vector<128x128xf32>
      %eq3A_1057 = arith.cmpf oeq, %concatenate3A_484, %eq3A_1056 : vector<128x128xf32>
      %jit3A_1058 = arith.constant 0x7F800000 : f32
      %broadcast_in_dim3A_1059 = vector.broadcast %jit3A_1058 : f32 to vector<128x128xf32>
      %select_n3A_1060 = arith.select %eq3A_1057, %broadcast_in_dim3A_1059, %select_n3A_996 : vector<128x128xi1>, vector<128x128xf32>
      %reduce_min3A_1061 = arith.constant dense<0x7F800000> : vector<128xf32>
      %reduce_min3A_1062 = vector.multi_reduction <minimumf>, %select_n3A_1045, %reduce_min3A_1061 [1] : vector<128x128xf32> to vector<128xf32>
      %broadcast_in_dim3A_1063 = vector.shape_cast %reduce_min3A_1062 : vector<128xf32> to vector<128x1xf32>
      %reduce_min3A_1064 = arith.constant dense<0x7F800000> : vector<128xf32>
      %reduce_min3A_1065 = vector.multi_reduction <minimumf>, %select_n3A_1050, %reduce_min3A_1064 [1] : vector<128x128xf32> to vector<128xf32>
      %broadcast_in_dim3A_1066 = vector.shape_cast %reduce_min3A_1065 : vector<128xf32> to vector<128x1xf32>
      %reduce_min3A_1067 = arith.constant dense<0x7F800000> : vector<128xf32>
      %reduce_min3A_1068 = vector.multi_reduction <minimumf>, %select_n3A_1055, %reduce_min3A_1067 [1] : vector<128x128xf32> to vector<128xf32>
      %broadcast_in_dim3A_1069 = vector.shape_cast %reduce_min3A_1068 : vector<128xf32> to vector<128x1xf32>
      %reduce_min3A_1070 = arith.constant dense<0x7F800000> : vector<128xf32>
      %reduce_min3A_1071 = vector.multi_reduction <minimumf>, %select_n3A_1060, %reduce_min3A_1070 [1] : vector<128x128xf32> to vector<128xf32>
      %broadcast_in_dim3A_1072 = vector.shape_cast %reduce_min3A_1071 : vector<128xf32> to vector<128x1xf32>
      %eq3A_1073 = vector.broadcast %broadcast_in_dim3A_1063 : vector<128x1xf32> to vector<128x128xf32>
      %eq3A_1074 = arith.cmpf oeq, %select_n3A_1045, %eq3A_1073 : vector<128x128xf32>
      %jit3A_1075 = arith.constant 0x7F800000 : f32
      %broadcast_in_dim3A_1076 = vector.broadcast %jit3A_1075 : f32 to vector<128x128xf32>
      %select_n3A_1077 = arith.select %eq3A_1074, %concatenate3A_460, %broadcast_in_dim3A_1076 : vector<128x128xi1>, vector<128x128xf32>
      %reduce_min3A_1078 = arith.constant dense<0x7F800000> : vector<128xf32>
      %reduce_min3A_1079 = vector.multi_reduction <minimumf>, %select_n3A_1077, %reduce_min3A_1078 [1] : vector<128x128xf32> to vector<128xf32>
      %broadcast_in_dim3A_1080 = vector.shape_cast %reduce_min3A_1079 : vector<128xf32> to vector<128x1xf32>
      %eq3A_1081 = vector.broadcast %broadcast_in_dim3A_1066 : vector<128x1xf32> to vector<128x128xf32>
      %eq3A_1082 = arith.cmpf oeq, %select_n3A_1050, %eq3A_1081 : vector<128x128xf32>
      %jit3A_1083 = arith.constant 0x7F800000 : f32
      %broadcast_in_dim3A_1084 = vector.broadcast %jit3A_1083 : f32 to vector<128x128xf32>
      %select_n3A_1085 = arith.select %eq3A_1082, %concatenate3A_468, %broadcast_in_dim3A_1084 : vector<128x128xi1>, vector<128x128xf32>
      %reduce_min3A_1086 = arith.constant dense<0x7F800000> : vector<128xf32>
      %reduce_min3A_1087 = vector.multi_reduction <minimumf>, %select_n3A_1085, %reduce_min3A_1086 [1] : vector<128x128xf32> to vector<128xf32>
      %broadcast_in_dim3A_1088 = vector.shape_cast %reduce_min3A_1087 : vector<128xf32> to vector<128x1xf32>
      %eq3A_1089 = vector.broadcast %broadcast_in_dim3A_1069 : vector<128x1xf32> to vector<128x128xf32>
      %eq3A_1090 = arith.cmpf oeq, %select_n3A_1055, %eq3A_1089 : vector<128x128xf32>
      %jit3A_1091 = arith.constant 0x7F800000 : f32
      %broadcast_in_dim3A_1092 = vector.broadcast %jit3A_1091 : f32 to vector<128x128xf32>
      %select_n3A_1093 = arith.select %eq3A_1090, %concatenate3A_476, %broadcast_in_dim3A_1092 : vector<128x128xi1>, vector<128x128xf32>
      %reduce_min3A_1094 = arith.constant dense<0x7F800000> : vector<128xf32>
      %reduce_min3A_1095 = vector.multi_reduction <minimumf>, %select_n3A_1093, %reduce_min3A_1094 [1] : vector<128x128xf32> to vector<128xf32>
      %broadcast_in_dim3A_1096 = vector.shape_cast %reduce_min3A_1095 : vector<128xf32> to vector<128x1xf32>
      %eq3A_1097 = vector.broadcast %broadcast_in_dim3A_1072 : vector<128x1xf32> to vector<128x128xf32>
      %eq3A_1098 = arith.cmpf oeq, %select_n3A_1060, %eq3A_1097 : vector<128x128xf32>
      %jit3A_1099 = arith.constant 0x7F800000 : f32
      %broadcast_in_dim3A_1100 = vector.broadcast %jit3A_1099 : f32 to vector<128x128xf32>
      %select_n3A_1101 = arith.select %eq3A_1098, %concatenate3A_484, %broadcast_in_dim3A_1100 : vector<128x128xi1>, vector<128x128xf32>
      %reduce_min3A_1102 = arith.constant dense<0x7F800000> : vector<128xf32>
      %reduce_min3A_1103 = vector.multi_reduction <minimumf>, %select_n3A_1101, %reduce_min3A_1102 [1] : vector<128x128xf32> to vector<128xf32>
      %broadcast_in_dim3A_1104 = vector.shape_cast %reduce_min3A_1103 : vector<128xf32> to vector<128x1xf32>
      %eq3A_1105 = vector.broadcast %broadcast_in_dim3A_1080 : vector<128x1xf32> to vector<128x128xf32>
      %eq3A_1106 = arith.cmpf oeq, %concatenate3A_460, %eq3A_1105 : vector<128x128xf32>
      %jit3A_1107 = arith.constant 0x7F800000 : f32
      %broadcast_in_dim3A_1108 = vector.broadcast %jit3A_1107 : f32 to vector<128x128xf32>
      %select_n3A_1109 = arith.select %eq3A_1106, %broadcast_in_dim3A_1108, %select_n3A_1045 : vector<128x128xi1>, vector<128x128xf32>
      %eq3A_1110 = vector.broadcast %broadcast_in_dim3A_1088 : vector<128x1xf32> to vector<128x128xf32>
      %eq3A_1111 = arith.cmpf oeq, %concatenate3A_468, %eq3A_1110 : vector<128x128xf32>
      %jit3A_1112 = arith.constant 0x7F800000 : f32
      %broadcast_in_dim3A_1113 = vector.broadcast %jit3A_1112 : f32 to vector<128x128xf32>
      %select_n3A_1114 = arith.select %eq3A_1111, %broadcast_in_dim3A_1113, %select_n3A_1050 : vector<128x128xi1>, vector<128x128xf32>
      %eq3A_1115 = vector.broadcast %broadcast_in_dim3A_1096 : vector<128x1xf32> to vector<128x128xf32>
      %eq3A_1116 = arith.cmpf oeq, %concatenate3A_476, %eq3A_1115 : vector<128x128xf32>
      %jit3A_1117 = arith.constant 0x7F800000 : f32
      %broadcast_in_dim3A_1118 = vector.broadcast %jit3A_1117 : f32 to vector<128x128xf32>
      %select_n3A_1119 = arith.select %eq3A_1116, %broadcast_in_dim3A_1118, %select_n3A_1055 : vector<128x128xi1>, vector<128x128xf32>
      %eq3A_1120 = vector.broadcast %broadcast_in_dim3A_1104 : vector<128x1xf32> to vector<128x128xf32>
      %eq3A_1121 = arith.cmpf oeq, %concatenate3A_484, %eq3A_1120 : vector<128x128xf32>
      %jit3A_1122 = arith.constant 0x7F800000 : f32
      %broadcast_in_dim3A_1123 = vector.broadcast %jit3A_1122 : f32 to vector<128x128xf32>
      %select_n3A_1124 = arith.select %eq3A_1121, %broadcast_in_dim3A_1123, %select_n3A_1060 : vector<128x128xi1>, vector<128x128xf32>
      %reduce_min3A_1125 = arith.constant dense<0x7F800000> : vector<128xf32>
      %reduce_min3A_1126 = vector.multi_reduction <minimumf>, %select_n3A_1109, %reduce_min3A_1125 [1] : vector<128x128xf32> to vector<128xf32>
      %broadcast_in_dim3A_1127 = vector.shape_cast %reduce_min3A_1126 : vector<128xf32> to vector<128x1xf32>
      %reduce_min3A_1128 = arith.constant dense<0x7F800000> : vector<128xf32>
      %reduce_min3A_1129 = vector.multi_reduction <minimumf>, %select_n3A_1114, %reduce_min3A_1128 [1] : vector<128x128xf32> to vector<128xf32>
      %broadcast_in_dim3A_1130 = vector.shape_cast %reduce_min3A_1129 : vector<128xf32> to vector<128x1xf32>
      %reduce_min3A_1131 = arith.constant dense<0x7F800000> : vector<128xf32>
      %reduce_min3A_1132 = vector.multi_reduction <minimumf>, %select_n3A_1119, %reduce_min3A_1131 [1] : vector<128x128xf32> to vector<128xf32>
      %broadcast_in_dim3A_1133 = vector.shape_cast %reduce_min3A_1132 : vector<128xf32> to vector<128x1xf32>
      %reduce_min3A_1134 = arith.constant dense<0x7F800000> : vector<128xf32>
      %reduce_min3A_1135 = vector.multi_reduction <minimumf>, %select_n3A_1124, %reduce_min3A_1134 [1] : vector<128x128xf32> to vector<128xf32>
      %broadcast_in_dim3A_1136 = vector.shape_cast %reduce_min3A_1135 : vector<128xf32> to vector<128x1xf32>
      %eq3A_1137 = vector.broadcast %broadcast_in_dim3A_1127 : vector<128x1xf32> to vector<128x128xf32>
      %eq3A_1138 = arith.cmpf oeq, %select_n3A_1109, %eq3A_1137 : vector<128x128xf32>
      %jit3A_1139 = arith.constant 0x7F800000 : f32
      %broadcast_in_dim3A_1140 = vector.broadcast %jit3A_1139 : f32 to vector<128x128xf32>
      %select_n3A_1141 = arith.select %eq3A_1138, %concatenate3A_460, %broadcast_in_dim3A_1140 : vector<128x128xi1>, vector<128x128xf32>
      %reduce_min3A_1142 = arith.constant dense<0x7F800000> : vector<128xf32>
      %reduce_min3A_1143 = vector.multi_reduction <minimumf>, %select_n3A_1141, %reduce_min3A_1142 [1] : vector<128x128xf32> to vector<128xf32>
      %broadcast_in_dim3A_1144 = vector.shape_cast %reduce_min3A_1143 : vector<128xf32> to vector<128x1xf32>
      %eq3A_1145 = vector.broadcast %broadcast_in_dim3A_1130 : vector<128x1xf32> to vector<128x128xf32>
      %eq3A_1146 = arith.cmpf oeq, %select_n3A_1114, %eq3A_1145 : vector<128x128xf32>
      %jit3A_1147 = arith.constant 0x7F800000 : f32
      %broadcast_in_dim3A_1148 = vector.broadcast %jit3A_1147 : f32 to vector<128x128xf32>
      %select_n3A_1149 = arith.select %eq3A_1146, %concatenate3A_468, %broadcast_in_dim3A_1148 : vector<128x128xi1>, vector<128x128xf32>
      %reduce_min3A_1150 = arith.constant dense<0x7F800000> : vector<128xf32>
      %reduce_min3A_1151 = vector.multi_reduction <minimumf>, %select_n3A_1149, %reduce_min3A_1150 [1] : vector<128x128xf32> to vector<128xf32>
      %broadcast_in_dim3A_1152 = vector.shape_cast %reduce_min3A_1151 : vector<128xf32> to vector<128x1xf32>
      %eq3A_1153 = vector.broadcast %broadcast_in_dim3A_1133 : vector<128x1xf32> to vector<128x128xf32>
      %eq3A_1154 = arith.cmpf oeq, %select_n3A_1119, %eq3A_1153 : vector<128x128xf32>
      %jit3A_1155 = arith.constant 0x7F800000 : f32
      %broadcast_in_dim3A_1156 = vector.broadcast %jit3A_1155 : f32 to vector<128x128xf32>
      %select_n3A_1157 = arith.select %eq3A_1154, %concatenate3A_476, %broadcast_in_dim3A_1156 : vector<128x128xi1>, vector<128x128xf32>
      %reduce_min3A_1158 = arith.constant dense<0x7F800000> : vector<128xf32>
      %reduce_min3A_1159 = vector.multi_reduction <minimumf>, %select_n3A_1157, %reduce_min3A_1158 [1] : vector<128x128xf32> to vector<128xf32>
      %broadcast_in_dim3A_1160 = vector.shape_cast %reduce_min3A_1159 : vector<128xf32> to vector<128x1xf32>
      %eq3A_1161 = vector.broadcast %broadcast_in_dim3A_1136 : vector<128x1xf32> to vector<128x128xf32>
      %eq3A_1162 = arith.cmpf oeq, %select_n3A_1124, %eq3A_1161 : vector<128x128xf32>
      %jit3A_1163 = arith.constant 0x7F800000 : f32
      %broadcast_in_dim3A_1164 = vector.broadcast %jit3A_1163 : f32 to vector<128x128xf32>
      %select_n3A_1165 = arith.select %eq3A_1162, %concatenate3A_484, %broadcast_in_dim3A_1164 : vector<128x128xi1>, vector<128x128xf32>
      %reduce_min3A_1166 = arith.constant dense<0x7F800000> : vector<128xf32>
      %reduce_min3A_1167 = vector.multi_reduction <minimumf>, %select_n3A_1165, %reduce_min3A_1166 [1] : vector<128x128xf32> to vector<128xf32>
      %broadcast_in_dim3A_1168 = vector.shape_cast %reduce_min3A_1167 : vector<128xf32> to vector<128x1xf32>
      %eq3A_1169 = vector.broadcast %broadcast_in_dim3A_1144 : vector<128x1xf32> to vector<128x128xf32>
      %eq3A_1170 = arith.cmpf oeq, %concatenate3A_460, %eq3A_1169 : vector<128x128xf32>
      %jit3A_1171 = arith.constant 0x7F800000 : f32
      %broadcast_in_dim3A_1172 = vector.broadcast %jit3A_1171 : f32 to vector<128x128xf32>
      %select_n3A_1173 = arith.select %eq3A_1170, %broadcast_in_dim3A_1172, %select_n3A_1109 : vector<128x128xi1>, vector<128x128xf32>
      %eq3A_1174 = vector.broadcast %broadcast_in_dim3A_1152 : vector<128x1xf32> to vector<128x128xf32>
      %eq3A_1175 = arith.cmpf oeq, %concatenate3A_468, %eq3A_1174 : vector<128x128xf32>
      %jit3A_1176 = arith.constant 0x7F800000 : f32
      %broadcast_in_dim3A_1177 = vector.broadcast %jit3A_1176 : f32 to vector<128x128xf32>
      %select_n3A_1178 = arith.select %eq3A_1175, %broadcast_in_dim3A_1177, %select_n3A_1114 : vector<128x128xi1>, vector<128x128xf32>
      %eq3A_1179 = vector.broadcast %broadcast_in_dim3A_1160 : vector<128x1xf32> to vector<128x128xf32>
      %eq3A_1180 = arith.cmpf oeq, %concatenate3A_476, %eq3A_1179 : vector<128x128xf32>
      %jit3A_1181 = arith.constant 0x7F800000 : f32
      %broadcast_in_dim3A_1182 = vector.broadcast %jit3A_1181 : f32 to vector<128x128xf32>
      %select_n3A_1183 = arith.select %eq3A_1180, %broadcast_in_dim3A_1182, %select_n3A_1119 : vector<128x128xi1>, vector<128x128xf32>
      %eq3A_1184 = vector.broadcast %broadcast_in_dim3A_1168 : vector<128x1xf32> to vector<128x128xf32>
      %eq3A_1185 = arith.cmpf oeq, %concatenate3A_484, %eq3A_1184 : vector<128x128xf32>
      %jit3A_1186 = arith.constant 0x7F800000 : f32
      %broadcast_in_dim3A_1187 = vector.broadcast %jit3A_1186 : f32 to vector<128x128xf32>
      %select_n3A_1188 = arith.select %eq3A_1185, %broadcast_in_dim3A_1187, %select_n3A_1124 : vector<128x128xi1>, vector<128x128xf32>
      %reduce_min3A_1189 = arith.constant dense<0x7F800000> : vector<128xf32>
      %reduce_min3A_1190 = vector.multi_reduction <minimumf>, %select_n3A_1173, %reduce_min3A_1189 [1] : vector<128x128xf32> to vector<128xf32>
      %broadcast_in_dim3A_1191 = vector.shape_cast %reduce_min3A_1190 : vector<128xf32> to vector<128x1xf32>
      %reduce_min3A_1192 = arith.constant dense<0x7F800000> : vector<128xf32>
      %reduce_min3A_1193 = vector.multi_reduction <minimumf>, %select_n3A_1178, %reduce_min3A_1192 [1] : vector<128x128xf32> to vector<128xf32>
      %broadcast_in_dim3A_1194 = vector.shape_cast %reduce_min3A_1193 : vector<128xf32> to vector<128x1xf32>
      %reduce_min3A_1195 = arith.constant dense<0x7F800000> : vector<128xf32>
      %reduce_min3A_1196 = vector.multi_reduction <minimumf>, %select_n3A_1183, %reduce_min3A_1195 [1] : vector<128x128xf32> to vector<128xf32>
      %broadcast_in_dim3A_1197 = vector.shape_cast %reduce_min3A_1196 : vector<128xf32> to vector<128x1xf32>
      %reduce_min3A_1198 = arith.constant dense<0x7F800000> : vector<128xf32>
      %reduce_min3A_1199 = vector.multi_reduction <minimumf>, %select_n3A_1188, %reduce_min3A_1198 [1] : vector<128x128xf32> to vector<128xf32>
      %broadcast_in_dim3A_1200 = vector.shape_cast %reduce_min3A_1199 : vector<128xf32> to vector<128x1xf32>
      %eq3A_1201 = vector.broadcast %broadcast_in_dim3A_1191 : vector<128x1xf32> to vector<128x128xf32>
      %eq3A_1202 = arith.cmpf oeq, %select_n3A_1173, %eq3A_1201 : vector<128x128xf32>
      %jit3A_1203 = arith.constant 0x7F800000 : f32
      %broadcast_in_dim3A_1204 = vector.broadcast %jit3A_1203 : f32 to vector<128x128xf32>
      %select_n3A_1205 = arith.select %eq3A_1202, %concatenate3A_460, %broadcast_in_dim3A_1204 : vector<128x128xi1>, vector<128x128xf32>
      %reduce_min3A_1206 = arith.constant dense<0x7F800000> : vector<128xf32>
      %reduce_min3A_1207 = vector.multi_reduction <minimumf>, %select_n3A_1205, %reduce_min3A_1206 [1] : vector<128x128xf32> to vector<128xf32>
      %broadcast_in_dim3A_1208 = vector.shape_cast %reduce_min3A_1207 : vector<128xf32> to vector<128x1xf32>
      %eq3A_1209 = vector.broadcast %broadcast_in_dim3A_1194 : vector<128x1xf32> to vector<128x128xf32>
      %eq3A_1210 = arith.cmpf oeq, %select_n3A_1178, %eq3A_1209 : vector<128x128xf32>
      %jit3A_1211 = arith.constant 0x7F800000 : f32
      %broadcast_in_dim3A_1212 = vector.broadcast %jit3A_1211 : f32 to vector<128x128xf32>
      %select_n3A_1213 = arith.select %eq3A_1210, %concatenate3A_468, %broadcast_in_dim3A_1212 : vector<128x128xi1>, vector<128x128xf32>
      %reduce_min3A_1214 = arith.constant dense<0x7F800000> : vector<128xf32>
      %reduce_min3A_1215 = vector.multi_reduction <minimumf>, %select_n3A_1213, %reduce_min3A_1214 [1] : vector<128x128xf32> to vector<128xf32>
      %broadcast_in_dim3A_1216 = vector.shape_cast %reduce_min3A_1215 : vector<128xf32> to vector<128x1xf32>
      %eq3A_1217 = vector.broadcast %broadcast_in_dim3A_1197 : vector<128x1xf32> to vector<128x128xf32>
      %eq3A_1218 = arith.cmpf oeq, %select_n3A_1183, %eq3A_1217 : vector<128x128xf32>
      %jit3A_1219 = arith.constant 0x7F800000 : f32
      %broadcast_in_dim3A_1220 = vector.broadcast %jit3A_1219 : f32 to vector<128x128xf32>
      %select_n3A_1221 = arith.select %eq3A_1218, %concatenate3A_476, %broadcast_in_dim3A_1220 : vector<128x128xi1>, vector<128x128xf32>
      %reduce_min3A_1222 = arith.constant dense<0x7F800000> : vector<128xf32>
      %reduce_min3A_1223 = vector.multi_reduction <minimumf>, %select_n3A_1221, %reduce_min3A_1222 [1] : vector<128x128xf32> to vector<128xf32>
      %broadcast_in_dim3A_1224 = vector.shape_cast %reduce_min3A_1223 : vector<128xf32> to vector<128x1xf32>
      %eq3A_1225 = vector.broadcast %broadcast_in_dim3A_1200 : vector<128x1xf32> to vector<128x128xf32>
      %eq3A_1226 = arith.cmpf oeq, %select_n3A_1188, %eq3A_1225 : vector<128x128xf32>
      %jit3A_1227 = arith.constant 0x7F800000 : f32
      %broadcast_in_dim3A_1228 = vector.broadcast %jit3A_1227 : f32 to vector<128x128xf32>
      %select_n3A_1229 = arith.select %eq3A_1226, %concatenate3A_484, %broadcast_in_dim3A_1228 : vector<128x128xi1>, vector<128x128xf32>
      %reduce_min3A_1230 = arith.constant dense<0x7F800000> : vector<128xf32>
      %reduce_min3A_1231 = vector.multi_reduction <minimumf>, %select_n3A_1229, %reduce_min3A_1230 [1] : vector<128x128xf32> to vector<128xf32>
      %broadcast_in_dim3A_1232 = vector.shape_cast %reduce_min3A_1231 : vector<128xf32> to vector<128x1xf32>
      %eq3A_1233 = vector.broadcast %broadcast_in_dim3A_1208 : vector<128x1xf32> to vector<128x128xf32>
      %eq3A_1234 = arith.cmpf oeq, %concatenate3A_460, %eq3A_1233 : vector<128x128xf32>
      %jit3A_1235 = arith.constant 0x7F800000 : f32
      %broadcast_in_dim3A_1236 = vector.broadcast %jit3A_1235 : f32 to vector<128x128xf32>
      %select_n3A_1237 = arith.select %eq3A_1234, %broadcast_in_dim3A_1236, %select_n3A_1173 : vector<128x128xi1>, vector<128x128xf32>
      %eq3A_1238 = vector.broadcast %broadcast_in_dim3A_1216 : vector<128x1xf32> to vector<128x128xf32>
      %eq3A_1239 = arith.cmpf oeq, %concatenate3A_468, %eq3A_1238 : vector<128x128xf32>
      %jit3A_1240 = arith.constant 0x7F800000 : f32
      %broadcast_in_dim3A_1241 = vector.broadcast %jit3A_1240 : f32 to vector<128x128xf32>
      %select_n3A_1242 = arith.select %eq3A_1239, %broadcast_in_dim3A_1241, %select_n3A_1178 : vector<128x128xi1>, vector<128x128xf32>
      %eq3A_1243 = vector.broadcast %broadcast_in_dim3A_1224 : vector<128x1xf32> to vector<128x128xf32>
      %eq3A_1244 = arith.cmpf oeq, %concatenate3A_476, %eq3A_1243 : vector<128x128xf32>
      %jit3A_1245 = arith.constant 0x7F800000 : f32
      %broadcast_in_dim3A_1246 = vector.broadcast %jit3A_1245 : f32 to vector<128x128xf32>
      %select_n3A_1247 = arith.select %eq3A_1244, %broadcast_in_dim3A_1246, %select_n3A_1183 : vector<128x128xi1>, vector<128x128xf32>
      %eq3A_1248 = vector.broadcast %broadcast_in_dim3A_1232 : vector<128x1xf32> to vector<128x128xf32>
      %eq3A_1249 = arith.cmpf oeq, %concatenate3A_484, %eq3A_1248 : vector<128x128xf32>
      %jit3A_1250 = arith.constant 0x7F800000 : f32
      %broadcast_in_dim3A_1251 = vector.broadcast %jit3A_1250 : f32 to vector<128x128xf32>
      %select_n3A_1252 = arith.select %eq3A_1249, %broadcast_in_dim3A_1251, %select_n3A_1188 : vector<128x128xi1>, vector<128x128xf32>
      %reduce_min3A_1253 = arith.constant dense<0x7F800000> : vector<128xf32>
      %reduce_min3A_1254 = vector.multi_reduction <minimumf>, %select_n3A_1237, %reduce_min3A_1253 [1] : vector<128x128xf32> to vector<128xf32>
      %broadcast_in_dim3A_1255 = vector.shape_cast %reduce_min3A_1254 : vector<128xf32> to vector<128x1xf32>
      %reduce_min3A_1256 = arith.constant dense<0x7F800000> : vector<128xf32>
      %reduce_min3A_1257 = vector.multi_reduction <minimumf>, %select_n3A_1242, %reduce_min3A_1256 [1] : vector<128x128xf32> to vector<128xf32>
      %broadcast_in_dim3A_1258 = vector.shape_cast %reduce_min3A_1257 : vector<128xf32> to vector<128x1xf32>
      %reduce_min3A_1259 = arith.constant dense<0x7F800000> : vector<128xf32>
      %reduce_min3A_1260 = vector.multi_reduction <minimumf>, %select_n3A_1247, %reduce_min3A_1259 [1] : vector<128x128xf32> to vector<128xf32>
      %broadcast_in_dim3A_1261 = vector.shape_cast %reduce_min3A_1260 : vector<128xf32> to vector<128x1xf32>
      %reduce_min3A_1262 = arith.constant dense<0x7F800000> : vector<128xf32>
      %reduce_min3A_1263 = vector.multi_reduction <minimumf>, %select_n3A_1252, %reduce_min3A_1262 [1] : vector<128x128xf32> to vector<128xf32>
      %broadcast_in_dim3A_1264 = vector.shape_cast %reduce_min3A_1263 : vector<128xf32> to vector<128x1xf32>
      %eq3A_1265 = vector.broadcast %broadcast_in_dim3A_1255 : vector<128x1xf32> to vector<128x128xf32>
      %eq3A_1266 = arith.cmpf oeq, %select_n3A_1237, %eq3A_1265 : vector<128x128xf32>
      %jit3A_1267 = arith.constant 0x7F800000 : f32
      %broadcast_in_dim3A_1268 = vector.broadcast %jit3A_1267 : f32 to vector<128x128xf32>
      %select_n3A_1269 = arith.select %eq3A_1266, %concatenate3A_460, %broadcast_in_dim3A_1268 : vector<128x128xi1>, vector<128x128xf32>
      %reduce_min3A_1270 = arith.constant dense<0x7F800000> : vector<128xf32>
      %reduce_min3A_1271 = vector.multi_reduction <minimumf>, %select_n3A_1269, %reduce_min3A_1270 [1] : vector<128x128xf32> to vector<128xf32>
      %broadcast_in_dim3A_1272 = vector.shape_cast %reduce_min3A_1271 : vector<128xf32> to vector<128x1xf32>
      %eq3A_1273 = vector.broadcast %broadcast_in_dim3A_1258 : vector<128x1xf32> to vector<128x128xf32>
      %eq3A_1274 = arith.cmpf oeq, %select_n3A_1242, %eq3A_1273 : vector<128x128xf32>
      %jit3A_1275 = arith.constant 0x7F800000 : f32
      %broadcast_in_dim3A_1276 = vector.broadcast %jit3A_1275 : f32 to vector<128x128xf32>
      %select_n3A_1277 = arith.select %eq3A_1274, %concatenate3A_468, %broadcast_in_dim3A_1276 : vector<128x128xi1>, vector<128x128xf32>
      %reduce_min3A_1278 = arith.constant dense<0x7F800000> : vector<128xf32>
      %reduce_min3A_1279 = vector.multi_reduction <minimumf>, %select_n3A_1277, %reduce_min3A_1278 [1] : vector<128x128xf32> to vector<128xf32>
      %broadcast_in_dim3A_1280 = vector.shape_cast %reduce_min3A_1279 : vector<128xf32> to vector<128x1xf32>
      %eq3A_1281 = vector.broadcast %broadcast_in_dim3A_1261 : vector<128x1xf32> to vector<128x128xf32>
      %eq3A_1282 = arith.cmpf oeq, %select_n3A_1247, %eq3A_1281 : vector<128x128xf32>
      %jit3A_1283 = arith.constant 0x7F800000 : f32
      %broadcast_in_dim3A_1284 = vector.broadcast %jit3A_1283 : f32 to vector<128x128xf32>
      %select_n3A_1285 = arith.select %eq3A_1282, %concatenate3A_476, %broadcast_in_dim3A_1284 : vector<128x128xi1>, vector<128x128xf32>
      %reduce_min3A_1286 = arith.constant dense<0x7F800000> : vector<128xf32>
      %reduce_min3A_1287 = vector.multi_reduction <minimumf>, %select_n3A_1285, %reduce_min3A_1286 [1] : vector<128x128xf32> to vector<128xf32>
      %broadcast_in_dim3A_1288 = vector.shape_cast %reduce_min3A_1287 : vector<128xf32> to vector<128x1xf32>
      %eq3A_1289 = vector.broadcast %broadcast_in_dim3A_1264 : vector<128x1xf32> to vector<128x128xf32>
      %eq3A_1290 = arith.cmpf oeq, %select_n3A_1252, %eq3A_1289 : vector<128x128xf32>
      %jit3A_1291 = arith.constant 0x7F800000 : f32
      %broadcast_in_dim3A_1292 = vector.broadcast %jit3A_1291 : f32 to vector<128x128xf32>
      %select_n3A_1293 = arith.select %eq3A_1290, %concatenate3A_484, %broadcast_in_dim3A_1292 : vector<128x128xi1>, vector<128x128xf32>
      %reduce_min3A_1294 = arith.constant dense<0x7F800000> : vector<128xf32>
      %reduce_min3A_1295 = vector.multi_reduction <minimumf>, %select_n3A_1293, %reduce_min3A_1294 [1] : vector<128x128xf32> to vector<128xf32>
      %broadcast_in_dim3A_1296 = vector.shape_cast %reduce_min3A_1295 : vector<128xf32> to vector<128x1xf32>
      %eq3A_1297 = vector.broadcast %broadcast_in_dim3A_1272 : vector<128x1xf32> to vector<128x128xf32>
      %eq3A_1298 = arith.cmpf oeq, %concatenate3A_460, %eq3A_1297 : vector<128x128xf32>
      %jit3A_1299 = arith.constant 0x7F800000 : f32
      %broadcast_in_dim3A_1300 = vector.broadcast %jit3A_1299 : f32 to vector<128x128xf32>
      %select_n3A_1301 = arith.select %eq3A_1298, %broadcast_in_dim3A_1300, %select_n3A_1237 : vector<128x128xi1>, vector<128x128xf32>
      %eq3A_1302 = vector.broadcast %broadcast_in_dim3A_1280 : vector<128x1xf32> to vector<128x128xf32>
      %eq3A_1303 = arith.cmpf oeq, %concatenate3A_468, %eq3A_1302 : vector<128x128xf32>
      %jit3A_1304 = arith.constant 0x7F800000 : f32
      %broadcast_in_dim3A_1305 = vector.broadcast %jit3A_1304 : f32 to vector<128x128xf32>
      %select_n3A_1306 = arith.select %eq3A_1303, %broadcast_in_dim3A_1305, %select_n3A_1242 : vector<128x128xi1>, vector<128x128xf32>
      %eq3A_1307 = vector.broadcast %broadcast_in_dim3A_1288 : vector<128x1xf32> to vector<128x128xf32>
      %eq3A_1308 = arith.cmpf oeq, %concatenate3A_476, %eq3A_1307 : vector<128x128xf32>
      %jit3A_1309 = arith.constant 0x7F800000 : f32
      %broadcast_in_dim3A_1310 = vector.broadcast %jit3A_1309 : f32 to vector<128x128xf32>
      %select_n3A_1311 = arith.select %eq3A_1308, %broadcast_in_dim3A_1310, %select_n3A_1247 : vector<128x128xi1>, vector<128x128xf32>
      %eq3A_1312 = vector.broadcast %broadcast_in_dim3A_1296 : vector<128x1xf32> to vector<128x128xf32>
      %eq3A_1313 = arith.cmpf oeq, %concatenate3A_484, %eq3A_1312 : vector<128x128xf32>
      %jit3A_1314 = arith.constant 0x7F800000 : f32
      %broadcast_in_dim3A_1315 = vector.broadcast %jit3A_1314 : f32 to vector<128x128xf32>
      %select_n3A_1316 = arith.select %eq3A_1313, %broadcast_in_dim3A_1315, %select_n3A_1252 : vector<128x128xi1>, vector<128x128xf32>
      %reduce_min3A_1317 = arith.constant dense<0x7F800000> : vector<128xf32>
      %reduce_min3A_1318 = vector.multi_reduction <minimumf>, %select_n3A_1301, %reduce_min3A_1317 [1] : vector<128x128xf32> to vector<128xf32>
      %broadcast_in_dim3A_1319 = vector.shape_cast %reduce_min3A_1318 : vector<128xf32> to vector<128x1xf32>
      %reduce_min3A_1320 = arith.constant dense<0x7F800000> : vector<128xf32>
      %reduce_min3A_1321 = vector.multi_reduction <minimumf>, %select_n3A_1306, %reduce_min3A_1320 [1] : vector<128x128xf32> to vector<128xf32>
      %broadcast_in_dim3A_1322 = vector.shape_cast %reduce_min3A_1321 : vector<128xf32> to vector<128x1xf32>
      %reduce_min3A_1323 = arith.constant dense<0x7F800000> : vector<128xf32>
      %reduce_min3A_1324 = vector.multi_reduction <minimumf>, %select_n3A_1311, %reduce_min3A_1323 [1] : vector<128x128xf32> to vector<128xf32>
      %broadcast_in_dim3A_1325 = vector.shape_cast %reduce_min3A_1324 : vector<128xf32> to vector<128x1xf32>
      %reduce_min3A_1326 = arith.constant dense<0x7F800000> : vector<128xf32>
      %reduce_min3A_1327 = vector.multi_reduction <minimumf>, %select_n3A_1316, %reduce_min3A_1326 [1] : vector<128x128xf32> to vector<128xf32>
      %broadcast_in_dim3A_1328 = vector.shape_cast %reduce_min3A_1327 : vector<128xf32> to vector<128x1xf32>
      %eq3A_1329 = vector.broadcast %broadcast_in_dim3A_1319 : vector<128x1xf32> to vector<128x128xf32>
      %eq3A_1330 = arith.cmpf oeq, %select_n3A_1301, %eq3A_1329 : vector<128x128xf32>
      %jit3A_1331 = arith.constant 0x7F800000 : f32
      %broadcast_in_dim3A_1332 = vector.broadcast %jit3A_1331 : f32 to vector<128x128xf32>
      %select_n3A_1333 = arith.select %eq3A_1330, %concatenate3A_460, %broadcast_in_dim3A_1332 : vector<128x128xi1>, vector<128x128xf32>
      %reduce_min3A_1334 = arith.constant dense<0x7F800000> : vector<128xf32>
      %reduce_min3A_1335 = vector.multi_reduction <minimumf>, %select_n3A_1333, %reduce_min3A_1334 [1] : vector<128x128xf32> to vector<128xf32>
      %broadcast_in_dim3A_1336 = vector.shape_cast %reduce_min3A_1335 : vector<128xf32> to vector<128x1xf32>
      %eq3A_1337 = vector.broadcast %broadcast_in_dim3A_1322 : vector<128x1xf32> to vector<128x128xf32>
      %eq3A_1338 = arith.cmpf oeq, %select_n3A_1306, %eq3A_1337 : vector<128x128xf32>
      %jit3A_1339 = arith.constant 0x7F800000 : f32
      %broadcast_in_dim3A_1340 = vector.broadcast %jit3A_1339 : f32 to vector<128x128xf32>
      %select_n3A_1341 = arith.select %eq3A_1338, %concatenate3A_468, %broadcast_in_dim3A_1340 : vector<128x128xi1>, vector<128x128xf32>
      %reduce_min3A_1342 = arith.constant dense<0x7F800000> : vector<128xf32>
      %reduce_min3A_1343 = vector.multi_reduction <minimumf>, %select_n3A_1341, %reduce_min3A_1342 [1] : vector<128x128xf32> to vector<128xf32>
      %broadcast_in_dim3A_1344 = vector.shape_cast %reduce_min3A_1343 : vector<128xf32> to vector<128x1xf32>
      %eq3A_1345 = vector.broadcast %broadcast_in_dim3A_1325 : vector<128x1xf32> to vector<128x128xf32>
      %eq3A_1346 = arith.cmpf oeq, %select_n3A_1311, %eq3A_1345 : vector<128x128xf32>
      %jit3A_1347 = arith.constant 0x7F800000 : f32
      %broadcast_in_dim3A_1348 = vector.broadcast %jit3A_1347 : f32 to vector<128x128xf32>
      %select_n3A_1349 = arith.select %eq3A_1346, %concatenate3A_476, %broadcast_in_dim3A_1348 : vector<128x128xi1>, vector<128x128xf32>
      %reduce_min3A_1350 = arith.constant dense<0x7F800000> : vector<128xf32>
      %reduce_min3A_1351 = vector.multi_reduction <minimumf>, %select_n3A_1349, %reduce_min3A_1350 [1] : vector<128x128xf32> to vector<128xf32>
      %broadcast_in_dim3A_1352 = vector.shape_cast %reduce_min3A_1351 : vector<128xf32> to vector<128x1xf32>
      %eq3A_1353 = vector.broadcast %broadcast_in_dim3A_1328 : vector<128x1xf32> to vector<128x128xf32>
      %eq3A_1354 = arith.cmpf oeq, %select_n3A_1316, %eq3A_1353 : vector<128x128xf32>
      %jit3A_1355 = arith.constant 0x7F800000 : f32
      %broadcast_in_dim3A_1356 = vector.broadcast %jit3A_1355 : f32 to vector<128x128xf32>
      %select_n3A_1357 = arith.select %eq3A_1354, %concatenate3A_484, %broadcast_in_dim3A_1356 : vector<128x128xi1>, vector<128x128xf32>
      %reduce_min3A_1358 = arith.constant dense<0x7F800000> : vector<128xf32>
      %reduce_min3A_1359 = vector.multi_reduction <minimumf>, %select_n3A_1357, %reduce_min3A_1358 [1] : vector<128x128xf32> to vector<128xf32>
      %broadcast_in_dim3A_1360 = vector.shape_cast %reduce_min3A_1359 : vector<128xf32> to vector<128x1xf32>
      %eq3A_1361 = vector.broadcast %broadcast_in_dim3A_1336 : vector<128x1xf32> to vector<128x128xf32>
      %eq3A_1362 = arith.cmpf oeq, %concatenate3A_460, %eq3A_1361 : vector<128x128xf32>
      %jit3A_1363 = arith.constant 0x7F800000 : f32
      %broadcast_in_dim3A_1364 = vector.broadcast %jit3A_1363 : f32 to vector<128x128xf32>
      %select_n3A_1365 = arith.select %eq3A_1362, %broadcast_in_dim3A_1364, %select_n3A_1301 : vector<128x128xi1>, vector<128x128xf32>
      %eq3A_1366 = vector.broadcast %broadcast_in_dim3A_1344 : vector<128x1xf32> to vector<128x128xf32>
      %eq3A_1367 = arith.cmpf oeq, %concatenate3A_468, %eq3A_1366 : vector<128x128xf32>
      %jit3A_1368 = arith.constant 0x7F800000 : f32
      %broadcast_in_dim3A_1369 = vector.broadcast %jit3A_1368 : f32 to vector<128x128xf32>
      %select_n3A_1370 = arith.select %eq3A_1367, %broadcast_in_dim3A_1369, %select_n3A_1306 : vector<128x128xi1>, vector<128x128xf32>
      %eq3A_1371 = vector.broadcast %broadcast_in_dim3A_1352 : vector<128x1xf32> to vector<128x128xf32>
      %eq3A_1372 = arith.cmpf oeq, %concatenate3A_476, %eq3A_1371 : vector<128x128xf32>
      %jit3A_1373 = arith.constant 0x7F800000 : f32
      %broadcast_in_dim3A_1374 = vector.broadcast %jit3A_1373 : f32 to vector<128x128xf32>
      %select_n3A_1375 = arith.select %eq3A_1372, %broadcast_in_dim3A_1374, %select_n3A_1311 : vector<128x128xi1>, vector<128x128xf32>
      %eq3A_1376 = vector.broadcast %broadcast_in_dim3A_1360 : vector<128x1xf32> to vector<128x128xf32>
      %eq3A_1377 = arith.cmpf oeq, %concatenate3A_484, %eq3A_1376 : vector<128x128xf32>
      %jit3A_1378 = arith.constant 0x7F800000 : f32
      %broadcast_in_dim3A_1379 = vector.broadcast %jit3A_1378 : f32 to vector<128x128xf32>
      %select_n3A_1380 = arith.select %eq3A_1377, %broadcast_in_dim3A_1379, %select_n3A_1316 : vector<128x128xi1>, vector<128x128xf32>
      %reduce_min3A_1381 = arith.constant dense<0x7F800000> : vector<128xf32>
      %reduce_min3A_1382 = vector.multi_reduction <minimumf>, %select_n3A_1365, %reduce_min3A_1381 [1] : vector<128x128xf32> to vector<128xf32>
      %broadcast_in_dim3A_1383 = vector.shape_cast %reduce_min3A_1382 : vector<128xf32> to vector<128x1xf32>
      %reduce_min3A_1384 = arith.constant dense<0x7F800000> : vector<128xf32>
      %reduce_min3A_1385 = vector.multi_reduction <minimumf>, %select_n3A_1370, %reduce_min3A_1384 [1] : vector<128x128xf32> to vector<128xf32>
      %broadcast_in_dim3A_1386 = vector.shape_cast %reduce_min3A_1385 : vector<128xf32> to vector<128x1xf32>
      %reduce_min3A_1387 = arith.constant dense<0x7F800000> : vector<128xf32>
      %reduce_min3A_1388 = vector.multi_reduction <minimumf>, %select_n3A_1375, %reduce_min3A_1387 [1] : vector<128x128xf32> to vector<128xf32>
      %broadcast_in_dim3A_1389 = vector.shape_cast %reduce_min3A_1388 : vector<128xf32> to vector<128x1xf32>
      %reduce_min3A_1390 = arith.constant dense<0x7F800000> : vector<128xf32>
      %reduce_min3A_1391 = vector.multi_reduction <minimumf>, %select_n3A_1380, %reduce_min3A_1390 [1] : vector<128x128xf32> to vector<128xf32>
      %broadcast_in_dim3A_1392 = vector.shape_cast %reduce_min3A_1391 : vector<128xf32> to vector<128x1xf32>
      %eq3A_1393 = vector.broadcast %broadcast_in_dim3A_1383 : vector<128x1xf32> to vector<128x128xf32>
      %eq3A_1394 = arith.cmpf oeq, %select_n3A_1365, %eq3A_1393 : vector<128x128xf32>
      %jit3A_1395 = arith.constant 0x7F800000 : f32
      %broadcast_in_dim3A_1396 = vector.broadcast %jit3A_1395 : f32 to vector<128x128xf32>
      %select_n3A_1397 = arith.select %eq3A_1394, %concatenate3A_460, %broadcast_in_dim3A_1396 : vector<128x128xi1>, vector<128x128xf32>
      %reduce_min3A_1398 = arith.constant dense<0x7F800000> : vector<128xf32>
      %reduce_min3A_1399 = vector.multi_reduction <minimumf>, %select_n3A_1397, %reduce_min3A_1398 [1] : vector<128x128xf32> to vector<128xf32>
      %broadcast_in_dim3A_1400 = vector.shape_cast %reduce_min3A_1399 : vector<128xf32> to vector<128x1xf32>
      %eq3A_1401 = vector.broadcast %broadcast_in_dim3A_1386 : vector<128x1xf32> to vector<128x128xf32>
      %eq3A_1402 = arith.cmpf oeq, %select_n3A_1370, %eq3A_1401 : vector<128x128xf32>
      %jit3A_1403 = arith.constant 0x7F800000 : f32
      %broadcast_in_dim3A_1404 = vector.broadcast %jit3A_1403 : f32 to vector<128x128xf32>
      %select_n3A_1405 = arith.select %eq3A_1402, %concatenate3A_468, %broadcast_in_dim3A_1404 : vector<128x128xi1>, vector<128x128xf32>
      %reduce_min3A_1406 = arith.constant dense<0x7F800000> : vector<128xf32>
      %reduce_min3A_1407 = vector.multi_reduction <minimumf>, %select_n3A_1405, %reduce_min3A_1406 [1] : vector<128x128xf32> to vector<128xf32>
      %broadcast_in_dim3A_1408 = vector.shape_cast %reduce_min3A_1407 : vector<128xf32> to vector<128x1xf32>
      %eq3A_1409 = vector.broadcast %broadcast_in_dim3A_1389 : vector<128x1xf32> to vector<128x128xf32>
      %eq3A_1410 = arith.cmpf oeq, %select_n3A_1375, %eq3A_1409 : vector<128x128xf32>
      %jit3A_1411 = arith.constant 0x7F800000 : f32
      %broadcast_in_dim3A_1412 = vector.broadcast %jit3A_1411 : f32 to vector<128x128xf32>
      %select_n3A_1413 = arith.select %eq3A_1410, %concatenate3A_476, %broadcast_in_dim3A_1412 : vector<128x128xi1>, vector<128x128xf32>
      %reduce_min3A_1414 = arith.constant dense<0x7F800000> : vector<128xf32>
      %reduce_min3A_1415 = vector.multi_reduction <minimumf>, %select_n3A_1413, %reduce_min3A_1414 [1] : vector<128x128xf32> to vector<128xf32>
      %broadcast_in_dim3A_1416 = vector.shape_cast %reduce_min3A_1415 : vector<128xf32> to vector<128x1xf32>
      %eq3A_1417 = vector.broadcast %broadcast_in_dim3A_1392 : vector<128x1xf32> to vector<128x128xf32>
      %eq3A_1418 = arith.cmpf oeq, %select_n3A_1380, %eq3A_1417 : vector<128x128xf32>
      %jit3A_1419 = arith.constant 0x7F800000 : f32
      %broadcast_in_dim3A_1420 = vector.broadcast %jit3A_1419 : f32 to vector<128x128xf32>
      %select_n3A_1421 = arith.select %eq3A_1418, %concatenate3A_484, %broadcast_in_dim3A_1420 : vector<128x128xi1>, vector<128x128xf32>
      %reduce_min3A_1422 = arith.constant dense<0x7F800000> : vector<128xf32>
      %reduce_min3A_1423 = vector.multi_reduction <minimumf>, %select_n3A_1421, %reduce_min3A_1422 [1] : vector<128x128xf32> to vector<128xf32>
      %broadcast_in_dim3A_1424 = vector.shape_cast %reduce_min3A_1423 : vector<128xf32> to vector<128x1xf32>
      %eq3A_1425 = vector.broadcast %broadcast_in_dim3A_1400 : vector<128x1xf32> to vector<128x128xf32>
      %eq3A_1426 = arith.cmpf oeq, %concatenate3A_460, %eq3A_1425 : vector<128x128xf32>
      %jit3A_1427 = arith.constant 0x7F800000 : f32
      %broadcast_in_dim3A_1428 = vector.broadcast %jit3A_1427 : f32 to vector<128x128xf32>
      %select_n3A_1429 = arith.select %eq3A_1426, %broadcast_in_dim3A_1428, %select_n3A_1365 : vector<128x128xi1>, vector<128x128xf32>
      %eq3A_1430 = vector.broadcast %broadcast_in_dim3A_1408 : vector<128x1xf32> to vector<128x128xf32>
      %eq3A_1431 = arith.cmpf oeq, %concatenate3A_468, %eq3A_1430 : vector<128x128xf32>
      %jit3A_1432 = arith.constant 0x7F800000 : f32
      %broadcast_in_dim3A_1433 = vector.broadcast %jit3A_1432 : f32 to vector<128x128xf32>
      %select_n3A_1434 = arith.select %eq3A_1431, %broadcast_in_dim3A_1433, %select_n3A_1370 : vector<128x128xi1>, vector<128x128xf32>
      %eq3A_1435 = vector.broadcast %broadcast_in_dim3A_1416 : vector<128x1xf32> to vector<128x128xf32>
      %eq3A_1436 = arith.cmpf oeq, %concatenate3A_476, %eq3A_1435 : vector<128x128xf32>
      %jit3A_1437 = arith.constant 0x7F800000 : f32
      %broadcast_in_dim3A_1438 = vector.broadcast %jit3A_1437 : f32 to vector<128x128xf32>
      %select_n3A_1439 = arith.select %eq3A_1436, %broadcast_in_dim3A_1438, %select_n3A_1375 : vector<128x128xi1>, vector<128x128xf32>
      %eq3A_1440 = vector.broadcast %broadcast_in_dim3A_1424 : vector<128x1xf32> to vector<128x128xf32>
      %eq3A_1441 = arith.cmpf oeq, %concatenate3A_484, %eq3A_1440 : vector<128x128xf32>
      %jit3A_1442 = arith.constant 0x7F800000 : f32
      %broadcast_in_dim3A_1443 = vector.broadcast %jit3A_1442 : f32 to vector<128x128xf32>
      %select_n3A_1444 = arith.select %eq3A_1441, %broadcast_in_dim3A_1443, %select_n3A_1380 : vector<128x128xi1>, vector<128x128xf32>
      %reduce_min3A_1445 = arith.constant dense<0x7F800000> : vector<128xf32>
      %reduce_min3A_1446 = vector.multi_reduction <minimumf>, %select_n3A_1429, %reduce_min3A_1445 [1] : vector<128x128xf32> to vector<128xf32>
      %broadcast_in_dim3A_1447 = vector.shape_cast %reduce_min3A_1446 : vector<128xf32> to vector<128x1xf32>
      %reduce_min3A_1448 = arith.constant dense<0x7F800000> : vector<128xf32>
      %reduce_min3A_1449 = vector.multi_reduction <minimumf>, %select_n3A_1434, %reduce_min3A_1448 [1] : vector<128x128xf32> to vector<128xf32>
      %broadcast_in_dim3A_1450 = vector.shape_cast %reduce_min3A_1449 : vector<128xf32> to vector<128x1xf32>
      %reduce_min3A_1451 = arith.constant dense<0x7F800000> : vector<128xf32>
      %reduce_min3A_1452 = vector.multi_reduction <minimumf>, %select_n3A_1439, %reduce_min3A_1451 [1] : vector<128x128xf32> to vector<128xf32>
      %broadcast_in_dim3A_1453 = vector.shape_cast %reduce_min3A_1452 : vector<128xf32> to vector<128x1xf32>
      %reduce_min3A_1454 = arith.constant dense<0x7F800000> : vector<128xf32>
      %reduce_min3A_1455 = vector.multi_reduction <minimumf>, %select_n3A_1444, %reduce_min3A_1454 [1] : vector<128x128xf32> to vector<128xf32>
      %broadcast_in_dim3A_1456 = vector.shape_cast %reduce_min3A_1455 : vector<128xf32> to vector<128x1xf32>
      %eq3A_1457 = vector.broadcast %broadcast_in_dim3A_1447 : vector<128x1xf32> to vector<128x128xf32>
      %eq3A_1458 = arith.cmpf oeq, %select_n3A_1429, %eq3A_1457 : vector<128x128xf32>
      %jit3A_1459 = arith.constant 0x7F800000 : f32
      %broadcast_in_dim3A_1460 = vector.broadcast %jit3A_1459 : f32 to vector<128x128xf32>
      %select_n3A_1461 = arith.select %eq3A_1458, %concatenate3A_460, %broadcast_in_dim3A_1460 : vector<128x128xi1>, vector<128x128xf32>
      %reduce_min3A_1462 = arith.constant dense<0x7F800000> : vector<128xf32>
      %reduce_min3A_1463 = vector.multi_reduction <minimumf>, %select_n3A_1461, %reduce_min3A_1462 [1] : vector<128x128xf32> to vector<128xf32>
      %broadcast_in_dim3A_1464 = vector.shape_cast %reduce_min3A_1463 : vector<128xf32> to vector<128x1xf32>
      %eq3A_1465 = vector.broadcast %broadcast_in_dim3A_1450 : vector<128x1xf32> to vector<128x128xf32>
      %eq3A_1466 = arith.cmpf oeq, %select_n3A_1434, %eq3A_1465 : vector<128x128xf32>
      %jit3A_1467 = arith.constant 0x7F800000 : f32
      %broadcast_in_dim3A_1468 = vector.broadcast %jit3A_1467 : f32 to vector<128x128xf32>
      %select_n3A_1469 = arith.select %eq3A_1466, %concatenate3A_468, %broadcast_in_dim3A_1468 : vector<128x128xi1>, vector<128x128xf32>
      %reduce_min3A_1470 = arith.constant dense<0x7F800000> : vector<128xf32>
      %reduce_min3A_1471 = vector.multi_reduction <minimumf>, %select_n3A_1469, %reduce_min3A_1470 [1] : vector<128x128xf32> to vector<128xf32>
      %broadcast_in_dim3A_1472 = vector.shape_cast %reduce_min3A_1471 : vector<128xf32> to vector<128x1xf32>
      %eq3A_1473 = vector.broadcast %broadcast_in_dim3A_1453 : vector<128x1xf32> to vector<128x128xf32>
      %eq3A_1474 = arith.cmpf oeq, %select_n3A_1439, %eq3A_1473 : vector<128x128xf32>
      %jit3A_1475 = arith.constant 0x7F800000 : f32
      %broadcast_in_dim3A_1476 = vector.broadcast %jit3A_1475 : f32 to vector<128x128xf32>
      %select_n3A_1477 = arith.select %eq3A_1474, %concatenate3A_476, %broadcast_in_dim3A_1476 : vector<128x128xi1>, vector<128x128xf32>
      %reduce_min3A_1478 = arith.constant dense<0x7F800000> : vector<128xf32>
      %reduce_min3A_1479 = vector.multi_reduction <minimumf>, %select_n3A_1477, %reduce_min3A_1478 [1] : vector<128x128xf32> to vector<128xf32>
      %broadcast_in_dim3A_1480 = vector.shape_cast %reduce_min3A_1479 : vector<128xf32> to vector<128x1xf32>
      %eq3A_1481 = vector.broadcast %broadcast_in_dim3A_1456 : vector<128x1xf32> to vector<128x128xf32>
      %eq3A_1482 = arith.cmpf oeq, %select_n3A_1444, %eq3A_1481 : vector<128x128xf32>
      %jit3A_1483 = arith.constant 0x7F800000 : f32
      %broadcast_in_dim3A_1484 = vector.broadcast %jit3A_1483 : f32 to vector<128x128xf32>
      %select_n3A_1485 = arith.select %eq3A_1482, %concatenate3A_484, %broadcast_in_dim3A_1484 : vector<128x128xi1>, vector<128x128xf32>
      %reduce_min3A_1486 = arith.constant dense<0x7F800000> : vector<128xf32>
      %reduce_min3A_1487 = vector.multi_reduction <minimumf>, %select_n3A_1485, %reduce_min3A_1486 [1] : vector<128x128xf32> to vector<128xf32>
      %broadcast_in_dim3A_1488 = vector.shape_cast %reduce_min3A_1487 : vector<128xf32> to vector<128x1xf32>
      %eq3A_1489 = vector.broadcast %broadcast_in_dim3A_1464 : vector<128x1xf32> to vector<128x128xf32>
      %eq3A_1490 = arith.cmpf oeq, %concatenate3A_460, %eq3A_1489 : vector<128x128xf32>
      %jit3A_1491 = arith.constant 0x7F800000 : f32
      %broadcast_in_dim3A_1492 = vector.broadcast %jit3A_1491 : f32 to vector<128x128xf32>
      %select_n3A_1493 = arith.select %eq3A_1490, %broadcast_in_dim3A_1492, %select_n3A_1429 : vector<128x128xi1>, vector<128x128xf32>
      %eq3A_1494 = vector.broadcast %broadcast_in_dim3A_1472 : vector<128x1xf32> to vector<128x128xf32>
      %eq3A_1495 = arith.cmpf oeq, %concatenate3A_468, %eq3A_1494 : vector<128x128xf32>
      %jit3A_1496 = arith.constant 0x7F800000 : f32
      %broadcast_in_dim3A_1497 = vector.broadcast %jit3A_1496 : f32 to vector<128x128xf32>
      %select_n3A_1498 = arith.select %eq3A_1495, %broadcast_in_dim3A_1497, %select_n3A_1434 : vector<128x128xi1>, vector<128x128xf32>
      %eq3A_1499 = vector.broadcast %broadcast_in_dim3A_1480 : vector<128x1xf32> to vector<128x128xf32>
      %eq3A_1500 = arith.cmpf oeq, %concatenate3A_476, %eq3A_1499 : vector<128x128xf32>
      %jit3A_1501 = arith.constant 0x7F800000 : f32
      %broadcast_in_dim3A_1502 = vector.broadcast %jit3A_1501 : f32 to vector<128x128xf32>
      %select_n3A_1503 = arith.select %eq3A_1500, %broadcast_in_dim3A_1502, %select_n3A_1439 : vector<128x128xi1>, vector<128x128xf32>
      %eq3A_1504 = vector.broadcast %broadcast_in_dim3A_1488 : vector<128x1xf32> to vector<128x128xf32>
      %eq3A_1505 = arith.cmpf oeq, %concatenate3A_484, %eq3A_1504 : vector<128x128xf32>
      %jit3A_1506 = arith.constant 0x7F800000 : f32
      %broadcast_in_dim3A_1507 = vector.broadcast %jit3A_1506 : f32 to vector<128x128xf32>
      %select_n3A_1508 = arith.select %eq3A_1505, %broadcast_in_dim3A_1507, %select_n3A_1444 : vector<128x128xi1>, vector<128x128xf32>
      %concatenate3A_1509 = tpu.concatenate %broadcast_in_dim3A_487, %broadcast_in_dim3A_551, %broadcast_in_dim3A_615, %broadcast_in_dim3A_679, %broadcast_in_dim3A_743, %broadcast_in_dim3A_807, %broadcast_in_dim3A_871, %broadcast_in_dim3A_935, %broadcast_in_dim3A_999, %broadcast_in_dim3A_1063, %broadcast_in_dim3A_1127, %broadcast_in_dim3A_1191, %broadcast_in_dim3A_1255, %broadcast_in_dim3A_1319, %broadcast_in_dim3A_1383, %broadcast_in_dim3A_1447 in 1 : vector<128x1xf32>, vector<128x1xf32>, vector<128x1xf32>, vector<128x1xf32>, vector<128x1xf32>, vector<128x1xf32>, vector<128x1xf32>, vector<128x1xf32>, vector<128x1xf32>, vector<128x1xf32>, vector<128x1xf32>, vector<128x1xf32>, vector<128x1xf32>, vector<128x1xf32>, vector<128x1xf32>, vector<128x1xf32> -> vector<128x16xf32>
      %concatenate3A_1510 = tpu.concatenate %broadcast_in_dim3A_490, %broadcast_in_dim3A_554, %broadcast_in_dim3A_618, %broadcast_in_dim3A_682, %broadcast_in_dim3A_746, %broadcast_in_dim3A_810, %broadcast_in_dim3A_874, %broadcast_in_dim3A_938, %broadcast_in_dim3A_1002, %broadcast_in_dim3A_1066, %broadcast_in_dim3A_1130, %broadcast_in_dim3A_1194, %broadcast_in_dim3A_1258, %broadcast_in_dim3A_1322, %broadcast_in_dim3A_1386, %broadcast_in_dim3A_1450 in 1 : vector<128x1xf32>, vector<128x1xf32>, vector<128x1xf32>, vector<128x1xf32>, vector<128x1xf32>, vector<128x1xf32>, vector<128x1xf32>, vector<128x1xf32>, vector<128x1xf32>, vector<128x1xf32>, vector<128x1xf32>, vector<128x1xf32>, vector<128x1xf32>, vector<128x1xf32>, vector<128x1xf32>, vector<128x1xf32> -> vector<128x16xf32>
      %concatenate3A_1511 = tpu.concatenate %broadcast_in_dim3A_493, %broadcast_in_dim3A_557, %broadcast_in_dim3A_621, %broadcast_in_dim3A_685, %broadcast_in_dim3A_749, %broadcast_in_dim3A_813, %broadcast_in_dim3A_877, %broadcast_in_dim3A_941, %broadcast_in_dim3A_1005, %broadcast_in_dim3A_1069, %broadcast_in_dim3A_1133, %broadcast_in_dim3A_1197, %broadcast_in_dim3A_1261, %broadcast_in_dim3A_1325, %broadcast_in_dim3A_1389, %broadcast_in_dim3A_1453 in 1 : vector<128x1xf32>, vector<128x1xf32>, vector<128x1xf32>, vector<128x1xf32>, vector<128x1xf32>, vector<128x1xf32>, vector<128x1xf32>, vector<128x1xf32>, vector<128x1xf32>, vector<128x1xf32>, vector<128x1xf32>, vector<128x1xf32>, vector<128x1xf32>, vector<128x1xf32>, vector<128x1xf32>, vector<128x1xf32> -> vector<128x16xf32>
      %concatenate3A_1512 = tpu.concatenate %broadcast_in_dim3A_496, %broadcast_in_dim3A_560, %broadcast_in_dim3A_624, %broadcast_in_dim3A_688, %broadcast_in_dim3A_752, %broadcast_in_dim3A_816, %broadcast_in_dim3A_880, %broadcast_in_dim3A_944, %broadcast_in_dim3A_1008, %broadcast_in_dim3A_1072, %broadcast_in_dim3A_1136, %broadcast_in_dim3A_1200, %broadcast_in_dim3A_1264, %broadcast_in_dim3A_1328, %broadcast_in_dim3A_1392, %broadcast_in_dim3A_1456 in 1 : vector<128x1xf32>, vector<128x1xf32>, vector<128x1xf32>, vector<128x1xf32>, vector<128x1xf32>, vector<128x1xf32>, vector<128x1xf32>, vector<128x1xf32>, vector<128x1xf32>, vector<128x1xf32>, vector<128x1xf32>, vector<128x1xf32>, vector<128x1xf32>, vector<128x1xf32>, vector<128x1xf32>, vector<128x1xf32> -> vector<128x16xf32>
      %concatenate3A_1513 = tpu.concatenate %broadcast_in_dim3A_504, %broadcast_in_dim3A_568, %broadcast_in_dim3A_632, %broadcast_in_dim3A_696, %broadcast_in_dim3A_760, %broadcast_in_dim3A_824, %broadcast_in_dim3A_888, %broadcast_in_dim3A_952, %broadcast_in_dim3A_1016, %broadcast_in_dim3A_1080, %broadcast_in_dim3A_1144, %broadcast_in_dim3A_1208, %broadcast_in_dim3A_1272, %broadcast_in_dim3A_1336, %broadcast_in_dim3A_1400, %broadcast_in_dim3A_1464 in 1 : vector<128x1xf32>, vector<128x1xf32>, vector<128x1xf32>, vector<128x1xf32>, vector<128x1xf32>, vector<128x1xf32>, vector<128x1xf32>, vector<128x1xf32>, vector<128x1xf32>, vector<128x1xf32>, vector<128x1xf32>, vector<128x1xf32>, vector<128x1xf32>, vector<128x1xf32>, vector<128x1xf32>, vector<128x1xf32> -> vector<128x16xf32>
      %concatenate3A_1514 = tpu.concatenate %broadcast_in_dim3A_512, %broadcast_in_dim3A_576, %broadcast_in_dim3A_640, %broadcast_in_dim3A_704, %broadcast_in_dim3A_768, %broadcast_in_dim3A_832, %broadcast_in_dim3A_896, %broadcast_in_dim3A_960, %broadcast_in_dim3A_1024, %broadcast_in_dim3A_1088, %broadcast_in_dim3A_1152, %broadcast_in_dim3A_1216, %broadcast_in_dim3A_1280, %broadcast_in_dim3A_1344, %broadcast_in_dim3A_1408, %broadcast_in_dim3A_1472 in 1 : vector<128x1xf32>, vector<128x1xf32>, vector<128x1xf32>, vector<128x1xf32>, vector<128x1xf32>, vector<128x1xf32>, vector<128x1xf32>, vector<128x1xf32>, vector<128x1xf32>, vector<128x1xf32>, vector<128x1xf32>, vector<128x1xf32>, vector<128x1xf32>, vector<128x1xf32>, vector<128x1xf32>, vector<128x1xf32> -> vector<128x16xf32>
      %concatenate3A_1515 = tpu.concatenate %broadcast_in_dim3A_520, %broadcast_in_dim3A_584, %broadcast_in_dim3A_648, %broadcast_in_dim3A_712, %broadcast_in_dim3A_776, %broadcast_in_dim3A_840, %broadcast_in_dim3A_904, %broadcast_in_dim3A_968, %broadcast_in_dim3A_1032, %broadcast_in_dim3A_1096, %broadcast_in_dim3A_1160, %broadcast_in_dim3A_1224, %broadcast_in_dim3A_1288, %broadcast_in_dim3A_1352, %broadcast_in_dim3A_1416, %broadcast_in_dim3A_1480 in 1 : vector<128x1xf32>, vector<128x1xf32>, vector<128x1xf32>, vector<128x1xf32>, vector<128x1xf32>, vector<128x1xf32>, vector<128x1xf32>, vector<128x1xf32>, vector<128x1xf32>, vector<128x1xf32>, vector<128x1xf32>, vector<128x1xf32>, vector<128x1xf32>, vector<128x1xf32>, vector<128x1xf32>, vector<128x1xf32> -> vector<128x16xf32>
      %concatenate3A_1516 = tpu.concatenate %broadcast_in_dim3A_528, %broadcast_in_dim3A_592, %broadcast_in_dim3A_656, %broadcast_in_dim3A_720, %broadcast_in_dim3A_784, %broadcast_in_dim3A_848, %broadcast_in_dim3A_912, %broadcast_in_dim3A_976, %broadcast_in_dim3A_1040, %broadcast_in_dim3A_1104, %broadcast_in_dim3A_1168, %broadcast_in_dim3A_1232, %broadcast_in_dim3A_1296, %broadcast_in_dim3A_1360, %broadcast_in_dim3A_1424, %broadcast_in_dim3A_1488 in 1 : vector<128x1xf32>, vector<128x1xf32>, vector<128x1xf32>, vector<128x1xf32>, vector<128x1xf32>, vector<128x1xf32>, vector<128x1xf32>, vector<128x1xf32>, vector<128x1xf32>, vector<128x1xf32>, vector<128x1xf32>, vector<128x1xf32>, vector<128x1xf32>, vector<128x1xf32>, vector<128x1xf32>, vector<128x1xf32> -> vector<128x16xf32>
      scf.yield %concatenate3A_1509, %concatenate3A_1510, %concatenate3A_1511, %concatenate3A_1512, %concatenate3A_1513, %concatenate3A_1514, %concatenate3A_1515, %concatenate3A_1516 : vector<128x16xf32>, vector<128x16xf32>, vector<128x16xf32>, vector<128x16xf32>, vector<128x16xf32>, vector<128x16xf32>, vector<128x16xf32>, vector<128x16xf32>
    }
    %concatenate3A = tpu.concatenate %while3A_36#0, %while3A_36#1, %while3A_36#2, %while3A_36#3 in 1 : vector<128x16xf32>, vector<128x16xf32>, vector<128x16xf32>, vector<128x16xf32> -> vector<128x64xf32>
    %concatenate3A_37 = tpu.concatenate %while3A_36#4, %while3A_36#5, %while3A_36#6, %while3A_36#7 in 1 : vector<128x16xf32>, vector<128x16xf32>, vector<128x16xf32>, vector<128x16xf32> -> vector<128x64xf32>
    %reduce_min3A = arith.constant dense<0x7F800000> : vector<128xf32>
    %reduce_min3A_38 = vector.multi_reduction <minimumf>, %concatenate3A, %reduce_min3A [1] : vector<128x64xf32> to vector<128xf32>
    %broadcast_in_dim3A_39 = vector.shape_cast %reduce_min3A_38 : vector<128xf32> to vector<128x1xf32>
    %eq3A = vector.broadcast %broadcast_in_dim3A_39 : vector<128x1xf32> to vector<128x64xf32>
    %eq3A_40 = arith.cmpf oeq, %concatenate3A, %eq3A : vector<128x64xf32>
    %jit3A = arith.constant 0x7F800000 : f32
    %broadcast_in_dim3A_41 = vector.broadcast %jit3A : f32 to vector<128x64xf32>
    %select_n3A = arith.select %eq3A_40, %convert_element_type3A_8, %broadcast_in_dim3A_41 : vector<128x64xi1>, vector<128x64xf32>
    %reduce_min3A_42 = arith.constant dense<0x7F800000> : vector<128xf32>
    %reduce_min3A_43 = vector.multi_reduction <minimumf>, %select_n3A, %reduce_min3A_42 [1] : vector<128x64xf32> to vector<128xf32>
    %broadcast_in_dim3A_44 = vector.shape_cast %reduce_min3A_43 : vector<128xf32> to vector<128x1xf32>
    %eq3A_45 = vector.broadcast %broadcast_in_dim3A_44 : vector<128x1xf32> to vector<128x64xf32>
    %eq3A_46 = arith.cmpf oeq, %convert_element_type3A_8, %eq3A_45 : vector<128x64xf32>
    %jit3A_47 = arith.constant 0x7F800000 : f32
    %broadcast_in_dim3A_48 = vector.broadcast %jit3A_47 : f32 to vector<128x64xf32>
    %select_n3A_49 = arith.select %eq3A_46, %concatenate3A_37, %broadcast_in_dim3A_48 : vector<128x64xi1>, vector<128x64xf32>
    %reduce_min3A_50 = arith.constant dense<0x7F800000> : vector<128xf32>
    %reduce_min3A_51 = vector.multi_reduction <minimumf>, %select_n3A_49, %reduce_min3A_50 [1] : vector<128x64xf32> to vector<128xf32>
    %broadcast_in_dim3A_52 = vector.shape_cast %reduce_min3A_51 : vector<128xf32> to vector<128x1xf32>
    %jit3A_53 = arith.constant 0x7F800000 : f32
    %broadcast_in_dim3A_54 = vector.broadcast %jit3A_53 : f32 to vector<128x64xf32>
    %select_n3A_55 = arith.select %eq3A_46, %broadcast_in_dim3A_54, %concatenate3A : vector<128x64xi1>, vector<128x64xf32>
    %reduce_min3A_56 = arith.constant dense<0x7F800000> : vector<128xf32>
    %reduce_min3A_57 = vector.multi_reduction <minimumf>, %select_n3A_55, %reduce_min3A_56 [1] : vector<128x64xf32> to vector<128xf32>
    %broadcast_in_dim3A_58 = vector.shape_cast %reduce_min3A_57 : vector<128xf32> to vector<128x1xf32>
    %eq3A_59 = vector.broadcast %broadcast_in_dim3A_58 : vector<128x1xf32> to vector<128x64xf32>
    %eq3A_60 = arith.cmpf oeq, %select_n3A_55, %eq3A_59 : vector<128x64xf32>
    %jit3A_61 = arith.constant 0x7F800000 : f32
    %broadcast_in_dim3A_62 = vector.broadcast %jit3A_61 : f32 to vector<128x64xf32>
    %select_n3A_63 = arith.select %eq3A_60, %convert_element_type3A_8, %broadcast_in_dim3A_62 : vector<128x64xi1>, vector<128x64xf32>
    %reduce_min3A_64 = arith.constant dense<0x7F800000> : vector<128xf32>
    %reduce_min3A_65 = vector.multi_reduction <minimumf>, %select_n3A_63, %reduce_min3A_64 [1] : vector<128x64xf32> to vector<128xf32>
    %broadcast_in_dim3A_66 = vector.shape_cast %reduce_min3A_65 : vector<128xf32> to vector<128x1xf32>
    %eq3A_67 = vector.broadcast %broadcast_in_dim3A_66 : vector<128x1xf32> to vector<128x64xf32>
    %eq3A_68 = arith.cmpf oeq, %convert_element_type3A_8, %eq3A_67 : vector<128x64xf32>
    %jit3A_69 = arith.constant 0x7F800000 : f32
    %broadcast_in_dim3A_70 = vector.broadcast %jit3A_69 : f32 to vector<128x64xf32>
    %select_n3A_71 = arith.select %eq3A_68, %concatenate3A_37, %broadcast_in_dim3A_70 : vector<128x64xi1>, vector<128x64xf32>
    %reduce_min3A_72 = arith.constant dense<0x7F800000> : vector<128xf32>
    %reduce_min3A_73 = vector.multi_reduction <minimumf>, %select_n3A_71, %reduce_min3A_72 [1] : vector<128x64xf32> to vector<128xf32>
    %broadcast_in_dim3A_74 = vector.shape_cast %reduce_min3A_73 : vector<128xf32> to vector<128x1xf32>
    %jit3A_75 = arith.constant 0x7F800000 : f32
    %broadcast_in_dim3A_76 = vector.broadcast %jit3A_75 : f32 to vector<128x64xf32>
    %select_n3A_77 = arith.select %eq3A_68, %broadcast_in_dim3A_76, %select_n3A_55 : vector<128x64xi1>, vector<128x64xf32>
    %reduce_min3A_78 = arith.constant dense<0x7F800000> : vector<128xf32>
    %reduce_min3A_79 = vector.multi_reduction <minimumf>, %select_n3A_77, %reduce_min3A_78 [1] : vector<128x64xf32> to vector<128xf32>
    %broadcast_in_dim3A_80 = vector.shape_cast %reduce_min3A_79 : vector<128xf32> to vector<128x1xf32>
    %eq3A_81 = vector.broadcast %broadcast_in_dim3A_80 : vector<128x1xf32> to vector<128x64xf32>
    %eq3A_82 = arith.cmpf oeq, %select_n3A_77, %eq3A_81 : vector<128x64xf32>
    %jit3A_83 = arith.constant 0x7F800000 : f32
    %broadcast_in_dim3A_84 = vector.broadcast %jit3A_83 : f32 to vector<128x64xf32>
    %select_n3A_85 = arith.select %eq3A_82, %convert_element_type3A_8, %broadcast_in_dim3A_84 : vector<128x64xi1>, vector<128x64xf32>
    %reduce_min3A_86 = arith.constant dense<0x7F800000> : vector<128xf32>
    %reduce_min3A_87 = vector.multi_reduction <minimumf>, %select_n3A_85, %reduce_min3A_86 [1] : vector<128x64xf32> to vector<128xf32>
    %broadcast_in_dim3A_88 = vector.shape_cast %reduce_min3A_87 : vector<128xf32> to vector<128x1xf32>
    %eq3A_89 = vector.broadcast %broadcast_in_dim3A_88 : vector<128x1xf32> to vector<128x64xf32>
    %eq3A_90 = arith.cmpf oeq, %convert_element_type3A_8, %eq3A_89 : vector<128x64xf32>
    %jit3A_91 = arith.constant 0x7F800000 : f32
    %broadcast_in_dim3A_92 = vector.broadcast %jit3A_91 : f32 to vector<128x64xf32>
    %select_n3A_93 = arith.select %eq3A_90, %concatenate3A_37, %broadcast_in_dim3A_92 : vector<128x64xi1>, vector<128x64xf32>
    %reduce_min3A_94 = arith.constant dense<0x7F800000> : vector<128xf32>
    %reduce_min3A_95 = vector.multi_reduction <minimumf>, %select_n3A_93, %reduce_min3A_94 [1] : vector<128x64xf32> to vector<128xf32>
    %broadcast_in_dim3A_96 = vector.shape_cast %reduce_min3A_95 : vector<128xf32> to vector<128x1xf32>
    %jit3A_97 = arith.constant 0x7F800000 : f32
    %broadcast_in_dim3A_98 = vector.broadcast %jit3A_97 : f32 to vector<128x64xf32>
    %select_n3A_99 = arith.select %eq3A_90, %broadcast_in_dim3A_98, %select_n3A_77 : vector<128x64xi1>, vector<128x64xf32>
    %reduce_min3A_100 = arith.constant dense<0x7F800000> : vector<128xf32>
    %reduce_min3A_101 = vector.multi_reduction <minimumf>, %select_n3A_99, %reduce_min3A_100 [1] : vector<128x64xf32> to vector<128xf32>
    %broadcast_in_dim3A_102 = vector.shape_cast %reduce_min3A_101 : vector<128xf32> to vector<128x1xf32>
    %eq3A_103 = vector.broadcast %broadcast_in_dim3A_102 : vector<128x1xf32> to vector<128x64xf32>
    %eq3A_104 = arith.cmpf oeq, %select_n3A_99, %eq3A_103 : vector<128x64xf32>
    %jit3A_105 = arith.constant 0x7F800000 : f32
    %broadcast_in_dim3A_106 = vector.broadcast %jit3A_105 : f32 to vector<128x64xf32>
    %select_n3A_107 = arith.select %eq3A_104, %convert_element_type3A_8, %broadcast_in_dim3A_106 : vector<128x64xi1>, vector<128x64xf32>
    %reduce_min3A_108 = arith.constant dense<0x7F800000> : vector<128xf32>
    %reduce_min3A_109 = vector.multi_reduction <minimumf>, %select_n3A_107, %reduce_min3A_108 [1] : vector<128x64xf32> to vector<128xf32>
    %broadcast_in_dim3A_110 = vector.shape_cast %reduce_min3A_109 : vector<128xf32> to vector<128x1xf32>
    %eq3A_111 = vector.broadcast %broadcast_in_dim3A_110 : vector<128x1xf32> to vector<128x64xf32>
    %eq3A_112 = arith.cmpf oeq, %convert_element_type3A_8, %eq3A_111 : vector<128x64xf32>
    %jit3A_113 = arith.constant 0x7F800000 : f32
    %broadcast_in_dim3A_114 = vector.broadcast %jit3A_113 : f32 to vector<128x64xf32>
    %select_n3A_115 = arith.select %eq3A_112, %concatenate3A_37, %broadcast_in_dim3A_114 : vector<128x64xi1>, vector<128x64xf32>
    %reduce_min3A_116 = arith.constant dense<0x7F800000> : vector<128xf32>
    %reduce_min3A_117 = vector.multi_reduction <minimumf>, %select_n3A_115, %reduce_min3A_116 [1] : vector<128x64xf32> to vector<128xf32>
    %broadcast_in_dim3A_118 = vector.shape_cast %reduce_min3A_117 : vector<128xf32> to vector<128x1xf32>
    %jit3A_119 = arith.constant 0x7F800000 : f32
    %broadcast_in_dim3A_120 = vector.broadcast %jit3A_119 : f32 to vector<128x64xf32>
    %select_n3A_121 = arith.select %eq3A_112, %broadcast_in_dim3A_120, %select_n3A_99 : vector<128x64xi1>, vector<128x64xf32>
    %reduce_min3A_122 = arith.constant dense<0x7F800000> : vector<128xf32>
    %reduce_min3A_123 = vector.multi_reduction <minimumf>, %select_n3A_121, %reduce_min3A_122 [1] : vector<128x64xf32> to vector<128xf32>
    %broadcast_in_dim3A_124 = vector.shape_cast %reduce_min3A_123 : vector<128xf32> to vector<128x1xf32>
    %eq3A_125 = vector.broadcast %broadcast_in_dim3A_124 : vector<128x1xf32> to vector<128x64xf32>
    %eq3A_126 = arith.cmpf oeq, %select_n3A_121, %eq3A_125 : vector<128x64xf32>
    %jit3A_127 = arith.constant 0x7F800000 : f32
    %broadcast_in_dim3A_128 = vector.broadcast %jit3A_127 : f32 to vector<128x64xf32>
    %select_n3A_129 = arith.select %eq3A_126, %convert_element_type3A_8, %broadcast_in_dim3A_128 : vector<128x64xi1>, vector<128x64xf32>
    %reduce_min3A_130 = arith.constant dense<0x7F800000> : vector<128xf32>
    %reduce_min3A_131 = vector.multi_reduction <minimumf>, %select_n3A_129, %reduce_min3A_130 [1] : vector<128x64xf32> to vector<128xf32>
    %broadcast_in_dim3A_132 = vector.shape_cast %reduce_min3A_131 : vector<128xf32> to vector<128x1xf32>
    %eq3A_133 = vector.broadcast %broadcast_in_dim3A_132 : vector<128x1xf32> to vector<128x64xf32>
    %eq3A_134 = arith.cmpf oeq, %convert_element_type3A_8, %eq3A_133 : vector<128x64xf32>
    %jit3A_135 = arith.constant 0x7F800000 : f32
    %broadcast_in_dim3A_136 = vector.broadcast %jit3A_135 : f32 to vector<128x64xf32>
    %select_n3A_137 = arith.select %eq3A_134, %concatenate3A_37, %broadcast_in_dim3A_136 : vector<128x64xi1>, vector<128x64xf32>
    %reduce_min3A_138 = arith.constant dense<0x7F800000> : vector<128xf32>
    %reduce_min3A_139 = vector.multi_reduction <minimumf>, %select_n3A_137, %reduce_min3A_138 [1] : vector<128x64xf32> to vector<128xf32>
    %broadcast_in_dim3A_140 = vector.shape_cast %reduce_min3A_139 : vector<128xf32> to vector<128x1xf32>
    %jit3A_141 = arith.constant 0x7F800000 : f32
    %broadcast_in_dim3A_142 = vector.broadcast %jit3A_141 : f32 to vector<128x64xf32>
    %select_n3A_143 = arith.select %eq3A_134, %broadcast_in_dim3A_142, %select_n3A_121 : vector<128x64xi1>, vector<128x64xf32>
    %reduce_min3A_144 = arith.constant dense<0x7F800000> : vector<128xf32>
    %reduce_min3A_145 = vector.multi_reduction <minimumf>, %select_n3A_143, %reduce_min3A_144 [1] : vector<128x64xf32> to vector<128xf32>
    %broadcast_in_dim3A_146 = vector.shape_cast %reduce_min3A_145 : vector<128xf32> to vector<128x1xf32>
    %eq3A_147 = vector.broadcast %broadcast_in_dim3A_146 : vector<128x1xf32> to vector<128x64xf32>
    %eq3A_148 = arith.cmpf oeq, %select_n3A_143, %eq3A_147 : vector<128x64xf32>
    %jit3A_149 = arith.constant 0x7F800000 : f32
    %broadcast_in_dim3A_150 = vector.broadcast %jit3A_149 : f32 to vector<128x64xf32>
    %select_n3A_151 = arith.select %eq3A_148, %convert_element_type3A_8, %broadcast_in_dim3A_150 : vector<128x64xi1>, vector<128x64xf32>
    %reduce_min3A_152 = arith.constant dense<0x7F800000> : vector<128xf32>
    %reduce_min3A_153 = vector.multi_reduction <minimumf>, %select_n3A_151, %reduce_min3A_152 [1] : vector<128x64xf32> to vector<128xf32>
    %broadcast_in_dim3A_154 = vector.shape_cast %reduce_min3A_153 : vector<128xf32> to vector<128x1xf32>
    %eq3A_155 = vector.broadcast %broadcast_in_dim3A_154 : vector<128x1xf32> to vector<128x64xf32>
    %eq3A_156 = arith.cmpf oeq, %convert_element_type3A_8, %eq3A_155 : vector<128x64xf32>
    %jit3A_157 = arith.constant 0x7F800000 : f32
    %broadcast_in_dim3A_158 = vector.broadcast %jit3A_157 : f32 to vector<128x64xf32>
    %select_n3A_159 = arith.select %eq3A_156, %concatenate3A_37, %broadcast_in_dim3A_158 : vector<128x64xi1>, vector<128x64xf32>
    %reduce_min3A_160 = arith.constant dense<0x7F800000> : vector<128xf32>
    %reduce_min3A_161 = vector.multi_reduction <minimumf>, %select_n3A_159, %reduce_min3A_160 [1] : vector<128x64xf32> to vector<128xf32>
    %broadcast_in_dim3A_162 = vector.shape_cast %reduce_min3A_161 : vector<128xf32> to vector<128x1xf32>
    %jit3A_163 = arith.constant 0x7F800000 : f32
    %broadcast_in_dim3A_164 = vector.broadcast %jit3A_163 : f32 to vector<128x64xf32>
    %select_n3A_165 = arith.select %eq3A_156, %broadcast_in_dim3A_164, %select_n3A_143 : vector<128x64xi1>, vector<128x64xf32>
    %reduce_min3A_166 = arith.constant dense<0x7F800000> : vector<128xf32>
    %reduce_min3A_167 = vector.multi_reduction <minimumf>, %select_n3A_165, %reduce_min3A_166 [1] : vector<128x64xf32> to vector<128xf32>
    %broadcast_in_dim3A_168 = vector.shape_cast %reduce_min3A_167 : vector<128xf32> to vector<128x1xf32>
    %eq3A_169 = vector.broadcast %broadcast_in_dim3A_168 : vector<128x1xf32> to vector<128x64xf32>
    %eq3A_170 = arith.cmpf oeq, %select_n3A_165, %eq3A_169 : vector<128x64xf32>
    %jit3A_171 = arith.constant 0x7F800000 : f32
    %broadcast_in_dim3A_172 = vector.broadcast %jit3A_171 : f32 to vector<128x64xf32>
    %select_n3A_173 = arith.select %eq3A_170, %convert_element_type3A_8, %broadcast_in_dim3A_172 : vector<128x64xi1>, vector<128x64xf32>
    %reduce_min3A_174 = arith.constant dense<0x7F800000> : vector<128xf32>
    %reduce_min3A_175 = vector.multi_reduction <minimumf>, %select_n3A_173, %reduce_min3A_174 [1] : vector<128x64xf32> to vector<128xf32>
    %broadcast_in_dim3A_176 = vector.shape_cast %reduce_min3A_175 : vector<128xf32> to vector<128x1xf32>
    %eq3A_177 = vector.broadcast %broadcast_in_dim3A_176 : vector<128x1xf32> to vector<128x64xf32>
    %eq3A_178 = arith.cmpf oeq, %convert_element_type3A_8, %eq3A_177 : vector<128x64xf32>
    %jit3A_179 = arith.constant 0x7F800000 : f32
    %broadcast_in_dim3A_180 = vector.broadcast %jit3A_179 : f32 to vector<128x64xf32>
    %select_n3A_181 = arith.select %eq3A_178, %concatenate3A_37, %broadcast_in_dim3A_180 : vector<128x64xi1>, vector<128x64xf32>
    %reduce_min3A_182 = arith.constant dense<0x7F800000> : vector<128xf32>
    %reduce_min3A_183 = vector.multi_reduction <minimumf>, %select_n3A_181, %reduce_min3A_182 [1] : vector<128x64xf32> to vector<128xf32>
    %broadcast_in_dim3A_184 = vector.shape_cast %reduce_min3A_183 : vector<128xf32> to vector<128x1xf32>
    %jit3A_185 = arith.constant 0x7F800000 : f32
    %broadcast_in_dim3A_186 = vector.broadcast %jit3A_185 : f32 to vector<128x64xf32>
    %select_n3A_187 = arith.select %eq3A_178, %broadcast_in_dim3A_186, %select_n3A_165 : vector<128x64xi1>, vector<128x64xf32>
    %reduce_min3A_188 = arith.constant dense<0x7F800000> : vector<128xf32>
    %reduce_min3A_189 = vector.multi_reduction <minimumf>, %select_n3A_187, %reduce_min3A_188 [1] : vector<128x64xf32> to vector<128xf32>
    %broadcast_in_dim3A_190 = vector.shape_cast %reduce_min3A_189 : vector<128xf32> to vector<128x1xf32>
    %eq3A_191 = vector.broadcast %broadcast_in_dim3A_190 : vector<128x1xf32> to vector<128x64xf32>
    %eq3A_192 = arith.cmpf oeq, %select_n3A_187, %eq3A_191 : vector<128x64xf32>
    %jit3A_193 = arith.constant 0x7F800000 : f32
    %broadcast_in_dim3A_194 = vector.broadcast %jit3A_193 : f32 to vector<128x64xf32>
    %select_n3A_195 = arith.select %eq3A_192, %convert_element_type3A_8, %broadcast_in_dim3A_194 : vector<128x64xi1>, vector<128x64xf32>
    %reduce_min3A_196 = arith.constant dense<0x7F800000> : vector<128xf32>
    %reduce_min3A_197 = vector.multi_reduction <minimumf>, %select_n3A_195, %reduce_min3A_196 [1] : vector<128x64xf32> to vector<128xf32>
    %broadcast_in_dim3A_198 = vector.shape_cast %reduce_min3A_197 : vector<128xf32> to vector<128x1xf32>
    %eq3A_199 = vector.broadcast %broadcast_in_dim3A_198 : vector<128x1xf32> to vector<128x64xf32>
    %eq3A_200 = arith.cmpf oeq, %convert_element_type3A_8, %eq3A_199 : vector<128x64xf32>
    %jit3A_201 = arith.constant 0x7F800000 : f32
    %broadcast_in_dim3A_202 = vector.broadcast %jit3A_201 : f32 to vector<128x64xf32>
    %select_n3A_203 = arith.select %eq3A_200, %concatenate3A_37, %broadcast_in_dim3A_202 : vector<128x64xi1>, vector<128x64xf32>
    %reduce_min3A_204 = arith.constant dense<0x7F800000> : vector<128xf32>
    %reduce_min3A_205 = vector.multi_reduction <minimumf>, %select_n3A_203, %reduce_min3A_204 [1] : vector<128x64xf32> to vector<128xf32>
    %broadcast_in_dim3A_206 = vector.shape_cast %reduce_min3A_205 : vector<128xf32> to vector<128x1xf32>
    %jit3A_207 = arith.constant 0x7F800000 : f32
    %broadcast_in_dim3A_208 = vector.broadcast %jit3A_207 : f32 to vector<128x64xf32>
    %select_n3A_209 = arith.select %eq3A_200, %broadcast_in_dim3A_208, %select_n3A_187 : vector<128x64xi1>, vector<128x64xf32>
    %reduce_min3A_210 = arith.constant dense<0x7F800000> : vector<128xf32>
    %reduce_min3A_211 = vector.multi_reduction <minimumf>, %select_n3A_209, %reduce_min3A_210 [1] : vector<128x64xf32> to vector<128xf32>
    %broadcast_in_dim3A_212 = vector.shape_cast %reduce_min3A_211 : vector<128xf32> to vector<128x1xf32>
    %eq3A_213 = vector.broadcast %broadcast_in_dim3A_212 : vector<128x1xf32> to vector<128x64xf32>
    %eq3A_214 = arith.cmpf oeq, %select_n3A_209, %eq3A_213 : vector<128x64xf32>
    %jit3A_215 = arith.constant 0x7F800000 : f32
    %broadcast_in_dim3A_216 = vector.broadcast %jit3A_215 : f32 to vector<128x64xf32>
    %select_n3A_217 = arith.select %eq3A_214, %convert_element_type3A_8, %broadcast_in_dim3A_216 : vector<128x64xi1>, vector<128x64xf32>
    %reduce_min3A_218 = arith.constant dense<0x7F800000> : vector<128xf32>
    %reduce_min3A_219 = vector.multi_reduction <minimumf>, %select_n3A_217, %reduce_min3A_218 [1] : vector<128x64xf32> to vector<128xf32>
    %broadcast_in_dim3A_220 = vector.shape_cast %reduce_min3A_219 : vector<128xf32> to vector<128x1xf32>
    %eq3A_221 = vector.broadcast %broadcast_in_dim3A_220 : vector<128x1xf32> to vector<128x64xf32>
    %eq3A_222 = arith.cmpf oeq, %convert_element_type3A_8, %eq3A_221 : vector<128x64xf32>
    %jit3A_223 = arith.constant 0x7F800000 : f32
    %broadcast_in_dim3A_224 = vector.broadcast %jit3A_223 : f32 to vector<128x64xf32>
    %select_n3A_225 = arith.select %eq3A_222, %concatenate3A_37, %broadcast_in_dim3A_224 : vector<128x64xi1>, vector<128x64xf32>
    %reduce_min3A_226 = arith.constant dense<0x7F800000> : vector<128xf32>
    %reduce_min3A_227 = vector.multi_reduction <minimumf>, %select_n3A_225, %reduce_min3A_226 [1] : vector<128x64xf32> to vector<128xf32>
    %broadcast_in_dim3A_228 = vector.shape_cast %reduce_min3A_227 : vector<128xf32> to vector<128x1xf32>
    %jit3A_229 = arith.constant 0x7F800000 : f32
    %broadcast_in_dim3A_230 = vector.broadcast %jit3A_229 : f32 to vector<128x64xf32>
    %select_n3A_231 = arith.select %eq3A_222, %broadcast_in_dim3A_230, %select_n3A_209 : vector<128x64xi1>, vector<128x64xf32>
    %reduce_min3A_232 = arith.constant dense<0x7F800000> : vector<128xf32>
    %reduce_min3A_233 = vector.multi_reduction <minimumf>, %select_n3A_231, %reduce_min3A_232 [1] : vector<128x64xf32> to vector<128xf32>
    %broadcast_in_dim3A_234 = vector.shape_cast %reduce_min3A_233 : vector<128xf32> to vector<128x1xf32>
    %eq3A_235 = vector.broadcast %broadcast_in_dim3A_234 : vector<128x1xf32> to vector<128x64xf32>
    %eq3A_236 = arith.cmpf oeq, %select_n3A_231, %eq3A_235 : vector<128x64xf32>
    %jit3A_237 = arith.constant 0x7F800000 : f32
    %broadcast_in_dim3A_238 = vector.broadcast %jit3A_237 : f32 to vector<128x64xf32>
    %select_n3A_239 = arith.select %eq3A_236, %convert_element_type3A_8, %broadcast_in_dim3A_238 : vector<128x64xi1>, vector<128x64xf32>
    %reduce_min3A_240 = arith.constant dense<0x7F800000> : vector<128xf32>
    %reduce_min3A_241 = vector.multi_reduction <minimumf>, %select_n3A_239, %reduce_min3A_240 [1] : vector<128x64xf32> to vector<128xf32>
    %broadcast_in_dim3A_242 = vector.shape_cast %reduce_min3A_241 : vector<128xf32> to vector<128x1xf32>
    %eq3A_243 = vector.broadcast %broadcast_in_dim3A_242 : vector<128x1xf32> to vector<128x64xf32>
    %eq3A_244 = arith.cmpf oeq, %convert_element_type3A_8, %eq3A_243 : vector<128x64xf32>
    %jit3A_245 = arith.constant 0x7F800000 : f32
    %broadcast_in_dim3A_246 = vector.broadcast %jit3A_245 : f32 to vector<128x64xf32>
    %select_n3A_247 = arith.select %eq3A_244, %concatenate3A_37, %broadcast_in_dim3A_246 : vector<128x64xi1>, vector<128x64xf32>
    %reduce_min3A_248 = arith.constant dense<0x7F800000> : vector<128xf32>
    %reduce_min3A_249 = vector.multi_reduction <minimumf>, %select_n3A_247, %reduce_min3A_248 [1] : vector<128x64xf32> to vector<128xf32>
    %broadcast_in_dim3A_250 = vector.shape_cast %reduce_min3A_249 : vector<128xf32> to vector<128x1xf32>
    %jit3A_251 = arith.constant 0x7F800000 : f32
    %broadcast_in_dim3A_252 = vector.broadcast %jit3A_251 : f32 to vector<128x64xf32>
    %select_n3A_253 = arith.select %eq3A_244, %broadcast_in_dim3A_252, %select_n3A_231 : vector<128x64xi1>, vector<128x64xf32>
    %reduce_min3A_254 = arith.constant dense<0x7F800000> : vector<128xf32>
    %reduce_min3A_255 = vector.multi_reduction <minimumf>, %select_n3A_253, %reduce_min3A_254 [1] : vector<128x64xf32> to vector<128xf32>
    %broadcast_in_dim3A_256 = vector.shape_cast %reduce_min3A_255 : vector<128xf32> to vector<128x1xf32>
    %eq3A_257 = vector.broadcast %broadcast_in_dim3A_256 : vector<128x1xf32> to vector<128x64xf32>
    %eq3A_258 = arith.cmpf oeq, %select_n3A_253, %eq3A_257 : vector<128x64xf32>
    %jit3A_259 = arith.constant 0x7F800000 : f32
    %broadcast_in_dim3A_260 = vector.broadcast %jit3A_259 : f32 to vector<128x64xf32>
    %select_n3A_261 = arith.select %eq3A_258, %convert_element_type3A_8, %broadcast_in_dim3A_260 : vector<128x64xi1>, vector<128x64xf32>
    %reduce_min3A_262 = arith.constant dense<0x7F800000> : vector<128xf32>
    %reduce_min3A_263 = vector.multi_reduction <minimumf>, %select_n3A_261, %reduce_min3A_262 [1] : vector<128x64xf32> to vector<128xf32>
    %broadcast_in_dim3A_264 = vector.shape_cast %reduce_min3A_263 : vector<128xf32> to vector<128x1xf32>
    %eq3A_265 = vector.broadcast %broadcast_in_dim3A_264 : vector<128x1xf32> to vector<128x64xf32>
    %eq3A_266 = arith.cmpf oeq, %convert_element_type3A_8, %eq3A_265 : vector<128x64xf32>
    %jit3A_267 = arith.constant 0x7F800000 : f32
    %broadcast_in_dim3A_268 = vector.broadcast %jit3A_267 : f32 to vector<128x64xf32>
    %select_n3A_269 = arith.select %eq3A_266, %concatenate3A_37, %broadcast_in_dim3A_268 : vector<128x64xi1>, vector<128x64xf32>
    %reduce_min3A_270 = arith.constant dense<0x7F800000> : vector<128xf32>
    %reduce_min3A_271 = vector.multi_reduction <minimumf>, %select_n3A_269, %reduce_min3A_270 [1] : vector<128x64xf32> to vector<128xf32>
    %broadcast_in_dim3A_272 = vector.shape_cast %reduce_min3A_271 : vector<128xf32> to vector<128x1xf32>
    %jit3A_273 = arith.constant 0x7F800000 : f32
    %broadcast_in_dim3A_274 = vector.broadcast %jit3A_273 : f32 to vector<128x64xf32>
    %select_n3A_275 = arith.select %eq3A_266, %broadcast_in_dim3A_274, %select_n3A_253 : vector<128x64xi1>, vector<128x64xf32>
    %reduce_min3A_276 = arith.constant dense<0x7F800000> : vector<128xf32>
    %reduce_min3A_277 = vector.multi_reduction <minimumf>, %select_n3A_275, %reduce_min3A_276 [1] : vector<128x64xf32> to vector<128xf32>
    %broadcast_in_dim3A_278 = vector.shape_cast %reduce_min3A_277 : vector<128xf32> to vector<128x1xf32>
    %eq3A_279 = vector.broadcast %broadcast_in_dim3A_278 : vector<128x1xf32> to vector<128x64xf32>
    %eq3A_280 = arith.cmpf oeq, %select_n3A_275, %eq3A_279 : vector<128x64xf32>
    %jit3A_281 = arith.constant 0x7F800000 : f32
    %broadcast_in_dim3A_282 = vector.broadcast %jit3A_281 : f32 to vector<128x64xf32>
    %select_n3A_283 = arith.select %eq3A_280, %convert_element_type3A_8, %broadcast_in_dim3A_282 : vector<128x64xi1>, vector<128x64xf32>
    %reduce_min3A_284 = arith.constant dense<0x7F800000> : vector<128xf32>
    %reduce_min3A_285 = vector.multi_reduction <minimumf>, %select_n3A_283, %reduce_min3A_284 [1] : vector<128x64xf32> to vector<128xf32>
    %broadcast_in_dim3A_286 = vector.shape_cast %reduce_min3A_285 : vector<128xf32> to vector<128x1xf32>
    %eq3A_287 = vector.broadcast %broadcast_in_dim3A_286 : vector<128x1xf32> to vector<128x64xf32>
    %eq3A_288 = arith.cmpf oeq, %convert_element_type3A_8, %eq3A_287 : vector<128x64xf32>
    %jit3A_289 = arith.constant 0x7F800000 : f32
    %broadcast_in_dim3A_290 = vector.broadcast %jit3A_289 : f32 to vector<128x64xf32>
    %select_n3A_291 = arith.select %eq3A_288, %concatenate3A_37, %broadcast_in_dim3A_290 : vector<128x64xi1>, vector<128x64xf32>
    %reduce_min3A_292 = arith.constant dense<0x7F800000> : vector<128xf32>
    %reduce_min3A_293 = vector.multi_reduction <minimumf>, %select_n3A_291, %reduce_min3A_292 [1] : vector<128x64xf32> to vector<128xf32>
    %broadcast_in_dim3A_294 = vector.shape_cast %reduce_min3A_293 : vector<128xf32> to vector<128x1xf32>
    %jit3A_295 = arith.constant 0x7F800000 : f32
    %broadcast_in_dim3A_296 = vector.broadcast %jit3A_295 : f32 to vector<128x64xf32>
    %select_n3A_297 = arith.select %eq3A_288, %broadcast_in_dim3A_296, %select_n3A_275 : vector<128x64xi1>, vector<128x64xf32>
    %reduce_min3A_298 = arith.constant dense<0x7F800000> : vector<128xf32>
    %reduce_min3A_299 = vector.multi_reduction <minimumf>, %select_n3A_297, %reduce_min3A_298 [1] : vector<128x64xf32> to vector<128xf32>
    %broadcast_in_dim3A_300 = vector.shape_cast %reduce_min3A_299 : vector<128xf32> to vector<128x1xf32>
    %eq3A_301 = vector.broadcast %broadcast_in_dim3A_300 : vector<128x1xf32> to vector<128x64xf32>
    %eq3A_302 = arith.cmpf oeq, %select_n3A_297, %eq3A_301 : vector<128x64xf32>
    %jit3A_303 = arith.constant 0x7F800000 : f32
    %broadcast_in_dim3A_304 = vector.broadcast %jit3A_303 : f32 to vector<128x64xf32>
    %select_n3A_305 = arith.select %eq3A_302, %convert_element_type3A_8, %broadcast_in_dim3A_304 : vector<128x64xi1>, vector<128x64xf32>
    %reduce_min3A_306 = arith.constant dense<0x7F800000> : vector<128xf32>
    %reduce_min3A_307 = vector.multi_reduction <minimumf>, %select_n3A_305, %reduce_min3A_306 [1] : vector<128x64xf32> to vector<128xf32>
    %broadcast_in_dim3A_308 = vector.shape_cast %reduce_min3A_307 : vector<128xf32> to vector<128x1xf32>
    %eq3A_309 = vector.broadcast %broadcast_in_dim3A_308 : vector<128x1xf32> to vector<128x64xf32>
    %eq3A_310 = arith.cmpf oeq, %convert_element_type3A_8, %eq3A_309 : vector<128x64xf32>
    %jit3A_311 = arith.constant 0x7F800000 : f32
    %broadcast_in_dim3A_312 = vector.broadcast %jit3A_311 : f32 to vector<128x64xf32>
    %select_n3A_313 = arith.select %eq3A_310, %concatenate3A_37, %broadcast_in_dim3A_312 : vector<128x64xi1>, vector<128x64xf32>
    %reduce_min3A_314 = arith.constant dense<0x7F800000> : vector<128xf32>
    %reduce_min3A_315 = vector.multi_reduction <minimumf>, %select_n3A_313, %reduce_min3A_314 [1] : vector<128x64xf32> to vector<128xf32>
    %broadcast_in_dim3A_316 = vector.shape_cast %reduce_min3A_315 : vector<128xf32> to vector<128x1xf32>
    %jit3A_317 = arith.constant 0x7F800000 : f32
    %broadcast_in_dim3A_318 = vector.broadcast %jit3A_317 : f32 to vector<128x64xf32>
    %select_n3A_319 = arith.select %eq3A_310, %broadcast_in_dim3A_318, %select_n3A_297 : vector<128x64xi1>, vector<128x64xf32>
    %reduce_min3A_320 = arith.constant dense<0x7F800000> : vector<128xf32>
    %reduce_min3A_321 = vector.multi_reduction <minimumf>, %select_n3A_319, %reduce_min3A_320 [1] : vector<128x64xf32> to vector<128xf32>
    %broadcast_in_dim3A_322 = vector.shape_cast %reduce_min3A_321 : vector<128xf32> to vector<128x1xf32>
    %eq3A_323 = vector.broadcast %broadcast_in_dim3A_322 : vector<128x1xf32> to vector<128x64xf32>
    %eq3A_324 = arith.cmpf oeq, %select_n3A_319, %eq3A_323 : vector<128x64xf32>
    %jit3A_325 = arith.constant 0x7F800000 : f32
    %broadcast_in_dim3A_326 = vector.broadcast %jit3A_325 : f32 to vector<128x64xf32>
    %select_n3A_327 = arith.select %eq3A_324, %convert_element_type3A_8, %broadcast_in_dim3A_326 : vector<128x64xi1>, vector<128x64xf32>
    %reduce_min3A_328 = arith.constant dense<0x7F800000> : vector<128xf32>
    %reduce_min3A_329 = vector.multi_reduction <minimumf>, %select_n3A_327, %reduce_min3A_328 [1] : vector<128x64xf32> to vector<128xf32>
    %broadcast_in_dim3A_330 = vector.shape_cast %reduce_min3A_329 : vector<128xf32> to vector<128x1xf32>
    %eq3A_331 = vector.broadcast %broadcast_in_dim3A_330 : vector<128x1xf32> to vector<128x64xf32>
    %eq3A_332 = arith.cmpf oeq, %convert_element_type3A_8, %eq3A_331 : vector<128x64xf32>
    %jit3A_333 = arith.constant 0x7F800000 : f32
    %broadcast_in_dim3A_334 = vector.broadcast %jit3A_333 : f32 to vector<128x64xf32>
    %select_n3A_335 = arith.select %eq3A_332, %concatenate3A_37, %broadcast_in_dim3A_334 : vector<128x64xi1>, vector<128x64xf32>
    %reduce_min3A_336 = arith.constant dense<0x7F800000> : vector<128xf32>
    %reduce_min3A_337 = vector.multi_reduction <minimumf>, %select_n3A_335, %reduce_min3A_336 [1] : vector<128x64xf32> to vector<128xf32>
    %broadcast_in_dim3A_338 = vector.shape_cast %reduce_min3A_337 : vector<128xf32> to vector<128x1xf32>
    %jit3A_339 = arith.constant 0x7F800000 : f32
    %broadcast_in_dim3A_340 = vector.broadcast %jit3A_339 : f32 to vector<128x64xf32>
    %select_n3A_341 = arith.select %eq3A_332, %broadcast_in_dim3A_340, %select_n3A_319 : vector<128x64xi1>, vector<128x64xf32>
    %reduce_min3A_342 = arith.constant dense<0x7F800000> : vector<128xf32>
    %reduce_min3A_343 = vector.multi_reduction <minimumf>, %select_n3A_341, %reduce_min3A_342 [1] : vector<128x64xf32> to vector<128xf32>
    %broadcast_in_dim3A_344 = vector.shape_cast %reduce_min3A_343 : vector<128xf32> to vector<128x1xf32>
    %eq3A_345 = vector.broadcast %broadcast_in_dim3A_344 : vector<128x1xf32> to vector<128x64xf32>
    %eq3A_346 = arith.cmpf oeq, %select_n3A_341, %eq3A_345 : vector<128x64xf32>
    %jit3A_347 = arith.constant 0x7F800000 : f32
    %broadcast_in_dim3A_348 = vector.broadcast %jit3A_347 : f32 to vector<128x64xf32>
    %select_n3A_349 = arith.select %eq3A_346, %convert_element_type3A_8, %broadcast_in_dim3A_348 : vector<128x64xi1>, vector<128x64xf32>
    %reduce_min3A_350 = arith.constant dense<0x7F800000> : vector<128xf32>
    %reduce_min3A_351 = vector.multi_reduction <minimumf>, %select_n3A_349, %reduce_min3A_350 [1] : vector<128x64xf32> to vector<128xf32>
    %broadcast_in_dim3A_352 = vector.shape_cast %reduce_min3A_351 : vector<128xf32> to vector<128x1xf32>
    %eq3A_353 = vector.broadcast %broadcast_in_dim3A_352 : vector<128x1xf32> to vector<128x64xf32>
    %eq3A_354 = arith.cmpf oeq, %convert_element_type3A_8, %eq3A_353 : vector<128x64xf32>
    %jit3A_355 = arith.constant 0x7F800000 : f32
    %broadcast_in_dim3A_356 = vector.broadcast %jit3A_355 : f32 to vector<128x64xf32>
    %select_n3A_357 = arith.select %eq3A_354, %concatenate3A_37, %broadcast_in_dim3A_356 : vector<128x64xi1>, vector<128x64xf32>
    %reduce_min3A_358 = arith.constant dense<0x7F800000> : vector<128xf32>
    %reduce_min3A_359 = vector.multi_reduction <minimumf>, %select_n3A_357, %reduce_min3A_358 [1] : vector<128x64xf32> to vector<128xf32>
    %broadcast_in_dim3A_360 = vector.shape_cast %reduce_min3A_359 : vector<128xf32> to vector<128x1xf32>
    %jit3A_361 = arith.constant 0x7F800000 : f32
    %broadcast_in_dim3A_362 = vector.broadcast %jit3A_361 : f32 to vector<128x64xf32>
    %select_n3A_363 = arith.select %eq3A_354, %broadcast_in_dim3A_362, %select_n3A_341 : vector<128x64xi1>, vector<128x64xf32>
    %reduce_min3A_364 = arith.constant dense<0x7F800000> : vector<128xf32>
    %reduce_min3A_365 = vector.multi_reduction <minimumf>, %select_n3A_363, %reduce_min3A_364 [1] : vector<128x64xf32> to vector<128xf32>
    %broadcast_in_dim3A_366 = vector.shape_cast %reduce_min3A_365 : vector<128xf32> to vector<128x1xf32>
    %eq3A_367 = vector.broadcast %broadcast_in_dim3A_366 : vector<128x1xf32> to vector<128x64xf32>
    %eq3A_368 = arith.cmpf oeq, %select_n3A_363, %eq3A_367 : vector<128x64xf32>
    %jit3A_369 = arith.constant 0x7F800000 : f32
    %broadcast_in_dim3A_370 = vector.broadcast %jit3A_369 : f32 to vector<128x64xf32>
    %select_n3A_371 = arith.select %eq3A_368, %convert_element_type3A_8, %broadcast_in_dim3A_370 : vector<128x64xi1>, vector<128x64xf32>
    %reduce_min3A_372 = arith.constant dense<0x7F800000> : vector<128xf32>
    %reduce_min3A_373 = vector.multi_reduction <minimumf>, %select_n3A_371, %reduce_min3A_372 [1] : vector<128x64xf32> to vector<128xf32>
    %broadcast_in_dim3A_374 = vector.shape_cast %reduce_min3A_373 : vector<128xf32> to vector<128x1xf32>
    %eq3A_375 = vector.broadcast %broadcast_in_dim3A_374 : vector<128x1xf32> to vector<128x64xf32>
    %eq3A_376 = arith.cmpf oeq, %convert_element_type3A_8, %eq3A_375 : vector<128x64xf32>
    %jit3A_377 = arith.constant 0x7F800000 : f32
    %broadcast_in_dim3A_378 = vector.broadcast %jit3A_377 : f32 to vector<128x64xf32>
    %select_n3A_379 = arith.select %eq3A_376, %concatenate3A_37, %broadcast_in_dim3A_378 : vector<128x64xi1>, vector<128x64xf32>
    %reduce_min3A_380 = arith.constant dense<0x7F800000> : vector<128xf32>
    %reduce_min3A_381 = vector.multi_reduction <minimumf>, %select_n3A_379, %reduce_min3A_380 [1] : vector<128x64xf32> to vector<128xf32>
    %broadcast_in_dim3A_382 = vector.shape_cast %reduce_min3A_381 : vector<128xf32> to vector<128x1xf32>
    %concatenate3A_383 = tpu.concatenate %broadcast_in_dim3A_39, %broadcast_in_dim3A_58, %broadcast_in_dim3A_80, %broadcast_in_dim3A_102, %broadcast_in_dim3A_124, %broadcast_in_dim3A_146, %broadcast_in_dim3A_168, %broadcast_in_dim3A_190, %broadcast_in_dim3A_212, %broadcast_in_dim3A_234, %broadcast_in_dim3A_256, %broadcast_in_dim3A_278, %broadcast_in_dim3A_300, %broadcast_in_dim3A_322, %broadcast_in_dim3A_344, %broadcast_in_dim3A_366 in 1 : vector<128x1xf32>, vector<128x1xf32>, vector<128x1xf32>, vector<128x1xf32>, vector<128x1xf32>, vector<128x1xf32>, vector<128x1xf32>, vector<128x1xf32>, vector<128x1xf32>, vector<128x1xf32>, vector<128x1xf32>, vector<128x1xf32>, vector<128x1xf32>, vector<128x1xf32>, vector<128x1xf32>, vector<128x1xf32> -> vector<128x16xf32>
    %concatenate3A_384 = tpu.concatenate %broadcast_in_dim3A_52, %broadcast_in_dim3A_74, %broadcast_in_dim3A_96, %broadcast_in_dim3A_118, %broadcast_in_dim3A_140, %broadcast_in_dim3A_162, %broadcast_in_dim3A_184, %broadcast_in_dim3A_206, %broadcast_in_dim3A_228, %broadcast_in_dim3A_250, %broadcast_in_dim3A_272, %broadcast_in_dim3A_294, %broadcast_in_dim3A_316, %broadcast_in_dim3A_338, %broadcast_in_dim3A_360, %broadcast_in_dim3A_382 in 1 : vector<128x1xf32>, vector<128x1xf32>, vector<128x1xf32>, vector<128x1xf32>, vector<128x1xf32>, vector<128x1xf32>, vector<128x1xf32>, vector<128x1xf32>, vector<128x1xf32>, vector<128x1xf32>, vector<128x1xf32>, vector<128x1xf32>, vector<128x1xf32>, vector<128x1xf32>, vector<128x1xf32>, vector<128x1xf32> -> vector<128x16xf32>
    %lt3A = arith.constant 0x7F800000 : f32
    %lt3A_385 = vector.broadcast %lt3A : f32 to vector<128x16xf32>
    %lt3A_386 = arith.cmpf olt, %concatenate3A_383, %lt3A_385 : vector<128x16xf32>
    %mul3A = arith.constant 128 : i32
    %mul3A_387 = arith.muli %arg0, %mul3A : i32
    %iota3A_388 = tpu.iota {dimensions = array<i32: 0>} : vector<128x16xi32>
    %add3A = vector.broadcast %mul3A_387 : i32 to vector<128x16xi32>
    %add3A_389 = arith.addi %add3A, %iota3A_388 : vector<128x16xi32>
    %convert_element_type3A_390 = arith.fptosi %concatenate3A_384 : vector<128x16xf32> to vector<128x16xi32>
    %select_n3A_391 = arith.select %lt3A_386, %convert_element_type3A_390, %add3A_389 : vector<128x16xi1>, vector<128x16xi32>
    %swap3A = arith.constant 0 : index
    %swap3A_392 = arith.constant 0 : index
    %swap3A_393 = vector.load %arg7[%swap3A, %swap3A_392] : memref<128x16xi32, #tpu.memory_space<vmem>>, vector<128x16xi32>
    tpu.vector_store %arg7[%swap3A, %swap3A_392], %select_n3A_391 {strides = array<i32>} : memref<128x16xi32, #tpu.memory_space<vmem>>, vector<128x16xi32>,
    %convert_element_type3A_394 = arith.extui %lt3A_386 : vector<128x16xi1> to vector<128x16xi32>
    %swap3A_395 = arith.constant 0 : index
    %swap3A_396 = arith.constant 0 : index
    %swap3A_397 = vector.load %arg8[%swap3A_395, %swap3A_396] : memref<128x16xi32, #tpu.memory_space<vmem>>, vector<128x16xi32>
    tpu.vector_store %arg8[%swap3A_395, %swap3A_396], %convert_element_type3A_394 {strides = array<i32>} : memref<128x16xi32, #tpu.memory_space<vmem>>, vector<128x16xi32>,
    return
  }
  func.func @transform_0(%arg0: i32, %arg1: memref<64xi32, #tpu.memory_space<smem>>, %arg2: memref<64xi32, #tpu.memory_space<smem>>) -> (i32, i32) {
    %c0_i32 = arith.constant 0 : i32
    %c0_i32_0 = arith.constant 0 : i32
    return %arg0, %c0_i32 : i32, i32
  }
  func.func @transform_1(%arg0: i32, %arg1: memref<64xi32, #tpu.memory_space<smem>>, %arg2: memref<64xi32, #tpu.memory_space<smem>>) -> (i32, i32, i32) {
    %c0_i32 = arith.constant 0 : i32
    %c0_i32_0 = arith.constant 0 : i32
    %c0_i32_1 = arith.constant 0 : i32
    %c0_i32_2 = arith.constant 0 : i32
    return %c0_i32, %c0_i32_0, %c0_i32_1 : i32, i32, i32
  }
  func.func @transform_2(%arg0: i32, %arg1: memref<64xi32, #tpu.memory_space<smem>>, %arg2: memref<64xi32, #tpu.memory_space<smem>>) -> (i32, i32) {
    %c0_i32 = arith.constant 0 : i32
    %c0_i32_0 = arith.constant 0 : i32
    return %arg0, %c0_i32 : i32, i32
  }
  func.func @transform_3(%arg0: i32, %arg1: memref<64xi32, #tpu.memory_space<smem>>, %arg2: memref<64xi32, #tpu.memory_space<smem>>) -> (i32, i32, i32) {
    %c0_i32 = arith.constant 0 : i32
    %c0_i32_0 = arith.constant 0 : i32
    %c0_i32_1 = arith.constant 0 : i32
    %c0_i32_2 = arith.constant 0 : i32
    return %c0_i32, %c0_i32_0, %c0_i32_1 : i32, i32, i32
  }
  func.func @transform_4(%arg0: i32, %arg1: memref<64xi32, #tpu.memory_space<smem>>, %arg2: memref<64xi32, #tpu.memory_space<smem>>) -> (i32, i32) {
    %c0_i32 = arith.constant 0 : i32
    %c0_i32_0 = arith.constant 0 : i32
    return %arg0, %c0_i32 : i32, i32
  }
  func.func @transform_5(%arg0: i32, %arg1: memref<64xi32, #tpu.memory_space<smem>>, %arg2: memref<64xi32, #tpu.memory_space<smem>>) -> (i32, i32) {
    %c0_i32 = arith.constant 0 : i32
    %c0_i32_0 = arith.constant 0 : i32
    return %arg0, %c0_i32 : i32, i32
  }
}

module attributes {stable_mosaic.version = 14 : i64} {
  func.func @_edge_kernel(%arg0: i32, %arg1: memref<1024x128xf32, #tpu.memory_space<vmem>>, %arg2: memref<64x32xf32, #tpu.memory_space<vmem>>, %arg3: memref<32x48xf32, #tpu.memory_space<vmem>>, %arg4: memref<32x48xf32, #tpu.memory_space<vmem>>, %arg5: memref<16x256xf32, #tpu.memory_space<vmem>>, %arg6: memref<32x32xf32, #tpu.memory_space<vmem>>, %arg7: memref<32x32xf32, #tpu.memory_space<vmem>>, %arg8: memref<1x256xf32, #tpu.memory_space<vmem>>, %arg9: memref<1x256xf32, #tpu.memory_space<vmem>>, %arg10: memref<1x256xf32, #tpu.memory_space<vmem>>, %arg11: memref<256x256xf32, #tpu.memory_space<vmem>>, %arg12: memref<1x256xf32, #tpu.memory_space<vmem>>, %arg13: memref<32x256xf32, #tpu.memory_space<vmem>>, %arg14: memref<32x256xf32, #tpu.memory_space<vmem>>, %arg15: memref<1x256xf32, #tpu.memory_space<vmem>>, %arg16: memref<128x256xf32, #tpu.memory_space<vmem>>, %arg17: memref<128x256xf32, #tpu.memory_space<vmem>>, %arg18: memref<1x768xf32, #tpu.memory_space<vmem>>, %arg19: memref<1x768xf32, #tpu.memory_space<vmem>>, %arg20: memref<768x256xf32, #tpu.memory_space<vmem>>, %arg21: memref<1x256xf32, #tpu.memory_space<vmem>>, %arg22: memref<256x256xf32, #tpu.memory_space<vmem>>, %arg23: memref<1x256xf32, #tpu.memory_space<vmem>>, %arg24: memref<256x256xf32, #tpu.memory_space<vmem>>, %arg25: memref<1x256xf32, #tpu.memory_space<vmem>>, %arg26: memref<1024x256xf32, #tpu.memory_space<vmem>>) attributes {dimension_semantics = [#tpu.dimension_semantics<arbitrary>], iteration_bounds = array<i64: 128>, scalar_prefetch = 0 : i64, scratch_operands = 0 : i64, tpu.core_type = #tpu.core_type<tc>, window_params = [{transform_indices = @transform_0, window_bounds = array<i64: 1024, 128>}, {transform_indices = @transform_1, window_bounds = array<i64: 64, 32>}, {pipeline_mode = #tpu.pipeline_mode<synchronous>, transform_indices = @transform_2, window_bounds = array<i64: 32, 48>}, {pipeline_mode = #tpu.pipeline_mode<synchronous>, transform_indices = @transform_3, window_bounds = array<i64: 32, 48>}, {pipeline_mode = #tpu.pipeline_mode<synchronous>, transform_indices = @transform_4, window_bounds = array<i64: 16, 256>}, {pipeline_mode = #tpu.pipeline_mode<synchronous>, transform_indices = @transform_5, window_bounds = array<i64: 32, 32>}, {pipeline_mode = #tpu.pipeline_mode<synchronous>, transform_indices = @transform_6, window_bounds = array<i64: 32, 32>}, {pipeline_mode = #tpu.pipeline_mode<synchronous>, transform_indices = @transform_7, window_bounds = array<i64: 1, 256>}, {pipeline_mode = #tpu.pipeline_mode<synchronous>, transform_indices = @transform_8, window_bounds = array<i64: 1, 256>}, {pipeline_mode = #tpu.pipeline_mode<synchronous>, transform_indices = @transform_9, window_bounds = array<i64: 1, 256>}, {pipeline_mode = #tpu.pipeline_mode<synchronous>, transform_indices = @transform_10, window_bounds = array<i64: 256, 256>}, {pipeline_mode = #tpu.pipeline_mode<synchronous>, transform_indices = @transform_11, window_bounds = array<i64: 1, 256>}, {pipeline_mode = #tpu.pipeline_mode<synchronous>, transform_indices = @transform_12, window_bounds = array<i64: 32, 256>}, {pipeline_mode = #tpu.pipeline_mode<synchronous>, transform_indices = @transform_13, window_bounds = array<i64: 32, 256>}, {pipeline_mode = #tpu.pipeline_mode<synchronous>, transform_indices = @transform_14, window_bounds = array<i64: 1, 256>}, {pipeline_mode = #tpu.pipeline_mode<synchronous>, transform_indices = @transform_15, window_bounds = array<i64: 128, 256>}, {pipeline_mode = #tpu.pipeline_mode<synchronous>, transform_indices = @transform_16, window_bounds = array<i64: 128, 256>}, {pipeline_mode = #tpu.pipeline_mode<synchronous>, transform_indices = @transform_17, window_bounds = array<i64: 1, 768>}, {pipeline_mode = #tpu.pipeline_mode<synchronous>, transform_indices = @transform_18, window_bounds = array<i64: 1, 768>}, {pipeline_mode = #tpu.pipeline_mode<synchronous>, transform_indices = @transform_19, window_bounds = array<i64: 768, 256>}, {pipeline_mode = #tpu.pipeline_mode<synchronous>, transform_indices = @transform_20, window_bounds = array<i64: 1, 256>}, {pipeline_mode = #tpu.pipeline_mode<synchronous>, transform_indices = @transform_21, window_bounds = array<i64: 256, 256>}, {pipeline_mode = #tpu.pipeline_mode<synchronous>, transform_indices = @transform_22, window_bounds = array<i64: 1, 256>}, {pipeline_mode = #tpu.pipeline_mode<synchronous>, transform_indices = @transform_23, window_bounds = array<i64: 256, 256>}, {pipeline_mode = #tpu.pipeline_mode<synchronous>, transform_indices = @transform_24, window_bounds = array<i64: 1, 256>}, {transform_indices = @transform_25, window_bounds = array<i64: 1024, 256>}]} {
    %get3A = arith.constant 0 : index
    %get3A_0 = arith.constant 0 : index
    %get3A_1 = vector.load %arg1[%get3A, %get3A_0] : memref<1024x128xf32, #tpu.memory_space<vmem>>, vector<1024x128xf32>
    %slice3A = vector.extract_strided_slice %get3A_1 {offsets = [0, 0], sizes = [1024, 32], strides = [1, 1]} : vector<1024x128xf32> to vector<1024x32xf32>
    %convert_element_type3A = arith.truncf %slice3A : vector<1024x32xf32> to vector<1024x32xbf16>
    %convert_element_type3A_2 = arith.extf %convert_element_type3A : vector<1024x32xbf16> to vector<1024x32xf32>
    %sub3A = arith.subf %slice3A, %convert_element_type3A_2 : vector<1024x32xf32>
    %get3A_3 = arith.constant 0 : index
    %get3A_4 = arith.constant 0 : index
    %get3A_5 = vector.load %arg2[%get3A_3, %get3A_4] : memref<64x32xf32, #tpu.memory_space<vmem>>, vector<64x32xf32>
    %convert_element_type3A_6 = arith.truncf %get3A_5 : vector<64x32xf32> to vector<64x32xbf16>
    %convert_element_type3A_7 = arith.extf %convert_element_type3A_6 : vector<64x32xbf16> to vector<64x32xf32>
    %sub3A_8 = arith.subf %get3A_5, %convert_element_type3A_7 : vector<64x32xf32>
    %iota3A = tpu.iota {dimensions = array<i32: 0>} : vector<1024x1xi32>
    %jit3A = arith.constant 16 : i32
    %div3A = vector.broadcast %jit3A : i32 to vector<1024x1xi32>
    %div3A_9 = arith.divsi %iota3A, %div3A : vector<1024x1xi32>
    %sign3A = arith.constant 0 : i32
    %sign3A_10 = vector.broadcast %sign3A : i32 to vector<1024x1xi32>
    %sign3A_11 = arith.cmpi sgt, %iota3A, %sign3A_10 : vector<1024x1xi32>
    %sign3A_12 = arith.extui %sign3A_11 : vector<1024x1xi1> to vector<1024x1xi32>
    %sign3A_13 = arith.constant 0 : i32
    %sign3A_14 = vector.broadcast %sign3A_13 : i32 to vector<1024x1xi32>
    %sign3A_15 = arith.cmpi slt, %iota3A, %sign3A_14 : vector<1024x1xi32>
    %sign3A_16 = arith.extui %sign3A_15 : vector<1024x1xi1> to vector<1024x1xi32>
    %sign3A_17 = arith.subi %sign3A_12, %sign3A_16 : vector<1024x1xi32>
    %sign3A_18 = arith.constant 0 : i32
    %sign3A_19 = arith.cmpi sgt, %jit3A, %sign3A_18 : i32
    %sign3A_20 = arith.extui %sign3A_19 : i1 to i32
    %sign3A_21 = arith.constant 0 : i32
    %sign3A_22 = arith.cmpi slt, %jit3A, %sign3A_21 : i32
    %sign3A_23 = arith.extui %sign3A_22 : i1 to i32
    %sign3A_24 = arith.subi %sign3A_20, %sign3A_23 : i32
    %ne3A = vector.broadcast %sign3A_24 : i32 to vector<1024x1xi32>
    %ne3A_25 = arith.cmpi ne, %sign3A_17, %ne3A : vector<1024x1xi32>
    %rem3A = vector.broadcast %jit3A : i32 to vector<1024x1xi32>
    %rem3A_26 = arith.remsi %iota3A, %rem3A : vector<1024x1xi32>
    %ne3A_27 = arith.constant 0 : i32
    %ne3A_28 = vector.broadcast %ne3A_27 : i32 to vector<1024x1xi32>
    %ne3A_29 = arith.cmpi ne, %rem3A_26, %ne3A_28 : vector<1024x1xi32>
    %and3A = arith.andi %ne3A_25, %ne3A_29 : vector<1024x1xi1>
    %sub3A_30 = arith.constant 1 : i32
    %sub3A_31 = vector.broadcast %sub3A_30 : i32 to vector<1024x1xi32>
    %sub3A_32 = arith.subi %div3A_9, %sub3A_31 : vector<1024x1xi32>
    %select_n3A = arith.select %and3A, %sub3A_32, %div3A_9 : vector<1024x1xi1>, vector<1024x1xi32>
    %iota3A_33 = tpu.iota {dimensions = array<i32: 1>} : vector<1024x64xi32>
    %eq3A = vector.broadcast %select_n3A : vector<1024x1xi32> to vector<1024x64xi32>
    %eq3A_34 = arith.cmpi eq, %eq3A, %iota3A_33 : vector<1024x64xi32>
    %convert_element_type3A_35 = arith.extui %eq3A_34 : vector<1024x64xi1> to vector<1024x64xi32>
    %convert_element_type3A_36 = arith.sitofp %convert_element_type3A_35 : vector<1024x64xi32> to vector<1024x64xf32>
    %dot_general3A = arith.constant dense<0.000000e+00> : vector<1024x32xf32>
    %dot_general3A_37 = tpu.matmul %convert_element_type3A_36, %convert_element_type3A_7, %dot_general3A {dimension_numbers = #tpu.dot_dimension_numbers<[1], [0], [0], [1], [0, 0, 1, 1], [], []>, transpose_lhs_hint = false} : vector<1024x64xf32>, vector<64x32xf32>, vector<1024x32xf32> -> vector<1024x32xf32>
    %dot_general3A_38 = arith.constant dense<0.000000e+00> : vector<1024x32xf32>
    %dot_general3A_39 = tpu.matmul %convert_element_type3A_36, %sub3A_8, %dot_general3A_38 {dimension_numbers = #tpu.dot_dimension_numbers<[1], [0], [0], [1], [0, 0, 1, 1], [], []>, transpose_lhs_hint = false} : vector<1024x64xf32>, vector<64x32xf32>, vector<1024x32xf32> -> vector<1024x32xf32>
    %add3A = arith.addf %dot_general3A_37, %dot_general3A_39 : vector<1024x32xf32>
    %get3A_40 = arith.constant 0 : index
    %get3A_41 = arith.constant 0 : index
    %get3A_42 = vector.load %arg3[%get3A_40, %get3A_41] : memref<32x48xf32, #tpu.memory_space<vmem>>, vector<32x48xf32>
    %dot_general3A_43 = arith.constant dense<0.000000e+00> : vector<1024x48xf32>
    %dot_general3A_44 = tpu.matmul %dot_general3A_37, %get3A_42, %dot_general3A_43 {dimension_numbers = #tpu.dot_dimension_numbers<[1], [0], [0], [1], [0, 0, 1, 1], [], []>, transpose_lhs_hint = false} : vector<1024x32xf32>, vector<32x48xf32>, vector<1024x48xf32> -> vector<1024x48xf32>
    %get3A_45 = arith.constant 0 : index
    %get3A_46 = arith.constant 0 : index
    %get3A_47 = vector.load %arg3[%get3A_45, %get3A_46] : memref<32x48xf32, #tpu.memory_space<vmem>>, vector<32x48xf32>
    %dot_general3A_48 = arith.constant dense<0.000000e+00> : vector<1024x48xf32>
    %dot_general3A_49 = tpu.matmul %dot_general3A_39, %get3A_47, %dot_general3A_48 {dimension_numbers = #tpu.dot_dimension_numbers<[1], [0], [0], [1], [0, 0, 1, 1], [], []>, transpose_lhs_hint = false} : vector<1024x32xf32>, vector<32x48xf32>, vector<1024x48xf32> -> vector<1024x48xf32>
    %add3A_50 = arith.addf %dot_general3A_44, %dot_general3A_49 : vector<1024x48xf32>
    %get3A_51 = arith.constant 0 : index
    %get3A_52 = arith.constant 0 : index
    %get3A_53 = vector.load %arg4[%get3A_51, %get3A_52] : memref<32x48xf32, #tpu.memory_space<vmem>>, vector<32x48xf32>
    %dot_general3A_54 = arith.constant dense<0.000000e+00> : vector<1024x48xf32>
    %dot_general3A_55 = tpu.matmul %convert_element_type3A_2, %get3A_53, %dot_general3A_54 {dimension_numbers = #tpu.dot_dimension_numbers<[1], [0], [0], [1], [0, 0, 1, 1], [], []>, transpose_lhs_hint = false} : vector<1024x32xf32>, vector<32x48xf32>, vector<1024x48xf32> -> vector<1024x48xf32>
    %get3A_56 = arith.constant 0 : index
    %get3A_57 = arith.constant 0 : index
    %get3A_58 = vector.load %arg4[%get3A_56, %get3A_57] : memref<32x48xf32, #tpu.memory_space<vmem>>, vector<32x48xf32>
    %dot_general3A_59 = arith.constant dense<0.000000e+00> : vector<1024x48xf32>
    %dot_general3A_60 = tpu.matmul %sub3A, %get3A_58, %dot_general3A_59 {dimension_numbers = #tpu.dot_dimension_numbers<[1], [0], [0], [1], [0, 0, 1, 1], [], []>, transpose_lhs_hint = false} : vector<1024x32xf32>, vector<32x48xf32>, vector<1024x48xf32> -> vector<1024x48xf32>
    %add3A_61 = arith.addf %dot_general3A_55, %dot_general3A_60 : vector<1024x48xf32>
    %sub3A_62 = arith.subf %add3A_50, %add3A_61 : vector<1024x48xf32>
    %mul3A = arith.mulf %sub3A_62, %sub3A_62 : vector<1024x48xf32>
    %slice3A_63 = vector.extract_strided_slice %mul3A {offsets = [0, 0], sizes = [1024, 16], strides = [1, 1]} : vector<1024x48xf32> to vector<1024x16xf32>
    %slice3A_64 = vector.extract_strided_slice %mul3A {offsets = [0, 16], sizes = [1024, 16], strides = [1, 1]} : vector<1024x48xf32> to vector<1024x16xf32>
    %add3A_65 = arith.addf %slice3A_63, %slice3A_64 : vector<1024x16xf32>
    %slice3A_66 = vector.extract_strided_slice %mul3A {offsets = [0, 32], sizes = [1024, 16], strides = [1, 1]} : vector<1024x48xf32> to vector<1024x16xf32>
    %add3A_67 = arith.addf %add3A_65, %slice3A_66 : vector<1024x16xf32>
    %sqrt3A = math.sqrt %add3A_67 : vector<1024x16xf32>
    %convert_element_type3A_68 = arith.truncf %sqrt3A : vector<1024x16xf32> to vector<1024x16xbf16>
    %convert_element_type3A_69 = arith.extf %convert_element_type3A_68 : vector<1024x16xbf16> to vector<1024x16xf32>
    %sub3A_70 = arith.subf %sqrt3A, %convert_element_type3A_69 : vector<1024x16xf32>
    %get3A_71 = arith.constant 0 : index
    %get3A_72 = arith.constant 0 : index
    %get3A_73 = vector.load %arg5[%get3A_71, %get3A_72] : memref<16x256xf32, #tpu.memory_space<vmem>>, vector<16x256xf32>
    %dot_general3A_74 = arith.constant dense<0.000000e+00> : vector<1024x256xf32>
    %dot_general3A_75 = tpu.matmul %convert_element_type3A_69, %get3A_73, %dot_general3A_74 {dimension_numbers = #tpu.dot_dimension_numbers<[1], [0], [0], [1], [0, 0, 1, 1], [], []>, transpose_lhs_hint = false} : vector<1024x16xf32>, vector<16x256xf32>, vector<1024x256xf32> -> vector<1024x256xf32>
    %get3A_76 = arith.constant 0 : index
    %get3A_77 = arith.constant 0 : index
    %get3A_78 = vector.load %arg5[%get3A_76, %get3A_77] : memref<16x256xf32, #tpu.memory_space<vmem>>, vector<16x256xf32>
    %dot_general3A_79 = arith.constant dense<0.000000e+00> : vector<1024x256xf32>
    %dot_general3A_80 = tpu.matmul %sub3A_70, %get3A_78, %dot_general3A_79 {dimension_numbers = #tpu.dot_dimension_numbers<[1], [0], [0], [1], [0, 0, 1, 1], [], []>, transpose_lhs_hint = false} : vector<1024x16xf32>, vector<16x256xf32>, vector<1024x256xf32> -> vector<1024x256xf32>
    %add3A_81 = arith.addf %dot_general3A_75, %dot_general3A_80 : vector<1024x256xf32>
    %get3A_82 = arith.constant 0 : index
    %get3A_83 = arith.constant 0 : index
    %get3A_84 = vector.load %arg8[%get3A_82, %get3A_83] : memref<1x256xf32, #tpu.memory_space<vmem>>, vector<1x256xf32>
    %sub3A_85 = vector.broadcast %get3A_84 : vector<1x256xf32> to vector<1024x256xf32>
    %sub3A_86 = arith.subf %add3A_81, %sub3A_85 : vector<1024x256xf32>
    %mul3A_87 = arith.mulf %sub3A_86, %sub3A_86 : vector<1024x256xf32>
    %neg3A = arith.constant 0.000000e+00 : f32
    %neg3A_88 = vector.broadcast %neg3A : f32 to vector<1024x256xf32>
    %neg3A_89 = arith.subf %neg3A_88, %mul3A_87 : vector<1024x256xf32>
    %mul3A_90 = arith.constant 6.400000e-01 : f32
    %mul3A_91 = vector.broadcast %mul3A_90 : f32 to vector<1024x256xf32>
    %mul3A_92 = arith.mulf %neg3A_89, %mul3A_91 : vector<1024x256xf32>
    %exp3A = math.exp %mul3A_92 : vector<1024x256xf32>
    %get3A_93 = arith.constant 0 : index
    %get3A_94 = arith.constant 0 : index
    %get3A_95 = vector.load %arg9[%get3A_93, %get3A_94] : memref<1x256xf32, #tpu.memory_space<vmem>>, vector<1x256xf32>
    %get3A_96 = arith.constant 0 : index
    %get3A_97 = arith.constant 0 : index
    %get3A_98 = vector.load %arg10[%get3A_96, %get3A_97] : memref<1x256xf32, #tpu.memory_space<vmem>>, vector<1x256xf32>
    %reduce_sum3A = arith.constant dense<0.000000e+00> : vector<1024xf32>
    %reduce_sum3A_99 = vector.multi_reduction <add>, %exp3A, %reduce_sum3A [1] : vector<1024x256xf32> to vector<1024xf32>
    %broadcast_in_dim3A = vector.shape_cast %reduce_sum3A_99 : vector<1024xf32> to vector<1024x1xf32>
    %div3A_100 = arith.constant 2.560000e+02 : f32
    %div3A_101 = vector.broadcast %div3A_100 : f32 to vector<1024x1xf32>
    %div3A_102 = arith.divf %broadcast_in_dim3A, %div3A_101 : vector<1024x1xf32>
    %sub3A_103 = vector.broadcast %div3A_102 : vector<1024x1xf32> to vector<1024x256xf32>
    %sub3A_104 = arith.subf %exp3A, %sub3A_103 : vector<1024x256xf32>
    %mul3A_105 = arith.mulf %sub3A_104, %sub3A_104 : vector<1024x256xf32>
    %reduce_sum3A_106 = arith.constant dense<0.000000e+00> : vector<1024xf32>
    %reduce_sum3A_107 = vector.multi_reduction <add>, %mul3A_105, %reduce_sum3A_106 [1] : vector<1024x256xf32> to vector<1024xf32>
    %broadcast_in_dim3A_108 = vector.shape_cast %reduce_sum3A_107 : vector<1024xf32> to vector<1024x1xf32>
    %div3A_109 = arith.constant 2.560000e+02 : f32
    %div3A_110 = vector.broadcast %div3A_109 : f32 to vector<1024x1xf32>
    %div3A_111 = arith.divf %broadcast_in_dim3A_108, %div3A_110 : vector<1024x1xf32>
    %add3A_112 = arith.constant 9.99999974E-6 : f32
    %add3A_113 = vector.broadcast %add3A_112 : f32 to vector<1024x1xf32>
    %add3A_114 = arith.addf %div3A_111, %add3A_113 : vector<1024x1xf32>
    %sqrt3A_115 = math.sqrt %add3A_114 : vector<1024x1xf32>
    %div3A_116 = vector.broadcast %sqrt3A_115 : vector<1024x1xf32> to vector<1024x256xf32>
    %div3A_117 = arith.divf %sub3A_104, %div3A_116 : vector<1024x256xf32>
    %mul3A_118 = vector.broadcast %get3A_95 : vector<1x256xf32> to vector<1024x256xf32>
    %mul3A_119 = arith.mulf %div3A_117, %mul3A_118 : vector<1024x256xf32>
    %add3A_120 = vector.broadcast %get3A_98 : vector<1x256xf32> to vector<1024x256xf32>
    %add3A_121 = arith.addf %mul3A_119, %add3A_120 : vector<1024x256xf32>
    %get3A_122 = arith.constant 0 : index
    %get3A_123 = arith.constant 0 : index
    %get3A_124 = vector.load %arg11[%get3A_122, %get3A_123] : memref<256x256xf32, #tpu.memory_space<vmem>>, vector<256x256xf32>
    %dot_general3A_125 = arith.constant dense<0.000000e+00> : vector<1024x256xf32>
    %dot_general3A_126 = tpu.matmul %add3A_121, %get3A_124, %dot_general3A_125 {dimension_numbers = #tpu.dot_dimension_numbers<[1], [0], [0], [1], [0, 0, 1, 1], [], []>, transpose_lhs_hint = false} : vector<1024x256xf32>, vector<256x256xf32>, vector<1024x256xf32> -> vector<1024x256xf32>
    %get3A_127 = arith.constant 0 : index
    %get3A_128 = arith.constant 0 : index
    %get3A_129 = vector.load %arg12[%get3A_127, %get3A_128] : memref<1x256xf32, #tpu.memory_space<vmem>>, vector<1x256xf32>
    %add3A_130 = vector.broadcast %get3A_129 : vector<1x256xf32> to vector<1024x256xf32>
    %add3A_131 = arith.addf %dot_general3A_126, %add3A_130 : vector<1024x256xf32>
    %get3A_132 = arith.constant 0 : index
    %get3A_133 = arith.constant 0 : index
    %get3A_134 = vector.load %arg6[%get3A_132, %get3A_133] : memref<32x32xf32, #tpu.memory_space<vmem>>, vector<32x32xf32>
    %dot_general3A_135 = arith.constant dense<0.000000e+00> : vector<1024x32xf32>
    %dot_general3A_136 = tpu.matmul %dot_general3A_37, %get3A_134, %dot_general3A_135 {dimension_numbers = #tpu.dot_dimension_numbers<[1], [0], [0], [1], [0, 0, 1, 1], [], []>, transpose_lhs_hint = false} : vector<1024x32xf32>, vector<32x32xf32>, vector<1024x32xf32> -> vector<1024x32xf32>
    %get3A_137 = arith.constant 0 : index
    %get3A_138 = arith.constant 0 : index
    %get3A_139 = vector.load %arg6[%get3A_137, %get3A_138] : memref<32x32xf32, #tpu.memory_space<vmem>>, vector<32x32xf32>
    %dot_general3A_140 = arith.constant dense<0.000000e+00> : vector<1024x32xf32>
    %dot_general3A_141 = tpu.matmul %dot_general3A_39, %get3A_139, %dot_general3A_140 {dimension_numbers = #tpu.dot_dimension_numbers<[1], [0], [0], [1], [0, 0, 1, 1], [], []>, transpose_lhs_hint = false} : vector<1024x32xf32>, vector<32x32xf32>, vector<1024x32xf32> -> vector<1024x32xf32>
    %add3A_142 = arith.addf %dot_general3A_136, %dot_general3A_141 : vector<1024x32xf32>
    %get3A_143 = arith.constant 0 : index
    %get3A_144 = arith.constant 0 : index
    %get3A_145 = vector.load %arg7[%get3A_143, %get3A_144] : memref<32x32xf32, #tpu.memory_space<vmem>>, vector<32x32xf32>
    %dot_general3A_146 = arith.constant dense<0.000000e+00> : vector<1024x32xf32>
    %dot_general3A_147 = tpu.matmul %convert_element_type3A_2, %get3A_145, %dot_general3A_146 {dimension_numbers = #tpu.dot_dimension_numbers<[1], [0], [0], [1], [0, 0, 1, 1], [], []>, transpose_lhs_hint = false} : vector<1024x32xf32>, vector<32x32xf32>, vector<1024x32xf32> -> vector<1024x32xf32>
    %get3A_148 = arith.constant 0 : index
    %get3A_149 = arith.constant 0 : index
    %get3A_150 = vector.load %arg7[%get3A_148, %get3A_149] : memref<32x32xf32, #tpu.memory_space<vmem>>, vector<32x32xf32>
    %dot_general3A_151 = arith.constant dense<0.000000e+00> : vector<1024x32xf32>
    %dot_general3A_152 = tpu.matmul %sub3A, %get3A_150, %dot_general3A_151 {dimension_numbers = #tpu.dot_dimension_numbers<[1], [0], [0], [1], [0, 0, 1, 1], [], []>, transpose_lhs_hint = false} : vector<1024x32xf32>, vector<32x32xf32>, vector<1024x32xf32> -> vector<1024x32xf32>
    %add3A_153 = arith.addf %dot_general3A_147, %dot_general3A_152 : vector<1024x32xf32>
    %mul3A_154 = arith.mulf %add3A_142, %add3A_153 : vector<1024x32xf32>
    %convert_element_type3A_155 = arith.truncf %mul3A_154 : vector<1024x32xf32> to vector<1024x32xbf16>
    %convert_element_type3A_156 = arith.extf %convert_element_type3A_155 : vector<1024x32xbf16> to vector<1024x32xf32>
    %sub3A_157 = arith.subf %mul3A_154, %convert_element_type3A_156 : vector<1024x32xf32>
    %get3A_158 = arith.constant 0 : index
    %get3A_159 = arith.constant 0 : index
    %get3A_160 = vector.load %arg13[%get3A_158, %get3A_159] : memref<32x256xf32, #tpu.memory_space<vmem>>, vector<32x256xf32>
    %dot_general3A_161 = arith.constant dense<0.000000e+00> : vector<1024x256xf32>
    %dot_general3A_162 = tpu.matmul %convert_element_type3A_156, %get3A_160, %dot_general3A_161 {dimension_numbers = #tpu.dot_dimension_numbers<[1], [0], [0], [1], [0, 0, 1, 1], [], []>, transpose_lhs_hint = false} : vector<1024x32xf32>, vector<32x256xf32>, vector<1024x256xf32> -> vector<1024x256xf32>
    %get3A_163 = arith.constant 0 : index
    %get3A_164 = arith.constant 0 : index
    %get3A_165 = vector.load %arg14[%get3A_163, %get3A_164] : memref<32x256xf32, #tpu.memory_space<vmem>>, vector<32x256xf32>
    %dot_general3A_166 = arith.constant dense<0.000000e+00> : vector<1024x256xf32>
    %dot_general3A_167 = tpu.matmul %convert_element_type3A_156, %get3A_165, %dot_general3A_166 {dimension_numbers = #tpu.dot_dimension_numbers<[1], [0], [0], [1], [0, 0, 1, 1], [], []>, transpose_lhs_hint = false} : vector<1024x32xf32>, vector<32x256xf32>, vector<1024x256xf32> -> vector<1024x256xf32>
    %add3A_168 = arith.addf %dot_general3A_162, %dot_general3A_167 : vector<1024x256xf32>
    %get3A_169 = arith.constant 0 : index
    %get3A_170 = arith.constant 0 : index
    %get3A_171 = vector.load %arg13[%get3A_169, %get3A_170] : memref<32x256xf32, #tpu.memory_space<vmem>>, vector<32x256xf32>
    %dot_general3A_172 = arith.constant dense<0.000000e+00> : vector<1024x256xf32>
    %dot_general3A_173 = tpu.matmul %sub3A_157, %get3A_171, %dot_general3A_172 {dimension_numbers = #tpu.dot_dimension_numbers<[1], [0], [0], [1], [0, 0, 1, 1], [], []>, transpose_lhs_hint = false} : vector<1024x32xf32>, vector<32x256xf32>, vector<1024x256xf32> -> vector<1024x256xf32>
    %add3A_174 = arith.addf %add3A_168, %dot_general3A_173 : vector<1024x256xf32>
    %get3A_175 = arith.constant 0 : index
    %get3A_176 = arith.constant 0 : index
    %get3A_177 = vector.load %arg15[%get3A_175, %get3A_176] : memref<1x256xf32, #tpu.memory_space<vmem>>, vector<1x256xf32>
    %add3A_178 = vector.broadcast %get3A_177 : vector<1x256xf32> to vector<1024x256xf32>
    %add3A_179 = arith.addf %add3A_174, %add3A_178 : vector<1024x256xf32>
    %slice3A_180 = vector.extract_strided_slice %slice3A {offsets = [0, 21], sizes = [1024, 1], strides = [1, 1]} : vector<1024x32xf32> to vector<1024x1xf32>
    %slice3A_181 = vector.extract_strided_slice %add3A {offsets = [0, 21], sizes = [1024, 1], strides = [1, 1]} : vector<1024x32xf32> to vector<1024x1xf32>
    %slice3A_182 = vector.extract_strided_slice %slice3A {offsets = [0, 22], sizes = [1024, 1], strides = [1, 1]} : vector<1024x32xf32> to vector<1024x1xf32>
    %slice3A_183 = vector.extract_strided_slice %add3A {offsets = [0, 22], sizes = [1024, 1], strides = [1, 1]} : vector<1024x32xf32> to vector<1024x1xf32>
    %sub3A_184 = arith.subf %slice3A_180, %slice3A_181 : vector<1024x1xf32>
    %jit3A_185 = arith.constant -3.200000e+01 : f32
    %jit3A_186 = arith.constant 3.200000e+01 : f32
    %max3A = vector.broadcast %jit3A_185 : f32 to vector<1024x1xf32>
    %max3A_187 = arith.maximumf %max3A, %sub3A_184 : vector<1024x1xf32>
    %min3A = vector.broadcast %jit3A_186 : f32 to vector<1024x1xf32>
    %min3A_188 = arith.minimumf %min3A, %max3A_187 : vector<1024x1xf32>
    %ne3A_189 = arith.cmpf one, %slice3A_182, %slice3A_183 : vector<1024x1xf32>
    %jit3A_190 = arith.constant 3.300000e+01 : f32
    %broadcast_in_dim3A_191 = vector.broadcast %jit3A_190 : f32 to vector<1024x1xf32>
    %select_n3A_192 = arith.select %ne3A_189, %broadcast_in_dim3A_191, %min3A_188 : vector<1024x1xi1>, vector<1024x1xf32>
    %add3A_193 = arith.constant 3.200000e+01 : f32
    %add3A_194 = vector.broadcast %add3A_193 : f32 to vector<1024x1xf32>
    %add3A_195 = arith.addf %select_n3A_192, %add3A_194 : vector<1024x1xf32>
    %round3A = math.roundeven %add3A_195 : vector<1024x1xf32>
    %convert_element_type3A_196 = arith.fptosi %round3A : vector<1024x1xf32> to vector<1024x1xi32>
    %iota3A_197 = tpu.iota {dimensions = array<i32: 1>} : vector<1024x128xi32>
    %eq3A_198 = vector.broadcast %convert_element_type3A_196 : vector<1024x1xi32> to vector<1024x128xi32>
    %eq3A_199 = arith.cmpi eq, %eq3A_198, %iota3A_197 : vector<1024x128xi32>
    %convert_element_type3A_200 = arith.extui %eq3A_199 : vector<1024x128xi1> to vector<1024x128xi32>
    %convert_element_type3A_201 = arith.sitofp %convert_element_type3A_200 : vector<1024x128xi32> to vector<1024x128xf32>
    %get3A_202 = arith.constant 0 : index
    %get3A_203 = arith.constant 0 : index
    %get3A_204 = vector.load %arg16[%get3A_202, %get3A_203] : memref<128x256xf32, #tpu.memory_space<vmem>>, vector<128x256xf32>
    %dot_general3A_205 = arith.constant dense<0.000000e+00> : vector<1024x256xf32>
    %dot_general3A_206 = tpu.matmul %convert_element_type3A_201, %get3A_204, %dot_general3A_205 {dimension_numbers = #tpu.dot_dimension_numbers<[1], [0], [0], [1], [0, 0, 1, 1], [], []>, transpose_lhs_hint = false} : vector<1024x128xf32>, vector<128x256xf32>, vector<1024x256xf32> -> vector<1024x256xf32>
    %get3A_207 = arith.constant 0 : index
    %get3A_208 = arith.constant 0 : index
    %get3A_209 = vector.load %arg17[%get3A_207, %get3A_208] : memref<128x256xf32, #tpu.memory_space<vmem>>, vector<128x256xf32>
    %dot_general3A_210 = arith.constant dense<0.000000e+00> : vector<1024x256xf32>
    %dot_general3A_211 = tpu.matmul %convert_element_type3A_201, %get3A_209, %dot_general3A_210 {dimension_numbers = #tpu.dot_dimension_numbers<[1], [0], [0], [1], [0, 0, 1, 1], [], []>, transpose_lhs_hint = false} : vector<1024x128xf32>, vector<128x256xf32>, vector<1024x256xf32> -> vector<1024x256xf32>
    %add3A_212 = arith.addf %dot_general3A_206, %dot_general3A_211 : vector<1024x256xf32>
    %concatenate3A = tpu.concatenate %add3A_131, %add3A_179, %add3A_212 in 1 : vector<1024x256xf32>, vector<1024x256xf32>, vector<1024x256xf32> -> vector<1024x768xf32>
    %get3A_213 = arith.constant 0 : index
    %get3A_214 = arith.constant 0 : index
    %get3A_215 = vector.load %arg18[%get3A_213, %get3A_214] : memref<1x768xf32, #tpu.memory_space<vmem>>, vector<1x768xf32>
    %get3A_216 = arith.constant 0 : index
    %get3A_217 = arith.constant 0 : index
    %get3A_218 = vector.load %arg19[%get3A_216, %get3A_217] : memref<1x768xf32, #tpu.memory_space<vmem>>, vector<1x768xf32>
    %reduce_sum3A_219 = arith.constant dense<0.000000e+00> : vector<1024xf32>
    %reduce_sum3A_220 = vector.multi_reduction <add>, %concatenate3A, %reduce_sum3A_219 [1] : vector<1024x768xf32> to vector<1024xf32>
    %broadcast_in_dim3A_221 = vector.shape_cast %reduce_sum3A_220 : vector<1024xf32> to vector<1024x1xf32>
    %div3A_222 = arith.constant 7.680000e+02 : f32
    %div3A_223 = vector.broadcast %div3A_222 : f32 to vector<1024x1xf32>
    %div3A_224 = arith.divf %broadcast_in_dim3A_221, %div3A_223 : vector<1024x1xf32>
    %sub3A_225 = vector.broadcast %div3A_224 : vector<1024x1xf32> to vector<1024x768xf32>
    %sub3A_226 = arith.subf %concatenate3A, %sub3A_225 : vector<1024x768xf32>
    %mul3A_227 = arith.mulf %sub3A_226, %sub3A_226 : vector<1024x768xf32>
    %reduce_sum3A_228 = arith.constant dense<0.000000e+00> : vector<1024xf32>
    %reduce_sum3A_229 = vector.multi_reduction <add>, %mul3A_227, %reduce_sum3A_228 [1] : vector<1024x768xf32> to vector<1024xf32>
    %broadcast_in_dim3A_230 = vector.shape_cast %reduce_sum3A_229 : vector<1024xf32> to vector<1024x1xf32>
    %div3A_231 = arith.constant 7.680000e+02 : f32
    %div3A_232 = vector.broadcast %div3A_231 : f32 to vector<1024x1xf32>
    %div3A_233 = arith.divf %broadcast_in_dim3A_230, %div3A_232 : vector<1024x1xf32>
    %add3A_234 = arith.constant 9.99999974E-6 : f32
    %add3A_235 = vector.broadcast %add3A_234 : f32 to vector<1024x1xf32>
    %add3A_236 = arith.addf %div3A_233, %add3A_235 : vector<1024x1xf32>
    %sqrt3A_237 = math.sqrt %add3A_236 : vector<1024x1xf32>
    %div3A_238 = vector.broadcast %sqrt3A_237 : vector<1024x1xf32> to vector<1024x768xf32>
    %div3A_239 = arith.divf %sub3A_226, %div3A_238 : vector<1024x768xf32>
    %mul3A_240 = vector.broadcast %get3A_215 : vector<1x768xf32> to vector<1024x768xf32>
    %mul3A_241 = arith.mulf %div3A_239, %mul3A_240 : vector<1024x768xf32>
    %add3A_242 = vector.broadcast %get3A_218 : vector<1x768xf32> to vector<1024x768xf32>
    %add3A_243 = arith.addf %mul3A_241, %add3A_242 : vector<1024x768xf32>
    %get3A_244 = arith.constant 0 : index
    %get3A_245 = arith.constant 0 : index
    %get3A_246 = vector.load %arg20[%get3A_244, %get3A_245] : memref<768x256xf32, #tpu.memory_space<vmem>>, vector<768x256xf32>
    %dot_general3A_247 = arith.constant dense<0.000000e+00> : vector<1024x256xf32>
    %dot_general3A_248 = tpu.matmul %add3A_243, %get3A_246, %dot_general3A_247 {dimension_numbers = #tpu.dot_dimension_numbers<[1], [0], [0], [1], [0, 0, 1, 1], [], []>, transpose_lhs_hint = false} : vector<1024x768xf32>, vector<768x256xf32>, vector<1024x256xf32> -> vector<1024x256xf32>
    %get3A_249 = arith.constant 0 : index
    %get3A_250 = arith.constant 0 : index
    %get3A_251 = vector.load %arg21[%get3A_249, %get3A_250] : memref<1x256xf32, #tpu.memory_space<vmem>>, vector<1x256xf32>
    %add3A_252 = vector.broadcast %get3A_251 : vector<1x256xf32> to vector<1024x256xf32>
    %add3A_253 = arith.addf %dot_general3A_248, %add3A_252 : vector<1024x256xf32>
    %neg3A_254 = arith.constant 0.000000e+00 : f32
    %neg3A_255 = vector.broadcast %neg3A_254 : f32 to vector<1024x256xf32>
    %neg3A_256 = arith.subf %neg3A_255, %add3A_253 : vector<1024x256xf32>
    %exp3A_257 = math.exp %neg3A_256 : vector<1024x256xf32>
    %add3A_258 = arith.constant 1.000000e+00 : f32
    %add3A_259 = vector.broadcast %add3A_258 : f32 to vector<1024x256xf32>
    %add3A_260 = arith.addf %add3A_259, %exp3A_257 : vector<1024x256xf32>
    %div3A_261 = arith.divf %add3A_253, %add3A_260 : vector<1024x256xf32>
    %get3A_262 = arith.constant 0 : index
    %get3A_263 = arith.constant 0 : index
    %get3A_264 = vector.load %arg22[%get3A_262, %get3A_263] : memref<256x256xf32, #tpu.memory_space<vmem>>, vector<256x256xf32>
    %dot_general3A_265 = arith.constant dense<0.000000e+00> : vector<1024x256xf32>
    %dot_general3A_266 = tpu.matmul %div3A_261, %get3A_264, %dot_general3A_265 {dimension_numbers = #tpu.dot_dimension_numbers<[1], [0], [0], [1], [0, 0, 1, 1], [], []>, transpose_lhs_hint = false} : vector<1024x256xf32>, vector<256x256xf32>, vector<1024x256xf32> -> vector<1024x256xf32>
    %get3A_267 = arith.constant 0 : index
    %get3A_268 = arith.constant 0 : index
    %get3A_269 = vector.load %arg23[%get3A_267, %get3A_268] : memref<1x256xf32, #tpu.memory_space<vmem>>, vector<1x256xf32>
    %add3A_270 = vector.broadcast %get3A_269 : vector<1x256xf32> to vector<1024x256xf32>
    %add3A_271 = arith.addf %dot_general3A_266, %add3A_270 : vector<1024x256xf32>
    %neg3A_272 = arith.constant 0.000000e+00 : f32
    %neg3A_273 = vector.broadcast %neg3A_272 : f32 to vector<1024x256xf32>
    %neg3A_274 = arith.subf %neg3A_273, %add3A_271 : vector<1024x256xf32>
    %exp3A_275 = math.exp %neg3A_274 : vector<1024x256xf32>
    %add3A_276 = arith.constant 1.000000e+00 : f32
    %add3A_277 = vector.broadcast %add3A_276 : f32 to vector<1024x256xf32>
    %add3A_278 = arith.addf %add3A_277, %exp3A_275 : vector<1024x256xf32>
    %div3A_279 = arith.divf %add3A_271, %add3A_278 : vector<1024x256xf32>
    %get3A_280 = arith.constant 0 : index
    %get3A_281 = arith.constant 0 : index
    %get3A_282 = vector.load %arg24[%get3A_280, %get3A_281] : memref<256x256xf32, #tpu.memory_space<vmem>>, vector<256x256xf32>
    %dot_general3A_283 = arith.constant dense<0.000000e+00> : vector<1024x256xf32>
    %dot_general3A_284 = tpu.matmul %div3A_279, %get3A_282, %dot_general3A_283 {dimension_numbers = #tpu.dot_dimension_numbers<[1], [0], [0], [1], [0, 0, 1, 1], [], []>, transpose_lhs_hint = false} : vector<1024x256xf32>, vector<256x256xf32>, vector<1024x256xf32> -> vector<1024x256xf32>
    %get3A_285 = arith.constant 0 : index
    %get3A_286 = arith.constant 0 : index
    %get3A_287 = vector.load %arg25[%get3A_285, %get3A_286] : memref<1x256xf32, #tpu.memory_space<vmem>>, vector<1x256xf32>
    %add3A_288 = vector.broadcast %get3A_287 : vector<1x256xf32> to vector<1024x256xf32>
    %add3A_289 = arith.addf %dot_general3A_284, %add3A_288 : vector<1024x256xf32>
    %swap3A = arith.constant 0 : index
    %swap3A_290 = arith.constant 0 : index
    %swap3A_291 = vector.load %arg26[%swap3A, %swap3A_290] : memref<1024x256xf32, #tpu.memory_space<vmem>>, vector<1024x256xf32>
    tpu.vector_store %arg26[%swap3A, %swap3A_290], %add3A_289 {strides = array<i32>} : memref<1024x256xf32, #tpu.memory_space<vmem>>, vector<1024x256xf32>,
    return
  }
  func.func @transform_0(%arg0: i32) -> (i32, i32) {
    %c0_i32 = arith.constant 0 : i32
    %c0_i32_0 = arith.constant 0 : i32
    return %arg0, %c0_i32 : i32, i32
  }
  func.func @transform_1(%arg0: i32) -> (i32, i32) {
    %c0_i32 = arith.constant 0 : i32
    %c0_i32_0 = arith.constant 0 : i32
    return %arg0, %c0_i32 : i32, i32
  }
  func.func @transform_2(%arg0: i32) -> (i32, i32) {
    %c0_i32 = arith.constant 0 : i32
    %c0_i32_0 = arith.constant 0 : i32
    %c0_i32_1 = arith.constant 0 : i32
    return %c0_i32, %c0_i32_0 : i32, i32
  }
  func.func @transform_3(%arg0: i32) -> (i32, i32) {
    %c0_i32 = arith.constant 0 : i32
    %c0_i32_0 = arith.constant 0 : i32
    %c0_i32_1 = arith.constant 0 : i32
    return %c0_i32, %c0_i32_0 : i32, i32
  }
  func.func @transform_4(%arg0: i32) -> (i32, i32) {
    %c0_i32 = arith.constant 0 : i32
    %c0_i32_0 = arith.constant 0 : i32
    %c0_i32_1 = arith.constant 0 : i32
    return %c0_i32, %c0_i32_0 : i32, i32
  }
  func.func @transform_5(%arg0: i32) -> (i32, i32) {
    %c0_i32 = arith.constant 0 : i32
    %c0_i32_0 = arith.constant 0 : i32
    %c0_i32_1 = arith.constant 0 : i32
    return %c0_i32, %c0_i32_0 : i32, i32
  }
  func.func @transform_6(%arg0: i32) -> (i32, i32) {
    %c0_i32 = arith.constant 0 : i32
    %c0_i32_0 = arith.constant 0 : i32
    %c0_i32_1 = arith.constant 0 : i32
    return %c0_i32, %c0_i32_0 : i32, i32
  }
  func.func @transform_7(%arg0: i32) -> (i32, i32) {
    %c0_i32 = arith.constant 0 : i32
    %c0_i32_0 = arith.constant 0 : i32
    %c0_i32_1 = arith.constant 0 : i32
    return %c0_i32, %c0_i32_0 : i32, i32
  }
  func.func @transform_8(%arg0: i32) -> (i32, i32) {
    %c0_i32 = arith.constant 0 : i32
    %c0_i32_0 = arith.constant 0 : i32
    %c0_i32_1 = arith.constant 0 : i32
    return %c0_i32, %c0_i32_0 : i32, i32
  }
  func.func @transform_9(%arg0: i32) -> (i32, i32) {
    %c0_i32 = arith.constant 0 : i32
    %c0_i32_0 = arith.constant 0 : i32
    %c0_i32_1 = arith.constant 0 : i32
    return %c0_i32, %c0_i32_0 : i32, i32
  }
  func.func @transform_10(%arg0: i32) -> (i32, i32) {
    %c0_i32 = arith.constant 0 : i32
    %c0_i32_0 = arith.constant 0 : i32
    %c0_i32_1 = arith.constant 0 : i32
    return %c0_i32, %c0_i32_0 : i32, i32
  }
  func.func @transform_11(%arg0: i32) -> (i32, i32) {
    %c0_i32 = arith.constant 0 : i32
    %c0_i32_0 = arith.constant 0 : i32
    %c0_i32_1 = arith.constant 0 : i32
    return %c0_i32, %c0_i32_0 : i32, i32
  }
  func.func @transform_12(%arg0: i32) -> (i32, i32) {
    %c0_i32 = arith.constant 0 : i32
    %c0_i32_0 = arith.constant 0 : i32
    %c0_i32_1 = arith.constant 0 : i32
    return %c0_i32, %c0_i32_0 : i32, i32
  }
  func.func @transform_13(%arg0: i32) -> (i32, i32) {
    %c0_i32 = arith.constant 0 : i32
    %c0_i32_0 = arith.constant 0 : i32
    %c0_i32_1 = arith.constant 0 : i32
    return %c0_i32, %c0_i32_0 : i32, i32
  }
  func.func @transform_14(%arg0: i32) -> (i32, i32) {
    %c0_i32 = arith.constant 0 : i32
    %c0_i32_0 = arith.constant 0 : i32
    %c0_i32_1 = arith.constant 0 : i32
    return %c0_i32, %c0_i32_0 : i32, i32
  }
  func.func @transform_15(%arg0: i32) -> (i32, i32) {
    %c0_i32 = arith.constant 0 : i32
    %c0_i32_0 = arith.constant 0 : i32
    %c0_i32_1 = arith.constant 0 : i32
    return %c0_i32, %c0_i32_0 : i32, i32
  }
  func.func @transform_16(%arg0: i32) -> (i32, i32) {
    %c0_i32 = arith.constant 0 : i32
    %c0_i32_0 = arith.constant 0 : i32
    %c0_i32_1 = arith.constant 0 : i32
    return %c0_i32, %c0_i32_0 : i32, i32
  }
  func.func @transform_17(%arg0: i32) -> (i32, i32) {
    %c0_i32 = arith.constant 0 : i32
    %c0_i32_0 = arith.constant 0 : i32
    %c0_i32_1 = arith.constant 0 : i32
    return %c0_i32, %c0_i32_0 : i32, i32
  }
  func.func @transform_18(%arg0: i32) -> (i32, i32) {
    %c0_i32 = arith.constant 0 : i32
    %c0_i32_0 = arith.constant 0 : i32
    %c0_i32_1 = arith.constant 0 : i32
    return %c0_i32, %c0_i32_0 : i32, i32
  }
  func.func @transform_19(%arg0: i32) -> (i32, i32) {
    %c0_i32 = arith.constant 0 : i32
    %c0_i32_0 = arith.constant 0 : i32
    %c0_i32_1 = arith.constant 0 : i32
    return %c0_i32, %c0_i32_0 : i32, i32
  }
  func.func @transform_20(%arg0: i32) -> (i32, i32) {
    %c0_i32 = arith.constant 0 : i32
    %c0_i32_0 = arith.constant 0 : i32
    %c0_i32_1 = arith.constant 0 : i32
    return %c0_i32, %c0_i32_0 : i32, i32
  }
  func.func @transform_21(%arg0: i32) -> (i32, i32) {
    %c0_i32 = arith.constant 0 : i32
    %c0_i32_0 = arith.constant 0 : i32
    %c0_i32_1 = arith.constant 0 : i32
    return %c0_i32, %c0_i32_0 : i32, i32
  }
  func.func @transform_22(%arg0: i32) -> (i32, i32) {
    %c0_i32 = arith.constant 0 : i32
    %c0_i32_0 = arith.constant 0 : i32
    %c0_i32_1 = arith.constant 0 : i32
    return %c0_i32, %c0_i32_0 : i32, i32
  }
  func.func @transform_23(%arg0: i32) -> (i32, i32) {
    %c0_i32 = arith.constant 0 : i32
    %c0_i32_0 = arith.constant 0 : i32
    %c0_i32_1 = arith.constant 0 : i32
    return %c0_i32, %c0_i32_0 : i32, i32
  }
  func.func @transform_24(%arg0: i32) -> (i32, i32) {
    %c0_i32 = arith.constant 0 : i32
    %c0_i32_0 = arith.constant 0 : i32
    %c0_i32_1 = arith.constant 0 : i32
    return %c0_i32, %c0_i32_0 : i32, i32
  }
  func.func @transform_25(%arg0: i32) -> (i32, i32) {
    %c0_i32 = arith.constant 0 : i32
    %c0_i32_0 = arith.constant 0 : i32
    return %arg0, %c0_i32 : i32, i32
  }
}

</mosaic_0001>

<sc_bundles>
// kernel: kernel.5.cloned.1.call-start
scs
__scs_entry_jumppad:
0x0: {  	(pc) =	sbr.rel $0x88, $3  }
0x1: {  	(tag) =	ssettag $0x0;
	lr =	simm.s32 $0x1  }
0x2: {  	[smem:$0x3F8D] =	sst lr;
	_ =	strace $0xD0000000  }
0x3: {  	_ = 	snop  }
0x4: {  	_ = 	snop  }
0x5: {  	_ = 	snop  }
0x6: {  	_ = 	snop  }
0x7: {  	_ = 	snop  }
__scs_overlays_trampoline_lowered:
0x8: {  	[smem:$0x3F9C] =	sst s0  }
0x9: {  	[smem:$0x3F9D] =	sst s1  }
0xa: {  	[smem:$0x3F9E] =	sst s2  }
0xb: {  	[smem:$0x3F9F] =	sst s3  }
0xc: {  	[smem:$0x3FA0] =	sst s4  }
0xd: {  	[smem:$0x3FA1] =	sst s5  }
0xe: {  	[smem:$0x3FA2] =	sst s6  }
0xf: {  	[smem:$0x3FA3] =	sst s7  }
0x10: {  	[smem:$0x3FA4] =	sst s8  }
0x11: {  	[smem:$0x3FA5] =	sst s9;
	s0 =	simm.s32 @!p0 $0x0  }
0x12: {  	s1 =	sld [smem:$0x3F8B];
	s0 =	simm.s32 @p0 $0x1  }
0x13: {  	[smem:$0x3FA6] =	sst s0;
	s0 =	simm.s32 @!p1 $0x0  }
0x14: {  	s2 =	sld [smem:$0x3F8A];
	s0 =	simm.s32 @p1 $0x1  }
0x15: {  	[smem:$0x3FA7] =	sst s0;
	s0 =	simm.s32 @!p2 $0x0  }
0x16: {  	s3 =	sld [smem:$0x3FDB];
	s0 =	simm.s32 @p2 $0x1  }
0x17: {  	s4 =	simm.s32 $0x1BF5;
	[smem:$0x3FA9] =	sst s0  }
0x18: {  	s0 =	sld [smem:$0x3F8C];
	_ =	swait.ge [sflag:s4], $0x0  }
0x19: {  	s7 =	sld [smem:$0x3F8D]  }
0x1a: {  	s8 =	sadd.s32 $0xFFFFE003, lr  }
0x1b: {  	s9 =	sadd.s32 $0xFFFFFEF7, lr;
	s5 =	simm.s32 $0xFFFFFFFF;
	p2 =	slt.u32 s8, $0xFFFFF086  }
0x1c: {  	p1 =	slt.u32 s9, $0xF7A;
	s5 =	simm.s32 @!p2 $0x0  }
0x1d: {  	s5 =	simm.s32 @p1 $0x1;
	p0 =	seq.s32 s7, s2  }
0x1e: {  	s7 =	smul.u32 @!p0 $0xF7A, s2;
	p2 =	seq.s32 @!p0 s5, $0x0  }
0x1f: {  	s9 =	smul.u32 $0xF7A, s1;
	s8 =	simm.s32 @!p0 $0x1BF5;
	p2 =	por !p2, p0  }
0x20: {  	[sflag:s8] =	ssyncset.s32 @!p0 $0xFFFFF086;
	s6 =	sadd.s32 @!p0 s3, s7;
	s7 =	simm.s32 @!p0 $0x108  }
0x21: {  	s3 =	sadd.s32 s3, s9;
	s6 =	sadd.s32 @!p0 $0x88, s6;
	s7 =	simm.s32 @p2 $0x1082  }
0x22: {  	[simem:s7], [sflag:s8] =	dma.local @!p0 [hbm:s6], $0xF7A  }
0x23: {  	s9 =	sor.u32 $0xD0000000, s2;
	s6 =	simm.s32 $0x108;
	_ =	swait.ge @!p0 [sflag:s8], $0x0  }
0x24: {  	s3 =	sadd.s32 $0x88, s3;
	s6 =	simm.s32 @!p1 $0x1082;
	[sflag:s4] =	ssyncset.s32 $0xFFFFF086  }
0x25: {  	[simem:s6], [sflag:s4] =	dma.local [hbm:s3], $0xF7A  }
0x26: {  	[smem:$0x3F8D] =	sst s1;
	(tag) =	ssettag s2;
	_ =	strace s9  }
0x27: {  	s1 =	sld [smem:$0x3F9D]  }
0x28: {  	s2 =	sld [smem:$0x3F9E]  }
0x29: {  	s4 =	sld [smem:$0x3FA0]  }
0x2a: {  	p0 =	seq.s32 s5, $0x0;
	s5 =	sld [smem:$0x3FA1]  }
0x2b: {  	s6 =	sld [smem:$0x3FA2]  }
0x2c: {  	s7 =	sld [smem:$0x3FA3]  }
0x2d: {  	s3 =	simm.s32 $0x108;
	s8 =	sld [smem:$0x3FA4]  }
0x2e: {  	s3 =	simm.s32 @!p0 $0x1082;
	s9 =	sld [smem:$0x3FA5]  }
0x2f: {  	lr =	sadd.s32 s0, s3;
	s0 =	sld [smem:$0x3F9C]  }
0x30: {  	s3 =	sld [smem:$0x3F9F]  }
0x31: {  	[smem:$0x3FA8] =	sst s10  }
0x32: {  	s10 =	sld [smem:$0x3FA6];
	_ =	sdelay $0x3  }
0x33: {  	p0 =	seq.s32 s10, $0x1;
	s10 =	sld [smem:$0x3FA8];
	_ =	sdelay $0x3  }
0x34: {  	[smem:$0x3FA8] =	sst s10  }
0x35: {  	s10 =	sld [smem:$0x3FA7];
	_ =	sdelay $0x3  }
0x36: {  	p1 =	seq.s32 s10, $0x1;
	s10 =	sld [smem:$0x3FA8];
	_ =	sdelay $0x3  }
0x37: {  	[smem:$0x3FA8] =	sst s10  }
0x38: {  	s10 =	sld [smem:$0x3FA9]  }
0x39: {  	_ = 	snop;
	(pc) =	sbr.ind lr, $3  }
0x3a: {  	_ = 	snop  }
0x3b: {  	_ = 	snop  }
0x3c: {  	p2 =	seq.s32 s10, $0x1;
	s10 =	sld [smem:$0x3FA8]  }
0x3d: {  	_ =	shalt  }
0x3e: {  	_ =	shalt  }
0x3f: {  	_ =	shalt  }
0x40: {  	_ =	shalt  }
0x41: {  	_ =	shalt  }
0x42: {  	_ =	shalt  }
0x43: {  	_ =	shalt  }
0x44: {  	_ =	shalt  }
0x45: {  	_ =	shalt  }
0x46: {  	_ =	shalt  }
0x47: {  	_ =	shalt  }
0x48: {  	_ =	shalt  }
0x49: {  	_ =	shalt  }
0x4a: {  	_ =	shalt  }
0x4b: {  	_ =	shalt  }
0x4c: {  	_ =	shalt  }
0x4d: {  	_ =	shalt  }
0x4e: {  	_ =	shalt  }
0x4f: {  	_ =	shalt  }
0x50: {  	_ =	shalt  }
0x51: {  	_ =	shalt  }
0x52: {  	_ =	shalt  }
0x53: {  	_ =	shalt  }
0x54: {  	_ =	shalt  }
0x55: {  	_ =	shalt  }
0x56: {  	_ =	shalt  }
0x57: {  	_ =	shalt  }
0x58: {  	_ =	shalt  }
0x59: {  	_ =	shalt  }
0x5a: {  	_ =	shalt  }
0x5b: {  	_ =	shalt  }
0x5c: {  	_ =	shalt  }
0x5d: {  	_ =	shalt  }
0x5e: {  	_ =	shalt  }
0x5f: {  	_ =	shalt  }
0x60: {  	_ =	shalt  }
0x61: {  	_ =	shalt  }
0x62: {  	_ =	shalt  }
0x63: {  	_ =	shalt  }
0x64: {  	_ =	shalt  }
0x65: {  	_ =	shalt  }
0x66: {  	_ =	shalt  }
0x67: {  	_ =	shalt  }
0x68: {  	_ =	shalt  }
0x69: {  	_ =	shalt  }
0x6a: {  	_ =	shalt  }
0x6b: {  	_ =	shalt  }
0x6c: {  	_ =	shalt  }
0x6d: {  	_ =	shalt  }
0x6e: {  	_ =	shalt  }
0x6f: {  	_ =	shalt  }
0x70: {  	_ =	shalt  }
0x71: {  	_ =	shalt  }
0x72: {  	_ =	shalt  }
0x73: {  	_ =	shalt  }
0x74: {  	_ =	shalt  }
0x75: {  	_ =	shalt  }
0x76: {  	_ =	shalt  }
0x77: {  	_ =	shalt  }
0x78: {  	_ =	shalt  }
0x79: {  	_ =	shalt  }
0x7a: {  	_ =	shalt  }
0x7b: {  	_ =	shalt  }
0x7c: {  	_ =	shalt  }
0x7d: {  	_ =	shalt  }
0x7e: {  	_ =	shalt  }
0x7f: {  	_ =	shalt  }
0x80: {  	_ =	shalt  }
0x81: {  	_ =	shalt  }
0x82: {  	_ =	shalt  }
0x83: {  	_ =	shalt  }
0x84: {  	_ =	shalt  }
0x85: {  	_ =	shalt  }
0x86: {  	_ =	shalt  }
0x87: {  	_ =	shalt  }
.Lfunc_end0:
.L_simem_size_0:
called_computation_lowered:
.L_overlay_start_0:
0x88: {  	s2 =	sld [smem:$0x3FD9]  }
0x89: {  	s3 =	sld [smem:$0x3FFE];
	_ =	sdelay $0x1  }
0x8a: {  	s1 =	srdreg.scid  }
0x8b: {  	s0 =	sand.u32 $0x1, s1  }
0x8c: {  	s14 =	sshll.u32 s0, $0xA;
	s2 =	sadd.s32 s3, s2  }
0x8d: {  	s2 =	sadd.s32 s2, s14  }
0x8e: {  	[smem:$0x3FB4] =	sst s2  }
0x8f: {  	_ = 	snop  }
0x90: {  	s2 =	sld [smem:$0x3FD0];
	_ =	sdelay $0x2  }
0x91: {  	s15 =	simm.s32 $0xA;
	s4 =	simm.s32 $0x10  }
0x92: {  	[smem:s4], [sflag:s15] =	dma.local [hbm:s2], $0x1  }
0x93: {  	_ =	swait.eq [sflag:s15], $0x1  }
0x94: {  	[sflag:s15] =	ssyncset.done $0x0  }
0x95: {  	[sflag:s15] =	ssyncadd.s32 $0xFFFFFFFF  }
0x96: {  	s16 =	sld [smem:$0x10];
	(tm) =	ssettm $0x1  }
0x97: {  	s17 =	sld [smem:$0x3FFB];
	_ =	sdelay $0x3  }
0x98: {  	_ =	strace s17  }
0x99: {  	s3 =	sld [smem:$0x3FFC];
	_ =	sdelay $0x3  }
0x9a: {  	_ =	strace s3  }
0x9b: {  	s3 =	sld [smem:$0x3FFD];
	_ =	sdelay $0x3  }
0x9c: {  	_ =	strace s3  }
0x9d: {  	_ =	strace $0x8FFFFFFF  }
0x9e: {  	s18 =	sld [smem:$0x3FDB];
	_ =	sdelay $0x1  }
0x9f: {  	s19 =	simm.s32 $_scs_section_size  }
0xa0: {  	s5 =	simm.s32 $_size__tile_overlayer_lowered;
	s6 =	simm.s32 $_tile_overlayer_lowered  }
0xa1: {  	s22 =	simm.s32 $0x1BFF;
	s21 =	sshll.u32 s6, $0x1;
	s3 =	sadd.s32 s19, s18  }
0xa2: {  	s7 =	simm.s32 $0x0;
	s20 =	sshll.u32 s5, $0x1;
	s5 =	sadd.s32 s21, s3  }
0xa3: {  	[timem:s7], [sflag:s22] =	dma.local [hbm:s5], s20  }
0xa4: {  	_ =	swait.ge [sflag:s22], s20  }
0xa5: {  	s4 =	ssub.s32 $0x0, s20;
	[sflag:s22] =	ssyncset.done $0x0  }
0xa6: {  	[sflag:s22] =	ssyncadd.s32 s4;
	_ =	sdelay $0x1  }
0xa7: {  	s23 =	simm.s32 $0x1B8B  }
0xa8: {  	_ =	swait.ge [sflag:s23], $0x1  }
0xa9: {  	[sflag:s23] =	ssyncset.done $0x0  }
0xaa: {  	s25 =	simm.s32 $0x1B8E;
	s24 =	sld [smem:$0x3FFE];
	[sflag:s23] =	ssyncadd.s32 $0xFFFFFFFF  }
0xab: {  	s26 =	simm.s32 $execute0_lowered;
	[smem:$0x3FD2] =	sst s25  }
0xac: {  	s5 =	sshll.u32 s26, $0x1;
	_ =	strace $0x80000046;
	[dreg:$0x1] =	wrdreg $0xFFFFFFFF  }
0xad: {  	s28 =	simm.s32 $_size_execute0_lowered;
	s3 =	sadd.s32 s3, s5;
	[dreg:$0x0] =	wrdreg $0x0  }
0xae: {  	s5 =	sshll.u32 s28, $0x1;
	[dreg:$0x2] =	wrdreg s3  }
0xaf: {  	[dreg:$0x3] =	wrdreg s5  }
0xb0: {  	[dreg:$0x4] =	wrdreg $0xC0  }
0xb1: {  	_ =	task [dreg:s7], $0x5FFFF  }
0xb2: {  	[dreg:$0x1] =	wrdreg $0xFFFFFFFF  }
0xb3: {  	[dreg:$0x0] =	wrdreg $0x60  }
0xb4: {  	[dreg:$0x2] =	wrdreg s16  }
0xb5: {  	[dreg:$0x3] =	wrdreg s24  }
0xb6: {  	[dreg:$0x4] =	wrdreg $0x9  }
0xb7: {  	_ =	task.clear_ibuf [dreg:s7], $0x5FFFF;
	_ =	strace $0x90000046  }
0xb8: {  	s29 =	simm.s32 $0x9;
	_ =	strace $0x80000048  }
0xb9: {  	_ =	swait.ge [sflag:s29], $0x1  }
0xba: {  	[sflag:s29] =	ssyncadd.s32 $0xFFFFFFFF  }
0xbb: {  	_ =	strace $0x90000048  }
0xbc: {  	_ =	sfence  }
0xbd: {  	s30 =	sld [smem:$0x0];
	_ =	sdelay $0x2  }
0xbe: {  	s31 =	sshll.u32 s1, $0xD;
	s1 =	sshrl.u32 s1, $0x2  }
0xbf: {  	s3 =	sand.u32 $0x4000, s31;
	s1 =	sadd.s32 s1, s30  }
0xc0: {  	s0 =	sor.u32 s3, s0;
	s1 =	sshll.u32 s1, $0x11  }
0xc1: {  	s0 =	sor.u32 s1, s0  }
0xc2: {  	s0 =	sadd.s32 $0x8F2B, s0  }
0xc3: {  	[sflag:s0] =	ssyncadd.remote.s32 $0x1  }
0xc4: {  	_ =	sfence.sel $0xFFFF  }
0xc5: {  	[dreg:$0x0] =	wrdreg $0xFFFFFFFF;
	(pc) =	sbr.abs _section_cstart, $3  }
0xc6: {  	[dreg:$0x1] =	wrdreg $0xFFFFFFFF  }
0xc7: {  	_ =	task.clear_ibuf [dreg:s7], $0x2FFFF;
	_ =	strace $0x9FFFFFFF  }
0xc8: {  	(tm) =	ssettm $0x7FFFFFFF  }
0xc9: {  	_ =	shalt  }
tec
execute0_lowered:
.L_overlay_start_1:
0x0: {  	(tag) =	ssettag $0x1  }
0x1: {  	s2 =	rddreg [dreg:$0x0]  }
0x2: {  	s1 =	srdreg.scid;
	s0 =	stileid.u32  }
0x3: {  	s8 =	rddreg [dreg:$0x1];
	s22 =	sand.u32 $0x1, s1;
	s4 =	sshll.u32 s0, $0x1  }
0x4: {  	s3 =	simm.s32 $0x0;
	s1 =	rddreg [dreg:$0x2];
	s9 =	sor.u32 s22, s4  }
0x5: {  	[smem:$0x7FF] =	sst s3;
	s21 =	sadd.s32 $0x3C00, s8;
	s4 =	sshll.u32 s9, $0x9  }
0x6: {  	_ =	strace $0x80000047;
	s5 =	sadd.s32 s21, s4;
	s4 =	simm.s32 $0x2  }
0x7: {  	[tilespmem:s3], [sflag:$0x2] =	stream.linear.gather [hbm4b:s5+s3], $0x200, $0x38;
	[tilespmem:$0x10200] =	vst v63  }
0x8: {  	_ =	swait.ge [sflag:s4], $0x200  }
0x9: {  	[sflag:s4] =	ssyncset.done $0x0  }
0xa: {  	s6 =	simm.s32 $0x200;
	s7 =	simm.s32 $0x1;
	[sflag:s4] =	ssyncadd.s32 $0xFFFFFE00  }
0xb: {  	[tilespmem:s6], [sflag:$0x1] =	stream.indirect.gather [hbm4b:s2+s6], $0x80, s3, s6, $0xb8;
	[tilespmem:$0x10200] =	vst v63  }
0xc: {  	_ =	swait.ge [sflag:s7], $0x10000  }
0xd: {  	s23 =	sadd.s32 $0x7C00, s8;
	s26 =	sshll.u32 s9, $0x10;
	[sflag:s7] =	ssyncset.done $0x0  }
0xe: {  	s24 =	sshll.u32 s9, $0xC;
	s8 =	sadd.s32 s23, s26;
	[sflag:s7] =	ssyncadd.s32 $0xFFFF0000  }
0xf: {  	[hbm4b:s8+s3] =	stream.linear.scatter [tilespmem:s6], [sflag:$0x2], $0x10000, $0x38;
	[tilespmem:$0x10200] =	vst v63  }
0x10: {  	s10 =	sor.u32 $0x200, s24;
	_ =	swait.ge [sflag:s4], $0x10000  }
0x11: {  	s28 =	sshrl.u32 s10, $0x3;
	[sflag:s4] =	ssyncset.done $0x0  }
0x12: {  	s9 =	sadd.s32 s21, s28;
	[sflag:s4] =	ssyncadd.s32 $0xFFFF0000  }
0x13: {  	[tilespmem:s3], [sflag:$0x2] =	stream.linear.gather [hbm4b:s9+s3], $0x200, $0x38;
	[tilespmem:$0x10200] =	vst v63  }
0x14: {  	_ =	swait.ge [sflag:s4], $0x200  }
0x15: {  	[sflag:s4] =	ssyncset.done $0x0  }
0x16: {  	[sflag:s4] =	ssyncadd.s32 $0xFFFFFE00  }
0x17: {  	[tilespmem:s6], [sflag:$0x1] =	stream.indirect.gather [hbm4b:s2+s6], $0x80, s3, s6, $0xb8;
	[tilespmem:$0x10200] =	vst v63  }
0x18: {  	_ =	swait.ge [sflag:s7], $0x10000  }
0x19: {  	s10 =	sshll.u32 s10, $0x4;
	[sflag:s7] =	ssyncset.done $0x0  }
0x1a: {  	s10 =	sadd.s32 s23, s10;
	[sflag:s7] =	ssyncadd.s32 $0xFFFF0000  }
0x1b: {  	[hbm4b:s10+s3] =	stream.linear.scatter [tilespmem:s6], [sflag:$0x2], $0x10000, $0x38;
	[tilespmem:$0x10200] =	vst v63  }
0x1c: {  	s12 =	sor.u32 $0x400, s24;
	_ =	swait.ge [sflag:s4], $0x10000  }
0x1d: {  	s11 =	sshrl.u32 s12, $0x3;
	[sflag:s4] =	ssyncset.done $0x0  }
0x1e: {  	s11 =	sadd.s32 s21, s11;
	[sflag:s4] =	ssyncadd.s32 $0xFFFF0000  }
0x1f: {  	[tilespmem:s3], [sflag:$0x2] =	stream.linear.gather [hbm4b:s11+s3], $0x200, $0x38;
	[tilespmem:$0x10200] =	vst v63  }
0x20: {  	_ =	swait.ge [sflag:s4], $0x200  }
0x21: {  	[sflag:s4] =	ssyncset.done $0x0  }
0x22: {  	[sflag:s4] =	ssyncadd.s32 $0xFFFFFE00  }
0x23: {  	[tilespmem:s6], [sflag:$0x1] =	stream.indirect.gather [hbm4b:s2+s6], $0x80, s3, s6, $0xb8;
	[tilespmem:$0x10200] =	vst v63  }
0x24: {  	_ =	swait.ge [sflag:s7], $0x10000  }
0x25: {  	s12 =	sshll.u32 s12, $0x4;
	[sflag:s7] =	ssyncset.done $0x0  }
0x26: {  	s12 =	sadd.s32 s23, s12;
	[sflag:s7] =	ssyncadd.s32 $0xFFFF0000  }
0x27: {  	[hbm4b:s12+s3] =	stream.linear.scatter [tilespmem:s6], [sflag:$0x2], $0x10000, $0x38;
	[tilespmem:$0x10200] =	vst v63  }
0x28: {  	s14 =	sor.u32 $0x600, s24;
	_ =	swait.ge [sflag:s4], $0x10000  }
0x29: {  	s13 =	sshrl.u32 s14, $0x3;
	[sflag:s4] =	ssyncset.done $0x0  }
0x2a: {  	s13 =	sadd.s32 s21, s13;
	[sflag:s4] =	ssyncadd.s32 $0xFFFF0000  }
0x2b: {  	[tilespmem:s3], [sflag:$0x2] =	stream.linear.gather [hbm4b:s13+s3], $0x200, $0x38;
	[tilespmem:$0x10200] =	vst v63  }
0x2c: {  	_ =	swait.ge [sflag:s4], $0x200  }
0x2d: {  	[sflag:s4] =	ssyncset.done $0x0  }
0x2e: {  	[sflag:s4] =	ssyncadd.s32 $0xFFFFFE00  }
0x2f: {  	[tilespmem:s6], [sflag:$0x1] =	stream.indirect.gather [hbm4b:s2+s6], $0x80, s3, s6, $0xb8;
	[tilespmem:$0x10200] =	vst v63  }
0x30: {  	_ =	swait.ge [sflag:s7], $0x10000  }
0x31: {  	s14 =	sshll.u32 s14, $0x4;
	[sflag:s7] =	ssyncset.done $0x0  }
0x32: {  	s14 =	sadd.s32 s23, s14;
	[sflag:s7] =	ssyncadd.s32 $0xFFFF0000  }
0x33: {  	[hbm4b:s14+s3] =	stream.linear.scatter [tilespmem:s6], [sflag:$0x2], $0x10000, $0x38;
	[tilespmem:$0x10200] =	vst v63  }
0x34: {  	s16 =	sor.u32 $0x800, s24;
	_ =	swait.ge [sflag:s4], $0x10000  }
0x35: {  	s15 =	sshrl.u32 s16, $0x3;
	[sflag:s4] =	ssyncset.done $0x0  }
0x36: {  	s15 =	sadd.s32 s21, s15;
	[sflag:s4] =	ssyncadd.s32 $0xFFFF0000  }
0x37: {  	[tilespmem:s3], [sflag:$0x2] =	stream.linear.gather [hbm4b:s15+s3], $0x200, $0x38;
	[tilespmem:$0x10200] =	vst v63  }
0x38: {  	_ =	swait.ge [sflag:s4], $0x200  }
0x39: {  	[sflag:s4] =	ssyncset.done $0x0  }
0x3a: {  	[sflag:s4] =	ssyncadd.s32 $0xFFFFFE00  }
0x3b: {  	[tilespmem:s6], [sflag:$0x1] =	stream.indirect.gather [hbm4b:s2+s6], $0x80, s3, s6, $0xb8;
	[tilespmem:$0x10200] =	vst v63  }
0x3c: {  	_ =	swait.ge [sflag:s7], $0x10000  }
0x3d: {  	s16 =	sshll.u32 s16, $0x4;
	[sflag:s7] =	ssyncset.done $0x0  }
0x3e: {  	s16 =	sadd.s32 s23, s16;
	[sflag:s7] =	ssyncadd.s32 $0xFFFF0000  }
0x3f: {  	[hbm4b:s16+s3] =	stream.linear.scatter [tilespmem:s6], [sflag:$0x2], $0x10000, $0x38;
	[tilespmem:$0x10200] =	vst v63  }
0x40: {  	s18 =	sor.u32 $0xA00, s24;
	_ =	swait.ge [sflag:s4], $0x10000  }
0x41: {  	s17 =	sshrl.u32 s18, $0x3;
	[sflag:s4] =	ssyncset.done $0x0  }
0x42: {  	s17 =	sadd.s32 s21, s17;
	[sflag:s4] =	ssyncadd.s32 $0xFFFF0000  }
0x43: {  	[tilespmem:s3], [sflag:$0x2] =	stream.linear.gather [hbm4b:s17+s3], $0x200, $0x38;
	[tilespmem:$0x10200] =	vst v63  }
0x44: {  	_ =	swait.ge [sflag:s4], $0x200  }
0x45: {  	[sflag:s4] =	ssyncset.done $0x0  }
0x46: {  	[sflag:s4] =	ssyncadd.s32 $0xFFFFFE00  }
0x47: {  	[tilespmem:s6], [sflag:$0x1] =	stream.indirect.gather [hbm4b:s2+s6], $0x80, s3, s6, $0xb8;
	[tilespmem:$0x10200] =	vst v63  }
0x48: {  	_ =	swait.ge [sflag:s7], $0x10000  }
0x49: {  	s18 =	sshll.u32 s18, $0x4;
	[sflag:s7] =	ssyncset.done $0x0  }
0x4a: {  	s18 =	sadd.s32 s23, s18;
	[sflag:s7] =	ssyncadd.s32 $0xFFFF0000  }
0x4b: {  	[hbm4b:s18+s3] =	stream.linear.scatter [tilespmem:s6], [sflag:$0x2], $0x10000, $0x38;
	[tilespmem:$0x10200] =	vst v63  }
0x4c: {  	s20 =	sor.u32 $0xC00, s24;
	_ =	swait.ge [sflag:s4], $0x10000  }
0x4d: {  	s19 =	sshrl.u32 s20, $0x3;
	[sflag:s4] =	ssyncset.done $0x0  }
0x4e: {  	s19 =	sadd.s32 s21, s19;
	[sflag:s4] =	ssyncadd.s32 $0xFFFF0000  }
0x4f: {  	[tilespmem:s3], [sflag:$0x2] =	stream.linear.gather [hbm4b:s19+s3], $0x200, $0x38;
	[tilespmem:$0x10200] =	vst v63  }
0x50: {  	_ =	swait.ge [sflag:s4], $0x200  }
0x51: {  	[sflag:s4] =	ssyncset.done $0x0  }
0x52: {  	[sflag:s4] =	ssyncadd.s32 $0xFFFFFE00  }
0x53: {  	[tilespmem:s6], [sflag:$0x1] =	stream.indirect.gather [hbm4b:s2+s6], $0x80, s3, s6, $0xb8;
	[tilespmem:$0x10200] =	vst v63  }
0x54: {  	_ =	swait.ge [sflag:s7], $0x10000  }
0x55: {  	s20 =	sshll.u32 s20, $0x4;
	[sflag:s7] =	ssyncset.done $0x0  }
0x56: {  	s20 =	sadd.s32 s23, s20;
	[sflag:s7] =	ssyncadd.s32 $0xFFFF0000  }
0x57: {  	[hbm4b:s20+s3] =	stream.linear.scatter [tilespmem:s6], [sflag:$0x2], $0x10000, $0x38;
	[tilespmem:$0x10200] =	vst v63  }
0x58: {  	s24 =	sor.u32 $0xE00, s24;
	_ =	swait.ge [sflag:s4], $0x10000  }
0x59: {  	s25 =	sshrl.u32 s24, $0x3;
	[sflag:s4] =	ssyncset.done $0x0  }
0x5a: {  	s22 =	ssub.s32 $0x2, s22;
	s21 =	sadd.s32 s21, s25;
	[sflag:s4] =	ssyncadd.s32 $0xFFFF0000  }
0x5b: {  	[tilespmem:s3], [sflag:$0x2] =	stream.linear.gather [hbm4b:s21+s3], $0x200, $0x38;
	[tilespmem:$0x10200] =	vst v63  }
0x5c: {  	s29 =	sshrl.u32 s22, $0x1;
	_ =	swait.ge [sflag:s4], $0x200  }
0x5d: {  	s25 =	ssub.s32 s22, s29;
	[sflag:s4] =	ssyncset.done $0x0  }
0x5e: {  	s31 =	smax.u32 s25, $0x1;
	[sflag:s4] =	ssyncadd.s32 $0xFFFFFE00  }
0x5f: {  	[tilespmem:s6], [sflag:$0x1] =	stream.indirect.gather [hbm4b:s2+s6], $0x80, s3, s6, $0xb8;
	[tilespmem:$0x10200] =	vst v63  }
0x60: {  	p0 =	sne.s32 s31, $0x1;
	_ =	swait.ge [sflag:s7], $0x10000  }
.Ltmp0:
0x61: {  	s30 =	sshll.u32 s24, $0x4;
	[sflag:s7] =	ssyncset.done $0x0;
	(pc) =	sbr.rel @!p0 .LBB2_2-.Ltmp0, $4  }
0x62: {  	s22 =	sadd.s32 s23, s30;
	[sflag:s7] =	ssyncadd.s32 $0xFFFF0000  }
0x63: {  	[hbm4b:s22+s3] =	stream.linear.scatter [tilespmem:s6], [sflag:$0x2], $0x10000, $0x38;
	[tilespmem:$0x10200] =	vst v63  }
0x64: {  	_ =	swait.ge [sflag:s4], $0x10000  }
0x65: {  	s23 =	sadd.s32 $0xFFFFFFFF, s31;
	[sflag:s4] =	ssyncset.done $0x0  }
.LBB2_1:
0x66: {  	p0 =	sne.s32 s23, $0x1;
	s23 =	sadd.s32 $0xFFFFFFFF, s23;
	[sflag:s4] =	ssyncadd.s32 $0xFFFF0000  }
0x67: {  	[tilespmem:s3], [sflag:$0x2] =	stream.linear.gather [hbm4b:s5+s3], $0x200, $0x38;
	[tilespmem:$0x10200] =	vst v63  }
0x68: {  	_ =	swait.ge [sflag:s4], $0x200  }
0x69: {  	[sflag:s4] =	ssyncset.done $0x0  }
0x6a: {  	[sflag:s4] =	ssyncadd.s32 $0xFFFFFE00  }
0x6b: {  	[tilespmem:s6], [sflag:$0x1] =	stream.indirect.gather [hbm4b:s2+s6], $0x80, s3, s6, $0xb8;
	[tilespmem:$0x10200] =	vst v63  }
0x6c: {  	_ =	swait.ge [sflag:s7], $0x10000  }
0x6d: {  	[sflag:s7] =	ssyncset.done $0x0  }
0x6e: {  	[sflag:s7] =	ssyncadd.s32 $0xFFFF0000  }
0x6f: {  	[hbm4b:s8+s3] =	stream.linear.scatter [tilespmem:s6], [sflag:$0x2], $0x10000, $0x38;
	[tilespmem:$0x10200] =	vst v63  }
0x70: {  	_ =	swait.ge [sflag:s4], $0x10000  }
0x71: {  	[sflag:s4] =	ssyncset.done $0x0  }
0x72: {  	[sflag:s4] =	ssyncadd.s32 $0xFFFF0000  }
0x73: {  	[tilespmem:s3], [sflag:$0x2] =	stream.linear.gather [hbm4b:s9+s3], $0x200, $0x38;
	[tilespmem:$0x10200] =	vst v63  }
0x74: {  	_ =	swait.ge [sflag:s4], $0x200  }
0x75: {  	[sflag:s4] =	ssyncset.done $0x0  }
0x76: {  	[sflag:s4] =	ssyncadd.s32 $0xFFFFFE00  }
0x77: {  	[tilespmem:s6], [sflag:$0x1] =	stream.indirect.gather [hbm4b:s2+s6], $0x80, s3, s6, $0xb8;
	[tilespmem:$0x10200] =	vst v63  }
0x78: {  	_ =	swait.ge [sflag:s7], $0x10000  }
0x79: {  	[sflag:s7] =	ssyncset.done $0x0  }
0x7a: {  	[sflag:s7] =	ssyncadd.s32 $0xFFFF0000  }
0x7b: {  	[hbm4b:s10+s3] =	stream.linear.scatter [tilespmem:s6], [sflag:$0x2], $0x10000, $0x38;
	[tilespmem:$0x10200] =	vst v63  }
0x7c: {  	_ =	swait.ge [sflag:s4], $0x10000  }
0x7d: {  	[sflag:s4] =	ssyncset.done $0x0  }
0x7e: {  	[sflag:s4] =	ssyncadd.s32 $0xFFFF0000  }
0x7f: {  	[tilespmem:s3], [sflag:$0x2] =	stream.linear.gather [hbm4b:s11+s3], $0x200, $0x38;
	[tilespmem:$0x10200] =	vst v63  }
0x80: {  	_ =	swait.ge [sflag:s4], $0x200  }
0x81: {  	[sflag:s4] =	ssyncset.done $0x0  }
0x82: {  	[sflag:s4] =	ssyncadd.s32 $0xFFFFFE00  }
0x83: {  	[tilespmem:s6], [sflag:$0x1] =	stream.indirect.gather [hbm4b:s2+s6], $0x80, s3, s6, $0xb8;
	[tilespmem:$0x10200] =	vst v63  }
0x84: {  	_ =	swait.ge [sflag:s7], $0x10000  }
0x85: {  	[sflag:s7] =	ssyncset.done $0x0  }
0x86: {  	[sflag:s7] =	ssyncadd.s32 $0xFFFF0000  }
0x87: {  	[hbm4b:s12+s3] =	stream.linear.scatter [tilespmem:s6], [sflag:$0x2], $0x10000, $0x38;
	[tilespmem:$0x10200] =	vst v63  }
0x88: {  	_ =	swait.ge [sflag:s4], $0x10000  }
0x89: {  	[sflag:s4] =	ssyncset.done $0x0  }
0x8a: {  	[sflag:s4] =	ssyncadd.s32 $0xFFFF0000  }
0x8b: {  	[tilespmem:s3], [sflag:$0x2] =	stream.linear.gather [hbm4b:s13+s3], $0x200, $0x38;
	[tilespmem:$0x10200] =	vst v63  }
0x8c: {  	_ =	swait.ge [sflag:s4], $0x200  }
0x8d: {  	[sflag:s4] =	ssyncset.done $0x0  }
0x8e: {  	[sflag:s4] =	ssyncadd.s32 $0xFFFFFE00  }
0x8f: {  	[tilespmem:s6], [sflag:$0x1] =	stream.indirect.gather [hbm4b:s2+s6], $0x80, s3, s6, $0xb8;
	[tilespmem:$0x10200] =	vst v63  }
0x90: {  	_ =	swait.ge [sflag:s7], $0x10000  }
0x91: {  	[sflag:s7] =	ssyncset.done $0x0  }
0x92: {  	[sflag:s7] =	ssyncadd.s32 $0xFFFF0000  }
0x93: {  	[hbm4b:s14+s3] =	stream.linear.scatter [tilespmem:s6], [sflag:$0x2], $0x10000, $0x38;
	[tilespmem:$0x10200] =	vst v63  }
0x94: {  	_ =	swait.ge [sflag:s4], $0x10000  }
0x95: {  	[sflag:s4] =	ssyncset.done $0x0  }
0x96: {  	[sflag:s4] =	ssyncadd.s32 $0xFFFF0000  }
0x97: {  	[tilespmem:s3], [sflag:$0x2] =	stream.linear.gather [hbm4b:s15+s3], $0x200, $0x38;
	[tilespmem:$0x10200] =	vst v63  }
0x98: {  	_ =	swait.ge [sflag:s4], $0x200  }
0x99: {  	[sflag:s4] =	ssyncset.done $0x0  }
0x9a: {  	[sflag:s4] =	ssyncadd.s32 $0xFFFFFE00  }
0x9b: {  	[tilespmem:s6], [sflag:$0x1] =	stream.indirect.gather [hbm4b:s2+s6], $0x80, s3, s6, $0xb8;
	[tilespmem:$0x10200] =	vst v63  }
0x9c: {  	_ =	swait.ge [sflag:s7], $0x10000  }
0x9d: {  	[sflag:s7] =	ssyncset.done $0x0  }
0x9e: {  	[sflag:s7] =	ssyncadd.s32 $0xFFFF0000  }
0x9f: {  	[hbm4b:s16+s3] =	stream.linear.scatter [tilespmem:s6], [sflag:$0x2], $0x10000, $0x38;
	[tilespmem:$0x10200] =	vst v63  }
0xa0: {  	_ =	swait.ge [sflag:s4], $0x10000  }
0xa1: {  	[sflag:s4] =	ssyncset.done $0x0  }
0xa2: {  	[sflag:s4] =	ssyncadd.s32 $0xFFFF0000  }
0xa3: {  	[tilespmem:s3], [sflag:$0x2] =	stream.linear.gather [hbm4b:s17+s3], $0x200, $0x38;
	[tilespmem:$0x10200] =	vst v63  }
0xa4: {  	_ =	swait.ge [sflag:s4], $0x200  }
0xa5: {  	[sflag:s4] =	ssyncset.done $0x0  }
0xa6: {  	[sflag:s4] =	ssyncadd.s32 $0xFFFFFE00  }
0xa7: {  	[tilespmem:s6], [sflag:$0x1] =	stream.indirect.gather [hbm4b:s2+s6], $0x80, s3, s6, $0xb8;
	[tilespmem:$0x10200] =	vst v63  }
0xa8: {  	_ =	swait.ge [sflag:s7], $0x10000  }
0xa9: {  	[sflag:s7] =	ssyncset.done $0x0  }
0xaa: {  	[sflag:s7] =	ssyncadd.s32 $0xFFFF0000  }
0xab: {  	[hbm4b:s18+s3] =	stream.linear.scatter [tilespmem:s6], [sflag:$0x2], $0x10000, $0x38;
	[tilespmem:$0x10200] =	vst v63  }
0xac: {  	_ =	swait.ge [sflag:s4], $0x10000  }
0xad: {  	[sflag:s4] =	ssyncset.done $0x0  }
0xae: {  	[sflag:s4] =	ssyncadd.s32 $0xFFFF0000  }
0xaf: {  	[tilespmem:s3], [sflag:$0x2] =	stream.linear.gather [hbm4b:s19+s3], $0x200, $0x38;
	[tilespmem:$0x10200] =	vst v63  }
0xb0: {  	_ =	swait.ge [sflag:s4], $0x200  }
0xb1: {  	[sflag:s4] =	ssyncset.done $0x0  }
0xb2: {  	[sflag:s4] =	ssyncadd.s32 $0xFFFFFE00  }
0xb3: {  	[tilespmem:s6], [sflag:$0x1] =	stream.indirect.gather [hbm4b:s2+s6], $0x80, s3, s6, $0xb8;
	[tilespmem:$0x10200] =	vst v63  }
0xb4: {  	_ =	swait.ge [sflag:s7], $0x10000  }
0xb5: {  	[sflag:s7] =	ssyncset.done $0x0  }
0xb6: {  	[sflag:s7] =	ssyncadd.s32 $0xFFFF0000  }
0xb7: {  	[hbm4b:s20+s3] =	stream.linear.scatter [tilespmem:s6], [sflag:$0x2], $0x10000, $0x38;
	[tilespmem:$0x10200] =	vst v63  }
0xb8: {  	_ =	swait.ge [sflag:s4], $0x10000  }
0xb9: {  	[sflag:s4] =	ssyncset.done $0x0  }
0xba: {  	[sflag:s4] =	ssyncadd.s32 $0xFFFF0000  }
0xbb: {  	[tilespmem:s3], [sflag:$0x2] =	stream.linear.gather [hbm4b:s21+s3], $0x200, $0x38;
	[tilespmem:$0x10200] =	vst v63  }
0xbc: {  	_ =	swait.ge [sflag:s4], $0x200  }
0xbd: {  	[sflag:s4] =	ssyncset.done $0x0  }
0xbe: {  	[sflag:s4] =	ssyncadd.s32 $0xFFFFFE00  }
0xbf: {  	[tilespmem:s6], [sflag:$0x1] =	stream.indirect.gather [hbm4b:s2+s6], $0x80, s3, s6, $0xb8;
	[tilespmem:$0x10200] =	vst v63  }
0xc0: {  	_ =	swait.ge [sflag:s7], $0x10000  }
.Ltmp1:
0xc1: {  	[sflag:s7] =	ssyncset.done $0x0;
	(pc) =	sbr.rel @p0 .LBB2_1-.Ltmp1, $4  }
0xc2: {  	[sflag:s7] =	ssyncadd.s32 $0xFFFF0000  }
0xc3: {  	[hbm4b:s22+s3] =	stream.linear.scatter [tilespmem:s6], [sflag:$0x2], $0x10000, $0x38;
	[tilespmem:$0x10200] =	vst v63  }
0xc4: {  	_ =	swait.ge [sflag:s4], $0x10000  }
0xc5: {  	[sflag:s4] =	ssyncset.done $0x0  }
.LBB2_2:
0xc6: {  	[sflag:s4] =	ssyncadd.s32 $0xFFFF0000  }
0xc7: {  	_ =	sfence.sel $0x180000  }
0xc8: {  	[bflag:$0x0] =	sbarrier.arrive $0xFFFF  }
0xc9: {  	p0 =	sne.s32 s0, $0x0;
	_ =	strace $0x90000047  }
0xca: {  	s0 =	sadd.s32 @!p0 $0x100000, s1;
	[bflag:$0x2] =	sbarrier.arrive $0xFFFF  }
0xcb: {  	[sflag:s0] =	ssyncadd.tile.s32 @!p0 $0x1;
	_ =	shalt  }
.Lfunc_end2:
_tile_overlayer_lowered:
.L_overlay_start_2:
0xcc: {  	(tag) =	ssettag $0x2  }
0xcd: {  	s0 =	rddreg [dreg:$0x0];
	s2 =	stileid.u32  }
0xce: {  	s1 =	rddreg [dreg:$0x1];
	p0 =	sne.s32 s2, $0x0  }
0xcf: {  	s3 =	rddreg [dreg:$0x2];
	[bflag:$0x3] =	sbarrier.arrive $0xFFFF;
	s2 =	simm.s32 @!p0 $0x1C02  }
0xd0: {  	[timem:s3], [sflag:s2] =	dma.local @!p0 [hbm:s0], s1  }
0xd1: {  	s0 =	simm.s32 @!p0 $0x2  }
0xd2: {  	_ =	swait.ge @!p0 [sflag:s0], s1  }
0xd3: {  	s1 =	ssub.s32 @!p0 $0x0, s1;
	[sflag:s0] =	ssyncset.done @!p0 $0x0  }
0xd4: {  	[sflag:s0] =	ssyncadd.s32 @!p0 s1  }
0xd5: {  	[bflag:$0x3] =	sbarrier.arrive $0xFFFF  }
0xd6: {  	_ =	shalt  }

</sc_bundles>
